<compile_context>
chip_gen: v7x
topology: tpu7x:2x2x1
jax: 0.10.2.dev20260603
libtpu: 0.0.44.dev20260713+nightly
codegen_flags: <defaults>
</compile_context>

<pallas_src>
import functools

import jax
import jax.numpy as jnp
import numpy as np
from jax import lax
from jax.experimental import pallas as pl
from jax.experimental.pallas import tpu as pltpu
from jax.experimental.pallas import tpu_sc as plsc

D_MODEL = 768
N_HEADS = 12
HEAD_DIM = 64
HALF = 32
D_LATENT = 384
E = 8
KSEL = 2
FF = 1536
EPS = 1e-5
ROPE_BASE = 10000.0
SEQ = 2048
CAP = 512
NSLOT = E * CAP
SBLK = 512
FFC = 384


def _proj_body(x_ref, n1_ref, wq_ref, wdkv_ref, wuk_ref, wuv_ref,
               cos_ref, sins_ref, q_ref, k_ref, v_ref):
    xb = x_ref[...]
    ms = jnp.mean(xb * xb, axis=-1, keepdims=True)
    xn = (xb * lax.rsqrt(ms + EPS) * n1_ref[...]).astype(jnp.bfloat16)
    q = jnp.dot(xn, wq_ref[...].astype(jnp.bfloat16),
                preferred_element_type=jnp.float32)
    latb = jnp.dot(xn, wdkv_ref[...].astype(jnp.bfloat16),
                   preferred_element_type=jnp.float32).astype(jnp.bfloat16)
    k = jnp.dot(latb, wuk_ref[...].astype(jnp.bfloat16),
                preferred_element_type=jnp.float32)
    v = jnp.dot(latb, wuv_ref[...].astype(jnp.bfloat16),
                preferred_element_type=jnp.float32)
    cos = cos_ref[...]
    sins = sins_ref[...]
    fh = (lax.broadcasted_iota(jnp.int32, (SBLK, D_MODEL), 1) % HEAD_DIM) < HALF

    def rope(t):
        shift = jnp.where(fh, jnp.roll(t, -HALF, axis=1), jnp.roll(t, HALF, axis=1))
        return (t * cos + shift * sins).astype(jnp.bfloat16)

    q_ref[...] = rope(q)
    k_ref[...] = rope(k)
    v_ref[...] = v.astype(jnp.bfloat16)


def _attn_body(q_ref, k_ref, v_ref, x_ref, wo_ref, n2_ref, wr_ref,
               x2_ref, xn2_ref, lg_ref):
    i = pl.program_id(0)
    scale = 1.0 / np.sqrt(HEAD_DIM)
    row = i * SBLK + lax.broadcasted_iota(jnp.int32, (SBLK, SEQ), 0)
    col = lax.broadcasted_iota(jnp.int32, (SBLK, SEQ), 1)
    causal = col <= row
    aos = []
    for h in range(N_HEADS):
        qh = q_ref[:, h * HEAD_DIM:(h + 1) * HEAD_DIM]
        kh = k_ref[:, h * HEAD_DIM:(h + 1) * HEAD_DIM]
        vh = v_ref[:, h * HEAD_DIM:(h + 1) * HEAD_DIM]
        s = lax.dot_general(qh, kh, (((1,), (1,)), ((), ())),
                            preferred_element_type=jnp.float32) * scale
        s = jnp.where(causal, s, -1e9)
        m = jnp.max(s, axis=-1, keepdims=True)
        p = jnp.exp(s - m)
        p = p / jnp.sum(p, axis=-1, keepdims=True)
        aos.append(jnp.dot(p.astype(jnp.bfloat16), vh,
                           preferred_element_type=jnp.float32))
    ao = jnp.concatenate(aos, axis=-1).astype(jnp.bfloat16)
    wo = wo_ref[...].astype(jnp.bfloat16)
    x2 = x_ref[...] + jnp.dot(ao, wo, preferred_element_type=jnp.float32)
    ms = jnp.mean(x2 * x2, axis=-1, keepdims=True)
    xn2 = x2 * lax.rsqrt(ms + EPS) * n2_ref[...]
    x2_ref[...] = x2
    xn2_ref[...] = xn2
    lg_ref[...] = jnp.dot(xn2, wr_ref[...], preferred_element_type=jnp.float32,
                          precision=lax.Precision.HIGHEST)


def _route_body(lg_ref, src_ref, sw_ref, info_ref):
    lg = lg_ref[...]
    m = jnp.max(lg, axis=-1, keepdims=True)
    pe = jnp.exp(lg - m)
    p = pe / jnp.sum(pe, axis=-1, keepdims=True)
    iota8 = lax.broadcasted_iota(jnp.int32, (SEQ, E), 1)
    t1 = jnp.max(p, axis=-1, keepdims=True)
    i1 = jnp.min(jnp.where(p == t1, iota8, E), axis=-1, keepdims=True)
    oh1 = iota8 == i1
    p2 = jnp.where(oh1, -1.0, p)
    t2 = jnp.max(p2, axis=-1, keepdims=True)
    i2 = jnp.min(jnp.where(p2 == t2, iota8, E), axis=-1, keepdims=True)
    oh2 = iota8 == i2
    gsum = t1 + t2
    w1 = t1 / gsum
    w2 = t2 / gsum
    oh1f = oh1.astype(jnp.float32)
    oh2f = oh2.astype(jnp.float32)
    cnt = oh1f + oh2f
    tri = (lax.broadcasted_iota(jnp.int32, (128, 128), 0)
           >= lax.broadcasted_iota(jnp.int32, (128, 128), 1)).astype(jnp.float32)
    chunks = []
    carry = jnp.zeros((1, E), jnp.float32)
    for i in range(SEQ // 128):
        blk = cnt[i * 128:(i + 1) * 128, :]
        chunks.append(jnp.dot(tri, blk, preferred_element_type=jnp.float32) + carry)
        carry = carry + jnp.sum(blk, axis=0, keepdims=True)
    cum = jnp.concatenate(chunks, axis=0)
    excl = cum - cnt
    pos1 = jnp.sum(jnp.where(oh1, excl, 0.0), axis=-1, keepdims=True)
    pos2 = jnp.sum(jnp.where(oh2, excl, 0.0), axis=-1, keepdims=True)
    keep1 = pos1 < CAP
    keep2 = pos2 < CAP
    posc1 = jnp.minimum(pos1, CAP - 1.0)
    posc2 = jnp.minimum(pos2, CAP - 1.0)
    iota_c = lax.broadcasted_iota(jnp.int32, (SEQ, CAP), 1).astype(jnp.float32)
    a1 = (pos1 == iota_c).astype(jnp.float32)
    a2 = (pos2 == iota_c).astype(jnp.float32)
    toki = lax.broadcasted_iota(jnp.int32, (SEQ, 1), 0)
    th = (toki // 16).astype(jnp.float32)
    tl = (toki % 16).astype(jnp.float32)
    dn = (((0,), (0,)), ((), ()))

    def dd(a, b):
        return lax.dot_general(a, b, dn, preferred_element_type=jnp.float32)

    src = (dd(th * oh1f, a1) + dd(th * oh2f, a2)) * 16.0 \
        + dd(tl * oh1f, a1) + dd(tl * oh2f, a2)
    sw = dd(a1, w1 * oh1f) + dd(a2, w2 * oh2f)
    n_e = jnp.minimum(carry, float(CAP))
    nmin = jnp.min(n_e, axis=-1, keepdims=True)
    iota8r = lax.broadcasted_iota(jnp.int32, (1, E), 1).astype(jnp.float32)
    ez = jnp.min(jnp.where(n_e == nmin, iota8r, float(E)), axis=-1, keepdims=True)
    dz = jnp.minimum(ez * CAP + nmin, float(NSLOT - 1))
    i1f = i1.astype(jnp.float32)
    i2f = i2.astype(jnp.float32)
    d1 = jnp.where(keep1, i1f * CAP + posc1, dz)
    d2 = jnp.where(keep2, i2f * CAP + posc2, dz)
    info = jnp.concatenate([d1, d2, d1, d1, d1, d1, d1, d1], axis=1)
    src_ref[...] = src.astype(jnp.int32)
    sw_ref[...] = sw
    info_ref[...] = info.astype(jnp.int32)


def _ffn_body(buf_ref, wg_ref, wu_ref, wd_ref, sw_ref, ob_ref):
    f = pl.program_id(1)
    e = pl.program_id(0)
    b = buf_ref[...].astype(jnp.bfloat16)
    hg = jnp.dot(b, wg_ref[0].astype(jnp.bfloat16),
                 preferred_element_type=jnp.float32)
    hu = jnp.dot(b, wu_ref[0].astype(jnp.bfloat16),
                 preferred_element_type=jnp.float32)
    act = hg * (1.0 / (1.0 + jnp.exp(-hg)))
    oc = jnp.dot((act * hu).astype(jnp.bfloat16), wd_ref[0].astype(jnp.bfloat16),
                 preferred_element_type=jnp.float32)

    @pl.when(f == 0)
    def _():
        ob_ref[...] = oc

    @pl.when(f > 0)
    def _():
        ob_ref[...] = ob_ref[...] + oc

    @pl.when(f == FF // FFC - 1)
    def _():
        swf = sw_ref[...]
        sel = lax.broadcasted_iota(jnp.int32, (CAP, E), 1) == e
        swcol = jnp.sum(jnp.where(sel, swf, 0.0), axis=-1, keepdims=True)
        ob_ref[...] = ob_ref[...] * swcol


def _sc_dispatch(src_all, idx_all):
    mesh = plsc.VectorSubcoreMesh(core_axis_name="c", subcore_axis_name="s")
    nper = NSLOT // 32
    dt = src_all.dtype

    @functools.partial(
        pl.kernel,
        out_type=jax.ShapeDtypeStruct((NSLOT, D_MODEL), dt),
        mesh=mesh,
        scratch_types=[pltpu.VMEM((nper,), jnp.int32),
                       pltpu.VMEM((nper, D_MODEL), dt),
                       pltpu.SemaphoreType.DMA],
    )
    def disp(src_hbm, idx_hbm, buf_hbm, idx_v, rows_v, sem):
        wid = lax.axis_index("s") * 2 + lax.axis_index("c")
        base = wid * nper
        pltpu.sync_copy(idx_hbm.at[pl.ds(base, nper)], idx_v)
        pltpu.async_copy(src_hbm.at[idx_v], rows_v, sem).wait()
        pltpu.sync_copy(rows_v, buf_hbm.at[pl.ds(base, nper)])

    return disp(src_all, idx_all)


def _sc_combine(sob, x2, d1, d2):
    mesh = plsc.VectorSubcoreMesh(core_axis_name="c", subcore_axis_name="s")
    tper = SEQ // 32
    half = tper // 2

    @functools.partial(
        pl.kernel,
        out_type=jax.ShapeDtypeStruct((SEQ, D_MODEL), jnp.float32),
        mesh=mesh,
        scratch_types=[pltpu.VMEM((half,), jnp.int32),
                       pltpu.VMEM((half,), jnp.int32),
                       pltpu.VMEM((half, D_MODEL), jnp.float32),
                       pltpu.VMEM((half, D_MODEL), jnp.float32),
                       pltpu.VMEM((half, D_MODEL), jnp.float32),
                       pltpu.SemaphoreType.DMA],
    )
    def comb(sob_hbm, x2_hbm, d1_hbm, d2_hbm, y_hbm,
             i1v, i2v, r1v, r2v, accv, sem):
        wid = lax.axis_index("s") * 2 + lax.axis_index("c")
        for pno in range(2):
            base = wid * tper + pno * half
            pltpu.sync_copy(d1_hbm.at[pl.ds(base, half)], i1v)
            pltpu.sync_copy(d2_hbm.at[pl.ds(base, half)], i2v)
            cp1 = pltpu.async_copy(sob_hbm.at[i1v], r1v, sem)
            cp2 = pltpu.async_copy(sob_hbm.at[i2v], r2v, sem)
            pltpu.sync_copy(x2_hbm.at[pl.ds(base, half)], accv)
            cp1.wait()
            cp2.wait()

            @plsc.parallel_loop(0, half, 1, unroll=2)
            def _(r):
                for cc in range(D_MODEL // 16):
                    c = cc * 16
                    accv[r, pl.ds(c, 16)] = (accv[r, pl.ds(c, 16)]
                                             + r1v[r, pl.ds(c, 16)]
                                             + r2v[r, pl.ds(c, 16)])

            pltpu.sync_copy(accv, y_hbm.at[pl.ds(base, half)])

    return comb(sob, x2, d1, d2)


def kernel(x, norm1_w, Wq, Wdkv, Wuk, Wuv, Wo, norm2_w, Wr, W_gate, W_up, W_down):
    xf = x.reshape(SEQ, D_MODEL)
    n1 = norm1_w.reshape(1, D_MODEL)
    n2 = norm2_w.reshape(1, D_MODEL)

    inv = 1.0 / (ROPE_BASE ** (jnp.arange(HALF, dtype=jnp.float32) / HALF))
    ang = jnp.arange(SEQ, dtype=jnp.float32)[:, None] * inv[None, :]
    cos = jnp.tile(jnp.cos(ang), (1, D_MODEL // HALF))
    sin32 = jnp.tile(jnp.sin(ang), (1, D_MODEL // HALF))
    sgn = jnp.where((jnp.arange(D_MODEL) % HEAD_DIM) < HALF, -1.0, 1.0)
    sins = sin32 * sgn[None, :]

    nblk = SEQ // SBLK
    row_spec = pl.BlockSpec((SBLK, D_MODEL), lambda i: (i, 0))
    full = lambda *s: pl.BlockSpec(s, lambda i: tuple(0 for _ in s))

    q, k, v = pl.pallas_call(
        _proj_body,
        grid=(nblk,),
        in_specs=[row_spec, full(1, D_MODEL), full(D_MODEL, D_MODEL),
                  full(D_MODEL, D_LATENT), full(D_LATENT, D_MODEL),
                  full(D_LATENT, D_MODEL), row_spec, row_spec],
        out_specs=[row_spec, row_spec, row_spec],
        out_shape=[jax.ShapeDtypeStruct((SEQ, D_MODEL), jnp.bfloat16)] * 3,
    )(xf, n1, Wq, Wdkv, Wuk, Wuv, cos, sins)

    x2, xn2, logits = pl.pallas_call(
        _attn_body,
        grid=(nblk,),
        in_specs=[row_spec, full(SEQ, D_MODEL), full(SEQ, D_MODEL),
                  row_spec, full(D_MODEL, D_MODEL),
                  full(1, D_MODEL), full(D_MODEL, E)],
        out_specs=[row_spec, row_spec,
                   pl.BlockSpec((SBLK, E), lambda i: (i, 0))],
        out_shape=[jax.ShapeDtypeStruct((SEQ, D_MODEL), jnp.float32),
                   jax.ShapeDtypeStruct((SEQ, D_MODEL), jnp.float32),
                   jax.ShapeDtypeStruct((SEQ, E), jnp.float32)],
    )(q, k, v, xf, Wo, n2, Wr)

    slot_src, slot_w, info = pl.pallas_call(
        _route_body,
        out_shape=[jax.ShapeDtypeStruct((E, CAP), jnp.int32),
                   jax.ShapeDtypeStruct((CAP, E), jnp.float32),
                   jax.ShapeDtypeStruct((SEQ, E), jnp.int32)],
    )(logits)

    buf = _sc_dispatch(xn2, slot_src.reshape(NSLOT))

    sob = pl.pallas_call(
        _ffn_body,
        grid=(E, FF // FFC),
        in_specs=[pl.BlockSpec((CAP, D_MODEL), lambda e, f: (e, 0)),
                  pl.BlockSpec((1, D_MODEL, FFC), lambda e, f: (e, 0, f)),
                  pl.BlockSpec((1, D_MODEL, FFC), lambda e, f: (e, 0, f)),
                  pl.BlockSpec((1, FFC, D_MODEL), lambda e, f: (e, f, 0)),
                  pl.BlockSpec((CAP, E), lambda e, f: (0, 0))],
        out_specs=pl.BlockSpec((CAP, D_MODEL), lambda e, f: (e, 0)),
        out_shape=jax.ShapeDtypeStruct((NSLOT, D_MODEL), jnp.float32),
    )(buf, W_gate, W_up, W_down, slot_w)

    y = _sc_combine(sob, x2, info[:, 0], info[:, 1])
    return y.reshape(SEQ, 1, D_MODEL)

# --- scband reference (transcript-rebuilt; emitter-appended) ---
"""Pipeline reference for scband-mlaplus-mo-eblock-29721173688615 (READ-ONLY COPY).

The authoritative reference and input builder live on the scoring server;
editing this copy changes nothing except your own understanding.
"""

import jax, jax.numpy as jnp
import numpy as np

D_MODEL = 768
N_HEADS = 12
HEAD_DIM = D_MODEL // N_HEADS
D_LATENT = 384
E = 8
K = 2
FF = 1536
EPS = 1e-5
ROPE_BASE = 10000.0
CAP_FACTOR = 1.0
SEQ = 2048
BATCH = 1


def _rmsnorm(x, w):
    return x * jax.lax.rsqrt(jnp.mean(x * x, axis=-1, keepdims=True) + EPS) * w


def _rope(x):
    # x: [S, B, H, Dh]
    S = x.shape[0]
    Dh = x.shape[-1]
    half = Dh // 2
    inv = 1.0 / (ROPE_BASE ** (jnp.arange(half, dtype=jnp.float32) / half))
    ang = jnp.arange(S, dtype=jnp.float32)[:, None] * inv
    cos = jnp.cos(ang)[:, None, None, :]
    sin = jnp.sin(ang)[:, None, None, :]
    x1 = x[..., :half]
    x2 = x[..., half:]
    return jnp.concatenate([x1 * cos - x2 * sin, x1 * sin + x2 * cos], axis=-1)


def _forward(x, norm1_w, Wq, Wdkv, Wuk, Wuv, Wo, norm2_w, Wr, W_gate, W_up, W_down):
    S, B, D = x.shape
    # ---- MLA attention (pre-norm) ----
    xn = _rmsnorm(x, norm1_w)
    q = (xn @ Wq).reshape(S, B, N_HEADS, HEAD_DIM)
    lat = xn @ Wdkv  # latent KV compression
    k = (lat @ Wuk).reshape(S, B, N_HEADS, HEAD_DIM)
    v = (lat @ Wuv).reshape(S, B, N_HEADS, HEAD_DIM)
    q = _rope(q)
    k = _rope(k)
    scores = jnp.einsum('sbhd,tbhd->bhst', q, k) / np.sqrt(HEAD_DIM)
    mask = jnp.tril(jnp.ones((S, S), dtype=bool))
    scores = jnp.where(mask[None, None], scores, -1e9)
    attn = jax.nn.softmax(scores, axis=-1)
    ao = jnp.einsum('bhst,tbhd->sbhd', attn, v).reshape(S, B, D) @ Wo
    x = x + ao
    # ---- DeepSeek-style MoE (pre-norm, batch-first) ----
    xb = jnp.transpose(x, (1, 0, 2))  # [B, S, D]
    xn2 = _rmsnorm(xb, norm2_w).reshape(B * S, D)
    T = B * S
    logits = xn2 @ Wr
    probs = jax.nn.softmax(logits, axis=-1)
    topv, topi = jax.lax.top_k(probs, K)
    topv = topv / jnp.sum(topv, axis=-1, keepdims=True)
    flat_e = topi.reshape(-1)          # [T*K]
    gates = topv.reshape(-1)           # [T*K]
    x_rep = jnp.repeat(xn2, K, axis=0) # [T*K, D]
    C = int(np.ceil(T * K * CAP_FACTOR / E))
    oh = jax.nn.one_hot(flat_e, E, dtype=jnp.int32)
    pos = jnp.sum(jnp.cumsum(oh, axis=0) * oh, axis=1) - 1
    keep = (pos < C).astype(x.dtype)
    pos_c = jnp.clip(pos, 0, C - 1)
    buf = jnp.zeros((E, C, D), dtype=x.dtype).at[flat_e, pos_c].add(x_rep * keep[:, None])
    hg = jnp.einsum('ecd,edf->ecf', buf, W_gate)
    hu = jnp.einsum('ecd,edf->ecf', buf, W_up)
    ob = jnp.einsum('ecf,efd->ecd', jax.nn.silu(hg) * hu, W_down)
    gath = ob[flat_e, pos_c] * (keep * gates)[:, None]
    y = gath.reshape(T, K, D).sum(axis=1).reshape(B, S, D)
    x = x + jnp.transpose(y, (1, 0, 2))
    return x


def setup_inputs(seed: int = 0) -> dict:
    key = jax.random.key(seed)
    ks = jax.random.split(key, 12)
    s = 0.02
    return {
        'x': jax.random.normal(ks[0], (SEQ, BATCH, D_MODEL), dtype=jnp.float32),
        'norm1_w': jnp.ones((D_MODEL,), dtype=jnp.float32),
        'Wq': jax.random.normal(ks[1], (D_MODEL, N_HEADS * HEAD_DIM), dtype=jnp.float32) * s,
        'Wdkv': jax.random.normal(ks[2], (D_MODEL, D_LATENT), dtype=jnp.float32) * s,
        'Wuk': jax.random.normal(ks[3], (D_LATENT, N_HEADS * HEAD_DIM), dtype=jnp.float32) * s,
        'Wuv': jax.random.normal(ks[4], (D_LATENT, N_HEADS * HEAD_DIM), dtype=jnp.float32) * s,
        'Wo': jax.random.normal(ks[5], (N_HEADS * HEAD_DIM, D_MODEL), dtype=jnp.float32) * s,
        'norm2_w': jnp.ones((D_MODEL,), dtype=jnp.float32),
        'Wr': jax.random.normal(ks[6], (D_MODEL, E), dtype=jnp.float32) * s,
        'W_gate': jax.random.normal(ks[7], (E, D_MODEL, FF), dtype=jnp.float32) * s,
        'W_up': jax.random.normal(ks[8], (E, D_MODEL, FF), dtype=jnp.float32) * s,
        'W_down': jax.random.normal(ks[9], (E, FF, D_MODEL), dtype=jnp.float32) * s,
    }


def reference(x, norm1_w, Wq, Wdkv, Wuk, Wuv, Wo, norm2_w, Wr, W_gate, W_up, W_down):
    return _forward(x, norm1_w, Wq, Wdkv, Wuk, Wuv, Wo, norm2_w, Wr, W_gate, W_up, W_down)

if __name__ == "__main__":
    import jax
    _d = setup_inputs()
    print(jax.jit(kernel)(*tuple(_d.values())))

</pallas_src>

<mosaic_0001>
#map = affine_map<(d0, d1) -> (0, 0)>
#map1 = affine_map<(d0, d1) -> (0)>
module attributes {stable_mosaic.version = 14 : i64} {
  func.func @comb(%arg0: i32, %arg1: i32, %arg2: memref<4096x768xf32, #tpu.memory_space<hbm>>, %arg3: memref<2048x768xf32, #tpu.memory_space<hbm>>, %arg4: memref<2048xi32, #tpu.memory_space<hbm>>, %arg5: memref<2048xi32, #tpu.memory_space<hbm>>, %arg6: memref<2048x768xf32, #tpu.memory_space<hbm>>, %arg7: memref<32xi32, #tpu.memory_space<vmem>>, %arg8: memref<32xi32, #tpu.memory_space<vmem>>, %arg9: memref<32x768xf32, #tpu.memory_space<vmem>>, %arg10: memref<32x768xf32, #tpu.memory_space<vmem>>, %arg11: memref<32x768xf32, #tpu.memory_space<vmem>>, %arg12: memref<!tpu.dma_semaphore, #tpu.memory_space<semaphore_mem>>) attributes {dimension_semantics = [#tpu.dimension_semantics<core_parallel>, #tpu.dimension_semantics<subcore_parallel>], iteration_bounds = array<i64: 2, 16>, scalar_prefetch = 0 : i64, scratch_operands = 6 : i64, tpu.core_type = #tpu.core_type<sc_vector_subcore>, window_params = [{transform_indices = #map}, {transform_indices = #map}, {transform_indices = #map1}, {transform_indices = #map1}, {transform_indices = #map}]} {
    %mul3A = arith.constant 2 : i32
    %mul3A_0 = arith.muli %arg1, %mul3A : i32
    %add3A = arith.addi %mul3A_0, %arg0 : i32
    %mul3A_1 = arith.constant 64 : i32
    %mul3A_2 = arith.muli %add3A, %mul3A_1 : i32
    %add3A_3 = arith.constant 0 : i32
    %add3A_4 = arith.addi %mul3A_2, %add3A_3 : i32
    "tpu.region"() ({
      %run_scoped3A = tpu.sem_alloc : memref<!tpu.dma_semaphore, #tpu.memory_space<semaphore_mem>>
      %dma_start3A_36 = tpu.memref_slice %arg4[%add3A_4] : memref<2048xi32, #tpu.memory_space<hbm>> -> memref<32xi32, #tpu.memory_space<hbm>>
      %dma_start3A_37 = tpu.memref_slice %arg4[%add3A_4] : memref<2048xi32, #tpu.memory_space<hbm>> -> memref<32xi32, #tpu.memory_space<hbm>>
      tpu.enqueue_dma source(%dma_start3A_37 : memref<32xi32, #tpu.memory_space<hbm>>) target(%arg7 : memref<32xi32, #tpu.memory_space<vmem>>) target_semaphore(%run_scoped3A : memref<!tpu.dma_semaphore, #tpu.memory_space<semaphore_mem>>)
      %dma_wait3A_38 = tpu.memref_slice %arg4[%add3A_4] : memref<2048xi32, #tpu.memory_space<hbm>> -> memref<32xi32, #tpu.memory_space<hbm>>
      %dma_wait3A_39 = tpu.memref_slice %arg4[%add3A_4] : memref<2048xi32, #tpu.memory_space<hbm>> -> memref<32xi32, #tpu.memory_space<hbm>>
      tpu.wait_dma2 semaphore(%run_scoped3A : memref<!tpu.dma_semaphore, #tpu.memory_space<semaphore_mem>>) src(%dma_wait3A_39 : memref<32xi32, #tpu.memory_space<hbm>>) dst(%arg7 : memref<32xi32, #tpu.memory_space<vmem>>)
      tpu.yield
    }) : () -> ()
    "tpu.region"() ({
      %run_scoped3A = tpu.sem_alloc : memref<!tpu.dma_semaphore, #tpu.memory_space<semaphore_mem>>
      %dma_start3A_36 = tpu.memref_slice %arg5[%add3A_4] : memref<2048xi32, #tpu.memory_space<hbm>> -> memref<32xi32, #tpu.memory_space<hbm>>
      %dma_start3A_37 = tpu.memref_slice %arg5[%add3A_4] : memref<2048xi32, #tpu.memory_space<hbm>> -> memref<32xi32, #tpu.memory_space<hbm>>
      tpu.enqueue_dma source(%dma_start3A_37 : memref<32xi32, #tpu.memory_space<hbm>>) target(%arg8 : memref<32xi32, #tpu.memory_space<vmem>>) target_semaphore(%run_scoped3A : memref<!tpu.dma_semaphore, #tpu.memory_space<semaphore_mem>>)
      %dma_wait3A_38 = tpu.memref_slice %arg5[%add3A_4] : memref<2048xi32, #tpu.memory_space<hbm>> -> memref<32xi32, #tpu.memory_space<hbm>>
      %dma_wait3A_39 = tpu.memref_slice %arg5[%add3A_4] : memref<2048xi32, #tpu.memory_space<hbm>> -> memref<32xi32, #tpu.memory_space<hbm>>
      tpu.wait_dma2 semaphore(%run_scoped3A : memref<!tpu.dma_semaphore, #tpu.memory_space<semaphore_mem>>) src(%dma_wait3A_39 : memref<32xi32, #tpu.memory_space<hbm>>) dst(%arg8 : memref<32xi32, #tpu.memory_space<vmem>>)
      tpu.yield
    }) : () -> ()
    %dma_start3A = arith.constant 0 : i32
    %dma_start3A_5 = arith.constant 0 : i32
    %dma_start3A_6 = tpu.memref_slice %arg2[%dma_start3A, %dma_start3A_5] : memref<4096x768xf32, #tpu.memory_space<hbm>> -> memref<4096x768xf32, #tpu.memory_space<hbm>>
    tpu.enqueue_indirect_dma source(%dma_start3A_6 : memref<4096x768xf32, #tpu.memory_space<hbm>>) target(%arg9 : memref<32x768xf32, #tpu.memory_space<vmem>>) offsets(%arg7 : memref<32xi32, #tpu.memory_space<vmem>>) semaphore(%arg12 : memref<!tpu.dma_semaphore, #tpu.memory_space<semaphore_mem>>)
    %dma_start3A_7 = arith.constant 0 : i32
    %dma_start3A_8 = arith.constant 0 : i32
    %dma_start3A_9 = tpu.memref_slice %arg2[%dma_start3A_7, %dma_start3A_8] : memref<4096x768xf32, #tpu.memory_space<hbm>> -> memref<4096x768xf32, #tpu.memory_space<hbm>>
    tpu.enqueue_indirect_dma source(%dma_start3A_9 : memref<4096x768xf32, #tpu.memory_space<hbm>>) target(%arg10 : memref<32x768xf32, #tpu.memory_space<vmem>>) offsets(%arg8 : memref<32xi32, #tpu.memory_space<vmem>>) semaphore(%arg12 : memref<!tpu.dma_semaphore, #tpu.memory_space<semaphore_mem>>)
    "tpu.region"() ({
      %run_scoped3A = tpu.sem_alloc : memref<!tpu.dma_semaphore, #tpu.memory_space<semaphore_mem>>
      %dma_start3A_36 = arith.constant 0 : i32
      %dma_start3A_37 = tpu.memref_slice %arg3[%add3A_4, %dma_start3A_36] : memref<2048x768xf32, #tpu.memory_space<hbm>> -> memref<32x768xf32, #tpu.memory_space<hbm>>
      %dma_start3A_38 = arith.constant 0 : i32
      %dma_start3A_39 = tpu.memref_slice %arg3[%add3A_4, %dma_start3A_38] : memref<2048x768xf32, #tpu.memory_space<hbm>> -> memref<32x768xf32, #tpu.memory_space<hbm>>
      tpu.enqueue_dma source(%dma_start3A_39 : memref<32x768xf32, #tpu.memory_space<hbm>>) target(%arg11 : memref<32x768xf32, #tpu.memory_space<vmem>>) target_semaphore(%run_scoped3A : memref<!tpu.dma_semaphore, #tpu.memory_space<semaphore_mem>>)
      %dma_wait3A_40 = arith.constant 0 : i32
      %dma_wait3A_41 = tpu.memref_slice %arg3[%add3A_4, %dma_wait3A_40] : memref<2048x768xf32, #tpu.memory_space<hbm>> -> memref<32x768xf32, #tpu.memory_space<hbm>>
      %dma_wait3A_42 = arith.constant 0 : i32
      %dma_wait3A_43 = tpu.memref_slice %arg3[%add3A_4, %dma_wait3A_42] : memref<2048x768xf32, #tpu.memory_space<hbm>> -> memref<32x768xf32, #tpu.memory_space<hbm>>
      tpu.wait_dma2 semaphore(%run_scoped3A : memref<!tpu.dma_semaphore, #tpu.memory_space<semaphore_mem>>) src(%dma_wait3A_43 : memref<32x768xf32, #tpu.memory_space<hbm>>) dst(%arg11 : memref<32x768xf32, #tpu.memory_space<vmem>>)
      tpu.yield
    }) : () -> ()
    %dma_wait3A = arith.constant 0 : i32
    %dma_wait3A_10 = arith.constant 0 : i32
    %dma_wait3A_11 = tpu.memref_slice %arg2[%dma_wait3A, %dma_wait3A_10] : memref<4096x768xf32, #tpu.memory_space<hbm>> -> memref<4096x768xf32, #tpu.memory_space<hbm>>
    tpu.wait_indirect_dma semaphore(%arg12 : memref<!tpu.dma_semaphore, #tpu.memory_space<semaphore_mem>>) src(%dma_wait3A_11 : memref<4096x768xf32, #tpu.memory_space<hbm>>) dst(%arg9 : memref<32x768xf32, #tpu.memory_space<vmem>>)
    %dma_wait3A_12 = arith.constant 0 : i32
    %dma_wait3A_13 = arith.constant 0 : i32
    %dma_wait3A_14 = tpu.memref_slice %arg2[%dma_wait3A_12, %dma_wait3A_13] : memref<4096x768xf32, #tpu.memory_space<hbm>> -> memref<4096x768xf32, #tpu.memory_space<hbm>>
    tpu.wait_indirect_dma semaphore(%arg12 : memref<!tpu.dma_semaphore, #tpu.memory_space<semaphore_mem>>) src(%dma_wait3A_14 : memref<4096x768xf32, #tpu.memory_space<hbm>>) dst(%arg10 : memref<32x768xf32, #tpu.memory_space<vmem>>)
    %parallel_loop3A = arith.constant 0 : i32
    %parallel_loop3A_15 = arith.constant 32 : i32
    %parallel_loop3A_16 = arith.constant 1 : i32
    scf.for %parallel_loop3A_36 = %parallel_loop3A to %parallel_loop3A_15 step %parallel_loop3A_16  : i32 {
      %parallel_loop3A_37 = arith.index_cast %parallel_loop3A_36 : i32 to index
      %parallel_loop3A_38 = arith.constant 0 : index
      %parallel_loop3A_39 = tpu.vector_load %arg11[%parallel_loop3A_37, %parallel_loop3A_38] {strides = array<i32>} : memref<32x768xf32, #tpu.memory_space<vmem>>, vector<1x16xf32>,
      %parallel_loop3A_40 = vector.shape_cast %parallel_loop3A_39 : vector<1x16xf32> to vector<16xf32>
      %parallel_loop3A_41 = arith.index_cast %parallel_loop3A_36 : i32 to index
      %parallel_loop3A_42 = arith.constant 0 : index
      %parallel_loop3A_43 = tpu.vector_load %arg9[%parallel_loop3A_41, %parallel_loop3A_42] {strides = array<i32>} : memref<32x768xf32, #tpu.memory_space<vmem>>, vector<1x16xf32>,
      %parallel_loop3A_44 = vector.shape_cast %parallel_loop3A_43 : vector<1x16xf32> to vector<16xf32>
      %parallel_loop3A_45 = arith.addf %parallel_loop3A_40, %parallel_loop3A_44 : vector<16xf32>
      %parallel_loop3A_46 = arith.index_cast %parallel_loop3A_36 : i32 to index
      %parallel_loop3A_47 = arith.constant 0 : index
      %parallel_loop3A_48 = tpu.vector_load %arg10[%parallel_loop3A_46, %parallel_loop3A_47] {strides = array<i32>} : memref<32x768xf32, #tpu.memory_space<vmem>>, vector<1x16xf32>,
      %parallel_loop3A_49 = vector.shape_cast %parallel_loop3A_48 : vector<1x16xf32> to vector<16xf32>
      %parallel_loop3A_50 = arith.addf %parallel_loop3A_45, %parallel_loop3A_49 : vector<16xf32>
      %parallel_loop3A_51 = arith.index_cast %parallel_loop3A_36 : i32 to index
      %parallel_loop3A_52 = arith.constant 0 : index
      %parallel_loop3A_53 = tpu.vector_load %arg11[%parallel_loop3A_51, %parallel_loop3A_52] {strides = array<i32>} : memref<32x768xf32, #tpu.memory_space<vmem>>, vector<1x16xf32>,
      %parallel_loop3A_54 = vector.shape_cast %parallel_loop3A_53 : vector<1x16xf32> to vector<16xf32>
      %parallel_loop3A_55 = vector.shape_cast %parallel_loop3A_50 : vector<16xf32> to vector<1x16xf32>
      tpu.vector_store %arg11[%parallel_loop3A_51, %parallel_loop3A_52], %parallel_loop3A_55 {strides = array<i32>} : memref<32x768xf32, #tpu.memory_space<vmem>>, vector<1x16xf32>,
      %parallel_loop3A_56 = arith.index_cast %parallel_loop3A_36 : i32 to index
      %parallel_loop3A_57 = arith.constant 16 : index
      %parallel_loop3A_58 = tpu.vector_load %arg11[%parallel_loop3A_56, %parallel_loop3A_57] {strides = array<i32>} : memref<32x768xf32, #tpu.memory_space<vmem>>, vector<1x16xf32>,
      %parallel_loop3A_59 = vector.shape_cast %parallel_loop3A_58 : vector<1x16xf32> to vector<16xf32>
      %parallel_loop3A_60 = arith.index_cast %parallel_loop3A_36 : i32 to index
      %parallel_loop3A_61 = arith.constant 16 : index
      %parallel_loop3A_62 = tpu.vector_load %arg9[%parallel_loop3A_60, %parallel_loop3A_61] {strides = array<i32>} : memref<32x768xf32, #tpu.memory_space<vmem>>, vector<1x16xf32>,
      %parallel_loop3A_63 = vector.shape_cast %parallel_loop3A_62 : vector<1x16xf32> to vector<16xf32>
      %parallel_loop3A_64 = arith.addf %parallel_loop3A_59, %parallel_loop3A_63 : vector<16xf32>
      %parallel_loop3A_65 = arith.index_cast %parallel_loop3A_36 : i32 to index
      %parallel_loop3A_66 = arith.constant 16 : index
      %parallel_loop3A_67 = tpu.vector_load %arg10[%parallel_loop3A_65, %parallel_loop3A_66] {strides = array<i32>} : memref<32x768xf32, #tpu.memory_space<vmem>>, vector<1x16xf32>,
      %parallel_loop3A_68 = vector.shape_cast %parallel_loop3A_67 : vector<1x16xf32> to vector<16xf32>
      %parallel_loop3A_69 = arith.addf %parallel_loop3A_64, %parallel_loop3A_68 : vector<16xf32>
      %parallel_loop3A_70 = arith.index_cast %parallel_loop3A_36 : i32 to index
      %parallel_loop3A_71 = arith.constant 16 : index
      %parallel_loop3A_72 = tpu.vector_load %arg11[%parallel_loop3A_70, %parallel_loop3A_71] {strides = array<i32>} : memref<32x768xf32, #tpu.memory_space<vmem>>, vector<1x16xf32>,
      %parallel_loop3A_73 = vector.shape_cast %parallel_loop3A_72 : vector<1x16xf32> to vector<16xf32>
      %parallel_loop3A_74 = vector.shape_cast %parallel_loop3A_69 : vector<16xf32> to vector<1x16xf32>
      tpu.vector_store %arg11[%parallel_loop3A_70, %parallel_loop3A_71], %parallel_loop3A_74 {strides = array<i32>} : memref<32x768xf32, #tpu.memory_space<vmem>>, vector<1x16xf32>,
      %parallel_loop3A_75 = arith.index_cast %parallel_loop3A_36 : i32 to index
      %parallel_loop3A_76 = arith.constant 32 : index
      %parallel_loop3A_77 = tpu.vector_load %arg11[%parallel_loop3A_75, %parallel_loop3A_76] {strides = array<i32>} : memref<32x768xf32, #tpu.memory_space<vmem>>, vector<1x16xf32>,
      %parallel_loop3A_78 = vector.shape_cast %parallel_loop3A_77 : vector<1x16xf32> to vector<16xf32>
      %parallel_loop3A_79 = arith.index_cast %parallel_loop3A_36 : i32 to index
      %parallel_loop3A_80 = arith.constant 32 : index
      %parallel_loop3A_81 = tpu.vector_load %arg9[%parallel_loop3A_79, %parallel_loop3A_80] {strides = array<i32>} : memref<32x768xf32, #tpu.memory_space<vmem>>, vector<1x16xf32>,
      %parallel_loop3A_82 = vector.shape_cast %parallel_loop3A_81 : vector<1x16xf32> to vector<16xf32>
      %parallel_loop3A_83 = arith.addf %parallel_loop3A_78, %parallel_loop3A_82 : vector<16xf32>
      %parallel_loop3A_84 = arith.index_cast %parallel_loop3A_36 : i32 to index
      %parallel_loop3A_85 = arith.constant 32 : index
      %parallel_loop3A_86 = tpu.vector_load %arg10[%parallel_loop3A_84, %parallel_loop3A_85] {strides = array<i32>} : memref<32x768xf32, #tpu.memory_space<vmem>>, vector<1x16xf32>,
      %parallel_loop3A_87 = vector.shape_cast %parallel_loop3A_86 : vector<1x16xf32> to vector<16xf32>
      %parallel_loop3A_88 = arith.addf %parallel_loop3A_83, %parallel_loop3A_87 : vector<16xf32>
      %parallel_loop3A_89 = arith.index_cast %parallel_loop3A_36 : i32 to index
      %parallel_loop3A_90 = arith.constant 32 : index
      %parallel_loop3A_91 = tpu.vector_load %arg11[%parallel_loop3A_89, %parallel_loop3A_90] {strides = array<i32>} : memref<32x768xf32, #tpu.memory_space<vmem>>, vector<1x16xf32>,
      %parallel_loop3A_92 = vector.shape_cast %parallel_loop3A_91 : vector<1x16xf32> to vector<16xf32>
      %parallel_loop3A_93 = vector.shape_cast %parallel_loop3A_88 : vector<16xf32> to vector<1x16xf32>
      tpu.vector_store %arg11[%parallel_loop3A_89, %parallel_loop3A_90], %parallel_loop3A_93 {strides = array<i32>} : memref<32x768xf32, #tpu.memory_space<vmem>>, vector<1x16xf32>,
      %parallel_loop3A_94 = arith.index_cast %parallel_loop3A_36 : i32 to index
      %parallel_loop3A_95 = arith.constant 48 : index
      %parallel_loop3A_96 = tpu.vector_load %arg11[%parallel_loop3A_94, %parallel_loop3A_95] {strides = array<i32>} : memref<32x768xf32, #tpu.memory_space<vmem>>, vector<1x16xf32>,
      %parallel_loop3A_97 = vector.shape_cast %parallel_loop3A_96 : vector<1x16xf32> to vector<16xf32>
      %parallel_loop3A_98 = arith.index_cast %parallel_loop3A_36 : i32 to index
      %parallel_loop3A_99 = arith.constant 48 : index
      %parallel_loop3A_100 = tpu.vector_load %arg9[%parallel_loop3A_98, %parallel_loop3A_99] {strides = array<i32>} : memref<32x768xf32, #tpu.memory_space<vmem>>, vector<1x16xf32>,
      %parallel_loop3A_101 = vector.shape_cast %parallel_loop3A_100 : vector<1x16xf32> to vector<16xf32>
      %parallel_loop3A_102 = arith.addf %parallel_loop3A_97, %parallel_loop3A_101 : vector<16xf32>
      %parallel_loop3A_103 = arith.index_cast %parallel_loop3A_36 : i32 to index
      %parallel_loop3A_104 = arith.constant 48 : index
      %parallel_loop3A_105 = tpu.vector_load %arg10[%parallel_loop3A_103, %parallel_loop3A_104] {strides = array<i32>} : memref<32x768xf32, #tpu.memory_space<vmem>>, vector<1x16xf32>,
      %parallel_loop3A_106 = vector.shape_cast %parallel_loop3A_105 : vector<1x16xf32> to vector<16xf32>
      %parallel_loop3A_107 = arith.addf %parallel_loop3A_102, %parallel_loop3A_106 : vector<16xf32>
      %parallel_loop3A_108 = arith.index_cast %parallel_loop3A_36 : i32 to index
      %parallel_loop3A_109 = arith.constant 48 : index
      %parallel_loop3A_110 = tpu.vector_load %arg11[%parallel_loop3A_108, %parallel_loop3A_109] {strides = array<i32>} : memref<32x768xf32, #tpu.memory_space<vmem>>, vector<1x16xf32>,
      %parallel_loop3A_111 = vector.shape_cast %parallel_loop3A_110 : vector<1x16xf32> to vector<16xf32>
      %parallel_loop3A_112 = vector.shape_cast %parallel_loop3A_107 : vector<16xf32> to vector<1x16xf32>
      tpu.vector_store %arg11[%parallel_loop3A_108, %parallel_loop3A_109], %parallel_loop3A_112 {strides = array<i32>} : memref<32x768xf32, #tpu.memory_space<vmem>>, vector<1x16xf32>,
      %parallel_loop3A_113 = arith.index_cast %parallel_loop3A_36 : i32 to index
      %parallel_loop3A_114 = arith.constant 64 : index
      %parallel_loop3A_115 = tpu.vector_load %arg11[%parallel_loop3A_113, %parallel_loop3A_114] {strides = array<i32>} : memref<32x768xf32, #tpu.memory_space<vmem>>, vector<1x16xf32>,
      %parallel_loop3A_116 = vector.shape_cast %parallel_loop3A_115 : vector<1x16xf32> to vector<16xf32>
      %parallel_loop3A_117 = arith.index_cast %parallel_loop3A_36 : i32 to index
      %parallel_loop3A_118 = arith.constant 64 : index
      %parallel_loop3A_119 = tpu.vector_load %arg9[%parallel_loop3A_117, %parallel_loop3A_118] {strides = array<i32>} : memref<32x768xf32, #tpu.memory_space<vmem>>, vector<1x16xf32>,
      %parallel_loop3A_120 = vector.shape_cast %parallel_loop3A_119 : vector<1x16xf32> to vector<16xf32>
      %parallel_loop3A_121 = arith.addf %parallel_loop3A_116, %parallel_loop3A_120 : vector<16xf32>
      %parallel_loop3A_122 = arith.index_cast %parallel_loop3A_36 : i32 to index
      %parallel_loop3A_123 = arith.constant 64 : index
      %parallel_loop3A_124 = tpu.vector_load %arg10[%parallel_loop3A_122, %parallel_loop3A_123] {strides = array<i32>} : memref<32x768xf32, #tpu.memory_space<vmem>>, vector<1x16xf32>,
      %parallel_loop3A_125 = vector.shape_cast %parallel_loop3A_124 : vector<1x16xf32> to vector<16xf32>
      %parallel_loop3A_126 = arith.addf %parallel_loop3A_121, %parallel_loop3A_125 : vector<16xf32>
      %parallel_loop3A_127 = arith.index_cast %parallel_loop3A_36 : i32 to index
      %parallel_loop3A_128 = arith.constant 64 : index
      %parallel_loop3A_129 = tpu.vector_load %arg11[%parallel_loop3A_127, %parallel_loop3A_128] {strides = array<i32>} : memref<32x768xf32, #tpu.memory_space<vmem>>, vector<1x16xf32>,
      %parallel_loop3A_130 = vector.shape_cast %parallel_loop3A_129 : vector<1x16xf32> to vector<16xf32>
      %parallel_loop3A_131 = vector.shape_cast %parallel_loop3A_126 : vector<16xf32> to vector<1x16xf32>
      tpu.vector_store %arg11[%parallel_loop3A_127, %parallel_loop3A_128], %parallel_loop3A_131 {strides = array<i32>} : memref<32x768xf32, #tpu.memory_space<vmem>>, vector<1x16xf32>,
      %parallel_loop3A_132 = arith.index_cast %parallel_loop3A_36 : i32 to index
      %parallel_loop3A_133 = arith.constant 80 : index
      %parallel_loop3A_134 = tpu.vector_load %arg11[%parallel_loop3A_132, %parallel_loop3A_133] {strides = array<i32>} : memref<32x768xf32, #tpu.memory_space<vmem>>, vector<1x16xf32>,
      %parallel_loop3A_135 = vector.shape_cast %parallel_loop3A_134 : vector<1x16xf32> to vector<16xf32>
      %parallel_loop3A_136 = arith.index_cast %parallel_loop3A_36 : i32 to index
      %parallel_loop3A_137 = arith.constant 80 : index
      %parallel_loop3A_138 = tpu.vector_load %arg9[%parallel_loop3A_136, %parallel_loop3A_137] {strides = array<i32>} : memref<32x768xf32, #tpu.memory_space<vmem>>, vector<1x16xf32>,
      %parallel_loop3A_139 = vector.shape_cast %parallel_loop3A_138 : vector<1x16xf32> to vector<16xf32>
      %parallel_loop3A_140 = arith.addf %parallel_loop3A_135, %parallel_loop3A_139 : vector<16xf32>
      %parallel_loop3A_141 = arith.index_cast %parallel_loop3A_36 : i32 to index
      %parallel_loop3A_142 = arith.constant 80 : index
      %parallel_loop3A_143 = tpu.vector_load %arg10[%parallel_loop3A_141, %parallel_loop3A_142] {strides = array<i32>} : memref<32x768xf32, #tpu.memory_space<vmem>>, vector<1x16xf32>,
      %parallel_loop3A_144 = vector.shape_cast %parallel_loop3A_143 : vector<1x16xf32> to vector<16xf32>
      %parallel_loop3A_145 = arith.addf %parallel_loop3A_140, %parallel_loop3A_144 : vector<16xf32>
      %parallel_loop3A_146 = arith.index_cast %parallel_loop3A_36 : i32 to index
      %parallel_loop3A_147 = arith.constant 80 : index
      %parallel_loop3A_148 = tpu.vector_load %arg11[%parallel_loop3A_146, %parallel_loop3A_147] {strides = array<i32>} : memref<32x768xf32, #tpu.memory_space<vmem>>, vector<1x16xf32>,
      %parallel_loop3A_149 = vector.shape_cast %parallel_loop3A_148 : vector<1x16xf32> to vector<16xf32>
      %parallel_loop3A_150 = vector.shape_cast %parallel_loop3A_145 : vector<16xf32> to vector<1x16xf32>
      tpu.vector_store %arg11[%parallel_loop3A_146, %parallel_loop3A_147], %parallel_loop3A_150 {strides = array<i32>} : memref<32x768xf32, #tpu.memory_space<vmem>>, vector<1x16xf32>,
      %parallel_loop3A_151 = arith.index_cast %parallel_loop3A_36 : i32 to index
      %parallel_loop3A_152 = arith.constant 96 : index
      %parallel_loop3A_153 = tpu.vector_load %arg11[%parallel_loop3A_151, %parallel_loop3A_152] {strides = array<i32>} : memref<32x768xf32, #tpu.memory_space<vmem>>, vector<1x16xf32>,
      %parallel_loop3A_154 = vector.shape_cast %parallel_loop3A_153 : vector<1x16xf32> to vector<16xf32>
      %parallel_loop3A_155 = arith.index_cast %parallel_loop3A_36 : i32 to index
      %parallel_loop3A_156 = arith.constant 96 : index
      %parallel_loop3A_157 = tpu.vector_load %arg9[%parallel_loop3A_155, %parallel_loop3A_156] {strides = array<i32>} : memref<32x768xf32, #tpu.memory_space<vmem>>, vector<1x16xf32>,
      %parallel_loop3A_158 = vector.shape_cast %parallel_loop3A_157 : vector<1x16xf32> to vector<16xf32>
      %parallel_loop3A_159 = arith.addf %parallel_loop3A_154, %parallel_loop3A_158 : vector<16xf32>
      %parallel_loop3A_160 = arith.index_cast %parallel_loop3A_36 : i32 to index
      %parallel_loop3A_161 = arith.constant 96 : index
      %parallel_loop3A_162 = tpu.vector_load %arg10[%parallel_loop3A_160, %parallel_loop3A_161] {strides = array<i32>} : memref<32x768xf32, #tpu.memory_space<vmem>>, vector<1x16xf32>,
      %parallel_loop3A_163 = vector.shape_cast %parallel_loop3A_162 : vector<1x16xf32> to vector<16xf32>
      %parallel_loop3A_164 = arith.addf %parallel_loop3A_159, %parallel_loop3A_163 : vector<16xf32>
      %parallel_loop3A_165 = arith.index_cast %parallel_loop3A_36 : i32 to index
      %parallel_loop3A_166 = arith.constant 96 : index
      %parallel_loop3A_167 = tpu.vector_load %arg11[%parallel_loop3A_165, %parallel_loop3A_166] {strides = array<i32>} : memref<32x768xf32, #tpu.memory_space<vmem>>, vector<1x16xf32>,
      %parallel_loop3A_168 = vector.shape_cast %parallel_loop3A_167 : vector<1x16xf32> to vector<16xf32>
      %parallel_loop3A_169 = vector.shape_cast %parallel_loop3A_164 : vector<16xf32> to vector<1x16xf32>
      tpu.vector_store %arg11[%parallel_loop3A_165, %parallel_loop3A_166], %parallel_loop3A_169 {strides = array<i32>} : memref<32x768xf32, #tpu.memory_space<vmem>>, vector<1x16xf32>,
      %parallel_loop3A_170 = arith.index_cast %parallel_loop3A_36 : i32 to index
      %parallel_loop3A_171 = arith.constant 112 : index
      %parallel_loop3A_172 = tpu.vector_load %arg11[%parallel_loop3A_170, %parallel_loop3A_171] {strides = array<i32>} : memref<32x768xf32, #tpu.memory_space<vmem>>, vector<1x16xf32>,
      %parallel_loop3A_173 = vector.shape_cast %parallel_loop3A_172 : vector<1x16xf32> to vector<16xf32>
      %parallel_loop3A_174 = arith.index_cast %parallel_loop3A_36 : i32 to index
      %parallel_loop3A_175 = arith.constant 112 : index
      %parallel_loop3A_176 = tpu.vector_load %arg9[%parallel_loop3A_174, %parallel_loop3A_175] {strides = array<i32>} : memref<32x768xf32, #tpu.memory_space<vmem>>, vector<1x16xf32>,
      %parallel_loop3A_177 = vector.shape_cast %parallel_loop3A_176 : vector<1x16xf32> to vector<16xf32>
      %parallel_loop3A_178 = arith.addf %parallel_loop3A_173, %parallel_loop3A_177 : vector<16xf32>
      %parallel_loop3A_179 = arith.index_cast %parallel_loop3A_36 : i32 to index
      %parallel_loop3A_180 = arith.constant 112 : index
      %parallel_loop3A_181 = tpu.vector_load %arg10[%parallel_loop3A_179, %parallel_loop3A_180] {strides = array<i32>} : memref<32x768xf32, #tpu.memory_space<vmem>>, vector<1x16xf32>,
      %parallel_loop3A_182 = vector.shape_cast %parallel_loop3A_181 : vector<1x16xf32> to vector<16xf32>
      %parallel_loop3A_183 = arith.addf %parallel_loop3A_178, %parallel_loop3A_182 : vector<16xf32>
      %parallel_loop3A_184 = arith.index_cast %parallel_loop3A_36 : i32 to index
      %parallel_loop3A_185 = arith.constant 112 : index
      %parallel_loop3A_186 = tpu.vector_load %arg11[%parallel_loop3A_184, %parallel_loop3A_185] {strides = array<i32>} : memref<32x768xf32, #tpu.memory_space<vmem>>, vector<1x16xf32>,
      %parallel_loop3A_187 = vector.shape_cast %parallel_loop3A_186 : vector<1x16xf32> to vector<16xf32>
      %parallel_loop3A_188 = vector.shape_cast %parallel_loop3A_183 : vector<16xf32> to vector<1x16xf32>
      tpu.vector_store %arg11[%parallel_loop3A_184, %parallel_loop3A_185], %parallel_loop3A_188 {strides = array<i32>} : memref<32x768xf32, #tpu.memory_space<vmem>>, vector<1x16xf32>,
      %parallel_loop3A_189 = arith.index_cast %parallel_loop3A_36 : i32 to index
      %parallel_loop3A_190 = arith.constant 128 : index
      %parallel_loop3A_191 = tpu.vector_load %arg11[%parallel_loop3A_189, %parallel_loop3A_190] {strides = array<i32>} : memref<32x768xf32, #tpu.memory_space<vmem>>, vector<1x16xf32>,
      %parallel_loop3A_192 = vector.shape_cast %parallel_loop3A_191 : vector<1x16xf32> to vector<16xf32>
      %parallel_loop3A_193 = arith.index_cast %parallel_loop3A_36 : i32 to index
      %parallel_loop3A_194 = arith.constant 128 : index
      %parallel_loop3A_195 = tpu.vector_load %arg9[%parallel_loop3A_193, %parallel_loop3A_194] {strides = array<i32>} : memref<32x768xf32, #tpu.memory_space<vmem>>, vector<1x16xf32>,
      %parallel_loop3A_196 = vector.shape_cast %parallel_loop3A_195 : vector<1x16xf32> to vector<16xf32>
      %parallel_loop3A_197 = arith.addf %parallel_loop3A_192, %parallel_loop3A_196 : vector<16xf32>
      %parallel_loop3A_198 = arith.index_cast %parallel_loop3A_36 : i32 to index
      %parallel_loop3A_199 = arith.constant 128 : index
      %parallel_loop3A_200 = tpu.vector_load %arg10[%parallel_loop3A_198, %parallel_loop3A_199] {strides = array<i32>} : memref<32x768xf32, #tpu.memory_space<vmem>>, vector<1x16xf32>,
      %parallel_loop3A_201 = vector.shape_cast %parallel_loop3A_200 : vector<1x16xf32> to vector<16xf32>
      %parallel_loop3A_202 = arith.addf %parallel_loop3A_197, %parallel_loop3A_201 : vector<16xf32>
      %parallel_loop3A_203 = arith.index_cast %parallel_loop3A_36 : i32 to index
      %parallel_loop3A_204 = arith.constant 128 : index
      %parallel_loop3A_205 = tpu.vector_load %arg11[%parallel_loop3A_203, %parallel_loop3A_204] {strides = array<i32>} : memref<32x768xf32, #tpu.memory_space<vmem>>, vector<1x16xf32>,
      %parallel_loop3A_206 = vector.shape_cast %parallel_loop3A_205 : vector<1x16xf32> to vector<16xf32>
      %parallel_loop3A_207 = vector.shape_cast %parallel_loop3A_202 : vector<16xf32> to vector<1x16xf32>
      tpu.vector_store %arg11[%parallel_loop3A_203, %parallel_loop3A_204], %parallel_loop3A_207 {strides = array<i32>} : memref<32x768xf32, #tpu.memory_space<vmem>>, vector<1x16xf32>,
      %parallel_loop3A_208 = arith.index_cast %parallel_loop3A_36 : i32 to index
      %parallel_loop3A_209 = arith.constant 144 : index
      %parallel_loop3A_210 = tpu.vector_load %arg11[%parallel_loop3A_208, %parallel_loop3A_209] {strides = array<i32>} : memref<32x768xf32, #tpu.memory_space<vmem>>, vector<1x16xf32>,
      %parallel_loop3A_211 = vector.shape_cast %parallel_loop3A_210 : vector<1x16xf32> to vector<16xf32>
      %parallel_loop3A_212 = arith.index_cast %parallel_loop3A_36 : i32 to index
      %parallel_loop3A_213 = arith.constant 144 : index
      %parallel_loop3A_214 = tpu.vector_load %arg9[%parallel_loop3A_212, %parallel_loop3A_213] {strides = array<i32>} : memref<32x768xf32, #tpu.memory_space<vmem>>, vector<1x16xf32>,
      %parallel_loop3A_215 = vector.shape_cast %parallel_loop3A_214 : vector<1x16xf32> to vector<16xf32>
      %parallel_loop3A_216 = arith.addf %parallel_loop3A_211, %parallel_loop3A_215 : vector<16xf32>
      %parallel_loop3A_217 = arith.index_cast %parallel_loop3A_36 : i32 to index
      %parallel_loop3A_218 = arith.constant 144 : index
      %parallel_loop3A_219 = tpu.vector_load %arg10[%parallel_loop3A_217, %parallel_loop3A_218] {strides = array<i32>} : memref<32x768xf32, #tpu.memory_space<vmem>>, vector<1x16xf32>,
      %parallel_loop3A_220 = vector.shape_cast %parallel_loop3A_219 : vector<1x16xf32> to vector<16xf32>
      %parallel_loop3A_221 = arith.addf %parallel_loop3A_216, %parallel_loop3A_220 : vector<16xf32>
      %parallel_loop3A_222 = arith.index_cast %parallel_loop3A_36 : i32 to index
      %parallel_loop3A_223 = arith.constant 144 : index
      %parallel_loop3A_224 = tpu.vector_load %arg11[%parallel_loop3A_222, %parallel_loop3A_223] {strides = array<i32>} : memref<32x768xf32, #tpu.memory_space<vmem>>, vector<1x16xf32>,
      %parallel_loop3A_225 = vector.shape_cast %parallel_loop3A_224 : vector<1x16xf32> to vector<16xf32>
      %parallel_loop3A_226 = vector.shape_cast %parallel_loop3A_221 : vector<16xf32> to vector<1x16xf32>
      tpu.vector_store %arg11[%parallel_loop3A_222, %parallel_loop3A_223], %parallel_loop3A_226 {strides = array<i32>} : memref<32x768xf32, #tpu.memory_space<vmem>>, vector<1x16xf32>,
      %parallel_loop3A_227 = arith.index_cast %parallel_loop3A_36 : i32 to index
      %parallel_loop3A_228 = arith.constant 160 : index
      %parallel_loop3A_229 = tpu.vector_load %arg11[%parallel_loop3A_227, %parallel_loop3A_228] {strides = array<i32>} : memref<32x768xf32, #tpu.memory_space<vmem>>, vector<1x16xf32>,
      %parallel_loop3A_230 = vector.shape_cast %parallel_loop3A_229 : vector<1x16xf32> to vector<16xf32>
      %parallel_loop3A_231 = arith.index_cast %parallel_loop3A_36 : i32 to index
      %parallel_loop3A_232 = arith.constant 160 : index
      %parallel_loop3A_233 = tpu.vector_load %arg9[%parallel_loop3A_231, %parallel_loop3A_232] {strides = array<i32>} : memref<32x768xf32, #tpu.memory_space<vmem>>, vector<1x16xf32>,
      %parallel_loop3A_234 = vector.shape_cast %parallel_loop3A_233 : vector<1x16xf32> to vector<16xf32>
      %parallel_loop3A_235 = arith.addf %parallel_loop3A_230, %parallel_loop3A_234 : vector<16xf32>
      %parallel_loop3A_236 = arith.index_cast %parallel_loop3A_36 : i32 to index
      %parallel_loop3A_237 = arith.constant 160 : index
      %parallel_loop3A_238 = tpu.vector_load %arg10[%parallel_loop3A_236, %parallel_loop3A_237] {strides = array<i32>} : memref<32x768xf32, #tpu.memory_space<vmem>>, vector<1x16xf32>,
      %parallel_loop3A_239 = vector.shape_cast %parallel_loop3A_238 : vector<1x16xf32> to vector<16xf32>
      %parallel_loop3A_240 = arith.addf %parallel_loop3A_235, %parallel_loop3A_239 : vector<16xf32>
      %parallel_loop3A_241 = arith.index_cast %parallel_loop3A_36 : i32 to index
      %parallel_loop3A_242 = arith.constant 160 : index
      %parallel_loop3A_243 = tpu.vector_load %arg11[%parallel_loop3A_241, %parallel_loop3A_242] {strides = array<i32>} : memref<32x768xf32, #tpu.memory_space<vmem>>, vector<1x16xf32>,
      %parallel_loop3A_244 = vector.shape_cast %parallel_loop3A_243 : vector<1x16xf32> to vector<16xf32>
      %parallel_loop3A_245 = vector.shape_cast %parallel_loop3A_240 : vector<16xf32> to vector<1x16xf32>
      tpu.vector_store %arg11[%parallel_loop3A_241, %parallel_loop3A_242], %parallel_loop3A_245 {strides = array<i32>} : memref<32x768xf32, #tpu.memory_space<vmem>>, vector<1x16xf32>,
      %parallel_loop3A_246 = arith.index_cast %parallel_loop3A_36 : i32 to index
      %parallel_loop3A_247 = arith.constant 176 : index
      %parallel_loop3A_248 = tpu.vector_load %arg11[%parallel_loop3A_246, %parallel_loop3A_247] {strides = array<i32>} : memref<32x768xf32, #tpu.memory_space<vmem>>, vector<1x16xf32>,
      %parallel_loop3A_249 = vector.shape_cast %parallel_loop3A_248 : vector<1x16xf32> to vector<16xf32>
      %parallel_loop3A_250 = arith.index_cast %parallel_loop3A_36 : i32 to index
      %parallel_loop3A_251 = arith.constant 176 : index
      %parallel_loop3A_252 = tpu.vector_load %arg9[%parallel_loop3A_250, %parallel_loop3A_251] {strides = array<i32>} : memref<32x768xf32, #tpu.memory_space<vmem>>, vector<1x16xf32>,
      %parallel_loop3A_253 = vector.shape_cast %parallel_loop3A_252 : vector<1x16xf32> to vector<16xf32>
      %parallel_loop3A_254 = arith.addf %parallel_loop3A_249, %parallel_loop3A_253 : vector<16xf32>
      %parallel_loop3A_255 = arith.index_cast %parallel_loop3A_36 : i32 to index
      %parallel_loop3A_256 = arith.constant 176 : index
      %parallel_loop3A_257 = tpu.vector_load %arg10[%parallel_loop3A_255, %parallel_loop3A_256] {strides = array<i32>} : memref<32x768xf32, #tpu.memory_space<vmem>>, vector<1x16xf32>,
      %parallel_loop3A_258 = vector.shape_cast %parallel_loop3A_257 : vector<1x16xf32> to vector<16xf32>
      %parallel_loop3A_259 = arith.addf %parallel_loop3A_254, %parallel_loop3A_258 : vector<16xf32>
      %parallel_loop3A_260 = arith.index_cast %parallel_loop3A_36 : i32 to index
      %parallel_loop3A_261 = arith.constant 176 : index
      %parallel_loop3A_262 = tpu.vector_load %arg11[%parallel_loop3A_260, %parallel_loop3A_261] {strides = array<i32>} : memref<32x768xf32, #tpu.memory_space<vmem>>, vector<1x16xf32>,
      %parallel_loop3A_263 = vector.shape_cast %parallel_loop3A_262 : vector<1x16xf32> to vector<16xf32>
      %parallel_loop3A_264 = vector.shape_cast %parallel_loop3A_259 : vector<16xf32> to vector<1x16xf32>
      tpu.vector_store %arg11[%parallel_loop3A_260, %parallel_loop3A_261], %parallel_loop3A_264 {strides = array<i32>} : memref<32x768xf32, #tpu.memory_space<vmem>>, vector<1x16xf32>,
      %parallel_loop3A_265 = arith.index_cast %parallel_loop3A_36 : i32 to index
      %parallel_loop3A_266 = arith.constant 192 : index
      %parallel_loop3A_267 = tpu.vector_load %arg11[%parallel_loop3A_265, %parallel_loop3A_266] {strides = array<i32>} : memref<32x768xf32, #tpu.memory_space<vmem>>, vector<1x16xf32>,
      %parallel_loop3A_268 = vector.shape_cast %parallel_loop3A_267 : vector<1x16xf32> to vector<16xf32>
      %parallel_loop3A_269 = arith.index_cast %parallel_loop3A_36 : i32 to index
      %parallel_loop3A_270 = arith.constant 192 : index
      %parallel_loop3A_271 = tpu.vector_load %arg9[%parallel_loop3A_269, %parallel_loop3A_270] {strides = array<i32>} : memref<32x768xf32, #tpu.memory_space<vmem>>, vector<1x16xf32>,
      %parallel_loop3A_272 = vector.shape_cast %parallel_loop3A_271 : vector<1x16xf32> to vector<16xf32>
      %parallel_loop3A_273 = arith.addf %parallel_loop3A_268, %parallel_loop3A_272 : vector<16xf32>
      %parallel_loop3A_274 = arith.index_cast %parallel_loop3A_36 : i32 to index
      %parallel_loop3A_275 = arith.constant 192 : index
      %parallel_loop3A_276 = tpu.vector_load %arg10[%parallel_loop3A_274, %parallel_loop3A_275] {strides = array<i32>} : memref<32x768xf32, #tpu.memory_space<vmem>>, vector<1x16xf32>,
      %parallel_loop3A_277 = vector.shape_cast %parallel_loop3A_276 : vector<1x16xf32> to vector<16xf32>
      %parallel_loop3A_278 = arith.addf %parallel_loop3A_273, %parallel_loop3A_277 : vector<16xf32>
      %parallel_loop3A_279 = arith.index_cast %parallel_loop3A_36 : i32 to index
      %parallel_loop3A_280 = arith.constant 192 : index
      %parallel_loop3A_281 = tpu.vector_load %arg11[%parallel_loop3A_279, %parallel_loop3A_280] {strides = array<i32>} : memref<32x768xf32, #tpu.memory_space<vmem>>, vector<1x16xf32>,
      %parallel_loop3A_282 = vector.shape_cast %parallel_loop3A_281 : vector<1x16xf32> to vector<16xf32>
      %parallel_loop3A_283 = vector.shape_cast %parallel_loop3A_278 : vector<16xf32> to vector<1x16xf32>
      tpu.vector_store %arg11[%parallel_loop3A_279, %parallel_loop3A_280], %parallel_loop3A_283 {strides = array<i32>} : memref<32x768xf32, #tpu.memory_space<vmem>>, vector<1x16xf32>,
      %parallel_loop3A_284 = arith.index_cast %parallel_loop3A_36 : i32 to index
      %parallel_loop3A_285 = arith.constant 208 : index
      %parallel_loop3A_286 = tpu.vector_load %arg11[%parallel_loop3A_284, %parallel_loop3A_285] {strides = array<i32>} : memref<32x768xf32, #tpu.memory_space<vmem>>, vector<1x16xf32>,
      %parallel_loop3A_287 = vector.shape_cast %parallel_loop3A_286 : vector<1x16xf32> to vector<16xf32>
      %parallel_loop3A_288 = arith.index_cast %parallel_loop3A_36 : i32 to index
      %parallel_loop3A_289 = arith.constant 208 : index
      %parallel_loop3A_290 = tpu.vector_load %arg9[%parallel_loop3A_288, %parallel_loop3A_289] {strides = array<i32>} : memref<32x768xf32, #tpu.memory_space<vmem>>, vector<1x16xf32>,
      %parallel_loop3A_291 = vector.shape_cast %parallel_loop3A_290 : vector<1x16xf32> to vector<16xf32>
      %parallel_loop3A_292 = arith.addf %parallel_loop3A_287, %parallel_loop3A_291 : vector<16xf32>
      %parallel_loop3A_293 = arith.index_cast %parallel_loop3A_36 : i32 to index
      %parallel_loop3A_294 = arith.constant 208 : index
      %parallel_loop3A_295 = tpu.vector_load %arg10[%parallel_loop3A_293, %parallel_loop3A_294] {strides = array<i32>} : memref<32x768xf32, #tpu.memory_space<vmem>>, vector<1x16xf32>,
      %parallel_loop3A_296 = vector.shape_cast %parallel_loop3A_295 : vector<1x16xf32> to vector<16xf32>
      %parallel_loop3A_297 = arith.addf %parallel_loop3A_292, %parallel_loop3A_296 : vector<16xf32>
      %parallel_loop3A_298 = arith.index_cast %parallel_loop3A_36 : i32 to index
      %parallel_loop3A_299 = arith.constant 208 : index
      %parallel_loop3A_300 = tpu.vector_load %arg11[%parallel_loop3A_298, %parallel_loop3A_299] {strides = array<i32>} : memref<32x768xf32, #tpu.memory_space<vmem>>, vector<1x16xf32>,
      %parallel_loop3A_301 = vector.shape_cast %parallel_loop3A_300 : vector<1x16xf32> to vector<16xf32>
      %parallel_loop3A_302 = vector.shape_cast %parallel_loop3A_297 : vector<16xf32> to vector<1x16xf32>
      tpu.vector_store %arg11[%parallel_loop3A_298, %parallel_loop3A_299], %parallel_loop3A_302 {strides = array<i32>} : memref<32x768xf32, #tpu.memory_space<vmem>>, vector<1x16xf32>,
      %parallel_loop3A_303 = arith.index_cast %parallel_loop3A_36 : i32 to index
      %parallel_loop3A_304 = arith.constant 224 : index
      %parallel_loop3A_305 = tpu.vector_load %arg11[%parallel_loop3A_303, %parallel_loop3A_304] {strides = array<i32>} : memref<32x768xf32, #tpu.memory_space<vmem>>, vector<1x16xf32>,
      %parallel_loop3A_306 = vector.shape_cast %parallel_loop3A_305 : vector<1x16xf32> to vector<16xf32>
      %parallel_loop3A_307 = arith.index_cast %parallel_loop3A_36 : i32 to index
      %parallel_loop3A_308 = arith.constant 224 : index
      %parallel_loop3A_309 = tpu.vector_load %arg9[%parallel_loop3A_307, %parallel_loop3A_308] {strides = array<i32>} : memref<32x768xf32, #tpu.memory_space<vmem>>, vector<1x16xf32>,
      %parallel_loop3A_310 = vector.shape_cast %parallel_loop3A_309 : vector<1x16xf32> to vector<16xf32>
      %parallel_loop3A_311 = arith.addf %parallel_loop3A_306, %parallel_loop3A_310 : vector<16xf32>
      %parallel_loop3A_312 = arith.index_cast %parallel_loop3A_36 : i32 to index
      %parallel_loop3A_313 = arith.constant 224 : index
      %parallel_loop3A_314 = tpu.vector_load %arg10[%parallel_loop3A_312, %parallel_loop3A_313] {strides = array<i32>} : memref<32x768xf32, #tpu.memory_space<vmem>>, vector<1x16xf32>,
      %parallel_loop3A_315 = vector.shape_cast %parallel_loop3A_314 : vector<1x16xf32> to vector<16xf32>
      %parallel_loop3A_316 = arith.addf %parallel_loop3A_311, %parallel_loop3A_315 : vector<16xf32>
      %parallel_loop3A_317 = arith.index_cast %parallel_loop3A_36 : i32 to index
      %parallel_loop3A_318 = arith.constant 224 : index
      %parallel_loop3A_319 = tpu.vector_load %arg11[%parallel_loop3A_317, %parallel_loop3A_318] {strides = array<i32>} : memref<32x768xf32, #tpu.memory_space<vmem>>, vector<1x16xf32>,
      %parallel_loop3A_320 = vector.shape_cast %parallel_loop3A_319 : vector<1x16xf32> to vector<16xf32>
      %parallel_loop3A_321 = vector.shape_cast %parallel_loop3A_316 : vector<16xf32> to vector<1x16xf32>
      tpu.vector_store %arg11[%parallel_loop3A_317, %parallel_loop3A_318], %parallel_loop3A_321 {strides = array<i32>} : memref<32x768xf32, #tpu.memory_space<vmem>>, vector<1x16xf32>,
      %parallel_loop3A_322 = arith.index_cast %parallel_loop3A_36 : i32 to index
      %parallel_loop3A_323 = arith.constant 240 : index
      %parallel_loop3A_324 = tpu.vector_load %arg11[%parallel_loop3A_322, %parallel_loop3A_323] {strides = array<i32>} : memref<32x768xf32, #tpu.memory_space<vmem>>, vector<1x16xf32>,
      %parallel_loop3A_325 = vector.shape_cast %parallel_loop3A_324 : vector<1x16xf32> to vector<16xf32>
      %parallel_loop3A_326 = arith.index_cast %parallel_loop3A_36 : i32 to index
      %parallel_loop3A_327 = arith.constant 240 : index
      %parallel_loop3A_328 = tpu.vector_load %arg9[%parallel_loop3A_326, %parallel_loop3A_327] {strides = array<i32>} : memref<32x768xf32, #tpu.memory_space<vmem>>, vector<1x16xf32>,
      %parallel_loop3A_329 = vector.shape_cast %parallel_loop3A_328 : vector<1x16xf32> to vector<16xf32>
      %parallel_loop3A_330 = arith.addf %parallel_loop3A_325, %parallel_loop3A_329 : vector<16xf32>
      %parallel_loop3A_331 = arith.index_cast %parallel_loop3A_36 : i32 to index
      %parallel_loop3A_332 = arith.constant 240 : index
      %parallel_loop3A_333 = tpu.vector_load %arg10[%parallel_loop3A_331, %parallel_loop3A_332] {strides = array<i32>} : memref<32x768xf32, #tpu.memory_space<vmem>>, vector<1x16xf32>,
      %parallel_loop3A_334 = vector.shape_cast %parallel_loop3A_333 : vector<1x16xf32> to vector<16xf32>
      %parallel_loop3A_335 = arith.addf %parallel_loop3A_330, %parallel_loop3A_334 : vector<16xf32>
      %parallel_loop3A_336 = arith.index_cast %parallel_loop3A_36 : i32 to index
      %parallel_loop3A_337 = arith.constant 240 : index
      %parallel_loop3A_338 = tpu.vector_load %arg11[%parallel_loop3A_336, %parallel_loop3A_337] {strides = array<i32>} : memref<32x768xf32, #tpu.memory_space<vmem>>, vector<1x16xf32>,
      %parallel_loop3A_339 = vector.shape_cast %parallel_loop3A_338 : vector<1x16xf32> to vector<16xf32>
      %parallel_loop3A_340 = vector.shape_cast %parallel_loop3A_335 : vector<16xf32> to vector<1x16xf32>
      tpu.vector_store %arg11[%parallel_loop3A_336, %parallel_loop3A_337], %parallel_loop3A_340 {strides = array<i32>} : memref<32x768xf32, #tpu.memory_space<vmem>>, vector<1x16xf32>,
      %parallel_loop3A_341 = arith.index_cast %parallel_loop3A_36 : i32 to index
      %parallel_loop3A_342 = arith.constant 256 : index
      %parallel_loop3A_343 = tpu.vector_load %arg11[%parallel_loop3A_341, %parallel_loop3A_342] {strides = array<i32>} : memref<32x768xf32, #tpu.memory_space<vmem>>, vector<1x16xf32>,
      %parallel_loop3A_344 = vector.shape_cast %parallel_loop3A_343 : vector<1x16xf32> to vector<16xf32>
      %parallel_loop3A_345 = arith.index_cast %parallel_loop3A_36 : i32 to index
      %parallel_loop3A_346 = arith.constant 256 : index
      %parallel_loop3A_347 = tpu.vector_load %arg9[%parallel_loop3A_345, %parallel_loop3A_346] {strides = array<i32>} : memref<32x768xf32, #tpu.memory_space<vmem>>, vector<1x16xf32>,
      %parallel_loop3A_348 = vector.shape_cast %parallel_loop3A_347 : vector<1x16xf32> to vector<16xf32>
      %parallel_loop3A_349 = arith.addf %parallel_loop3A_344, %parallel_loop3A_348 : vector<16xf32>
      %parallel_loop3A_350 = arith.index_cast %parallel_loop3A_36 : i32 to index
      %parallel_loop3A_351 = arith.constant 256 : index
      %parallel_loop3A_352 = tpu.vector_load %arg10[%parallel_loop3A_350, %parallel_loop3A_351] {strides = array<i32>} : memref<32x768xf32, #tpu.memory_space<vmem>>, vector<1x16xf32>,
      %parallel_loop3A_353 = vector.shape_cast %parallel_loop3A_352 : vector<1x16xf32> to vector<16xf32>
      %parallel_loop3A_354 = arith.addf %parallel_loop3A_349, %parallel_loop3A_353 : vector<16xf32>
      %parallel_loop3A_355 = arith.index_cast %parallel_loop3A_36 : i32 to index
      %parallel_loop3A_356 = arith.constant 256 : index
      %parallel_loop3A_357 = tpu.vector_load %arg11[%parallel_loop3A_355, %parallel_loop3A_356] {strides = array<i32>} : memref<32x768xf32, #tpu.memory_space<vmem>>, vector<1x16xf32>,
      %parallel_loop3A_358 = vector.shape_cast %parallel_loop3A_357 : vector<1x16xf32> to vector<16xf32>
      %parallel_loop3A_359 = vector.shape_cast %parallel_loop3A_354 : vector<16xf32> to vector<1x16xf32>
      tpu.vector_store %arg11[%parallel_loop3A_355, %parallel_loop3A_356], %parallel_loop3A_359 {strides = array<i32>} : memref<32x768xf32, #tpu.memory_space<vmem>>, vector<1x16xf32>,
      %parallel_loop3A_360 = arith.index_cast %parallel_loop3A_36 : i32 to index
      %parallel_loop3A_361 = arith.constant 272 : index
      %parallel_loop3A_362 = tpu.vector_load %arg11[%parallel_loop3A_360, %parallel_loop3A_361] {strides = array<i32>} : memref<32x768xf32, #tpu.memory_space<vmem>>, vector<1x16xf32>,
      %parallel_loop3A_363 = vector.shape_cast %parallel_loop3A_362 : vector<1x16xf32> to vector<16xf32>
      %parallel_loop3A_364 = arith.index_cast %parallel_loop3A_36 : i32 to index
      %parallel_loop3A_365 = arith.constant 272 : index
      %parallel_loop3A_366 = tpu.vector_load %arg9[%parallel_loop3A_364, %parallel_loop3A_365] {strides = array<i32>} : memref<32x768xf32, #tpu.memory_space<vmem>>, vector<1x16xf32>,
      %parallel_loop3A_367 = vector.shape_cast %parallel_loop3A_366 : vector<1x16xf32> to vector<16xf32>
      %parallel_loop3A_368 = arith.addf %parallel_loop3A_363, %parallel_loop3A_367 : vector<16xf32>
      %parallel_loop3A_369 = arith.index_cast %parallel_loop3A_36 : i32 to index
      %parallel_loop3A_370 = arith.constant 272 : index
      %parallel_loop3A_371 = tpu.vector_load %arg10[%parallel_loop3A_369, %parallel_loop3A_370] {strides = array<i32>} : memref<32x768xf32, #tpu.memory_space<vmem>>, vector<1x16xf32>,
      %parallel_loop3A_372 = vector.shape_cast %parallel_loop3A_371 : vector<1x16xf32> to vector<16xf32>
      %parallel_loop3A_373 = arith.addf %parallel_loop3A_368, %parallel_loop3A_372 : vector<16xf32>
      %parallel_loop3A_374 = arith.index_cast %parallel_loop3A_36 : i32 to index
      %parallel_loop3A_375 = arith.constant 272 : index
      %parallel_loop3A_376 = tpu.vector_load %arg11[%parallel_loop3A_374, %parallel_loop3A_375] {strides = array<i32>} : memref<32x768xf32, #tpu.memory_space<vmem>>, vector<1x16xf32>,
      %parallel_loop3A_377 = vector.shape_cast %parallel_loop3A_376 : vector<1x16xf32> to vector<16xf32>
      %parallel_loop3A_378 = vector.shape_cast %parallel_loop3A_373 : vector<16xf32> to vector<1x16xf32>
      tpu.vector_store %arg11[%parallel_loop3A_374, %parallel_loop3A_375], %parallel_loop3A_378 {strides = array<i32>} : memref<32x768xf32, #tpu.memory_space<vmem>>, vector<1x16xf32>,
      %parallel_loop3A_379 = arith.index_cast %parallel_loop3A_36 : i32 to index
      %parallel_loop3A_380 = arith.constant 288 : index
      %parallel_loop3A_381 = tpu.vector_load %arg11[%parallel_loop3A_379, %parallel_loop3A_380] {strides = array<i32>} : memref<32x768xf32, #tpu.memory_space<vmem>>, vector<1x16xf32>,
      %parallel_loop3A_382 = vector.shape_cast %parallel_loop3A_381 : vector<1x16xf32> to vector<16xf32>
      %parallel_loop3A_383 = arith.index_cast %parallel_loop3A_36 : i32 to index
      %parallel_loop3A_384 = arith.constant 288 : index
      %parallel_loop3A_385 = tpu.vector_load %arg9[%parallel_loop3A_383, %parallel_loop3A_384] {strides = array<i32>} : memref<32x768xf32, #tpu.memory_space<vmem>>, vector<1x16xf32>,
      %parallel_loop3A_386 = vector.shape_cast %parallel_loop3A_385 : vector<1x16xf32> to vector<16xf32>
      %parallel_loop3A_387 = arith.addf %parallel_loop3A_382, %parallel_loop3A_386 : vector<16xf32>
      %parallel_loop3A_388 = arith.index_cast %parallel_loop3A_36 : i32 to index
      %parallel_loop3A_389 = arith.constant 288 : index
      %parallel_loop3A_390 = tpu.vector_load %arg10[%parallel_loop3A_388, %parallel_loop3A_389] {strides = array<i32>} : memref<32x768xf32, #tpu.memory_space<vmem>>, vector<1x16xf32>,
      %parallel_loop3A_391 = vector.shape_cast %parallel_loop3A_390 : vector<1x16xf32> to vector<16xf32>
      %parallel_loop3A_392 = arith.addf %parallel_loop3A_387, %parallel_loop3A_391 : vector<16xf32>
      %parallel_loop3A_393 = arith.index_cast %parallel_loop3A_36 : i32 to index
      %parallel_loop3A_394 = arith.constant 288 : index
      %parallel_loop3A_395 = tpu.vector_load %arg11[%parallel_loop3A_393, %parallel_loop3A_394] {strides = array<i32>} : memref<32x768xf32, #tpu.memory_space<vmem>>, vector<1x16xf32>,
      %parallel_loop3A_396 = vector.shape_cast %parallel_loop3A_395 : vector<1x16xf32> to vector<16xf32>
      %parallel_loop3A_397 = vector.shape_cast %parallel_loop3A_392 : vector<16xf32> to vector<1x16xf32>
      tpu.vector_store %arg11[%parallel_loop3A_393, %parallel_loop3A_394], %parallel_loop3A_397 {strides = array<i32>} : memref<32x768xf32, #tpu.memory_space<vmem>>, vector<1x16xf32>,
      %parallel_loop3A_398 = arith.index_cast %parallel_loop3A_36 : i32 to index
      %parallel_loop3A_399 = arith.constant 304 : index
      %parallel_loop3A_400 = tpu.vector_load %arg11[%parallel_loop3A_398, %parallel_loop3A_399] {strides = array<i32>} : memref<32x768xf32, #tpu.memory_space<vmem>>, vector<1x16xf32>,
      %parallel_loop3A_401 = vector.shape_cast %parallel_loop3A_400 : vector<1x16xf32> to vector<16xf32>
      %parallel_loop3A_402 = arith.index_cast %parallel_loop3A_36 : i32 to index
      %parallel_loop3A_403 = arith.constant 304 : index
      %parallel_loop3A_404 = tpu.vector_load %arg9[%parallel_loop3A_402, %parallel_loop3A_403] {strides = array<i32>} : memref<32x768xf32, #tpu.memory_space<vmem>>, vector<1x16xf32>,
      %parallel_loop3A_405 = vector.shape_cast %parallel_loop3A_404 : vector<1x16xf32> to vector<16xf32>
      %parallel_loop3A_406 = arith.addf %parallel_loop3A_401, %parallel_loop3A_405 : vector<16xf32>
      %parallel_loop3A_407 = arith.index_cast %parallel_loop3A_36 : i32 to index
      %parallel_loop3A_408 = arith.constant 304 : index
      %parallel_loop3A_409 = tpu.vector_load %arg10[%parallel_loop3A_407, %parallel_loop3A_408] {strides = array<i32>} : memref<32x768xf32, #tpu.memory_space<vmem>>, vector<1x16xf32>,
      %parallel_loop3A_410 = vector.shape_cast %parallel_loop3A_409 : vector<1x16xf32> to vector<16xf32>
      %parallel_loop3A_411 = arith.addf %parallel_loop3A_406, %parallel_loop3A_410 : vector<16xf32>
      %parallel_loop3A_412 = arith.index_cast %parallel_loop3A_36 : i32 to index
      %parallel_loop3A_413 = arith.constant 304 : index
      %parallel_loop3A_414 = tpu.vector_load %arg11[%parallel_loop3A_412, %parallel_loop3A_413] {strides = array<i32>} : memref<32x768xf32, #tpu.memory_space<vmem>>, vector<1x16xf32>,
      %parallel_loop3A_415 = vector.shape_cast %parallel_loop3A_414 : vector<1x16xf32> to vector<16xf32>
      %parallel_loop3A_416 = vector.shape_cast %parallel_loop3A_411 : vector<16xf32> to vector<1x16xf32>
      tpu.vector_store %arg11[%parallel_loop3A_412, %parallel_loop3A_413], %parallel_loop3A_416 {strides = array<i32>} : memref<32x768xf32, #tpu.memory_space<vmem>>, vector<1x16xf32>,
      %parallel_loop3A_417 = arith.index_cast %parallel_loop3A_36 : i32 to index
      %parallel_loop3A_418 = arith.constant 320 : index
      %parallel_loop3A_419 = tpu.vector_load %arg11[%parallel_loop3A_417, %parallel_loop3A_418] {strides = array<i32>} : memref<32x768xf32, #tpu.memory_space<vmem>>, vector<1x16xf32>,
      %parallel_loop3A_420 = vector.shape_cast %parallel_loop3A_419 : vector<1x16xf32> to vector<16xf32>
      %parallel_loop3A_421 = arith.index_cast %parallel_loop3A_36 : i32 to index
      %parallel_loop3A_422 = arith.constant 320 : index
      %parallel_loop3A_423 = tpu.vector_load %arg9[%parallel_loop3A_421, %parallel_loop3A_422] {strides = array<i32>} : memref<32x768xf32, #tpu.memory_space<vmem>>, vector<1x16xf32>,
      %parallel_loop3A_424 = vector.shape_cast %parallel_loop3A_423 : vector<1x16xf32> to vector<16xf32>
      %parallel_loop3A_425 = arith.addf %parallel_loop3A_420, %parallel_loop3A_424 : vector<16xf32>
      %parallel_loop3A_426 = arith.index_cast %parallel_loop3A_36 : i32 to index
      %parallel_loop3A_427 = arith.constant 320 : index
      %parallel_loop3A_428 = tpu.vector_load %arg10[%parallel_loop3A_426, %parallel_loop3A_427] {strides = array<i32>} : memref<32x768xf32, #tpu.memory_space<vmem>>, vector<1x16xf32>,
      %parallel_loop3A_429 = vector.shape_cast %parallel_loop3A_428 : vector<1x16xf32> to vector<16xf32>
      %parallel_loop3A_430 = arith.addf %parallel_loop3A_425, %parallel_loop3A_429 : vector<16xf32>
      %parallel_loop3A_431 = arith.index_cast %parallel_loop3A_36 : i32 to index
      %parallel_loop3A_432 = arith.constant 320 : index
      %parallel_loop3A_433 = tpu.vector_load %arg11[%parallel_loop3A_431, %parallel_loop3A_432] {strides = array<i32>} : memref<32x768xf32, #tpu.memory_space<vmem>>, vector<1x16xf32>,
      %parallel_loop3A_434 = vector.shape_cast %parallel_loop3A_433 : vector<1x16xf32> to vector<16xf32>
      %parallel_loop3A_435 = vector.shape_cast %parallel_loop3A_430 : vector<16xf32> to vector<1x16xf32>
      tpu.vector_store %arg11[%parallel_loop3A_431, %parallel_loop3A_432], %parallel_loop3A_435 {strides = array<i32>} : memref<32x768xf32, #tpu.memory_space<vmem>>, vector<1x16xf32>,
      %parallel_loop3A_436 = arith.index_cast %parallel_loop3A_36 : i32 to index
      %parallel_loop3A_437 = arith.constant 336 : index
      %parallel_loop3A_438 = tpu.vector_load %arg11[%parallel_loop3A_436, %parallel_loop3A_437] {strides = array<i32>} : memref<32x768xf32, #tpu.memory_space<vmem>>, vector<1x16xf32>,
      %parallel_loop3A_439 = vector.shape_cast %parallel_loop3A_438 : vector<1x16xf32> to vector<16xf32>
      %parallel_loop3A_440 = arith.index_cast %parallel_loop3A_36 : i32 to index
      %parallel_loop3A_441 = arith.constant 336 : index
      %parallel_loop3A_442 = tpu.vector_load %arg9[%parallel_loop3A_440, %parallel_loop3A_441] {strides = array<i32>} : memref<32x768xf32, #tpu.memory_space<vmem>>, vector<1x16xf32>,
      %parallel_loop3A_443 = vector.shape_cast %parallel_loop3A_442 : vector<1x16xf32> to vector<16xf32>
      %parallel_loop3A_444 = arith.addf %parallel_loop3A_439, %parallel_loop3A_443 : vector<16xf32>
      %parallel_loop3A_445 = arith.index_cast %parallel_loop3A_36 : i32 to index
      %parallel_loop3A_446 = arith.constant 336 : index
      %parallel_loop3A_447 = tpu.vector_load %arg10[%parallel_loop3A_445, %parallel_loop3A_446] {strides = array<i32>} : memref<32x768xf32, #tpu.memory_space<vmem>>, vector<1x16xf32>,
      %parallel_loop3A_448 = vector.shape_cast %parallel_loop3A_447 : vector<1x16xf32> to vector<16xf32>
      %parallel_loop3A_449 = arith.addf %parallel_loop3A_444, %parallel_loop3A_448 : vector<16xf32>
      %parallel_loop3A_450 = arith.index_cast %parallel_loop3A_36 : i32 to index
      %parallel_loop3A_451 = arith.constant 336 : index
      %parallel_loop3A_452 = tpu.vector_load %arg11[%parallel_loop3A_450, %parallel_loop3A_451] {strides = array<i32>} : memref<32x768xf32, #tpu.memory_space<vmem>>, vector<1x16xf32>,
      %parallel_loop3A_453 = vector.shape_cast %parallel_loop3A_452 : vector<1x16xf32> to vector<16xf32>
      %parallel_loop3A_454 = vector.shape_cast %parallel_loop3A_449 : vector<16xf32> to vector<1x16xf32>
      tpu.vector_store %arg11[%parallel_loop3A_450, %parallel_loop3A_451], %parallel_loop3A_454 {strides = array<i32>} : memref<32x768xf32, #tpu.memory_space<vmem>>, vector<1x16xf32>,
      %parallel_loop3A_455 = arith.index_cast %parallel_loop3A_36 : i32 to index
      %parallel_loop3A_456 = arith.constant 352 : index
      %parallel_loop3A_457 = tpu.vector_load %arg11[%parallel_loop3A_455, %parallel_loop3A_456] {strides = array<i32>} : memref<32x768xf32, #tpu.memory_space<vmem>>, vector<1x16xf32>,
      %parallel_loop3A_458 = vector.shape_cast %parallel_loop3A_457 : vector<1x16xf32> to vector<16xf32>
      %parallel_loop3A_459 = arith.index_cast %parallel_loop3A_36 : i32 to index
      %parallel_loop3A_460 = arith.constant 352 : index
      %parallel_loop3A_461 = tpu.vector_load %arg9[%parallel_loop3A_459, %parallel_loop3A_460] {strides = array<i32>} : memref<32x768xf32, #tpu.memory_space<vmem>>, vector<1x16xf32>,
      %parallel_loop3A_462 = vector.shape_cast %parallel_loop3A_461 : vector<1x16xf32> to vector<16xf32>
      %parallel_loop3A_463 = arith.addf %parallel_loop3A_458, %parallel_loop3A_462 : vector<16xf32>
      %parallel_loop3A_464 = arith.index_cast %parallel_loop3A_36 : i32 to index
      %parallel_loop3A_465 = arith.constant 352 : index
      %parallel_loop3A_466 = tpu.vector_load %arg10[%parallel_loop3A_464, %parallel_loop3A_465] {strides = array<i32>} : memref<32x768xf32, #tpu.memory_space<vmem>>, vector<1x16xf32>,
      %parallel_loop3A_467 = vector.shape_cast %parallel_loop3A_466 : vector<1x16xf32> to vector<16xf32>
      %parallel_loop3A_468 = arith.addf %parallel_loop3A_463, %parallel_loop3A_467 : vector<16xf32>
      %parallel_loop3A_469 = arith.index_cast %parallel_loop3A_36 : i32 to index
      %parallel_loop3A_470 = arith.constant 352 : index
      %parallel_loop3A_471 = tpu.vector_load %arg11[%parallel_loop3A_469, %parallel_loop3A_470] {strides = array<i32>} : memref<32x768xf32, #tpu.memory_space<vmem>>, vector<1x16xf32>,
      %parallel_loop3A_472 = vector.shape_cast %parallel_loop3A_471 : vector<1x16xf32> to vector<16xf32>
      %parallel_loop3A_473 = vector.shape_cast %parallel_loop3A_468 : vector<16xf32> to vector<1x16xf32>
      tpu.vector_store %arg11[%parallel_loop3A_469, %parallel_loop3A_470], %parallel_loop3A_473 {strides = array<i32>} : memref<32x768xf32, #tpu.memory_space<vmem>>, vector<1x16xf32>,
      %parallel_loop3A_474 = arith.index_cast %parallel_loop3A_36 : i32 to index
      %parallel_loop3A_475 = arith.constant 368 : index
      %parallel_loop3A_476 = tpu.vector_load %arg11[%parallel_loop3A_474, %parallel_loop3A_475] {strides = array<i32>} : memref<32x768xf32, #tpu.memory_space<vmem>>, vector<1x16xf32>,
      %parallel_loop3A_477 = vector.shape_cast %parallel_loop3A_476 : vector<1x16xf32> to vector<16xf32>
      %parallel_loop3A_478 = arith.index_cast %parallel_loop3A_36 : i32 to index
      %parallel_loop3A_479 = arith.constant 368 : index
      %parallel_loop3A_480 = tpu.vector_load %arg9[%parallel_loop3A_478, %parallel_loop3A_479] {strides = array<i32>} : memref<32x768xf32, #tpu.memory_space<vmem>>, vector<1x16xf32>,
      %parallel_loop3A_481 = vector.shape_cast %parallel_loop3A_480 : vector<1x16xf32> to vector<16xf32>
      %parallel_loop3A_482 = arith.addf %parallel_loop3A_477, %parallel_loop3A_481 : vector<16xf32>
      %parallel_loop3A_483 = arith.index_cast %parallel_loop3A_36 : i32 to index
      %parallel_loop3A_484 = arith.constant 368 : index
      %parallel_loop3A_485 = tpu.vector_load %arg10[%parallel_loop3A_483, %parallel_loop3A_484] {strides = array<i32>} : memref<32x768xf32, #tpu.memory_space<vmem>>, vector<1x16xf32>,
      %parallel_loop3A_486 = vector.shape_cast %parallel_loop3A_485 : vector<1x16xf32> to vector<16xf32>
      %parallel_loop3A_487 = arith.addf %parallel_loop3A_482, %parallel_loop3A_486 : vector<16xf32>
      %parallel_loop3A_488 = arith.index_cast %parallel_loop3A_36 : i32 to index
      %parallel_loop3A_489 = arith.constant 368 : index
      %parallel_loop3A_490 = tpu.vector_load %arg11[%parallel_loop3A_488, %parallel_loop3A_489] {strides = array<i32>} : memref<32x768xf32, #tpu.memory_space<vmem>>, vector<1x16xf32>,
      %parallel_loop3A_491 = vector.shape_cast %parallel_loop3A_490 : vector<1x16xf32> to vector<16xf32>
      %parallel_loop3A_492 = vector.shape_cast %parallel_loop3A_487 : vector<16xf32> to vector<1x16xf32>
      tpu.vector_store %arg11[%parallel_loop3A_488, %parallel_loop3A_489], %parallel_loop3A_492 {strides = array<i32>} : memref<32x768xf32, #tpu.memory_space<vmem>>, vector<1x16xf32>,
      %parallel_loop3A_493 = arith.index_cast %parallel_loop3A_36 : i32 to index
      %parallel_loop3A_494 = arith.constant 384 : index
      %parallel_loop3A_495 = tpu.vector_load %arg11[%parallel_loop3A_493, %parallel_loop3A_494] {strides = array<i32>} : memref<32x768xf32, #tpu.memory_space<vmem>>, vector<1x16xf32>,
      %parallel_loop3A_496 = vector.shape_cast %parallel_loop3A_495 : vector<1x16xf32> to vector<16xf32>
      %parallel_loop3A_497 = arith.index_cast %parallel_loop3A_36 : i32 to index
      %parallel_loop3A_498 = arith.constant 384 : index
      %parallel_loop3A_499 = tpu.vector_load %arg9[%parallel_loop3A_497, %parallel_loop3A_498] {strides = array<i32>} : memref<32x768xf32, #tpu.memory_space<vmem>>, vector<1x16xf32>,
      %parallel_loop3A_500 = vector.shape_cast %parallel_loop3A_499 : vector<1x16xf32> to vector<16xf32>
      %parallel_loop3A_501 = arith.addf %parallel_loop3A_496, %parallel_loop3A_500 : vector<16xf32>
      %parallel_loop3A_502 = arith.index_cast %parallel_loop3A_36 : i32 to index
      %parallel_loop3A_503 = arith.constant 384 : index
      %parallel_loop3A_504 = tpu.vector_load %arg10[%parallel_loop3A_502, %parallel_loop3A_503] {strides = array<i32>} : memref<32x768xf32, #tpu.memory_space<vmem>>, vector<1x16xf32>,
      %parallel_loop3A_505 = vector.shape_cast %parallel_loop3A_504 : vector<1x16xf32> to vector<16xf32>
      %parallel_loop3A_506 = arith.addf %parallel_loop3A_501, %parallel_loop3A_505 : vector<16xf32>
      %parallel_loop3A_507 = arith.index_cast %parallel_loop3A_36 : i32 to index
      %parallel_loop3A_508 = arith.constant 384 : index
      %parallel_loop3A_509 = tpu.vector_load %arg11[%parallel_loop3A_507, %parallel_loop3A_508] {strides = array<i32>} : memref<32x768xf32, #tpu.memory_space<vmem>>, vector<1x16xf32>,
      %parallel_loop3A_510 = vector.shape_cast %parallel_loop3A_509 : vector<1x16xf32> to vector<16xf32>
      %parallel_loop3A_511 = vector.shape_cast %parallel_loop3A_506 : vector<16xf32> to vector<1x16xf32>
      tpu.vector_store %arg11[%parallel_loop3A_507, %parallel_loop3A_508], %parallel_loop3A_511 {strides = array<i32>} : memref<32x768xf32, #tpu.memory_space<vmem>>, vector<1x16xf32>,
      %parallel_loop3A_512 = arith.index_cast %parallel_loop3A_36 : i32 to index
      %parallel_loop3A_513 = arith.constant 400 : index
      %parallel_loop3A_514 = tpu.vector_load %arg11[%parallel_loop3A_512, %parallel_loop3A_513] {strides = array<i32>} : memref<32x768xf32, #tpu.memory_space<vmem>>, vector<1x16xf32>,
      %parallel_loop3A_515 = vector.shape_cast %parallel_loop3A_514 : vector<1x16xf32> to vector<16xf32>
      %parallel_loop3A_516 = arith.index_cast %parallel_loop3A_36 : i32 to index
      %parallel_loop3A_517 = arith.constant 400 : index
      %parallel_loop3A_518 = tpu.vector_load %arg9[%parallel_loop3A_516, %parallel_loop3A_517] {strides = array<i32>} : memref<32x768xf32, #tpu.memory_space<vmem>>, vector<1x16xf32>,
      %parallel_loop3A_519 = vector.shape_cast %parallel_loop3A_518 : vector<1x16xf32> to vector<16xf32>
      %parallel_loop3A_520 = arith.addf %parallel_loop3A_515, %parallel_loop3A_519 : vector<16xf32>
      %parallel_loop3A_521 = arith.index_cast %parallel_loop3A_36 : i32 to index
      %parallel_loop3A_522 = arith.constant 400 : index
      %parallel_loop3A_523 = tpu.vector_load %arg10[%parallel_loop3A_521, %parallel_loop3A_522] {strides = array<i32>} : memref<32x768xf32, #tpu.memory_space<vmem>>, vector<1x16xf32>,
      %parallel_loop3A_524 = vector.shape_cast %parallel_loop3A_523 : vector<1x16xf32> to vector<16xf32>
      %parallel_loop3A_525 = arith.addf %parallel_loop3A_520, %parallel_loop3A_524 : vector<16xf32>
      %parallel_loop3A_526 = arith.index_cast %parallel_loop3A_36 : i32 to index
      %parallel_loop3A_527 = arith.constant 400 : index
      %parallel_loop3A_528 = tpu.vector_load %arg11[%parallel_loop3A_526, %parallel_loop3A_527] {strides = array<i32>} : memref<32x768xf32, #tpu.memory_space<vmem>>, vector<1x16xf32>,
      %parallel_loop3A_529 = vector.shape_cast %parallel_loop3A_528 : vector<1x16xf32> to vector<16xf32>
      %parallel_loop3A_530 = vector.shape_cast %parallel_loop3A_525 : vector<16xf32> to vector<1x16xf32>
      tpu.vector_store %arg11[%parallel_loop3A_526, %parallel_loop3A_527], %parallel_loop3A_530 {strides = array<i32>} : memref<32x768xf32, #tpu.memory_space<vmem>>, vector<1x16xf32>,
      %parallel_loop3A_531 = arith.index_cast %parallel_loop3A_36 : i32 to index
      %parallel_loop3A_532 = arith.constant 416 : index
      %parallel_loop3A_533 = tpu.vector_load %arg11[%parallel_loop3A_531, %parallel_loop3A_532] {strides = array<i32>} : memref<32x768xf32, #tpu.memory_space<vmem>>, vector<1x16xf32>,
      %parallel_loop3A_534 = vector.shape_cast %parallel_loop3A_533 : vector<1x16xf32> to vector<16xf32>
      %parallel_loop3A_535 = arith.index_cast %parallel_loop3A_36 : i32 to index
      %parallel_loop3A_536 = arith.constant 416 : index
      %parallel_loop3A_537 = tpu.vector_load %arg9[%parallel_loop3A_535, %parallel_loop3A_536] {strides = array<i32>} : memref<32x768xf32, #tpu.memory_space<vmem>>, vector<1x16xf32>,
      %parallel_loop3A_538 = vector.shape_cast %parallel_loop3A_537 : vector<1x16xf32> to vector<16xf32>
      %parallel_loop3A_539 = arith.addf %parallel_loop3A_534, %parallel_loop3A_538 : vector<16xf32>
      %parallel_loop3A_540 = arith.index_cast %parallel_loop3A_36 : i32 to index
      %parallel_loop3A_541 = arith.constant 416 : index
      %parallel_loop3A_542 = tpu.vector_load %arg10[%parallel_loop3A_540, %parallel_loop3A_541] {strides = array<i32>} : memref<32x768xf32, #tpu.memory_space<vmem>>, vector<1x16xf32>,
      %parallel_loop3A_543 = vector.shape_cast %parallel_loop3A_542 : vector<1x16xf32> to vector<16xf32>
      %parallel_loop3A_544 = arith.addf %parallel_loop3A_539, %parallel_loop3A_543 : vector<16xf32>
      %parallel_loop3A_545 = arith.index_cast %parallel_loop3A_36 : i32 to index
      %parallel_loop3A_546 = arith.constant 416 : index
      %parallel_loop3A_547 = tpu.vector_load %arg11[%parallel_loop3A_545, %parallel_loop3A_546] {strides = array<i32>} : memref<32x768xf32, #tpu.memory_space<vmem>>, vector<1x16xf32>,
      %parallel_loop3A_548 = vector.shape_cast %parallel_loop3A_547 : vector<1x16xf32> to vector<16xf32>
      %parallel_loop3A_549 = vector.shape_cast %parallel_loop3A_544 : vector<16xf32> to vector<1x16xf32>
      tpu.vector_store %arg11[%parallel_loop3A_545, %parallel_loop3A_546], %parallel_loop3A_549 {strides = array<i32>} : memref<32x768xf32, #tpu.memory_space<vmem>>, vector<1x16xf32>,
      %parallel_loop3A_550 = arith.index_cast %parallel_loop3A_36 : i32 to index
      %parallel_loop3A_551 = arith.constant 432 : index
      %parallel_loop3A_552 = tpu.vector_load %arg11[%parallel_loop3A_550, %parallel_loop3A_551] {strides = array<i32>} : memref<32x768xf32, #tpu.memory_space<vmem>>, vector<1x16xf32>,
      %parallel_loop3A_553 = vector.shape_cast %parallel_loop3A_552 : vector<1x16xf32> to vector<16xf32>
      %parallel_loop3A_554 = arith.index_cast %parallel_loop3A_36 : i32 to index
      %parallel_loop3A_555 = arith.constant 432 : index
      %parallel_loop3A_556 = tpu.vector_load %arg9[%parallel_loop3A_554, %parallel_loop3A_555] {strides = array<i32>} : memref<32x768xf32, #tpu.memory_space<vmem>>, vector<1x16xf32>,
      %parallel_loop3A_557 = vector.shape_cast %parallel_loop3A_556 : vector<1x16xf32> to vector<16xf32>
      %parallel_loop3A_558 = arith.addf %parallel_loop3A_553, %parallel_loop3A_557 : vector<16xf32>
      %parallel_loop3A_559 = arith.index_cast %parallel_loop3A_36 : i32 to index
      %parallel_loop3A_560 = arith.constant 432 : index
      %parallel_loop3A_561 = tpu.vector_load %arg10[%parallel_loop3A_559, %parallel_loop3A_560] {strides = array<i32>} : memref<32x768xf32, #tpu.memory_space<vmem>>, vector<1x16xf32>,
      %parallel_loop3A_562 = vector.shape_cast %parallel_loop3A_561 : vector<1x16xf32> to vector<16xf32>
      %parallel_loop3A_563 = arith.addf %parallel_loop3A_558, %parallel_loop3A_562 : vector<16xf32>
      %parallel_loop3A_564 = arith.index_cast %parallel_loop3A_36 : i32 to index
      %parallel_loop3A_565 = arith.constant 432 : index
      %parallel_loop3A_566 = tpu.vector_load %arg11[%parallel_loop3A_564, %parallel_loop3A_565] {strides = array<i32>} : memref<32x768xf32, #tpu.memory_space<vmem>>, vector<1x16xf32>,
      %parallel_loop3A_567 = vector.shape_cast %parallel_loop3A_566 : vector<1x16xf32> to vector<16xf32>
      %parallel_loop3A_568 = vector.shape_cast %parallel_loop3A_563 : vector<16xf32> to vector<1x16xf32>
      tpu.vector_store %arg11[%parallel_loop3A_564, %parallel_loop3A_565], %parallel_loop3A_568 {strides = array<i32>} : memref<32x768xf32, #tpu.memory_space<vmem>>, vector<1x16xf32>,
      %parallel_loop3A_569 = arith.index_cast %parallel_loop3A_36 : i32 to index
      %parallel_loop3A_570 = arith.constant 448 : index
      %parallel_loop3A_571 = tpu.vector_load %arg11[%parallel_loop3A_569, %parallel_loop3A_570] {strides = array<i32>} : memref<32x768xf32, #tpu.memory_space<vmem>>, vector<1x16xf32>,
      %parallel_loop3A_572 = vector.shape_cast %parallel_loop3A_571 : vector<1x16xf32> to vector<16xf32>
      %parallel_loop3A_573 = arith.index_cast %parallel_loop3A_36 : i32 to index
      %parallel_loop3A_574 = arith.constant 448 : index
      %parallel_loop3A_575 = tpu.vector_load %arg9[%parallel_loop3A_573, %parallel_loop3A_574] {strides = array<i32>} : memref<32x768xf32, #tpu.memory_space<vmem>>, vector<1x16xf32>,
      %parallel_loop3A_576 = vector.shape_cast %parallel_loop3A_575 : vector<1x16xf32> to vector<16xf32>
      %parallel_loop3A_577 = arith.addf %parallel_loop3A_572, %parallel_loop3A_576 : vector<16xf32>
      %parallel_loop3A_578 = arith.index_cast %parallel_loop3A_36 : i32 to index
      %parallel_loop3A_579 = arith.constant 448 : index
      %parallel_loop3A_580 = tpu.vector_load %arg10[%parallel_loop3A_578, %parallel_loop3A_579] {strides = array<i32>} : memref<32x768xf32, #tpu.memory_space<vmem>>, vector<1x16xf32>,
      %parallel_loop3A_581 = vector.shape_cast %parallel_loop3A_580 : vector<1x16xf32> to vector<16xf32>
      %parallel_loop3A_582 = arith.addf %parallel_loop3A_577, %parallel_loop3A_581 : vector<16xf32>
      %parallel_loop3A_583 = arith.index_cast %parallel_loop3A_36 : i32 to index
      %parallel_loop3A_584 = arith.constant 448 : index
      %parallel_loop3A_585 = tpu.vector_load %arg11[%parallel_loop3A_583, %parallel_loop3A_584] {strides = array<i32>} : memref<32x768xf32, #tpu.memory_space<vmem>>, vector<1x16xf32>,
      %parallel_loop3A_586 = vector.shape_cast %parallel_loop3A_585 : vector<1x16xf32> to vector<16xf32>
      %parallel_loop3A_587 = vector.shape_cast %parallel_loop3A_582 : vector<16xf32> to vector<1x16xf32>
      tpu.vector_store %arg11[%parallel_loop3A_583, %parallel_loop3A_584], %parallel_loop3A_587 {strides = array<i32>} : memref<32x768xf32, #tpu.memory_space<vmem>>, vector<1x16xf32>,
      %parallel_loop3A_588 = arith.index_cast %parallel_loop3A_36 : i32 to index
      %parallel_loop3A_589 = arith.constant 464 : index
      %parallel_loop3A_590 = tpu.vector_load %arg11[%parallel_loop3A_588, %parallel_loop3A_589] {strides = array<i32>} : memref<32x768xf32, #tpu.memory_space<vmem>>, vector<1x16xf32>,
      %parallel_loop3A_591 = vector.shape_cast %parallel_loop3A_590 : vector<1x16xf32> to vector<16xf32>
      %parallel_loop3A_592 = arith.index_cast %parallel_loop3A_36 : i32 to index
      %parallel_loop3A_593 = arith.constant 464 : index
      %parallel_loop3A_594 = tpu.vector_load %arg9[%parallel_loop3A_592, %parallel_loop3A_593] {strides = array<i32>} : memref<32x768xf32, #tpu.memory_space<vmem>>, vector<1x16xf32>,
      %parallel_loop3A_595 = vector.shape_cast %parallel_loop3A_594 : vector<1x16xf32> to vector<16xf32>
      %parallel_loop3A_596 = arith.addf %parallel_loop3A_591, %parallel_loop3A_595 : vector<16xf32>
      %parallel_loop3A_597 = arith.index_cast %parallel_loop3A_36 : i32 to index
      %parallel_loop3A_598 = arith.constant 464 : index
      %parallel_loop3A_599 = tpu.vector_load %arg10[%parallel_loop3A_597, %parallel_loop3A_598] {strides = array<i32>} : memref<32x768xf32, #tpu.memory_space<vmem>>, vector<1x16xf32>,
      %parallel_loop3A_600 = vector.shape_cast %parallel_loop3A_599 : vector<1x16xf32> to vector<16xf32>
      %parallel_loop3A_601 = arith.addf %parallel_loop3A_596, %parallel_loop3A_600 : vector<16xf32>
      %parallel_loop3A_602 = arith.index_cast %parallel_loop3A_36 : i32 to index
      %parallel_loop3A_603 = arith.constant 464 : index
      %parallel_loop3A_604 = tpu.vector_load %arg11[%parallel_loop3A_602, %parallel_loop3A_603] {strides = array<i32>} : memref<32x768xf32, #tpu.memory_space<vmem>>, vector<1x16xf32>,
      %parallel_loop3A_605 = vector.shape_cast %parallel_loop3A_604 : vector<1x16xf32> to vector<16xf32>
      %parallel_loop3A_606 = vector.shape_cast %parallel_loop3A_601 : vector<16xf32> to vector<1x16xf32>
      tpu.vector_store %arg11[%parallel_loop3A_602, %parallel_loop3A_603], %parallel_loop3A_606 {strides = array<i32>} : memref<32x768xf32, #tpu.memory_space<vmem>>, vector<1x16xf32>,
      %parallel_loop3A_607 = arith.index_cast %parallel_loop3A_36 : i32 to index
      %parallel_loop3A_608 = arith.constant 480 : index
      %parallel_loop3A_609 = tpu.vector_load %arg11[%parallel_loop3A_607, %parallel_loop3A_608] {strides = array<i32>} : memref<32x768xf32, #tpu.memory_space<vmem>>, vector<1x16xf32>,
      %parallel_loop3A_610 = vector.shape_cast %parallel_loop3A_609 : vector<1x16xf32> to vector<16xf32>
      %parallel_loop3A_611 = arith.index_cast %parallel_loop3A_36 : i32 to index
      %parallel_loop3A_612 = arith.constant 480 : index
      %parallel_loop3A_613 = tpu.vector_load %arg9[%parallel_loop3A_611, %parallel_loop3A_612] {strides = array<i32>} : memref<32x768xf32, #tpu.memory_space<vmem>>, vector<1x16xf32>,
      %parallel_loop3A_614 = vector.shape_cast %parallel_loop3A_613 : vector<1x16xf32> to vector<16xf32>
      %parallel_loop3A_615 = arith.addf %parallel_loop3A_610, %parallel_loop3A_614 : vector<16xf32>
      %parallel_loop3A_616 = arith.index_cast %parallel_loop3A_36 : i32 to index
      %parallel_loop3A_617 = arith.constant 480 : index
      %parallel_loop3A_618 = tpu.vector_load %arg10[%parallel_loop3A_616, %parallel_loop3A_617] {strides = array<i32>} : memref<32x768xf32, #tpu.memory_space<vmem>>, vector<1x16xf32>,
      %parallel_loop3A_619 = vector.shape_cast %parallel_loop3A_618 : vector<1x16xf32> to vector<16xf32>
      %parallel_loop3A_620 = arith.addf %parallel_loop3A_615, %parallel_loop3A_619 : vector<16xf32>
      %parallel_loop3A_621 = arith.index_cast %parallel_loop3A_36 : i32 to index
      %parallel_loop3A_622 = arith.constant 480 : index
      %parallel_loop3A_623 = tpu.vector_load %arg11[%parallel_loop3A_621, %parallel_loop3A_622] {strides = array<i32>} : memref<32x768xf32, #tpu.memory_space<vmem>>, vector<1x16xf32>,
      %parallel_loop3A_624 = vector.shape_cast %parallel_loop3A_623 : vector<1x16xf32> to vector<16xf32>
      %parallel_loop3A_625 = vector.shape_cast %parallel_loop3A_620 : vector<16xf32> to vector<1x16xf32>
      tpu.vector_store %arg11[%parallel_loop3A_621, %parallel_loop3A_622], %parallel_loop3A_625 {strides = array<i32>} : memref<32x768xf32, #tpu.memory_space<vmem>>, vector<1x16xf32>,
      %parallel_loop3A_626 = arith.index_cast %parallel_loop3A_36 : i32 to index
      %parallel_loop3A_627 = arith.constant 496 : index
      %parallel_loop3A_628 = tpu.vector_load %arg11[%parallel_loop3A_626, %parallel_loop3A_627] {strides = array<i32>} : memref<32x768xf32, #tpu.memory_space<vmem>>, vector<1x16xf32>,
      %parallel_loop3A_629 = vector.shape_cast %parallel_loop3A_628 : vector<1x16xf32> to vector<16xf32>
      %parallel_loop3A_630 = arith.index_cast %parallel_loop3A_36 : i32 to index
      %parallel_loop3A_631 = arith.constant 496 : index
      %parallel_loop3A_632 = tpu.vector_load %arg9[%parallel_loop3A_630, %parallel_loop3A_631] {strides = array<i32>} : memref<32x768xf32, #tpu.memory_space<vmem>>, vector<1x16xf32>,
      %parallel_loop3A_633 = vector.shape_cast %parallel_loop3A_632 : vector<1x16xf32> to vector<16xf32>
      %parallel_loop3A_634 = arith.addf %parallel_loop3A_629, %parallel_loop3A_633 : vector<16xf32>
      %parallel_loop3A_635 = arith.index_cast %parallel_loop3A_36 : i32 to index
      %parallel_loop3A_636 = arith.constant 496 : index
      %parallel_loop3A_637 = tpu.vector_load %arg10[%parallel_loop3A_635, %parallel_loop3A_636] {strides = array<i32>} : memref<32x768xf32, #tpu.memory_space<vmem>>, vector<1x16xf32>,
      %parallel_loop3A_638 = vector.shape_cast %parallel_loop3A_637 : vector<1x16xf32> to vector<16xf32>
      %parallel_loop3A_639 = arith.addf %parallel_loop3A_634, %parallel_loop3A_638 : vector<16xf32>
      %parallel_loop3A_640 = arith.index_cast %parallel_loop3A_36 : i32 to index
      %parallel_loop3A_641 = arith.constant 496 : index
      %parallel_loop3A_642 = tpu.vector_load %arg11[%parallel_loop3A_640, %parallel_loop3A_641] {strides = array<i32>} : memref<32x768xf32, #tpu.memory_space<vmem>>, vector<1x16xf32>,
      %parallel_loop3A_643 = vector.shape_cast %parallel_loop3A_642 : vector<1x16xf32> to vector<16xf32>
      %parallel_loop3A_644 = vector.shape_cast %parallel_loop3A_639 : vector<16xf32> to vector<1x16xf32>
      tpu.vector_store %arg11[%parallel_loop3A_640, %parallel_loop3A_641], %parallel_loop3A_644 {strides = array<i32>} : memref<32x768xf32, #tpu.memory_space<vmem>>, vector<1x16xf32>,
      %parallel_loop3A_645 = arith.index_cast %parallel_loop3A_36 : i32 to index
      %parallel_loop3A_646 = arith.constant 512 : index
      %parallel_loop3A_647 = tpu.vector_load %arg11[%parallel_loop3A_645, %parallel_loop3A_646] {strides = array<i32>} : memref<32x768xf32, #tpu.memory_space<vmem>>, vector<1x16xf32>,
      %parallel_loop3A_648 = vector.shape_cast %parallel_loop3A_647 : vector<1x16xf32> to vector<16xf32>
      %parallel_loop3A_649 = arith.index_cast %parallel_loop3A_36 : i32 to index
      %parallel_loop3A_650 = arith.constant 512 : index
      %parallel_loop3A_651 = tpu.vector_load %arg9[%parallel_loop3A_649, %parallel_loop3A_650] {strides = array<i32>} : memref<32x768xf32, #tpu.memory_space<vmem>>, vector<1x16xf32>,
      %parallel_loop3A_652 = vector.shape_cast %parallel_loop3A_651 : vector<1x16xf32> to vector<16xf32>
      %parallel_loop3A_653 = arith.addf %parallel_loop3A_648, %parallel_loop3A_652 : vector<16xf32>
      %parallel_loop3A_654 = arith.index_cast %parallel_loop3A_36 : i32 to index
      %parallel_loop3A_655 = arith.constant 512 : index
      %parallel_loop3A_656 = tpu.vector_load %arg10[%parallel_loop3A_654, %parallel_loop3A_655] {strides = array<i32>} : memref<32x768xf32, #tpu.memory_space<vmem>>, vector<1x16xf32>,
      %parallel_loop3A_657 = vector.shape_cast %parallel_loop3A_656 : vector<1x16xf32> to vector<16xf32>
      %parallel_loop3A_658 = arith.addf %parallel_loop3A_653, %parallel_loop3A_657 : vector<16xf32>
      %parallel_loop3A_659 = arith.index_cast %parallel_loop3A_36 : i32 to index
      %parallel_loop3A_660 = arith.constant 512 : index
      %parallel_loop3A_661 = tpu.vector_load %arg11[%parallel_loop3A_659, %parallel_loop3A_660] {strides = array<i32>} : memref<32x768xf32, #tpu.memory_space<vmem>>, vector<1x16xf32>,
      %parallel_loop3A_662 = vector.shape_cast %parallel_loop3A_661 : vector<1x16xf32> to vector<16xf32>
      %parallel_loop3A_663 = vector.shape_cast %parallel_loop3A_658 : vector<16xf32> to vector<1x16xf32>
      tpu.vector_store %arg11[%parallel_loop3A_659, %parallel_loop3A_660], %parallel_loop3A_663 {strides = array<i32>} : memref<32x768xf32, #tpu.memory_space<vmem>>, vector<1x16xf32>,
      %parallel_loop3A_664 = arith.index_cast %parallel_loop3A_36 : i32 to index
      %parallel_loop3A_665 = arith.constant 528 : index
      %parallel_loop3A_666 = tpu.vector_load %arg11[%parallel_loop3A_664, %parallel_loop3A_665] {strides = array<i32>} : memref<32x768xf32, #tpu.memory_space<vmem>>, vector<1x16xf32>,
      %parallel_loop3A_667 = vector.shape_cast %parallel_loop3A_666 : vector<1x16xf32> to vector<16xf32>
      %parallel_loop3A_668 = arith.index_cast %parallel_loop3A_36 : i32 to index
      %parallel_loop3A_669 = arith.constant 528 : index
      %parallel_loop3A_670 = tpu.vector_load %arg9[%parallel_loop3A_668, %parallel_loop3A_669] {strides = array<i32>} : memref<32x768xf32, #tpu.memory_space<vmem>>, vector<1x16xf32>,
      %parallel_loop3A_671 = vector.shape_cast %parallel_loop3A_670 : vector<1x16xf32> to vector<16xf32>
      %parallel_loop3A_672 = arith.addf %parallel_loop3A_667, %parallel_loop3A_671 : vector<16xf32>
      %parallel_loop3A_673 = arith.index_cast %parallel_loop3A_36 : i32 to index
      %parallel_loop3A_674 = arith.constant 528 : index
      %parallel_loop3A_675 = tpu.vector_load %arg10[%parallel_loop3A_673, %parallel_loop3A_674] {strides = array<i32>} : memref<32x768xf32, #tpu.memory_space<vmem>>, vector<1x16xf32>,
      %parallel_loop3A_676 = vector.shape_cast %parallel_loop3A_675 : vector<1x16xf32> to vector<16xf32>
      %parallel_loop3A_677 = arith.addf %parallel_loop3A_672, %parallel_loop3A_676 : vector<16xf32>
      %parallel_loop3A_678 = arith.index_cast %parallel_loop3A_36 : i32 to index
      %parallel_loop3A_679 = arith.constant 528 : index
      %parallel_loop3A_680 = tpu.vector_load %arg11[%parallel_loop3A_678, %parallel_loop3A_679] {strides = array<i32>} : memref<32x768xf32, #tpu.memory_space<vmem>>, vector<1x16xf32>,
      %parallel_loop3A_681 = vector.shape_cast %parallel_loop3A_680 : vector<1x16xf32> to vector<16xf32>
      %parallel_loop3A_682 = vector.shape_cast %parallel_loop3A_677 : vector<16xf32> to vector<1x16xf32>
      tpu.vector_store %arg11[%parallel_loop3A_678, %parallel_loop3A_679], %parallel_loop3A_682 {strides = array<i32>} : memref<32x768xf32, #tpu.memory_space<vmem>>, vector<1x16xf32>,
      %parallel_loop3A_683 = arith.index_cast %parallel_loop3A_36 : i32 to index
      %parallel_loop3A_684 = arith.constant 544 : index
      %parallel_loop3A_685 = tpu.vector_load %arg11[%parallel_loop3A_683, %parallel_loop3A_684] {strides = array<i32>} : memref<32x768xf32, #tpu.memory_space<vmem>>, vector<1x16xf32>,
      %parallel_loop3A_686 = vector.shape_cast %parallel_loop3A_685 : vector<1x16xf32> to vector<16xf32>
      %parallel_loop3A_687 = arith.index_cast %parallel_loop3A_36 : i32 to index
      %parallel_loop3A_688 = arith.constant 544 : index
      %parallel_loop3A_689 = tpu.vector_load %arg9[%parallel_loop3A_687, %parallel_loop3A_688] {strides = array<i32>} : memref<32x768xf32, #tpu.memory_space<vmem>>, vector<1x16xf32>,
      %parallel_loop3A_690 = vector.shape_cast %parallel_loop3A_689 : vector<1x16xf32> to vector<16xf32>
      %parallel_loop3A_691 = arith.addf %parallel_loop3A_686, %parallel_loop3A_690 : vector<16xf32>
      %parallel_loop3A_692 = arith.index_cast %parallel_loop3A_36 : i32 to index
      %parallel_loop3A_693 = arith.constant 544 : index
      %parallel_loop3A_694 = tpu.vector_load %arg10[%parallel_loop3A_692, %parallel_loop3A_693] {strides = array<i32>} : memref<32x768xf32, #tpu.memory_space<vmem>>, vector<1x16xf32>,
      %parallel_loop3A_695 = vector.shape_cast %parallel_loop3A_694 : vector<1x16xf32> to vector<16xf32>
      %parallel_loop3A_696 = arith.addf %parallel_loop3A_691, %parallel_loop3A_695 : vector<16xf32>
      %parallel_loop3A_697 = arith.index_cast %parallel_loop3A_36 : i32 to index
      %parallel_loop3A_698 = arith.constant 544 : index
      %parallel_loop3A_699 = tpu.vector_load %arg11[%parallel_loop3A_697, %parallel_loop3A_698] {strides = array<i32>} : memref<32x768xf32, #tpu.memory_space<vmem>>, vector<1x16xf32>,
      %parallel_loop3A_700 = vector.shape_cast %parallel_loop3A_699 : vector<1x16xf32> to vector<16xf32>
      %parallel_loop3A_701 = vector.shape_cast %parallel_loop3A_696 : vector<16xf32> to vector<1x16xf32>
      tpu.vector_store %arg11[%parallel_loop3A_697, %parallel_loop3A_698], %parallel_loop3A_701 {strides = array<i32>} : memref<32x768xf32, #tpu.memory_space<vmem>>, vector<1x16xf32>,
      %parallel_loop3A_702 = arith.index_cast %parallel_loop3A_36 : i32 to index
      %parallel_loop3A_703 = arith.constant 560 : index
      %parallel_loop3A_704 = tpu.vector_load %arg11[%parallel_loop3A_702, %parallel_loop3A_703] {strides = array<i32>} : memref<32x768xf32, #tpu.memory_space<vmem>>, vector<1x16xf32>,
      %parallel_loop3A_705 = vector.shape_cast %parallel_loop3A_704 : vector<1x16xf32> to vector<16xf32>
      %parallel_loop3A_706 = arith.index_cast %parallel_loop3A_36 : i32 to index
      %parallel_loop3A_707 = arith.constant 560 : index
      %parallel_loop3A_708 = tpu.vector_load %arg9[%parallel_loop3A_706, %parallel_loop3A_707] {strides = array<i32>} : memref<32x768xf32, #tpu.memory_space<vmem>>, vector<1x16xf32>,
      %parallel_loop3A_709 = vector.shape_cast %parallel_loop3A_708 : vector<1x16xf32> to vector<16xf32>
      %parallel_loop3A_710 = arith.addf %parallel_loop3A_705, %parallel_loop3A_709 : vector<16xf32>
      %parallel_loop3A_711 = arith.index_cast %parallel_loop3A_36 : i32 to index
      %parallel_loop3A_712 = arith.constant 560 : index
      %parallel_loop3A_713 = tpu.vector_load %arg10[%parallel_loop3A_711, %parallel_loop3A_712] {strides = array<i32>} : memref<32x768xf32, #tpu.memory_space<vmem>>, vector<1x16xf32>,
      %parallel_loop3A_714 = vector.shape_cast %parallel_loop3A_713 : vector<1x16xf32> to vector<16xf32>
      %parallel_loop3A_715 = arith.addf %parallel_loop3A_710, %parallel_loop3A_714 : vector<16xf32>
      %parallel_loop3A_716 = arith.index_cast %parallel_loop3A_36 : i32 to index
      %parallel_loop3A_717 = arith.constant 560 : index
      %parallel_loop3A_718 = tpu.vector_load %arg11[%parallel_loop3A_716, %parallel_loop3A_717] {strides = array<i32>} : memref<32x768xf32, #tpu.memory_space<vmem>>, vector<1x16xf32>,
      %parallel_loop3A_719 = vector.shape_cast %parallel_loop3A_718 : vector<1x16xf32> to vector<16xf32>
      %parallel_loop3A_720 = vector.shape_cast %parallel_loop3A_715 : vector<16xf32> to vector<1x16xf32>
      tpu.vector_store %arg11[%parallel_loop3A_716, %parallel_loop3A_717], %parallel_loop3A_720 {strides = array<i32>} : memref<32x768xf32, #tpu.memory_space<vmem>>, vector<1x16xf32>,
      %parallel_loop3A_721 = arith.index_cast %parallel_loop3A_36 : i32 to index
      %parallel_loop3A_722 = arith.constant 576 : index
      %parallel_loop3A_723 = tpu.vector_load %arg11[%parallel_loop3A_721, %parallel_loop3A_722] {strides = array<i32>} : memref<32x768xf32, #tpu.memory_space<vmem>>, vector<1x16xf32>,
      %parallel_loop3A_724 = vector.shape_cast %parallel_loop3A_723 : vector<1x16xf32> to vector<16xf32>
      %parallel_loop3A_725 = arith.index_cast %parallel_loop3A_36 : i32 to index
      %parallel_loop3A_726 = arith.constant 576 : index
      %parallel_loop3A_727 = tpu.vector_load %arg9[%parallel_loop3A_725, %parallel_loop3A_726] {strides = array<i32>} : memref<32x768xf32, #tpu.memory_space<vmem>>, vector<1x16xf32>,
      %parallel_loop3A_728 = vector.shape_cast %parallel_loop3A_727 : vector<1x16xf32> to vector<16xf32>
      %parallel_loop3A_729 = arith.addf %parallel_loop3A_724, %parallel_loop3A_728 : vector<16xf32>
      %parallel_loop3A_730 = arith.index_cast %parallel_loop3A_36 : i32 to index
      %parallel_loop3A_731 = arith.constant 576 : index
      %parallel_loop3A_732 = tpu.vector_load %arg10[%parallel_loop3A_730, %parallel_loop3A_731] {strides = array<i32>} : memref<32x768xf32, #tpu.memory_space<vmem>>, vector<1x16xf32>,
      %parallel_loop3A_733 = vector.shape_cast %parallel_loop3A_732 : vector<1x16xf32> to vector<16xf32>
      %parallel_loop3A_734 = arith.addf %parallel_loop3A_729, %parallel_loop3A_733 : vector<16xf32>
      %parallel_loop3A_735 = arith.index_cast %parallel_loop3A_36 : i32 to index
      %parallel_loop3A_736 = arith.constant 576 : index
      %parallel_loop3A_737 = tpu.vector_load %arg11[%parallel_loop3A_735, %parallel_loop3A_736] {strides = array<i32>} : memref<32x768xf32, #tpu.memory_space<vmem>>, vector<1x16xf32>,
      %parallel_loop3A_738 = vector.shape_cast %parallel_loop3A_737 : vector<1x16xf32> to vector<16xf32>
      %parallel_loop3A_739 = vector.shape_cast %parallel_loop3A_734 : vector<16xf32> to vector<1x16xf32>
      tpu.vector_store %arg11[%parallel_loop3A_735, %parallel_loop3A_736], %parallel_loop3A_739 {strides = array<i32>} : memref<32x768xf32, #tpu.memory_space<vmem>>, vector<1x16xf32>,
      %parallel_loop3A_740 = arith.index_cast %parallel_loop3A_36 : i32 to index
      %parallel_loop3A_741 = arith.constant 592 : index
      %parallel_loop3A_742 = tpu.vector_load %arg11[%parallel_loop3A_740, %parallel_loop3A_741] {strides = array<i32>} : memref<32x768xf32, #tpu.memory_space<vmem>>, vector<1x16xf32>,
      %parallel_loop3A_743 = vector.shape_cast %parallel_loop3A_742 : vector<1x16xf32> to vector<16xf32>
      %parallel_loop3A_744 = arith.index_cast %parallel_loop3A_36 : i32 to index
      %parallel_loop3A_745 = arith.constant 592 : index
      %parallel_loop3A_746 = tpu.vector_load %arg9[%parallel_loop3A_744, %parallel_loop3A_745] {strides = array<i32>} : memref<32x768xf32, #tpu.memory_space<vmem>>, vector<1x16xf32>,
      %parallel_loop3A_747 = vector.shape_cast %parallel_loop3A_746 : vector<1x16xf32> to vector<16xf32>
      %parallel_loop3A_748 = arith.addf %parallel_loop3A_743, %parallel_loop3A_747 : vector<16xf32>
      %parallel_loop3A_749 = arith.index_cast %parallel_loop3A_36 : i32 to index
      %parallel_loop3A_750 = arith.constant 592 : index
      %parallel_loop3A_751 = tpu.vector_load %arg10[%parallel_loop3A_749, %parallel_loop3A_750] {strides = array<i32>} : memref<32x768xf32, #tpu.memory_space<vmem>>, vector<1x16xf32>,
      %parallel_loop3A_752 = vector.shape_cast %parallel_loop3A_751 : vector<1x16xf32> to vector<16xf32>
      %parallel_loop3A_753 = arith.addf %parallel_loop3A_748, %parallel_loop3A_752 : vector<16xf32>
      %parallel_loop3A_754 = arith.index_cast %parallel_loop3A_36 : i32 to index
      %parallel_loop3A_755 = arith.constant 592 : index
      %parallel_loop3A_756 = tpu.vector_load %arg11[%parallel_loop3A_754, %parallel_loop3A_755] {strides = array<i32>} : memref<32x768xf32, #tpu.memory_space<vmem>>, vector<1x16xf32>,
      %parallel_loop3A_757 = vector.shape_cast %parallel_loop3A_756 : vector<1x16xf32> to vector<16xf32>
      %parallel_loop3A_758 = vector.shape_cast %parallel_loop3A_753 : vector<16xf32> to vector<1x16xf32>
      tpu.vector_store %arg11[%parallel_loop3A_754, %parallel_loop3A_755], %parallel_loop3A_758 {strides = array<i32>} : memref<32x768xf32, #tpu.memory_space<vmem>>, vector<1x16xf32>,
      %parallel_loop3A_759 = arith.index_cast %parallel_loop3A_36 : i32 to index
      %parallel_loop3A_760 = arith.constant 608 : index
      %parallel_loop3A_761 = tpu.vector_load %arg11[%parallel_loop3A_759, %parallel_loop3A_760] {strides = array<i32>} : memref<32x768xf32, #tpu.memory_space<vmem>>, vector<1x16xf32>,
      %parallel_loop3A_762 = vector.shape_cast %parallel_loop3A_761 : vector<1x16xf32> to vector<16xf32>
      %parallel_loop3A_763 = arith.index_cast %parallel_loop3A_36 : i32 to index
      %parallel_loop3A_764 = arith.constant 608 : index
      %parallel_loop3A_765 = tpu.vector_load %arg9[%parallel_loop3A_763, %parallel_loop3A_764] {strides = array<i32>} : memref<32x768xf32, #tpu.memory_space<vmem>>, vector<1x16xf32>,
      %parallel_loop3A_766 = vector.shape_cast %parallel_loop3A_765 : vector<1x16xf32> to vector<16xf32>
      %parallel_loop3A_767 = arith.addf %parallel_loop3A_762, %parallel_loop3A_766 : vector<16xf32>
      %parallel_loop3A_768 = arith.index_cast %parallel_loop3A_36 : i32 to index
      %parallel_loop3A_769 = arith.constant 608 : index
      %parallel_loop3A_770 = tpu.vector_load %arg10[%parallel_loop3A_768, %parallel_loop3A_769] {strides = array<i32>} : memref<32x768xf32, #tpu.memory_space<vmem>>, vector<1x16xf32>,
      %parallel_loop3A_771 = vector.shape_cast %parallel_loop3A_770 : vector<1x16xf32> to vector<16xf32>
      %parallel_loop3A_772 = arith.addf %parallel_loop3A_767, %parallel_loop3A_771 : vector<16xf32>
      %parallel_loop3A_773 = arith.index_cast %parallel_loop3A_36 : i32 to index
      %parallel_loop3A_774 = arith.constant 608 : index
      %parallel_loop3A_775 = tpu.vector_load %arg11[%parallel_loop3A_773, %parallel_loop3A_774] {strides = array<i32>} : memref<32x768xf32, #tpu.memory_space<vmem>>, vector<1x16xf32>,
      %parallel_loop3A_776 = vector.shape_cast %parallel_loop3A_775 : vector<1x16xf32> to vector<16xf32>
      %parallel_loop3A_777 = vector.shape_cast %parallel_loop3A_772 : vector<16xf32> to vector<1x16xf32>
      tpu.vector_store %arg11[%parallel_loop3A_773, %parallel_loop3A_774], %parallel_loop3A_777 {strides = array<i32>} : memref<32x768xf32, #tpu.memory_space<vmem>>, vector<1x16xf32>,
      %parallel_loop3A_778 = arith.index_cast %parallel_loop3A_36 : i32 to index
      %parallel_loop3A_779 = arith.constant 624 : index
      %parallel_loop3A_780 = tpu.vector_load %arg11[%parallel_loop3A_778, %parallel_loop3A_779] {strides = array<i32>} : memref<32x768xf32, #tpu.memory_space<vmem>>, vector<1x16xf32>,
      %parallel_loop3A_781 = vector.shape_cast %parallel_loop3A_780 : vector<1x16xf32> to vector<16xf32>
      %parallel_loop3A_782 = arith.index_cast %parallel_loop3A_36 : i32 to index
      %parallel_loop3A_783 = arith.constant 624 : index
      %parallel_loop3A_784 = tpu.vector_load %arg9[%parallel_loop3A_782, %parallel_loop3A_783] {strides = array<i32>} : memref<32x768xf32, #tpu.memory_space<vmem>>, vector<1x16xf32>,
      %parallel_loop3A_785 = vector.shape_cast %parallel_loop3A_784 : vector<1x16xf32> to vector<16xf32>
      %parallel_loop3A_786 = arith.addf %parallel_loop3A_781, %parallel_loop3A_785 : vector<16xf32>
      %parallel_loop3A_787 = arith.index_cast %parallel_loop3A_36 : i32 to index
      %parallel_loop3A_788 = arith.constant 624 : index
      %parallel_loop3A_789 = tpu.vector_load %arg10[%parallel_loop3A_787, %parallel_loop3A_788] {strides = array<i32>} : memref<32x768xf32, #tpu.memory_space<vmem>>, vector<1x16xf32>,
      %parallel_loop3A_790 = vector.shape_cast %parallel_loop3A_789 : vector<1x16xf32> to vector<16xf32>
      %parallel_loop3A_791 = arith.addf %parallel_loop3A_786, %parallel_loop3A_790 : vector<16xf32>
      %parallel_loop3A_792 = arith.index_cast %parallel_loop3A_36 : i32 to index
      %parallel_loop3A_793 = arith.constant 624 : index
      %parallel_loop3A_794 = tpu.vector_load %arg11[%parallel_loop3A_792, %parallel_loop3A_793] {strides = array<i32>} : memref<32x768xf32, #tpu.memory_space<vmem>>, vector<1x16xf32>,
      %parallel_loop3A_795 = vector.shape_cast %parallel_loop3A_794 : vector<1x16xf32> to vector<16xf32>
      %parallel_loop3A_796 = vector.shape_cast %parallel_loop3A_791 : vector<16xf32> to vector<1x16xf32>
      tpu.vector_store %arg11[%parallel_loop3A_792, %parallel_loop3A_793], %parallel_loop3A_796 {strides = array<i32>} : memref<32x768xf32, #tpu.memory_space<vmem>>, vector<1x16xf32>,
      %parallel_loop3A_797 = arith.index_cast %parallel_loop3A_36 : i32 to index
      %parallel_loop3A_798 = arith.constant 640 : index
      %parallel_loop3A_799 = tpu.vector_load %arg11[%parallel_loop3A_797, %parallel_loop3A_798] {strides = array<i32>} : memref<32x768xf32, #tpu.memory_space<vmem>>, vector<1x16xf32>,
      %parallel_loop3A_800 = vector.shape_cast %parallel_loop3A_799 : vector<1x16xf32> to vector<16xf32>
      %parallel_loop3A_801 = arith.index_cast %parallel_loop3A_36 : i32 to index
      %parallel_loop3A_802 = arith.constant 640 : index
      %parallel_loop3A_803 = tpu.vector_load %arg9[%parallel_loop3A_801, %parallel_loop3A_802] {strides = array<i32>} : memref<32x768xf32, #tpu.memory_space<vmem>>, vector<1x16xf32>,
      %parallel_loop3A_804 = vector.shape_cast %parallel_loop3A_803 : vector<1x16xf32> to vector<16xf32>
      %parallel_loop3A_805 = arith.addf %parallel_loop3A_800, %parallel_loop3A_804 : vector<16xf32>
      %parallel_loop3A_806 = arith.index_cast %parallel_loop3A_36 : i32 to index
      %parallel_loop3A_807 = arith.constant 640 : index
      %parallel_loop3A_808 = tpu.vector_load %arg10[%parallel_loop3A_806, %parallel_loop3A_807] {strides = array<i32>} : memref<32x768xf32, #tpu.memory_space<vmem>>, vector<1x16xf32>,
      %parallel_loop3A_809 = vector.shape_cast %parallel_loop3A_808 : vector<1x16xf32> to vector<16xf32>
      %parallel_loop3A_810 = arith.addf %parallel_loop3A_805, %parallel_loop3A_809 : vector<16xf32>
      %parallel_loop3A_811 = arith.index_cast %parallel_loop3A_36 : i32 to index
      %parallel_loop3A_812 = arith.constant 640 : index
      %parallel_loop3A_813 = tpu.vector_load %arg11[%parallel_loop3A_811, %parallel_loop3A_812] {strides = array<i32>} : memref<32x768xf32, #tpu.memory_space<vmem>>, vector<1x16xf32>,
      %parallel_loop3A_814 = vector.shape_cast %parallel_loop3A_813 : vector<1x16xf32> to vector<16xf32>
      %parallel_loop3A_815 = vector.shape_cast %parallel_loop3A_810 : vector<16xf32> to vector<1x16xf32>
      tpu.vector_store %arg11[%parallel_loop3A_811, %parallel_loop3A_812], %parallel_loop3A_815 {strides = array<i32>} : memref<32x768xf32, #tpu.memory_space<vmem>>, vector<1x16xf32>,
      %parallel_loop3A_816 = arith.index_cast %parallel_loop3A_36 : i32 to index
      %parallel_loop3A_817 = arith.constant 656 : index
      %parallel_loop3A_818 = tpu.vector_load %arg11[%parallel_loop3A_816, %parallel_loop3A_817] {strides = array<i32>} : memref<32x768xf32, #tpu.memory_space<vmem>>, vector<1x16xf32>,
      %parallel_loop3A_819 = vector.shape_cast %parallel_loop3A_818 : vector<1x16xf32> to vector<16xf32>
      %parallel_loop3A_820 = arith.index_cast %parallel_loop3A_36 : i32 to index
      %parallel_loop3A_821 = arith.constant 656 : index
      %parallel_loop3A_822 = tpu.vector_load %arg9[%parallel_loop3A_820, %parallel_loop3A_821] {strides = array<i32>} : memref<32x768xf32, #tpu.memory_space<vmem>>, vector<1x16xf32>,
      %parallel_loop3A_823 = vector.shape_cast %parallel_loop3A_822 : vector<1x16xf32> to vector<16xf32>
      %parallel_loop3A_824 = arith.addf %parallel_loop3A_819, %parallel_loop3A_823 : vector<16xf32>
      %parallel_loop3A_825 = arith.index_cast %parallel_loop3A_36 : i32 to index
      %parallel_loop3A_826 = arith.constant 656 : index
      %parallel_loop3A_827 = tpu.vector_load %arg10[%parallel_loop3A_825, %parallel_loop3A_826] {strides = array<i32>} : memref<32x768xf32, #tpu.memory_space<vmem>>, vector<1x16xf32>,
      %parallel_loop3A_828 = vector.shape_cast %parallel_loop3A_827 : vector<1x16xf32> to vector<16xf32>
      %parallel_loop3A_829 = arith.addf %parallel_loop3A_824, %parallel_loop3A_828 : vector<16xf32>
      %parallel_loop3A_830 = arith.index_cast %parallel_loop3A_36 : i32 to index
      %parallel_loop3A_831 = arith.constant 656 : index
      %parallel_loop3A_832 = tpu.vector_load %arg11[%parallel_loop3A_830, %parallel_loop3A_831] {strides = array<i32>} : memref<32x768xf32, #tpu.memory_space<vmem>>, vector<1x16xf32>,
      %parallel_loop3A_833 = vector.shape_cast %parallel_loop3A_832 : vector<1x16xf32> to vector<16xf32>
      %parallel_loop3A_834 = vector.shape_cast %parallel_loop3A_829 : vector<16xf32> to vector<1x16xf32>
      tpu.vector_store %arg11[%parallel_loop3A_830, %parallel_loop3A_831], %parallel_loop3A_834 {strides = array<i32>} : memref<32x768xf32, #tpu.memory_space<vmem>>, vector<1x16xf32>,
      %parallel_loop3A_835 = arith.index_cast %parallel_loop3A_36 : i32 to index
      %parallel_loop3A_836 = arith.constant 672 : index
      %parallel_loop3A_837 = tpu.vector_load %arg11[%parallel_loop3A_835, %parallel_loop3A_836] {strides = array<i32>} : memref<32x768xf32, #tpu.memory_space<vmem>>, vector<1x16xf32>,
      %parallel_loop3A_838 = vector.shape_cast %parallel_loop3A_837 : vector<1x16xf32> to vector<16xf32>
      %parallel_loop3A_839 = arith.index_cast %parallel_loop3A_36 : i32 to index
      %parallel_loop3A_840 = arith.constant 672 : index
      %parallel_loop3A_841 = tpu.vector_load %arg9[%parallel_loop3A_839, %parallel_loop3A_840] {strides = array<i32>} : memref<32x768xf32, #tpu.memory_space<vmem>>, vector<1x16xf32>,
      %parallel_loop3A_842 = vector.shape_cast %parallel_loop3A_841 : vector<1x16xf32> to vector<16xf32>
      %parallel_loop3A_843 = arith.addf %parallel_loop3A_838, %parallel_loop3A_842 : vector<16xf32>
      %parallel_loop3A_844 = arith.index_cast %parallel_loop3A_36 : i32 to index
      %parallel_loop3A_845 = arith.constant 672 : index
      %parallel_loop3A_846 = tpu.vector_load %arg10[%parallel_loop3A_844, %parallel_loop3A_845] {strides = array<i32>} : memref<32x768xf32, #tpu.memory_space<vmem>>, vector<1x16xf32>,
      %parallel_loop3A_847 = vector.shape_cast %parallel_loop3A_846 : vector<1x16xf32> to vector<16xf32>
      %parallel_loop3A_848 = arith.addf %parallel_loop3A_843, %parallel_loop3A_847 : vector<16xf32>
      %parallel_loop3A_849 = arith.index_cast %parallel_loop3A_36 : i32 to index
      %parallel_loop3A_850 = arith.constant 672 : index
      %parallel_loop3A_851 = tpu.vector_load %arg11[%parallel_loop3A_849, %parallel_loop3A_850] {strides = array<i32>} : memref<32x768xf32, #tpu.memory_space<vmem>>, vector<1x16xf32>,
      %parallel_loop3A_852 = vector.shape_cast %parallel_loop3A_851 : vector<1x16xf32> to vector<16xf32>
      %parallel_loop3A_853 = vector.shape_cast %parallel_loop3A_848 : vector<16xf32> to vector<1x16xf32>
      tpu.vector_store %arg11[%parallel_loop3A_849, %parallel_loop3A_850], %parallel_loop3A_853 {strides = array<i32>} : memref<32x768xf32, #tpu.memory_space<vmem>>, vector<1x16xf32>,
      %parallel_loop3A_854 = arith.index_cast %parallel_loop3A_36 : i32 to index
      %parallel_loop3A_855 = arith.constant 688 : index
      %parallel_loop3A_856 = tpu.vector_load %arg11[%parallel_loop3A_854, %parallel_loop3A_855] {strides = array<i32>} : memref<32x768xf32, #tpu.memory_space<vmem>>, vector<1x16xf32>,
      %parallel_loop3A_857 = vector.shape_cast %parallel_loop3A_856 : vector<1x16xf32> to vector<16xf32>
      %parallel_loop3A_858 = arith.index_cast %parallel_loop3A_36 : i32 to index
      %parallel_loop3A_859 = arith.constant 688 : index
      %parallel_loop3A_860 = tpu.vector_load %arg9[%parallel_loop3A_858, %parallel_loop3A_859] {strides = array<i32>} : memref<32x768xf32, #tpu.memory_space<vmem>>, vector<1x16xf32>,
      %parallel_loop3A_861 = vector.shape_cast %parallel_loop3A_860 : vector<1x16xf32> to vector<16xf32>
      %parallel_loop3A_862 = arith.addf %parallel_loop3A_857, %parallel_loop3A_861 : vector<16xf32>
      %parallel_loop3A_863 = arith.index_cast %parallel_loop3A_36 : i32 to index
      %parallel_loop3A_864 = arith.constant 688 : index
      %parallel_loop3A_865 = tpu.vector_load %arg10[%parallel_loop3A_863, %parallel_loop3A_864] {strides = array<i32>} : memref<32x768xf32, #tpu.memory_space<vmem>>, vector<1x16xf32>,
      %parallel_loop3A_866 = vector.shape_cast %parallel_loop3A_865 : vector<1x16xf32> to vector<16xf32>
      %parallel_loop3A_867 = arith.addf %parallel_loop3A_862, %parallel_loop3A_866 : vector<16xf32>
      %parallel_loop3A_868 = arith.index_cast %parallel_loop3A_36 : i32 to index
      %parallel_loop3A_869 = arith.constant 688 : index
      %parallel_loop3A_870 = tpu.vector_load %arg11[%parallel_loop3A_868, %parallel_loop3A_869] {strides = array<i32>} : memref<32x768xf32, #tpu.memory_space<vmem>>, vector<1x16xf32>,
      %parallel_loop3A_871 = vector.shape_cast %parallel_loop3A_870 : vector<1x16xf32> to vector<16xf32>
      %parallel_loop3A_872 = vector.shape_cast %parallel_loop3A_867 : vector<16xf32> to vector<1x16xf32>
      tpu.vector_store %arg11[%parallel_loop3A_868, %parallel_loop3A_869], %parallel_loop3A_872 {strides = array<i32>} : memref<32x768xf32, #tpu.memory_space<vmem>>, vector<1x16xf32>,
      %parallel_loop3A_873 = arith.index_cast %parallel_loop3A_36 : i32 to index
      %parallel_loop3A_874 = arith.constant 704 : index
      %parallel_loop3A_875 = tpu.vector_load %arg11[%parallel_loop3A_873, %parallel_loop3A_874] {strides = array<i32>} : memref<32x768xf32, #tpu.memory_space<vmem>>, vector<1x16xf32>,
      %parallel_loop3A_876 = vector.shape_cast %parallel_loop3A_875 : vector<1x16xf32> to vector<16xf32>
      %parallel_loop3A_877 = arith.index_cast %parallel_loop3A_36 : i32 to index
      %parallel_loop3A_878 = arith.constant 704 : index
      %parallel_loop3A_879 = tpu.vector_load %arg9[%parallel_loop3A_877, %parallel_loop3A_878] {strides = array<i32>} : memref<32x768xf32, #tpu.memory_space<vmem>>, vector<1x16xf32>,
      %parallel_loop3A_880 = vector.shape_cast %parallel_loop3A_879 : vector<1x16xf32> to vector<16xf32>
      %parallel_loop3A_881 = arith.addf %parallel_loop3A_876, %parallel_loop3A_880 : vector<16xf32>
      %parallel_loop3A_882 = arith.index_cast %parallel_loop3A_36 : i32 to index
      %parallel_loop3A_883 = arith.constant 704 : index
      %parallel_loop3A_884 = tpu.vector_load %arg10[%parallel_loop3A_882, %parallel_loop3A_883] {strides = array<i32>} : memref<32x768xf32, #tpu.memory_space<vmem>>, vector<1x16xf32>,
      %parallel_loop3A_885 = vector.shape_cast %parallel_loop3A_884 : vector<1x16xf32> to vector<16xf32>
      %parallel_loop3A_886 = arith.addf %parallel_loop3A_881, %parallel_loop3A_885 : vector<16xf32>
      %parallel_loop3A_887 = arith.index_cast %parallel_loop3A_36 : i32 to index
      %parallel_loop3A_888 = arith.constant 704 : index
      %parallel_loop3A_889 = tpu.vector_load %arg11[%parallel_loop3A_887, %parallel_loop3A_888] {strides = array<i32>} : memref<32x768xf32, #tpu.memory_space<vmem>>, vector<1x16xf32>,
      %parallel_loop3A_890 = vector.shape_cast %parallel_loop3A_889 : vector<1x16xf32> to vector<16xf32>
      %parallel_loop3A_891 = vector.shape_cast %parallel_loop3A_886 : vector<16xf32> to vector<1x16xf32>
      tpu.vector_store %arg11[%parallel_loop3A_887, %parallel_loop3A_888], %parallel_loop3A_891 {strides = array<i32>} : memref<32x768xf32, #tpu.memory_space<vmem>>, vector<1x16xf32>,
      %parallel_loop3A_892 = arith.index_cast %parallel_loop3A_36 : i32 to index
      %parallel_loop3A_893 = arith.constant 720 : index
      %parallel_loop3A_894 = tpu.vector_load %arg11[%parallel_loop3A_892, %parallel_loop3A_893] {strides = array<i32>} : memref<32x768xf32, #tpu.memory_space<vmem>>, vector<1x16xf32>,
      %parallel_loop3A_895 = vector.shape_cast %parallel_loop3A_894 : vector<1x16xf32> to vector<16xf32>
      %parallel_loop3A_896 = arith.index_cast %parallel_loop3A_36 : i32 to index
      %parallel_loop3A_897 = arith.constant 720 : index
      %parallel_loop3A_898 = tpu.vector_load %arg9[%parallel_loop3A_896, %parallel_loop3A_897] {strides = array<i32>} : memref<32x768xf32, #tpu.memory_space<vmem>>, vector<1x16xf32>,
      %parallel_loop3A_899 = vector.shape_cast %parallel_loop3A_898 : vector<1x16xf32> to vector<16xf32>
      %parallel_loop3A_900 = arith.addf %parallel_loop3A_895, %parallel_loop3A_899 : vector<16xf32>
      %parallel_loop3A_901 = arith.index_cast %parallel_loop3A_36 : i32 to index
      %parallel_loop3A_902 = arith.constant 720 : index
      %parallel_loop3A_903 = tpu.vector_load %arg10[%parallel_loop3A_901, %parallel_loop3A_902] {strides = array<i32>} : memref<32x768xf32, #tpu.memory_space<vmem>>, vector<1x16xf32>,
      %parallel_loop3A_904 = vector.shape_cast %parallel_loop3A_903 : vector<1x16xf32> to vector<16xf32>
      %parallel_loop3A_905 = arith.addf %parallel_loop3A_900, %parallel_loop3A_904 : vector<16xf32>
      %parallel_loop3A_906 = arith.index_cast %parallel_loop3A_36 : i32 to index
      %parallel_loop3A_907 = arith.constant 720 : index
      %parallel_loop3A_908 = tpu.vector_load %arg11[%parallel_loop3A_906, %parallel_loop3A_907] {strides = array<i32>} : memref<32x768xf32, #tpu.memory_space<vmem>>, vector<1x16xf32>,
      %parallel_loop3A_909 = vector.shape_cast %parallel_loop3A_908 : vector<1x16xf32> to vector<16xf32>
      %parallel_loop3A_910 = vector.shape_cast %parallel_loop3A_905 : vector<16xf32> to vector<1x16xf32>
      tpu.vector_store %arg11[%parallel_loop3A_906, %parallel_loop3A_907], %parallel_loop3A_910 {strides = array<i32>} : memref<32x768xf32, #tpu.memory_space<vmem>>, vector<1x16xf32>,
      %parallel_loop3A_911 = arith.index_cast %parallel_loop3A_36 : i32 to index
      %parallel_loop3A_912 = arith.constant 736 : index
      %parallel_loop3A_913 = tpu.vector_load %arg11[%parallel_loop3A_911, %parallel_loop3A_912] {strides = array<i32>} : memref<32x768xf32, #tpu.memory_space<vmem>>, vector<1x16xf32>,
      %parallel_loop3A_914 = vector.shape_cast %parallel_loop3A_913 : vector<1x16xf32> to vector<16xf32>
      %parallel_loop3A_915 = arith.index_cast %parallel_loop3A_36 : i32 to index
      %parallel_loop3A_916 = arith.constant 736 : index
      %parallel_loop3A_917 = tpu.vector_load %arg9[%parallel_loop3A_915, %parallel_loop3A_916] {strides = array<i32>} : memref<32x768xf32, #tpu.memory_space<vmem>>, vector<1x16xf32>,
      %parallel_loop3A_918 = vector.shape_cast %parallel_loop3A_917 : vector<1x16xf32> to vector<16xf32>
      %parallel_loop3A_919 = arith.addf %parallel_loop3A_914, %parallel_loop3A_918 : vector<16xf32>
      %parallel_loop3A_920 = arith.index_cast %parallel_loop3A_36 : i32 to index
      %parallel_loop3A_921 = arith.constant 736 : index
      %parallel_loop3A_922 = tpu.vector_load %arg10[%parallel_loop3A_920, %parallel_loop3A_921] {strides = array<i32>} : memref<32x768xf32, #tpu.memory_space<vmem>>, vector<1x16xf32>,
      %parallel_loop3A_923 = vector.shape_cast %parallel_loop3A_922 : vector<1x16xf32> to vector<16xf32>
      %parallel_loop3A_924 = arith.addf %parallel_loop3A_919, %parallel_loop3A_923 : vector<16xf32>
      %parallel_loop3A_925 = arith.index_cast %parallel_loop3A_36 : i32 to index
      %parallel_loop3A_926 = arith.constant 736 : index
      %parallel_loop3A_927 = tpu.vector_load %arg11[%parallel_loop3A_925, %parallel_loop3A_926] {strides = array<i32>} : memref<32x768xf32, #tpu.memory_space<vmem>>, vector<1x16xf32>,
      %parallel_loop3A_928 = vector.shape_cast %parallel_loop3A_927 : vector<1x16xf32> to vector<16xf32>
      %parallel_loop3A_929 = vector.shape_cast %parallel_loop3A_924 : vector<16xf32> to vector<1x16xf32>
      tpu.vector_store %arg11[%parallel_loop3A_925, %parallel_loop3A_926], %parallel_loop3A_929 {strides = array<i32>} : memref<32x768xf32, #tpu.memory_space<vmem>>, vector<1x16xf32>,
      %parallel_loop3A_930 = arith.index_cast %parallel_loop3A_36 : i32 to index
      %parallel_loop3A_931 = arith.constant 752 : index
      %parallel_loop3A_932 = tpu.vector_load %arg11[%parallel_loop3A_930, %parallel_loop3A_931] {strides = array<i32>} : memref<32x768xf32, #tpu.memory_space<vmem>>, vector<1x16xf32>,
      %parallel_loop3A_933 = vector.shape_cast %parallel_loop3A_932 : vector<1x16xf32> to vector<16xf32>
      %parallel_loop3A_934 = arith.index_cast %parallel_loop3A_36 : i32 to index
      %parallel_loop3A_935 = arith.constant 752 : index
      %parallel_loop3A_936 = tpu.vector_load %arg9[%parallel_loop3A_934, %parallel_loop3A_935] {strides = array<i32>} : memref<32x768xf32, #tpu.memory_space<vmem>>, vector<1x16xf32>,
      %parallel_loop3A_937 = vector.shape_cast %parallel_loop3A_936 : vector<1x16xf32> to vector<16xf32>
      %parallel_loop3A_938 = arith.addf %parallel_loop3A_933, %parallel_loop3A_937 : vector<16xf32>
      %parallel_loop3A_939 = arith.index_cast %parallel_loop3A_36 : i32 to index
      %parallel_loop3A_940 = arith.constant 752 : index
      %parallel_loop3A_941 = tpu.vector_load %arg10[%parallel_loop3A_939, %parallel_loop3A_940] {strides = array<i32>} : memref<32x768xf32, #tpu.memory_space<vmem>>, vector<1x16xf32>,
      %parallel_loop3A_942 = vector.shape_cast %parallel_loop3A_941 : vector<1x16xf32> to vector<16xf32>
      %parallel_loop3A_943 = arith.addf %parallel_loop3A_938, %parallel_loop3A_942 : vector<16xf32>
      %parallel_loop3A_944 = arith.index_cast %parallel_loop3A_36 : i32 to index
      %parallel_loop3A_945 = arith.constant 752 : index
      %parallel_loop3A_946 = tpu.vector_load %arg11[%parallel_loop3A_944, %parallel_loop3A_945] {strides = array<i32>} : memref<32x768xf32, #tpu.memory_space<vmem>>, vector<1x16xf32>,
      %parallel_loop3A_947 = vector.shape_cast %parallel_loop3A_946 : vector<1x16xf32> to vector<16xf32>
      %parallel_loop3A_948 = vector.shape_cast %parallel_loop3A_943 : vector<16xf32> to vector<1x16xf32>
      tpu.vector_store %arg11[%parallel_loop3A_944, %parallel_loop3A_945], %parallel_loop3A_948 {strides = array<i32>} : memref<32x768xf32, #tpu.memory_space<vmem>>, vector<1x16xf32>,
    } {sc.loop_unroll_factor = 2 : i64, sc.parallel_access}
    "tpu.region"() ({
      %run_scoped3A = tpu.sem_alloc : memref<!tpu.dma_semaphore, #tpu.memory_space<semaphore_mem>>
      %dma_start3A_36 = arith.constant 0 : i32
      %dma_start3A_37 = tpu.memref_slice %arg6[%add3A_4, %dma_start3A_36] : memref<2048x768xf32, #tpu.memory_space<hbm>> -> memref<32x768xf32, #tpu.memory_space<hbm>>
      %dma_start3A_38 = arith.constant 0 : i32
      %dma_start3A_39 = tpu.memref_slice %arg6[%add3A_4, %dma_start3A_38] : memref<2048x768xf32, #tpu.memory_space<hbm>> -> memref<32x768xf32, #tpu.memory_space<hbm>>
      tpu.enqueue_dma source(%arg11 : memref<32x768xf32, #tpu.memory_space<vmem>>) target(%dma_start3A_39 : memref<32x768xf32, #tpu.memory_space<hbm>>) target_semaphore(%run_scoped3A : memref<!tpu.dma_semaphore, #tpu.memory_space<semaphore_mem>>)
      %dma_wait3A_40 = arith.constant 0 : i32
      %dma_wait3A_41 = tpu.memref_slice %arg6[%add3A_4, %dma_wait3A_40] : memref<2048x768xf32, #tpu.memory_space<hbm>> -> memref<32x768xf32, #tpu.memory_space<hbm>>
      %dma_wait3A_42 = arith.constant 0 : i32
      %dma_wait3A_43 = tpu.memref_slice %arg6[%add3A_4, %dma_wait3A_42] : memref<2048x768xf32, #tpu.memory_space<hbm>> -> memref<32x768xf32, #tpu.memory_space<hbm>>
      tpu.wait_dma2 semaphore(%run_scoped3A : memref<!tpu.dma_semaphore, #tpu.memory_space<semaphore_mem>>) src(%arg11 : memref<32x768xf32, #tpu.memory_space<vmem>>) dst(%dma_wait3A_43 : memref<32x768xf32, #tpu.memory_space<hbm>>)
      tpu.yield
    }) : () -> ()
    %mul3A_17 = arith.constant 64 : i32
    %mul3A_18 = arith.muli %add3A, %mul3A_17 : i32
    %add3A_19 = arith.constant 32 : i32
    %add3A_20 = arith.addi %mul3A_18, %add3A_19 : i32
    "tpu.region"() ({
      %run_scoped3A = tpu.sem_alloc : memref<!tpu.dma_semaphore, #tpu.memory_space<semaphore_mem>>
      %dma_start3A_36 = tpu.memref_slice %arg4[%add3A_20] : memref<2048xi32, #tpu.memory_space<hbm>> -> memref<32xi32, #tpu.memory_space<hbm>>
      %dma_start3A_37 = tpu.memref_slice %arg4[%add3A_20] : memref<2048xi32, #tpu.memory_space<hbm>> -> memref<32xi32, #tpu.memory_space<hbm>>
      tpu.enqueue_dma source(%dma_start3A_37 : memref<32xi32, #tpu.memory_space<hbm>>) target(%arg7 : memref<32xi32, #tpu.memory_space<vmem>>) target_semaphore(%run_scoped3A : memref<!tpu.dma_semaphore, #tpu.memory_space<semaphore_mem>>)
      %dma_wait3A_38 = tpu.memref_slice %arg4[%add3A_20] : memref<2048xi32, #tpu.memory_space<hbm>> -> memref<32xi32, #tpu.memory_space<hbm>>
      %dma_wait3A_39 = tpu.memref_slice %arg4[%add3A_20] : memref<2048xi32, #tpu.memory_space<hbm>> -> memref<32xi32, #tpu.memory_space<hbm>>
      tpu.wait_dma2 semaphore(%run_scoped3A : memref<!tpu.dma_semaphore, #tpu.memory_space<semaphore_mem>>) src(%dma_wait3A_39 : memref<32xi32, #tpu.memory_space<hbm>>) dst(%arg7 : memref<32xi32, #tpu.memory_space<vmem>>)
      tpu.yield
    }) : () -> ()
    "tpu.region"() ({
      %run_scoped3A = tpu.sem_alloc : memref<!tpu.dma_semaphore, #tpu.memory_space<semaphore_mem>>
      %dma_start3A_36 = tpu.memref_slice %arg5[%add3A_20] : memref<2048xi32, #tpu.memory_space<hbm>> -> memref<32xi32, #tpu.memory_space<hbm>>
      %dma_start3A_37 = tpu.memref_slice %arg5[%add3A_20] : memref<2048xi32, #tpu.memory_space<hbm>> -> memref<32xi32, #tpu.memory_space<hbm>>
      tpu.enqueue_dma source(%dma_start3A_37 : memref<32xi32, #tpu.memory_space<hbm>>) target(%arg8 : memref<32xi32, #tpu.memory_space<vmem>>) target_semaphore(%run_scoped3A : memref<!tpu.dma_semaphore, #tpu.memory_space<semaphore_mem>>)
      %dma_wait3A_38 = tpu.memref_slice %arg5[%add3A_20] : memref<2048xi32, #tpu.memory_space<hbm>> -> memref<32xi32, #tpu.memory_space<hbm>>
      %dma_wait3A_39 = tpu.memref_slice %arg5[%add3A_20] : memref<2048xi32, #tpu.memory_space<hbm>> -> memref<32xi32, #tpu.memory_space<hbm>>
      tpu.wait_dma2 semaphore(%run_scoped3A : memref<!tpu.dma_semaphore, #tpu.memory_space<semaphore_mem>>) src(%dma_wait3A_39 : memref<32xi32, #tpu.memory_space<hbm>>) dst(%arg8 : memref<32xi32, #tpu.memory_space<vmem>>)
      tpu.yield
    }) : () -> ()
    %dma_start3A_21 = arith.constant 0 : i32
    %dma_start3A_22 = arith.constant 0 : i32
    %dma_start3A_23 = tpu.memref_slice %arg2[%dma_start3A_21, %dma_start3A_22] : memref<4096x768xf32, #tpu.memory_space<hbm>> -> memref<4096x768xf32, #tpu.memory_space<hbm>>
    tpu.enqueue_indirect_dma source(%dma_start3A_23 : memref<4096x768xf32, #tpu.memory_space<hbm>>) target(%arg9 : memref<32x768xf32, #tpu.memory_space<vmem>>) offsets(%arg7 : memref<32xi32, #tpu.memory_space<vmem>>) semaphore(%arg12 : memref<!tpu.dma_semaphore, #tpu.memory_space<semaphore_mem>>)
    %dma_start3A_24 = arith.constant 0 : i32
    %dma_start3A_25 = arith.constant 0 : i32
    %dma_start3A_26 = tpu.memref_slice %arg2[%dma_start3A_24, %dma_start3A_25] : memref<4096x768xf32, #tpu.memory_space<hbm>> -> memref<4096x768xf32, #tpu.memory_space<hbm>>
    tpu.enqueue_indirect_dma source(%dma_start3A_26 : memref<4096x768xf32, #tpu.memory_space<hbm>>) target(%arg10 : memref<32x768xf32, #tpu.memory_space<vmem>>) offsets(%arg8 : memref<32xi32, #tpu.memory_space<vmem>>) semaphore(%arg12 : memref<!tpu.dma_semaphore, #tpu.memory_space<semaphore_mem>>)
    "tpu.region"() ({
      %run_scoped3A = tpu.sem_alloc : memref<!tpu.dma_semaphore, #tpu.memory_space<semaphore_mem>>
      %dma_start3A_36 = arith.constant 0 : i32
      %dma_start3A_37 = tpu.memref_slice %arg3[%add3A_20, %dma_start3A_36] : memref<2048x768xf32, #tpu.memory_space<hbm>> -> memref<32x768xf32, #tpu.memory_space<hbm>>
      %dma_start3A_38 = arith.constant 0 : i32
      %dma_start3A_39 = tpu.memref_slice %arg3[%add3A_20, %dma_start3A_38] : memref<2048x768xf32, #tpu.memory_space<hbm>> -> memref<32x768xf32, #tpu.memory_space<hbm>>
      tpu.enqueue_dma source(%dma_start3A_39 : memref<32x768xf32, #tpu.memory_space<hbm>>) target(%arg11 : memref<32x768xf32, #tpu.memory_space<vmem>>) target_semaphore(%run_scoped3A : memref<!tpu.dma_semaphore, #tpu.memory_space<semaphore_mem>>)
      %dma_wait3A_40 = arith.constant 0 : i32
      %dma_wait3A_41 = tpu.memref_slice %arg3[%add3A_20, %dma_wait3A_40] : memref<2048x768xf32, #tpu.memory_space<hbm>> -> memref<32x768xf32, #tpu.memory_space<hbm>>
      %dma_wait3A_42 = arith.constant 0 : i32
      %dma_wait3A_43 = tpu.memref_slice %arg3[%add3A_20, %dma_wait3A_42] : memref<2048x768xf32, #tpu.memory_space<hbm>> -> memref<32x768xf32, #tpu.memory_space<hbm>>
      tpu.wait_dma2 semaphore(%run_scoped3A : memref<!tpu.dma_semaphore, #tpu.memory_space<semaphore_mem>>) src(%dma_wait3A_43 : memref<32x768xf32, #tpu.memory_space<hbm>>) dst(%arg11 : memref<32x768xf32, #tpu.memory_space<vmem>>)
      tpu.yield
    }) : () -> ()
    %dma_wait3A_27 = arith.constant 0 : i32
    %dma_wait3A_28 = arith.constant 0 : i32
    %dma_wait3A_29 = tpu.memref_slice %arg2[%dma_wait3A_27, %dma_wait3A_28] : memref<4096x768xf32, #tpu.memory_space<hbm>> -> memref<4096x768xf32, #tpu.memory_space<hbm>>
    tpu.wait_indirect_dma semaphore(%arg12 : memref<!tpu.dma_semaphore, #tpu.memory_space<semaphore_mem>>) src(%dma_wait3A_29 : memref<4096x768xf32, #tpu.memory_space<hbm>>) dst(%arg9 : memref<32x768xf32, #tpu.memory_space<vmem>>)
    %dma_wait3A_30 = arith.constant 0 : i32
    %dma_wait3A_31 = arith.constant 0 : i32
    %dma_wait3A_32 = tpu.memref_slice %arg2[%dma_wait3A_30, %dma_wait3A_31] : memref<4096x768xf32, #tpu.memory_space<hbm>> -> memref<4096x768xf32, #tpu.memory_space<hbm>>
    tpu.wait_indirect_dma semaphore(%arg12 : memref<!tpu.dma_semaphore, #tpu.memory_space<semaphore_mem>>) src(%dma_wait3A_32 : memref<4096x768xf32, #tpu.memory_space<hbm>>) dst(%arg10 : memref<32x768xf32, #tpu.memory_space<vmem>>)
    %parallel_loop3A_33 = arith.constant 0 : i32
    %parallel_loop3A_34 = arith.constant 32 : i32
    %parallel_loop3A_35 = arith.constant 1 : i32
    scf.for %parallel_loop3A_36 = %parallel_loop3A_33 to %parallel_loop3A_34 step %parallel_loop3A_35  : i32 {
      %parallel_loop3A_37 = arith.index_cast %parallel_loop3A_36 : i32 to index
      %parallel_loop3A_38 = arith.constant 0 : index
      %parallel_loop3A_39 = tpu.vector_load %arg11[%parallel_loop3A_37, %parallel_loop3A_38] {strides = array<i32>} : memref<32x768xf32, #tpu.memory_space<vmem>>, vector<1x16xf32>,
      %parallel_loop3A_40 = vector.shape_cast %parallel_loop3A_39 : vector<1x16xf32> to vector<16xf32>
      %parallel_loop3A_41 = arith.index_cast %parallel_loop3A_36 : i32 to index
      %parallel_loop3A_42 = arith.constant 0 : index
      %parallel_loop3A_43 = tpu.vector_load %arg9[%parallel_loop3A_41, %parallel_loop3A_42] {strides = array<i32>} : memref<32x768xf32, #tpu.memory_space<vmem>>, vector<1x16xf32>,
      %parallel_loop3A_44 = vector.shape_cast %parallel_loop3A_43 : vector<1x16xf32> to vector<16xf32>
      %parallel_loop3A_45 = arith.addf %parallel_loop3A_40, %parallel_loop3A_44 : vector<16xf32>
      %parallel_loop3A_46 = arith.index_cast %parallel_loop3A_36 : i32 to index
      %parallel_loop3A_47 = arith.constant 0 : index
      %parallel_loop3A_48 = tpu.vector_load %arg10[%parallel_loop3A_46, %parallel_loop3A_47] {strides = array<i32>} : memref<32x768xf32, #tpu.memory_space<vmem>>, vector<1x16xf32>,
      %parallel_loop3A_49 = vector.shape_cast %parallel_loop3A_48 : vector<1x16xf32> to vector<16xf32>
      %parallel_loop3A_50 = arith.addf %parallel_loop3A_45, %parallel_loop3A_49 : vector<16xf32>
      %parallel_loop3A_51 = arith.index_cast %parallel_loop3A_36 : i32 to index
      %parallel_loop3A_52 = arith.constant 0 : index
      %parallel_loop3A_53 = tpu.vector_load %arg11[%parallel_loop3A_51, %parallel_loop3A_52] {strides = array<i32>} : memref<32x768xf32, #tpu.memory_space<vmem>>, vector<1x16xf32>,
      %parallel_loop3A_54 = vector.shape_cast %parallel_loop3A_53 : vector<1x16xf32> to vector<16xf32>
      %parallel_loop3A_55 = vector.shape_cast %parallel_loop3A_50 : vector<16xf32> to vector<1x16xf32>
      tpu.vector_store %arg11[%parallel_loop3A_51, %parallel_loop3A_52], %parallel_loop3A_55 {strides = array<i32>} : memref<32x768xf32, #tpu.memory_space<vmem>>, vector<1x16xf32>,
      %parallel_loop3A_56 = arith.index_cast %parallel_loop3A_36 : i32 to index
      %parallel_loop3A_57 = arith.constant 16 : index
      %parallel_loop3A_58 = tpu.vector_load %arg11[%parallel_loop3A_56, %parallel_loop3A_57] {strides = array<i32>} : memref<32x768xf32, #tpu.memory_space<vmem>>, vector<1x16xf32>,
      %parallel_loop3A_59 = vector.shape_cast %parallel_loop3A_58 : vector<1x16xf32> to vector<16xf32>
      %parallel_loop3A_60 = arith.index_cast %parallel_loop3A_36 : i32 to index
      %parallel_loop3A_61 = arith.constant 16 : index
      %parallel_loop3A_62 = tpu.vector_load %arg9[%parallel_loop3A_60, %parallel_loop3A_61] {strides = array<i32>} : memref<32x768xf32, #tpu.memory_space<vmem>>, vector<1x16xf32>,
      %parallel_loop3A_63 = vector.shape_cast %parallel_loop3A_62 : vector<1x16xf32> to vector<16xf32>
      %parallel_loop3A_64 = arith.addf %parallel_loop3A_59, %parallel_loop3A_63 : vector<16xf32>
      %parallel_loop3A_65 = arith.index_cast %parallel_loop3A_36 : i32 to index
      %parallel_loop3A_66 = arith.constant 16 : index
      %parallel_loop3A_67 = tpu.vector_load %arg10[%parallel_loop3A_65, %parallel_loop3A_66] {strides = array<i32>} : memref<32x768xf32, #tpu.memory_space<vmem>>, vector<1x16xf32>,
      %parallel_loop3A_68 = vector.shape_cast %parallel_loop3A_67 : vector<1x16xf32> to vector<16xf32>
      %parallel_loop3A_69 = arith.addf %parallel_loop3A_64, %parallel_loop3A_68 : vector<16xf32>
      %parallel_loop3A_70 = arith.index_cast %parallel_loop3A_36 : i32 to index
      %parallel_loop3A_71 = arith.constant 16 : index
      %parallel_loop3A_72 = tpu.vector_load %arg11[%parallel_loop3A_70, %parallel_loop3A_71] {strides = array<i32>} : memref<32x768xf32, #tpu.memory_space<vmem>>, vector<1x16xf32>,
      %parallel_loop3A_73 = vector.shape_cast %parallel_loop3A_72 : vector<1x16xf32> to vector<16xf32>
      %parallel_loop3A_74 = vector.shape_cast %parallel_loop3A_69 : vector<16xf32> to vector<1x16xf32>
      tpu.vector_store %arg11[%parallel_loop3A_70, %parallel_loop3A_71], %parallel_loop3A_74 {strides = array<i32>} : memref<32x768xf32, #tpu.memory_space<vmem>>, vector<1x16xf32>,
      %parallel_loop3A_75 = arith.index_cast %parallel_loop3A_36 : i32 to index
      %parallel_loop3A_76 = arith.constant 32 : index
      %parallel_loop3A_77 = tpu.vector_load %arg11[%parallel_loop3A_75, %parallel_loop3A_76] {strides = array<i32>} : memref<32x768xf32, #tpu.memory_space<vmem>>, vector<1x16xf32>,
      %parallel_loop3A_78 = vector.shape_cast %parallel_loop3A_77 : vector<1x16xf32> to vector<16xf32>
      %parallel_loop3A_79 = arith.index_cast %parallel_loop3A_36 : i32 to index
      %parallel_loop3A_80 = arith.constant 32 : index
      %parallel_loop3A_81 = tpu.vector_load %arg9[%parallel_loop3A_79, %parallel_loop3A_80] {strides = array<i32>} : memref<32x768xf32, #tpu.memory_space<vmem>>, vector<1x16xf32>,
      %parallel_loop3A_82 = vector.shape_cast %parallel_loop3A_81 : vector<1x16xf32> to vector<16xf32>
      %parallel_loop3A_83 = arith.addf %parallel_loop3A_78, %parallel_loop3A_82 : vector<16xf32>
      %parallel_loop3A_84 = arith.index_cast %parallel_loop3A_36 : i32 to index
      %parallel_loop3A_85 = arith.constant 32 : index
      %parallel_loop3A_86 = tpu.vector_load %arg10[%parallel_loop3A_84, %parallel_loop3A_85] {strides = array<i32>} : memref<32x768xf32, #tpu.memory_space<vmem>>, vector<1x16xf32>,
      %parallel_loop3A_87 = vector.shape_cast %parallel_loop3A_86 : vector<1x16xf32> to vector<16xf32>
      %parallel_loop3A_88 = arith.addf %parallel_loop3A_83, %parallel_loop3A_87 : vector<16xf32>
      %parallel_loop3A_89 = arith.index_cast %parallel_loop3A_36 : i32 to index
      %parallel_loop3A_90 = arith.constant 32 : index
      %parallel_loop3A_91 = tpu.vector_load %arg11[%parallel_loop3A_89, %parallel_loop3A_90] {strides = array<i32>} : memref<32x768xf32, #tpu.memory_space<vmem>>, vector<1x16xf32>,
      %parallel_loop3A_92 = vector.shape_cast %parallel_loop3A_91 : vector<1x16xf32> to vector<16xf32>
      %parallel_loop3A_93 = vector.shape_cast %parallel_loop3A_88 : vector<16xf32> to vector<1x16xf32>
      tpu.vector_store %arg11[%parallel_loop3A_89, %parallel_loop3A_90], %parallel_loop3A_93 {strides = array<i32>} : memref<32x768xf32, #tpu.memory_space<vmem>>, vector<1x16xf32>,
      %parallel_loop3A_94 = arith.index_cast %parallel_loop3A_36 : i32 to index
      %parallel_loop3A_95 = arith.constant 48 : index
      %parallel_loop3A_96 = tpu.vector_load %arg11[%parallel_loop3A_94, %parallel_loop3A_95] {strides = array<i32>} : memref<32x768xf32, #tpu.memory_space<vmem>>, vector<1x16xf32>,
      %parallel_loop3A_97 = vector.shape_cast %parallel_loop3A_96 : vector<1x16xf32> to vector<16xf32>
      %parallel_loop3A_98 = arith.index_cast %parallel_loop3A_36 : i32 to index
      %parallel_loop3A_99 = arith.constant 48 : index
      %parallel_loop3A_100 = tpu.vector_load %arg9[%parallel_loop3A_98, %parallel_loop3A_99] {strides = array<i32>} : memref<32x768xf32, #tpu.memory_space<vmem>>, vector<1x16xf32>,
      %parallel_loop3A_101 = vector.shape_cast %parallel_loop3A_100 : vector<1x16xf32> to vector<16xf32>
      %parallel_loop3A_102 = arith.addf %parallel_loop3A_97, %parallel_loop3A_101 : vector<16xf32>
      %parallel_loop3A_103 = arith.index_cast %parallel_loop3A_36 : i32 to index
      %parallel_loop3A_104 = arith.constant 48 : index
      %parallel_loop3A_105 = tpu.vector_load %arg10[%parallel_loop3A_103, %parallel_loop3A_104] {strides = array<i32>} : memref<32x768xf32, #tpu.memory_space<vmem>>, vector<1x16xf32>,
      %parallel_loop3A_106 = vector.shape_cast %parallel_loop3A_105 : vector<1x16xf32> to vector<16xf32>
      %parallel_loop3A_107 = arith.addf %parallel_loop3A_102, %parallel_loop3A_106 : vector<16xf32>
      %parallel_loop3A_108 = arith.index_cast %parallel_loop3A_36 : i32 to index
      %parallel_loop3A_109 = arith.constant 48 : index
      %parallel_loop3A_110 = tpu.vector_load %arg11[%parallel_loop3A_108, %parallel_loop3A_109] {strides = array<i32>} : memref<32x768xf32, #tpu.memory_space<vmem>>, vector<1x16xf32>,
      %parallel_loop3A_111 = vector.shape_cast %parallel_loop3A_110 : vector<1x16xf32> to vector<16xf32>
      %parallel_loop3A_112 = vector.shape_cast %parallel_loop3A_107 : vector<16xf32> to vector<1x16xf32>
      tpu.vector_store %arg11[%parallel_loop3A_108, %parallel_loop3A_109], %parallel_loop3A_112 {strides = array<i32>} : memref<32x768xf32, #tpu.memory_space<vmem>>, vector<1x16xf32>,
      %parallel_loop3A_113 = arith.index_cast %parallel_loop3A_36 : i32 to index
      %parallel_loop3A_114 = arith.constant 64 : index
      %parallel_loop3A_115 = tpu.vector_load %arg11[%parallel_loop3A_113, %parallel_loop3A_114] {strides = array<i32>} : memref<32x768xf32, #tpu.memory_space<vmem>>, vector<1x16xf32>,
      %parallel_loop3A_116 = vector.shape_cast %parallel_loop3A_115 : vector<1x16xf32> to vector<16xf32>
      %parallel_loop3A_117 = arith.index_cast %parallel_loop3A_36 : i32 to index
      %parallel_loop3A_118 = arith.constant 64 : index
      %parallel_loop3A_119 = tpu.vector_load %arg9[%parallel_loop3A_117, %parallel_loop3A_118] {strides = array<i32>} : memref<32x768xf32, #tpu.memory_space<vmem>>, vector<1x16xf32>,
      %parallel_loop3A_120 = vector.shape_cast %parallel_loop3A_119 : vector<1x16xf32> to vector<16xf32>
      %parallel_loop3A_121 = arith.addf %parallel_loop3A_116, %parallel_loop3A_120 : vector<16xf32>
      %parallel_loop3A_122 = arith.index_cast %parallel_loop3A_36 : i32 to index
      %parallel_loop3A_123 = arith.constant 64 : index
      %parallel_loop3A_124 = tpu.vector_load %arg10[%parallel_loop3A_122, %parallel_loop3A_123] {strides = array<i32>} : memref<32x768xf32, #tpu.memory_space<vmem>>, vector<1x16xf32>,
      %parallel_loop3A_125 = vector.shape_cast %parallel_loop3A_124 : vector<1x16xf32> to vector<16xf32>
      %parallel_loop3A_126 = arith.addf %parallel_loop3A_121, %parallel_loop3A_125 : vector<16xf32>
      %parallel_loop3A_127 = arith.index_cast %parallel_loop3A_36 : i32 to index
      %parallel_loop3A_128 = arith.constant 64 : index
      %parallel_loop3A_129 = tpu.vector_load %arg11[%parallel_loop3A_127, %parallel_loop3A_128] {strides = array<i32>} : memref<32x768xf32, #tpu.memory_space<vmem>>, vector<1x16xf32>,
      %parallel_loop3A_130 = vector.shape_cast %parallel_loop3A_129 : vector<1x16xf32> to vector<16xf32>
      %parallel_loop3A_131 = vector.shape_cast %parallel_loop3A_126 : vector<16xf32> to vector<1x16xf32>
      tpu.vector_store %arg11[%parallel_loop3A_127, %parallel_loop3A_128], %parallel_loop3A_131 {strides = array<i32>} : memref<32x768xf32, #tpu.memory_space<vmem>>, vector<1x16xf32>,
      %parallel_loop3A_132 = arith.index_cast %parallel_loop3A_36 : i32 to index
      %parallel_loop3A_133 = arith.constant 80 : index
      %parallel_loop3A_134 = tpu.vector_load %arg11[%parallel_loop3A_132, %parallel_loop3A_133] {strides = array<i32>} : memref<32x768xf32, #tpu.memory_space<vmem>>, vector<1x16xf32>,
      %parallel_loop3A_135 = vector.shape_cast %parallel_loop3A_134 : vector<1x16xf32> to vector<16xf32>
      %parallel_loop3A_136 = arith.index_cast %parallel_loop3A_36 : i32 to index
      %parallel_loop3A_137 = arith.constant 80 : index
      %parallel_loop3A_138 = tpu.vector_load %arg9[%parallel_loop3A_136, %parallel_loop3A_137] {strides = array<i32>} : memref<32x768xf32, #tpu.memory_space<vmem>>, vector<1x16xf32>,
      %parallel_loop3A_139 = vector.shape_cast %parallel_loop3A_138 : vector<1x16xf32> to vector<16xf32>
      %parallel_loop3A_140 = arith.addf %parallel_loop3A_135, %parallel_loop3A_139 : vector<16xf32>
      %parallel_loop3A_141 = arith.index_cast %parallel_loop3A_36 : i32 to index
      %parallel_loop3A_142 = arith.constant 80 : index
      %parallel_loop3A_143 = tpu.vector_load %arg10[%parallel_loop3A_141, %parallel_loop3A_142] {strides = array<i32>} : memref<32x768xf32, #tpu.memory_space<vmem>>, vector<1x16xf32>,
      %parallel_loop3A_144 = vector.shape_cast %parallel_loop3A_143 : vector<1x16xf32> to vector<16xf32>
      %parallel_loop3A_145 = arith.addf %parallel_loop3A_140, %parallel_loop3A_144 : vector<16xf32>
      %parallel_loop3A_146 = arith.index_cast %parallel_loop3A_36 : i32 to index
      %parallel_loop3A_147 = arith.constant 80 : index
      %parallel_loop3A_148 = tpu.vector_load %arg11[%parallel_loop3A_146, %parallel_loop3A_147] {strides = array<i32>} : memref<32x768xf32, #tpu.memory_space<vmem>>, vector<1x16xf32>,
      %parallel_loop3A_149 = vector.shape_cast %parallel_loop3A_148 : vector<1x16xf32> to vector<16xf32>
      %parallel_loop3A_150 = vector.shape_cast %parallel_loop3A_145 : vector<16xf32> to vector<1x16xf32>
      tpu.vector_store %arg11[%parallel_loop3A_146, %parallel_loop3A_147], %parallel_loop3A_150 {strides = array<i32>} : memref<32x768xf32, #tpu.memory_space<vmem>>, vector<1x16xf32>,
      %parallel_loop3A_151 = arith.index_cast %parallel_loop3A_36 : i32 to index
      %parallel_loop3A_152 = arith.constant 96 : index
      %parallel_loop3A_153 = tpu.vector_load %arg11[%parallel_loop3A_151, %parallel_loop3A_152] {strides = array<i32>} : memref<32x768xf32, #tpu.memory_space<vmem>>, vector<1x16xf32>,
      %parallel_loop3A_154 = vector.shape_cast %parallel_loop3A_153 : vector<1x16xf32> to vector<16xf32>
      %parallel_loop3A_155 = arith.index_cast %parallel_loop3A_36 : i32 to index
      %parallel_loop3A_156 = arith.constant 96 : index
      %parallel_loop3A_157 = tpu.vector_load %arg9[%parallel_loop3A_155, %parallel_loop3A_156] {strides = array<i32>} : memref<32x768xf32, #tpu.memory_space<vmem>>, vector<1x16xf32>,
      %parallel_loop3A_158 = vector.shape_cast %parallel_loop3A_157 : vector<1x16xf32> to vector<16xf32>
      %parallel_loop3A_159 = arith.addf %parallel_loop3A_154, %parallel_loop3A_158 : vector<16xf32>
      %parallel_loop3A_160 = arith.index_cast %parallel_loop3A_36 : i32 to index
      %parallel_loop3A_161 = arith.constant 96 : index
      %parallel_loop3A_162 = tpu.vector_load %arg10[%parallel_loop3A_160, %parallel_loop3A_161] {strides = array<i32>} : memref<32x768xf32, #tpu.memory_space<vmem>>, vector<1x16xf32>,
      %parallel_loop3A_163 = vector.shape_cast %parallel_loop3A_162 : vector<1x16xf32> to vector<16xf32>
      %parallel_loop3A_164 = arith.addf %parallel_loop3A_159, %parallel_loop3A_163 : vector<16xf32>
      %parallel_loop3A_165 = arith.index_cast %parallel_loop3A_36 : i32 to index
      %parallel_loop3A_166 = arith.constant 96 : index
      %parallel_loop3A_167 = tpu.vector_load %arg11[%parallel_loop3A_165, %parallel_loop3A_166] {strides = array<i32>} : memref<32x768xf32, #tpu.memory_space<vmem>>, vector<1x16xf32>,
      %parallel_loop3A_168 = vector.shape_cast %parallel_loop3A_167 : vector<1x16xf32> to vector<16xf32>
      %parallel_loop3A_169 = vector.shape_cast %parallel_loop3A_164 : vector<16xf32> to vector<1x16xf32>
      tpu.vector_store %arg11[%parallel_loop3A_165, %parallel_loop3A_166], %parallel_loop3A_169 {strides = array<i32>} : memref<32x768xf32, #tpu.memory_space<vmem>>, vector<1x16xf32>,
      %parallel_loop3A_170 = arith.index_cast %parallel_loop3A_36 : i32 to index
      %parallel_loop3A_171 = arith.constant 112 : index
      %parallel_loop3A_172 = tpu.vector_load %arg11[%parallel_loop3A_170, %parallel_loop3A_171] {strides = array<i32>} : memref<32x768xf32, #tpu.memory_space<vmem>>, vector<1x16xf32>,
      %parallel_loop3A_173 = vector.shape_cast %parallel_loop3A_172 : vector<1x16xf32> to vector<16xf32>
      %parallel_loop3A_174 = arith.index_cast %parallel_loop3A_36 : i32 to index
      %parallel_loop3A_175 = arith.constant 112 : index
      %parallel_loop3A_176 = tpu.vector_load %arg9[%parallel_loop3A_174, %parallel_loop3A_175] {strides = array<i32>} : memref<32x768xf32, #tpu.memory_space<vmem>>, vector<1x16xf32>,
      %parallel_loop3A_177 = vector.shape_cast %parallel_loop3A_176 : vector<1x16xf32> to vector<16xf32>
      %parallel_loop3A_178 = arith.addf %parallel_loop3A_173, %parallel_loop3A_177 : vector<16xf32>
      %parallel_loop3A_179 = arith.index_cast %parallel_loop3A_36 : i32 to index
      %parallel_loop3A_180 = arith.constant 112 : index
      %parallel_loop3A_181 = tpu.vector_load %arg10[%parallel_loop3A_179, %parallel_loop3A_180] {strides = array<i32>} : memref<32x768xf32, #tpu.memory_space<vmem>>, vector<1x16xf32>,
      %parallel_loop3A_182 = vector.shape_cast %parallel_loop3A_181 : vector<1x16xf32> to vector<16xf32>
      %parallel_loop3A_183 = arith.addf %parallel_loop3A_178, %parallel_loop3A_182 : vector<16xf32>
      %parallel_loop3A_184 = arith.index_cast %parallel_loop3A_36 : i32 to index
      %parallel_loop3A_185 = arith.constant 112 : index
      %parallel_loop3A_186 = tpu.vector_load %arg11[%parallel_loop3A_184, %parallel_loop3A_185] {strides = array<i32>} : memref<32x768xf32, #tpu.memory_space<vmem>>, vector<1x16xf32>,
      %parallel_loop3A_187 = vector.shape_cast %parallel_loop3A_186 : vector<1x16xf32> to vector<16xf32>
      %parallel_loop3A_188 = vector.shape_cast %parallel_loop3A_183 : vector<16xf32> to vector<1x16xf32>
      tpu.vector_store %arg11[%parallel_loop3A_184, %parallel_loop3A_185], %parallel_loop3A_188 {strides = array<i32>} : memref<32x768xf32, #tpu.memory_space<vmem>>, vector<1x16xf32>,
      %parallel_loop3A_189 = arith.index_cast %parallel_loop3A_36 : i32 to index
      %parallel_loop3A_190 = arith.constant 128 : index
      %parallel_loop3A_191 = tpu.vector_load %arg11[%parallel_loop3A_189, %parallel_loop3A_190] {strides = array<i32>} : memref<32x768xf32, #tpu.memory_space<vmem>>, vector<1x16xf32>,
      %parallel_loop3A_192 = vector.shape_cast %parallel_loop3A_191 : vector<1x16xf32> to vector<16xf32>
      %parallel_loop3A_193 = arith.index_cast %parallel_loop3A_36 : i32 to index
      %parallel_loop3A_194 = arith.constant 128 : index
      %parallel_loop3A_195 = tpu.vector_load %arg9[%parallel_loop3A_193, %parallel_loop3A_194] {strides = array<i32>} : memref<32x768xf32, #tpu.memory_space<vmem>>, vector<1x16xf32>,
      %parallel_loop3A_196 = vector.shape_cast %parallel_loop3A_195 : vector<1x16xf32> to vector<16xf32>
      %parallel_loop3A_197 = arith.addf %parallel_loop3A_192, %parallel_loop3A_196 : vector<16xf32>
      %parallel_loop3A_198 = arith.index_cast %parallel_loop3A_36 : i32 to index
      %parallel_loop3A_199 = arith.constant 128 : index
      %parallel_loop3A_200 = tpu.vector_load %arg10[%parallel_loop3A_198, %parallel_loop3A_199] {strides = array<i32>} : memref<32x768xf32, #tpu.memory_space<vmem>>, vector<1x16xf32>,
      %parallel_loop3A_201 = vector.shape_cast %parallel_loop3A_200 : vector<1x16xf32> to vector<16xf32>
      %parallel_loop3A_202 = arith.addf %parallel_loop3A_197, %parallel_loop3A_201 : vector<16xf32>
      %parallel_loop3A_203 = arith.index_cast %parallel_loop3A_36 : i32 to index
      %parallel_loop3A_204 = arith.constant 128 : index
      %parallel_loop3A_205 = tpu.vector_load %arg11[%parallel_loop3A_203, %parallel_loop3A_204] {strides = array<i32>} : memref<32x768xf32, #tpu.memory_space<vmem>>, vector<1x16xf32>,
      %parallel_loop3A_206 = vector.shape_cast %parallel_loop3A_205 : vector<1x16xf32> to vector<16xf32>
      %parallel_loop3A_207 = vector.shape_cast %parallel_loop3A_202 : vector<16xf32> to vector<1x16xf32>
      tpu.vector_store %arg11[%parallel_loop3A_203, %parallel_loop3A_204], %parallel_loop3A_207 {strides = array<i32>} : memref<32x768xf32, #tpu.memory_space<vmem>>, vector<1x16xf32>,
      %parallel_loop3A_208 = arith.index_cast %parallel_loop3A_36 : i32 to index
      %parallel_loop3A_209 = arith.constant 144 : index
      %parallel_loop3A_210 = tpu.vector_load %arg11[%parallel_loop3A_208, %parallel_loop3A_209] {strides = array<i32>} : memref<32x768xf32, #tpu.memory_space<vmem>>, vector<1x16xf32>,
      %parallel_loop3A_211 = vector.shape_cast %parallel_loop3A_210 : vector<1x16xf32> to vector<16xf32>
      %parallel_loop3A_212 = arith.index_cast %parallel_loop3A_36 : i32 to index
      %parallel_loop3A_213 = arith.constant 144 : index
      %parallel_loop3A_214 = tpu.vector_load %arg9[%parallel_loop3A_212, %parallel_loop3A_213] {strides = array<i32>} : memref<32x768xf32, #tpu.memory_space<vmem>>, vector<1x16xf32>,
      %parallel_loop3A_215 = vector.shape_cast %parallel_loop3A_214 : vector<1x16xf32> to vector<16xf32>
      %parallel_loop3A_216 = arith.addf %parallel_loop3A_211, %parallel_loop3A_215 : vector<16xf32>
      %parallel_loop3A_217 = arith.index_cast %parallel_loop3A_36 : i32 to index
      %parallel_loop3A_218 = arith.constant 144 : index
      %parallel_loop3A_219 = tpu.vector_load %arg10[%parallel_loop3A_217, %parallel_loop3A_218] {strides = array<i32>} : memref<32x768xf32, #tpu.memory_space<vmem>>, vector<1x16xf32>,
      %parallel_loop3A_220 = vector.shape_cast %parallel_loop3A_219 : vector<1x16xf32> to vector<16xf32>
      %parallel_loop3A_221 = arith.addf %parallel_loop3A_216, %parallel_loop3A_220 : vector<16xf32>
      %parallel_loop3A_222 = arith.index_cast %parallel_loop3A_36 : i32 to index
      %parallel_loop3A_223 = arith.constant 144 : index
      %parallel_loop3A_224 = tpu.vector_load %arg11[%parallel_loop3A_222, %parallel_loop3A_223] {strides = array<i32>} : memref<32x768xf32, #tpu.memory_space<vmem>>, vector<1x16xf32>,
      %parallel_loop3A_225 = vector.shape_cast %parallel_loop3A_224 : vector<1x16xf32> to vector<16xf32>
      %parallel_loop3A_226 = vector.shape_cast %parallel_loop3A_221 : vector<16xf32> to vector<1x16xf32>
      tpu.vector_store %arg11[%parallel_loop3A_222, %parallel_loop3A_223], %parallel_loop3A_226 {strides = array<i32>} : memref<32x768xf32, #tpu.memory_space<vmem>>, vector<1x16xf32>,
      %parallel_loop3A_227 = arith.index_cast %parallel_loop3A_36 : i32 to index
      %parallel_loop3A_228 = arith.constant 160 : index
      %parallel_loop3A_229 = tpu.vector_load %arg11[%parallel_loop3A_227, %parallel_loop3A_228] {strides = array<i32>} : memref<32x768xf32, #tpu.memory_space<vmem>>, vector<1x16xf32>,
      %parallel_loop3A_230 = vector.shape_cast %parallel_loop3A_229 : vector<1x16xf32> to vector<16xf32>
      %parallel_loop3A_231 = arith.index_cast %parallel_loop3A_36 : i32 to index
      %parallel_loop3A_232 = arith.constant 160 : index
      %parallel_loop3A_233 = tpu.vector_load %arg9[%parallel_loop3A_231, %parallel_loop3A_232] {strides = array<i32>} : memref<32x768xf32, #tpu.memory_space<vmem>>, vector<1x16xf32>,
      %parallel_loop3A_234 = vector.shape_cast %parallel_loop3A_233 : vector<1x16xf32> to vector<16xf32>
      %parallel_loop3A_235 = arith.addf %parallel_loop3A_230, %parallel_loop3A_234 : vector<16xf32>
      %parallel_loop3A_236 = arith.index_cast %parallel_loop3A_36 : i32 to index
      %parallel_loop3A_237 = arith.constant 160 : index
      %parallel_loop3A_238 = tpu.vector_load %arg10[%parallel_loop3A_236, %parallel_loop3A_237] {strides = array<i32>} : memref<32x768xf32, #tpu.memory_space<vmem>>, vector<1x16xf32>,
      %parallel_loop3A_239 = vector.shape_cast %parallel_loop3A_238 : vector<1x16xf32> to vector<16xf32>
      %parallel_loop3A_240 = arith.addf %parallel_loop3A_235, %parallel_loop3A_239 : vector<16xf32>
      %parallel_loop3A_241 = arith.index_cast %parallel_loop3A_36 : i32 to index
      %parallel_loop3A_242 = arith.constant 160 : index
      %parallel_loop3A_243 = tpu.vector_load %arg11[%parallel_loop3A_241, %parallel_loop3A_242] {strides = array<i32>} : memref<32x768xf32, #tpu.memory_space<vmem>>, vector<1x16xf32>,
      %parallel_loop3A_244 = vector.shape_cast %parallel_loop3A_243 : vector<1x16xf32> to vector<16xf32>
      %parallel_loop3A_245 = vector.shape_cast %parallel_loop3A_240 : vector<16xf32> to vector<1x16xf32>
      tpu.vector_store %arg11[%parallel_loop3A_241, %parallel_loop3A_242], %parallel_loop3A_245 {strides = array<i32>} : memref<32x768xf32, #tpu.memory_space<vmem>>, vector<1x16xf32>,
      %parallel_loop3A_246 = arith.index_cast %parallel_loop3A_36 : i32 to index
      %parallel_loop3A_247 = arith.constant 176 : index
      %parallel_loop3A_248 = tpu.vector_load %arg11[%parallel_loop3A_246, %parallel_loop3A_247] {strides = array<i32>} : memref<32x768xf32, #tpu.memory_space<vmem>>, vector<1x16xf32>,
      %parallel_loop3A_249 = vector.shape_cast %parallel_loop3A_248 : vector<1x16xf32> to vector<16xf32>
      %parallel_loop3A_250 = arith.index_cast %parallel_loop3A_36 : i32 to index
      %parallel_loop3A_251 = arith.constant 176 : index
      %parallel_loop3A_252 = tpu.vector_load %arg9[%parallel_loop3A_250, %parallel_loop3A_251] {strides = array<i32>} : memref<32x768xf32, #tpu.memory_space<vmem>>, vector<1x16xf32>,
      %parallel_loop3A_253 = vector.shape_cast %parallel_loop3A_252 : vector<1x16xf32> to vector<16xf32>
      %parallel_loop3A_254 = arith.addf %parallel_loop3A_249, %parallel_loop3A_253 : vector<16xf32>
      %parallel_loop3A_255 = arith.index_cast %parallel_loop3A_36 : i32 to index
      %parallel_loop3A_256 = arith.constant 176 : index
      %parallel_loop3A_257 = tpu.vector_load %arg10[%parallel_loop3A_255, %parallel_loop3A_256] {strides = array<i32>} : memref<32x768xf32, #tpu.memory_space<vmem>>, vector<1x16xf32>,
      %parallel_loop3A_258 = vector.shape_cast %parallel_loop3A_257 : vector<1x16xf32> to vector<16xf32>
      %parallel_loop3A_259 = arith.addf %parallel_loop3A_254, %parallel_loop3A_258 : vector<16xf32>
      %parallel_loop3A_260 = arith.index_cast %parallel_loop3A_36 : i32 to index
      %parallel_loop3A_261 = arith.constant 176 : index
      %parallel_loop3A_262 = tpu.vector_load %arg11[%parallel_loop3A_260, %parallel_loop3A_261] {strides = array<i32>} : memref<32x768xf32, #tpu.memory_space<vmem>>, vector<1x16xf32>,
      %parallel_loop3A_263 = vector.shape_cast %parallel_loop3A_262 : vector<1x16xf32> to vector<16xf32>
      %parallel_loop3A_264 = vector.shape_cast %parallel_loop3A_259 : vector<16xf32> to vector<1x16xf32>
      tpu.vector_store %arg11[%parallel_loop3A_260, %parallel_loop3A_261], %parallel_loop3A_264 {strides = array<i32>} : memref<32x768xf32, #tpu.memory_space<vmem>>, vector<1x16xf32>,
      %parallel_loop3A_265 = arith.index_cast %parallel_loop3A_36 : i32 to index
      %parallel_loop3A_266 = arith.constant 192 : index
      %parallel_loop3A_267 = tpu.vector_load %arg11[%parallel_loop3A_265, %parallel_loop3A_266] {strides = array<i32>} : memref<32x768xf32, #tpu.memory_space<vmem>>, vector<1x16xf32>,
      %parallel_loop3A_268 = vector.shape_cast %parallel_loop3A_267 : vector<1x16xf32> to vector<16xf32>
      %parallel_loop3A_269 = arith.index_cast %parallel_loop3A_36 : i32 to index
      %parallel_loop3A_270 = arith.constant 192 : index
      %parallel_loop3A_271 = tpu.vector_load %arg9[%parallel_loop3A_269, %parallel_loop3A_270] {strides = array<i32>} : memref<32x768xf32, #tpu.memory_space<vmem>>, vector<1x16xf32>,
      %parallel_loop3A_272 = vector.shape_cast %parallel_loop3A_271 : vector<1x16xf32> to vector<16xf32>
      %parallel_loop3A_273 = arith.addf %parallel_loop3A_268, %parallel_loop3A_272 : vector<16xf32>
      %parallel_loop3A_274 = arith.index_cast %parallel_loop3A_36 : i32 to index
      %parallel_loop3A_275 = arith.constant 192 : index
      %parallel_loop3A_276 = tpu.vector_load %arg10[%parallel_loop3A_274, %parallel_loop3A_275] {strides = array<i32>} : memref<32x768xf32, #tpu.memory_space<vmem>>, vector<1x16xf32>,
      %parallel_loop3A_277 = vector.shape_cast %parallel_loop3A_276 : vector<1x16xf32> to vector<16xf32>
      %parallel_loop3A_278 = arith.addf %parallel_loop3A_273, %parallel_loop3A_277 : vector<16xf32>
      %parallel_loop3A_279 = arith.index_cast %parallel_loop3A_36 : i32 to index
      %parallel_loop3A_280 = arith.constant 192 : index
      %parallel_loop3A_281 = tpu.vector_load %arg11[%parallel_loop3A_279, %parallel_loop3A_280] {strides = array<i32>} : memref<32x768xf32, #tpu.memory_space<vmem>>, vector<1x16xf32>,
      %parallel_loop3A_282 = vector.shape_cast %parallel_loop3A_281 : vector<1x16xf32> to vector<16xf32>
      %parallel_loop3A_283 = vector.shape_cast %parallel_loop3A_278 : vector<16xf32> to vector<1x16xf32>
      tpu.vector_store %arg11[%parallel_loop3A_279, %parallel_loop3A_280], %parallel_loop3A_283 {strides = array<i32>} : memref<32x768xf32, #tpu.memory_space<vmem>>, vector<1x16xf32>,
      %parallel_loop3A_284 = arith.index_cast %parallel_loop3A_36 : i32 to index
      %parallel_loop3A_285 = arith.constant 208 : index
      %parallel_loop3A_286 = tpu.vector_load %arg11[%parallel_loop3A_284, %parallel_loop3A_285] {strides = array<i32>} : memref<32x768xf32, #tpu.memory_space<vmem>>, vector<1x16xf32>,
      %parallel_loop3A_287 = vector.shape_cast %parallel_loop3A_286 : vector<1x16xf32> to vector<16xf32>
      %parallel_loop3A_288 = arith.index_cast %parallel_loop3A_36 : i32 to index
      %parallel_loop3A_289 = arith.constant 208 : index
      %parallel_loop3A_290 = tpu.vector_load %arg9[%parallel_loop3A_288, %parallel_loop3A_289] {strides = array<i32>} : memref<32x768xf32, #tpu.memory_space<vmem>>, vector<1x16xf32>,
      %parallel_loop3A_291 = vector.shape_cast %parallel_loop3A_290 : vector<1x16xf32> to vector<16xf32>
      %parallel_loop3A_292 = arith.addf %parallel_loop3A_287, %parallel_loop3A_291 : vector<16xf32>
      %parallel_loop3A_293 = arith.index_cast %parallel_loop3A_36 : i32 to index
      %parallel_loop3A_294 = arith.constant 208 : index
      %parallel_loop3A_295 = tpu.vector_load %arg10[%parallel_loop3A_293, %parallel_loop3A_294] {strides = array<i32>} : memref<32x768xf32, #tpu.memory_space<vmem>>, vector<1x16xf32>,
      %parallel_loop3A_296 = vector.shape_cast %parallel_loop3A_295 : vector<1x16xf32> to vector<16xf32>
      %parallel_loop3A_297 = arith.addf %parallel_loop3A_292, %parallel_loop3A_296 : vector<16xf32>
      %parallel_loop3A_298 = arith.index_cast %parallel_loop3A_36 : i32 to index
      %parallel_loop3A_299 = arith.constant 208 : index
      %parallel_loop3A_300 = tpu.vector_load %arg11[%parallel_loop3A_298, %parallel_loop3A_299] {strides = array<i32>} : memref<32x768xf32, #tpu.memory_space<vmem>>, vector<1x16xf32>,
      %parallel_loop3A_301 = vector.shape_cast %parallel_loop3A_300 : vector<1x16xf32> to vector<16xf32>
      %parallel_loop3A_302 = vector.shape_cast %parallel_loop3A_297 : vector<16xf32> to vector<1x16xf32>
      tpu.vector_store %arg11[%parallel_loop3A_298, %parallel_loop3A_299], %parallel_loop3A_302 {strides = array<i32>} : memref<32x768xf32, #tpu.memory_space<vmem>>, vector<1x16xf32>,
      %parallel_loop3A_303 = arith.index_cast %parallel_loop3A_36 : i32 to index
      %parallel_loop3A_304 = arith.constant 224 : index
      %parallel_loop3A_305 = tpu.vector_load %arg11[%parallel_loop3A_303, %parallel_loop3A_304] {strides = array<i32>} : memref<32x768xf32, #tpu.memory_space<vmem>>, vector<1x16xf32>,
      %parallel_loop3A_306 = vector.shape_cast %parallel_loop3A_305 : vector<1x16xf32> to vector<16xf32>
      %parallel_loop3A_307 = arith.index_cast %parallel_loop3A_36 : i32 to index
      %parallel_loop3A_308 = arith.constant 224 : index
      %parallel_loop3A_309 = tpu.vector_load %arg9[%parallel_loop3A_307, %parallel_loop3A_308] {strides = array<i32>} : memref<32x768xf32, #tpu.memory_space<vmem>>, vector<1x16xf32>,
      %parallel_loop3A_310 = vector.shape_cast %parallel_loop3A_309 : vector<1x16xf32> to vector<16xf32>
      %parallel_loop3A_311 = arith.addf %parallel_loop3A_306, %parallel_loop3A_310 : vector<16xf32>
      %parallel_loop3A_312 = arith.index_cast %parallel_loop3A_36 : i32 to index
      %parallel_loop3A_313 = arith.constant 224 : index
      %parallel_loop3A_314 = tpu.vector_load %arg10[%parallel_loop3A_312, %parallel_loop3A_313] {strides = array<i32>} : memref<32x768xf32, #tpu.memory_space<vmem>>, vector<1x16xf32>,
      %parallel_loop3A_315 = vector.shape_cast %parallel_loop3A_314 : vector<1x16xf32> to vector<16xf32>
      %parallel_loop3A_316 = arith.addf %parallel_loop3A_311, %parallel_loop3A_315 : vector<16xf32>
      %parallel_loop3A_317 = arith.index_cast %parallel_loop3A_36 : i32 to index
      %parallel_loop3A_318 = arith.constant 224 : index
      %parallel_loop3A_319 = tpu.vector_load %arg11[%parallel_loop3A_317, %parallel_loop3A_318] {strides = array<i32>} : memref<32x768xf32, #tpu.memory_space<vmem>>, vector<1x16xf32>,
      %parallel_loop3A_320 = vector.shape_cast %parallel_loop3A_319 : vector<1x16xf32> to vector<16xf32>
      %parallel_loop3A_321 = vector.shape_cast %parallel_loop3A_316 : vector<16xf32> to vector<1x16xf32>
      tpu.vector_store %arg11[%parallel_loop3A_317, %parallel_loop3A_318], %parallel_loop3A_321 {strides = array<i32>} : memref<32x768xf32, #tpu.memory_space<vmem>>, vector<1x16xf32>,
      %parallel_loop3A_322 = arith.index_cast %parallel_loop3A_36 : i32 to index
      %parallel_loop3A_323 = arith.constant 240 : index
      %parallel_loop3A_324 = tpu.vector_load %arg11[%parallel_loop3A_322, %parallel_loop3A_323] {strides = array<i32>} : memref<32x768xf32, #tpu.memory_space<vmem>>, vector<1x16xf32>,
      %parallel_loop3A_325 = vector.shape_cast %parallel_loop3A_324 : vector<1x16xf32> to vector<16xf32>
      %parallel_loop3A_326 = arith.index_cast %parallel_loop3A_36 : i32 to index
      %parallel_loop3A_327 = arith.constant 240 : index
      %parallel_loop3A_328 = tpu.vector_load %arg9[%parallel_loop3A_326, %parallel_loop3A_327] {strides = array<i32>} : memref<32x768xf32, #tpu.memory_space<vmem>>, vector<1x16xf32>,
      %parallel_loop3A_329 = vector.shape_cast %parallel_loop3A_328 : vector<1x16xf32> to vector<16xf32>
      %parallel_loop3A_330 = arith.addf %parallel_loop3A_325, %parallel_loop3A_329 : vector<16xf32>
      %parallel_loop3A_331 = arith.index_cast %parallel_loop3A_36 : i32 to index
      %parallel_loop3A_332 = arith.constant 240 : index
      %parallel_loop3A_333 = tpu.vector_load %arg10[%parallel_loop3A_331, %parallel_loop3A_332] {strides = array<i32>} : memref<32x768xf32, #tpu.memory_space<vmem>>, vector<1x16xf32>,
      %parallel_loop3A_334 = vector.shape_cast %parallel_loop3A_333 : vector<1x16xf32> to vector<16xf32>
      %parallel_loop3A_335 = arith.addf %parallel_loop3A_330, %parallel_loop3A_334 : vector<16xf32>
      %parallel_loop3A_336 = arith.index_cast %parallel_loop3A_36 : i32 to index
      %parallel_loop3A_337 = arith.constant 240 : index
      %parallel_loop3A_338 = tpu.vector_load %arg11[%parallel_loop3A_336, %parallel_loop3A_337] {strides = array<i32>} : memref<32x768xf32, #tpu.memory_space<vmem>>, vector<1x16xf32>,
      %parallel_loop3A_339 = vector.shape_cast %parallel_loop3A_338 : vector<1x16xf32> to vector<16xf32>
      %parallel_loop3A_340 = vector.shape_cast %parallel_loop3A_335 : vector<16xf32> to vector<1x16xf32>
      tpu.vector_store %arg11[%parallel_loop3A_336, %parallel_loop3A_337], %parallel_loop3A_340 {strides = array<i32>} : memref<32x768xf32, #tpu.memory_space<vmem>>, vector<1x16xf32>,
      %parallel_loop3A_341 = arith.index_cast %parallel_loop3A_36 : i32 to index
      %parallel_loop3A_342 = arith.constant 256 : index
      %parallel_loop3A_343 = tpu.vector_load %arg11[%parallel_loop3A_341, %parallel_loop3A_342] {strides = array<i32>} : memref<32x768xf32, #tpu.memory_space<vmem>>, vector<1x16xf32>,
      %parallel_loop3A_344 = vector.shape_cast %parallel_loop3A_343 : vector<1x16xf32> to vector<16xf32>
      %parallel_loop3A_345 = arith.index_cast %parallel_loop3A_36 : i32 to index
      %parallel_loop3A_346 = arith.constant 256 : index
      %parallel_loop3A_347 = tpu.vector_load %arg9[%parallel_loop3A_345, %parallel_loop3A_346] {strides = array<i32>} : memref<32x768xf32, #tpu.memory_space<vmem>>, vector<1x16xf32>,
      %parallel_loop3A_348 = vector.shape_cast %parallel_loop3A_347 : vector<1x16xf32> to vector<16xf32>
      %parallel_loop3A_349 = arith.addf %parallel_loop3A_344, %parallel_loop3A_348 : vector<16xf32>
      %parallel_loop3A_350 = arith.index_cast %parallel_loop3A_36 : i32 to index
      %parallel_loop3A_351 = arith.constant 256 : index
      %parallel_loop3A_352 = tpu.vector_load %arg10[%parallel_loop3A_350, %parallel_loop3A_351] {strides = array<i32>} : memref<32x768xf32, #tpu.memory_space<vmem>>, vector<1x16xf32>,
      %parallel_loop3A_353 = vector.shape_cast %parallel_loop3A_352 : vector<1x16xf32> to vector<16xf32>
      %parallel_loop3A_354 = arith.addf %parallel_loop3A_349, %parallel_loop3A_353 : vector<16xf32>
      %parallel_loop3A_355 = arith.index_cast %parallel_loop3A_36 : i32 to index
      %parallel_loop3A_356 = arith.constant 256 : index
      %parallel_loop3A_357 = tpu.vector_load %arg11[%parallel_loop3A_355, %parallel_loop3A_356] {strides = array<i32>} : memref<32x768xf32, #tpu.memory_space<vmem>>, vector<1x16xf32>,
      %parallel_loop3A_358 = vector.shape_cast %parallel_loop3A_357 : vector<1x16xf32> to vector<16xf32>
      %parallel_loop3A_359 = vector.shape_cast %parallel_loop3A_354 : vector<16xf32> to vector<1x16xf32>
      tpu.vector_store %arg11[%parallel_loop3A_355, %parallel_loop3A_356], %parallel_loop3A_359 {strides = array<i32>} : memref<32x768xf32, #tpu.memory_space<vmem>>, vector<1x16xf32>,
      %parallel_loop3A_360 = arith.index_cast %parallel_loop3A_36 : i32 to index
      %parallel_loop3A_361 = arith.constant 272 : index
      %parallel_loop3A_362 = tpu.vector_load %arg11[%parallel_loop3A_360, %parallel_loop3A_361] {strides = array<i32>} : memref<32x768xf32, #tpu.memory_space<vmem>>, vector<1x16xf32>,
      %parallel_loop3A_363 = vector.shape_cast %parallel_loop3A_362 : vector<1x16xf32> to vector<16xf32>
      %parallel_loop3A_364 = arith.index_cast %parallel_loop3A_36 : i32 to index
      %parallel_loop3A_365 = arith.constant 272 : index
      %parallel_loop3A_366 = tpu.vector_load %arg9[%parallel_loop3A_364, %parallel_loop3A_365] {strides = array<i32>} : memref<32x768xf32, #tpu.memory_space<vmem>>, vector<1x16xf32>,
      %parallel_loop3A_367 = vector.shape_cast %parallel_loop3A_366 : vector<1x16xf32> to vector<16xf32>
      %parallel_loop3A_368 = arith.addf %parallel_loop3A_363, %parallel_loop3A_367 : vector<16xf32>
      %parallel_loop3A_369 = arith.index_cast %parallel_loop3A_36 : i32 to index
      %parallel_loop3A_370 = arith.constant 272 : index
      %parallel_loop3A_371 = tpu.vector_load %arg10[%parallel_loop3A_369, %parallel_loop3A_370] {strides = array<i32>} : memref<32x768xf32, #tpu.memory_space<vmem>>, vector<1x16xf32>,
      %parallel_loop3A_372 = vector.shape_cast %parallel_loop3A_371 : vector<1x16xf32> to vector<16xf32>
      %parallel_loop3A_373 = arith.addf %parallel_loop3A_368, %parallel_loop3A_372 : vector<16xf32>
      %parallel_loop3A_374 = arith.index_cast %parallel_loop3A_36 : i32 to index
      %parallel_loop3A_375 = arith.constant 272 : index
      %parallel_loop3A_376 = tpu.vector_load %arg11[%parallel_loop3A_374, %parallel_loop3A_375] {strides = array<i32>} : memref<32x768xf32, #tpu.memory_space<vmem>>, vector<1x16xf32>,
      %parallel_loop3A_377 = vector.shape_cast %parallel_loop3A_376 : vector<1x16xf32> to vector<16xf32>
      %parallel_loop3A_378 = vector.shape_cast %parallel_loop3A_373 : vector<16xf32> to vector<1x16xf32>
      tpu.vector_store %arg11[%parallel_loop3A_374, %parallel_loop3A_375], %parallel_loop3A_378 {strides = array<i32>} : memref<32x768xf32, #tpu.memory_space<vmem>>, vector<1x16xf32>,
      %parallel_loop3A_379 = arith.index_cast %parallel_loop3A_36 : i32 to index
      %parallel_loop3A_380 = arith.constant 288 : index
      %parallel_loop3A_381 = tpu.vector_load %arg11[%parallel_loop3A_379, %parallel_loop3A_380] {strides = array<i32>} : memref<32x768xf32, #tpu.memory_space<vmem>>, vector<1x16xf32>,
      %parallel_loop3A_382 = vector.shape_cast %parallel_loop3A_381 : vector<1x16xf32> to vector<16xf32>
      %parallel_loop3A_383 = arith.index_cast %parallel_loop3A_36 : i32 to index
      %parallel_loop3A_384 = arith.constant 288 : index
      %parallel_loop3A_385 = tpu.vector_load %arg9[%parallel_loop3A_383, %parallel_loop3A_384] {strides = array<i32>} : memref<32x768xf32, #tpu.memory_space<vmem>>, vector<1x16xf32>,
      %parallel_loop3A_386 = vector.shape_cast %parallel_loop3A_385 : vector<1x16xf32> to vector<16xf32>
      %parallel_loop3A_387 = arith.addf %parallel_loop3A_382, %parallel_loop3A_386 : vector<16xf32>
      %parallel_loop3A_388 = arith.index_cast %parallel_loop3A_36 : i32 to index
      %parallel_loop3A_389 = arith.constant 288 : index
      %parallel_loop3A_390 = tpu.vector_load %arg10[%parallel_loop3A_388, %parallel_loop3A_389] {strides = array<i32>} : memref<32x768xf32, #tpu.memory_space<vmem>>, vector<1x16xf32>,
      %parallel_loop3A_391 = vector.shape_cast %parallel_loop3A_390 : vector<1x16xf32> to vector<16xf32>
      %parallel_loop3A_392 = arith.addf %parallel_loop3A_387, %parallel_loop3A_391 : vector<16xf32>
      %parallel_loop3A_393 = arith.index_cast %parallel_loop3A_36 : i32 to index
      %parallel_loop3A_394 = arith.constant 288 : index
      %parallel_loop3A_395 = tpu.vector_load %arg11[%parallel_loop3A_393, %parallel_loop3A_394] {strides = array<i32>} : memref<32x768xf32, #tpu.memory_space<vmem>>, vector<1x16xf32>,
      %parallel_loop3A_396 = vector.shape_cast %parallel_loop3A_395 : vector<1x16xf32> to vector<16xf32>
      %parallel_loop3A_397 = vector.shape_cast %parallel_loop3A_392 : vector<16xf32> to vector<1x16xf32>
      tpu.vector_store %arg11[%parallel_loop3A_393, %parallel_loop3A_394], %parallel_loop3A_397 {strides = array<i32>} : memref<32x768xf32, #tpu.memory_space<vmem>>, vector<1x16xf32>,
      %parallel_loop3A_398 = arith.index_cast %parallel_loop3A_36 : i32 to index
      %parallel_loop3A_399 = arith.constant 304 : index
      %parallel_loop3A_400 = tpu.vector_load %arg11[%parallel_loop3A_398, %parallel_loop3A_399] {strides = array<i32>} : memref<32x768xf32, #tpu.memory_space<vmem>>, vector<1x16xf32>,
      %parallel_loop3A_401 = vector.shape_cast %parallel_loop3A_400 : vector<1x16xf32> to vector<16xf32>
      %parallel_loop3A_402 = arith.index_cast %parallel_loop3A_36 : i32 to index
      %parallel_loop3A_403 = arith.constant 304 : index
      %parallel_loop3A_404 = tpu.vector_load %arg9[%parallel_loop3A_402, %parallel_loop3A_403] {strides = array<i32>} : memref<32x768xf32, #tpu.memory_space<vmem>>, vector<1x16xf32>,
      %parallel_loop3A_405 = vector.shape_cast %parallel_loop3A_404 : vector<1x16xf32> to vector<16xf32>
      %parallel_loop3A_406 = arith.addf %parallel_loop3A_401, %parallel_loop3A_405 : vector<16xf32>
      %parallel_loop3A_407 = arith.index_cast %parallel_loop3A_36 : i32 to index
      %parallel_loop3A_408 = arith.constant 304 : index
      %parallel_loop3A_409 = tpu.vector_load %arg10[%parallel_loop3A_407, %parallel_loop3A_408] {strides = array<i32>} : memref<32x768xf32, #tpu.memory_space<vmem>>, vector<1x16xf32>,
      %parallel_loop3A_410 = vector.shape_cast %parallel_loop3A_409 : vector<1x16xf32> to vector<16xf32>
      %parallel_loop3A_411 = arith.addf %parallel_loop3A_406, %parallel_loop3A_410 : vector<16xf32>
      %parallel_loop3A_412 = arith.index_cast %parallel_loop3A_36 : i32 to index
      %parallel_loop3A_413 = arith.constant 304 : index
      %parallel_loop3A_414 = tpu.vector_load %arg11[%parallel_loop3A_412, %parallel_loop3A_413] {strides = array<i32>} : memref<32x768xf32, #tpu.memory_space<vmem>>, vector<1x16xf32>,
      %parallel_loop3A_415 = vector.shape_cast %parallel_loop3A_414 : vector<1x16xf32> to vector<16xf32>
      %parallel_loop3A_416 = vector.shape_cast %parallel_loop3A_411 : vector<16xf32> to vector<1x16xf32>
      tpu.vector_store %arg11[%parallel_loop3A_412, %parallel_loop3A_413], %parallel_loop3A_416 {strides = array<i32>} : memref<32x768xf32, #tpu.memory_space<vmem>>, vector<1x16xf32>,
      %parallel_loop3A_417 = arith.index_cast %parallel_loop3A_36 : i32 to index
      %parallel_loop3A_418 = arith.constant 320 : index
      %parallel_loop3A_419 = tpu.vector_load %arg11[%parallel_loop3A_417, %parallel_loop3A_418] {strides = array<i32>} : memref<32x768xf32, #tpu.memory_space<vmem>>, vector<1x16xf32>,
      %parallel_loop3A_420 = vector.shape_cast %parallel_loop3A_419 : vector<1x16xf32> to vector<16xf32>
      %parallel_loop3A_421 = arith.index_cast %parallel_loop3A_36 : i32 to index
      %parallel_loop3A_422 = arith.constant 320 : index
      %parallel_loop3A_423 = tpu.vector_load %arg9[%parallel_loop3A_421, %parallel_loop3A_422] {strides = array<i32>} : memref<32x768xf32, #tpu.memory_space<vmem>>, vector<1x16xf32>,
      %parallel_loop3A_424 = vector.shape_cast %parallel_loop3A_423 : vector<1x16xf32> to vector<16xf32>
      %parallel_loop3A_425 = arith.addf %parallel_loop3A_420, %parallel_loop3A_424 : vector<16xf32>
      %parallel_loop3A_426 = arith.index_cast %parallel_loop3A_36 : i32 to index
      %parallel_loop3A_427 = arith.constant 320 : index
      %parallel_loop3A_428 = tpu.vector_load %arg10[%parallel_loop3A_426, %parallel_loop3A_427] {strides = array<i32>} : memref<32x768xf32, #tpu.memory_space<vmem>>, vector<1x16xf32>,
      %parallel_loop3A_429 = vector.shape_cast %parallel_loop3A_428 : vector<1x16xf32> to vector<16xf32>
      %parallel_loop3A_430 = arith.addf %parallel_loop3A_425, %parallel_loop3A_429 : vector<16xf32>
      %parallel_loop3A_431 = arith.index_cast %parallel_loop3A_36 : i32 to index
      %parallel_loop3A_432 = arith.constant 320 : index
      %parallel_loop3A_433 = tpu.vector_load %arg11[%parallel_loop3A_431, %parallel_loop3A_432] {strides = array<i32>} : memref<32x768xf32, #tpu.memory_space<vmem>>, vector<1x16xf32>,
      %parallel_loop3A_434 = vector.shape_cast %parallel_loop3A_433 : vector<1x16xf32> to vector<16xf32>
      %parallel_loop3A_435 = vector.shape_cast %parallel_loop3A_430 : vector<16xf32> to vector<1x16xf32>
      tpu.vector_store %arg11[%parallel_loop3A_431, %parallel_loop3A_432], %parallel_loop3A_435 {strides = array<i32>} : memref<32x768xf32, #tpu.memory_space<vmem>>, vector<1x16xf32>,
      %parallel_loop3A_436 = arith.index_cast %parallel_loop3A_36 : i32 to index
      %parallel_loop3A_437 = arith.constant 336 : index
      %parallel_loop3A_438 = tpu.vector_load %arg11[%parallel_loop3A_436, %parallel_loop3A_437] {strides = array<i32>} : memref<32x768xf32, #tpu.memory_space<vmem>>, vector<1x16xf32>,
      %parallel_loop3A_439 = vector.shape_cast %parallel_loop3A_438 : vector<1x16xf32> to vector<16xf32>
      %parallel_loop3A_440 = arith.index_cast %parallel_loop3A_36 : i32 to index
      %parallel_loop3A_441 = arith.constant 336 : index
      %parallel_loop3A_442 = tpu.vector_load %arg9[%parallel_loop3A_440, %parallel_loop3A_441] {strides = array<i32>} : memref<32x768xf32, #tpu.memory_space<vmem>>, vector<1x16xf32>,
      %parallel_loop3A_443 = vector.shape_cast %parallel_loop3A_442 : vector<1x16xf32> to vector<16xf32>
      %parallel_loop3A_444 = arith.addf %parallel_loop3A_439, %parallel_loop3A_443 : vector<16xf32>
      %parallel_loop3A_445 = arith.index_cast %parallel_loop3A_36 : i32 to index
      %parallel_loop3A_446 = arith.constant 336 : index
      %parallel_loop3A_447 = tpu.vector_load %arg10[%parallel_loop3A_445, %parallel_loop3A_446] {strides = array<i32>} : memref<32x768xf32, #tpu.memory_space<vmem>>, vector<1x16xf32>,
      %parallel_loop3A_448 = vector.shape_cast %parallel_loop3A_447 : vector<1x16xf32> to vector<16xf32>
      %parallel_loop3A_449 = arith.addf %parallel_loop3A_444, %parallel_loop3A_448 : vector<16xf32>
      %parallel_loop3A_450 = arith.index_cast %parallel_loop3A_36 : i32 to index
      %parallel_loop3A_451 = arith.constant 336 : index
      %parallel_loop3A_452 = tpu.vector_load %arg11[%parallel_loop3A_450, %parallel_loop3A_451] {strides = array<i32>} : memref<32x768xf32, #tpu.memory_space<vmem>>, vector<1x16xf32>,
      %parallel_loop3A_453 = vector.shape_cast %parallel_loop3A_452 : vector<1x16xf32> to vector<16xf32>
      %parallel_loop3A_454 = vector.shape_cast %parallel_loop3A_449 : vector<16xf32> to vector<1x16xf32>
      tpu.vector_store %arg11[%parallel_loop3A_450, %parallel_loop3A_451], %parallel_loop3A_454 {strides = array<i32>} : memref<32x768xf32, #tpu.memory_space<vmem>>, vector<1x16xf32>,
      %parallel_loop3A_455 = arith.index_cast %parallel_loop3A_36 : i32 to index
      %parallel_loop3A_456 = arith.constant 352 : index
      %parallel_loop3A_457 = tpu.vector_load %arg11[%parallel_loop3A_455, %parallel_loop3A_456] {strides = array<i32>} : memref<32x768xf32, #tpu.memory_space<vmem>>, vector<1x16xf32>,
      %parallel_loop3A_458 = vector.shape_cast %parallel_loop3A_457 : vector<1x16xf32> to vector<16xf32>
      %parallel_loop3A_459 = arith.index_cast %parallel_loop3A_36 : i32 to index
      %parallel_loop3A_460 = arith.constant 352 : index
      %parallel_loop3A_461 = tpu.vector_load %arg9[%parallel_loop3A_459, %parallel_loop3A_460] {strides = array<i32>} : memref<32x768xf32, #tpu.memory_space<vmem>>, vector<1x16xf32>,
      %parallel_loop3A_462 = vector.shape_cast %parallel_loop3A_461 : vector<1x16xf32> to vector<16xf32>
      %parallel_loop3A_463 = arith.addf %parallel_loop3A_458, %parallel_loop3A_462 : vector<16xf32>
      %parallel_loop3A_464 = arith.index_cast %parallel_loop3A_36 : i32 to index
      %parallel_loop3A_465 = arith.constant 352 : index
      %parallel_loop3A_466 = tpu.vector_load %arg10[%parallel_loop3A_464, %parallel_loop3A_465] {strides = array<i32>} : memref<32x768xf32, #tpu.memory_space<vmem>>, vector<1x16xf32>,
      %parallel_loop3A_467 = vector.shape_cast %parallel_loop3A_466 : vector<1x16xf32> to vector<16xf32>
      %parallel_loop3A_468 = arith.addf %parallel_loop3A_463, %parallel_loop3A_467 : vector<16xf32>
      %parallel_loop3A_469 = arith.index_cast %parallel_loop3A_36 : i32 to index
      %parallel_loop3A_470 = arith.constant 352 : index
      %parallel_loop3A_471 = tpu.vector_load %arg11[%parallel_loop3A_469, %parallel_loop3A_470] {strides = array<i32>} : memref<32x768xf32, #tpu.memory_space<vmem>>, vector<1x16xf32>,
      %parallel_loop3A_472 = vector.shape_cast %parallel_loop3A_471 : vector<1x16xf32> to vector<16xf32>
      %parallel_loop3A_473 = vector.shape_cast %parallel_loop3A_468 : vector<16xf32> to vector<1x16xf32>
      tpu.vector_store %arg11[%parallel_loop3A_469, %parallel_loop3A_470], %parallel_loop3A_473 {strides = array<i32>} : memref<32x768xf32, #tpu.memory_space<vmem>>, vector<1x16xf32>,
      %parallel_loop3A_474 = arith.index_cast %parallel_loop3A_36 : i32 to index
      %parallel_loop3A_475 = arith.constant 368 : index
      %parallel_loop3A_476 = tpu.vector_load %arg11[%parallel_loop3A_474, %parallel_loop3A_475] {strides = array<i32>} : memref<32x768xf32, #tpu.memory_space<vmem>>, vector<1x16xf32>,
      %parallel_loop3A_477 = vector.shape_cast %parallel_loop3A_476 : vector<1x16xf32> to vector<16xf32>
      %parallel_loop3A_478 = arith.index_cast %parallel_loop3A_36 : i32 to index
      %parallel_loop3A_479 = arith.constant 368 : index
      %parallel_loop3A_480 = tpu.vector_load %arg9[%parallel_loop3A_478, %parallel_loop3A_479] {strides = array<i32>} : memref<32x768xf32, #tpu.memory_space<vmem>>, vector<1x16xf32>,
      %parallel_loop3A_481 = vector.shape_cast %parallel_loop3A_480 : vector<1x16xf32> to vector<16xf32>
      %parallel_loop3A_482 = arith.addf %parallel_loop3A_477, %parallel_loop3A_481 : vector<16xf32>
      %parallel_loop3A_483 = arith.index_cast %parallel_loop3A_36 : i32 to index
      %parallel_loop3A_484 = arith.constant 368 : index
      %parallel_loop3A_485 = tpu.vector_load %arg10[%parallel_loop3A_483, %parallel_loop3A_484] {strides = array<i32>} : memref<32x768xf32, #tpu.memory_space<vmem>>, vector<1x16xf32>,
      %parallel_loop3A_486 = vector.shape_cast %parallel_loop3A_485 : vector<1x16xf32> to vector<16xf32>
      %parallel_loop3A_487 = arith.addf %parallel_loop3A_482, %parallel_loop3A_486 : vector<16xf32>
      %parallel_loop3A_488 = arith.index_cast %parallel_loop3A_36 : i32 to index
      %parallel_loop3A_489 = arith.constant 368 : index
      %parallel_loop3A_490 = tpu.vector_load %arg11[%parallel_loop3A_488, %parallel_loop3A_489] {strides = array<i32>} : memref<32x768xf32, #tpu.memory_space<vmem>>, vector<1x16xf32>,
      %parallel_loop3A_491 = vector.shape_cast %parallel_loop3A_490 : vector<1x16xf32> to vector<16xf32>
      %parallel_loop3A_492 = vector.shape_cast %parallel_loop3A_487 : vector<16xf32> to vector<1x16xf32>
      tpu.vector_store %arg11[%parallel_loop3A_488, %parallel_loop3A_489], %parallel_loop3A_492 {strides = array<i32>} : memref<32x768xf32, #tpu.memory_space<vmem>>, vector<1x16xf32>,
      %parallel_loop3A_493 = arith.index_cast %parallel_loop3A_36 : i32 to index
      %parallel_loop3A_494 = arith.constant 384 : index
      %parallel_loop3A_495 = tpu.vector_load %arg11[%parallel_loop3A_493, %parallel_loop3A_494] {strides = array<i32>} : memref<32x768xf32, #tpu.memory_space<vmem>>, vector<1x16xf32>,
      %parallel_loop3A_496 = vector.shape_cast %parallel_loop3A_495 : vector<1x16xf32> to vector<16xf32>
      %parallel_loop3A_497 = arith.index_cast %parallel_loop3A_36 : i32 to index
      %parallel_loop3A_498 = arith.constant 384 : index
      %parallel_loop3A_499 = tpu.vector_load %arg9[%parallel_loop3A_497, %parallel_loop3A_498] {strides = array<i32>} : memref<32x768xf32, #tpu.memory_space<vmem>>, vector<1x16xf32>,
      %parallel_loop3A_500 = vector.shape_cast %parallel_loop3A_499 : vector<1x16xf32> to vector<16xf32>
      %parallel_loop3A_501 = arith.addf %parallel_loop3A_496, %parallel_loop3A_500 : vector<16xf32>
      %parallel_loop3A_502 = arith.index_cast %parallel_loop3A_36 : i32 to index
      %parallel_loop3A_503 = arith.constant 384 : index
      %parallel_loop3A_504 = tpu.vector_load %arg10[%parallel_loop3A_502, %parallel_loop3A_503] {strides = array<i32>} : memref<32x768xf32, #tpu.memory_space<vmem>>, vector<1x16xf32>,
      %parallel_loop3A_505 = vector.shape_cast %parallel_loop3A_504 : vector<1x16xf32> to vector<16xf32>
      %parallel_loop3A_506 = arith.addf %parallel_loop3A_501, %parallel_loop3A_505 : vector<16xf32>
      %parallel_loop3A_507 = arith.index_cast %parallel_loop3A_36 : i32 to index
      %parallel_loop3A_508 = arith.constant 384 : index
      %parallel_loop3A_509 = tpu.vector_load %arg11[%parallel_loop3A_507, %parallel_loop3A_508] {strides = array<i32>} : memref<32x768xf32, #tpu.memory_space<vmem>>, vector<1x16xf32>,
      %parallel_loop3A_510 = vector.shape_cast %parallel_loop3A_509 : vector<1x16xf32> to vector<16xf32>
      %parallel_loop3A_511 = vector.shape_cast %parallel_loop3A_506 : vector<16xf32> to vector<1x16xf32>
      tpu.vector_store %arg11[%parallel_loop3A_507, %parallel_loop3A_508], %parallel_loop3A_511 {strides = array<i32>} : memref<32x768xf32, #tpu.memory_space<vmem>>, vector<1x16xf32>,
      %parallel_loop3A_512 = arith.index_cast %parallel_loop3A_36 : i32 to index
      %parallel_loop3A_513 = arith.constant 400 : index
      %parallel_loop3A_514 = tpu.vector_load %arg11[%parallel_loop3A_512, %parallel_loop3A_513] {strides = array<i32>} : memref<32x768xf32, #tpu.memory_space<vmem>>, vector<1x16xf32>,
      %parallel_loop3A_515 = vector.shape_cast %parallel_loop3A_514 : vector<1x16xf32> to vector<16xf32>
      %parallel_loop3A_516 = arith.index_cast %parallel_loop3A_36 : i32 to index
      %parallel_loop3A_517 = arith.constant 400 : index
      %parallel_loop3A_518 = tpu.vector_load %arg9[%parallel_loop3A_516, %parallel_loop3A_517] {strides = array<i32>} : memref<32x768xf32, #tpu.memory_space<vmem>>, vector<1x16xf32>,
      %parallel_loop3A_519 = vector.shape_cast %parallel_loop3A_518 : vector<1x16xf32> to vector<16xf32>
      %parallel_loop3A_520 = arith.addf %parallel_loop3A_515, %parallel_loop3A_519 : vector<16xf32>
      %parallel_loop3A_521 = arith.index_cast %parallel_loop3A_36 : i32 to index
      %parallel_loop3A_522 = arith.constant 400 : index
      %parallel_loop3A_523 = tpu.vector_load %arg10[%parallel_loop3A_521, %parallel_loop3A_522] {strides = array<i32>} : memref<32x768xf32, #tpu.memory_space<vmem>>, vector<1x16xf32>,
      %parallel_loop3A_524 = vector.shape_cast %parallel_loop3A_523 : vector<1x16xf32> to vector<16xf32>
      %parallel_loop3A_525 = arith.addf %parallel_loop3A_520, %parallel_loop3A_524 : vector<16xf32>
      %parallel_loop3A_526 = arith.index_cast %parallel_loop3A_36 : i32 to index
      %parallel_loop3A_527 = arith.constant 400 : index
      %parallel_loop3A_528 = tpu.vector_load %arg11[%parallel_loop3A_526, %parallel_loop3A_527] {strides = array<i32>} : memref<32x768xf32, #tpu.memory_space<vmem>>, vector<1x16xf32>,
      %parallel_loop3A_529 = vector.shape_cast %parallel_loop3A_528 : vector<1x16xf32> to vector<16xf32>
      %parallel_loop3A_530 = vector.shape_cast %parallel_loop3A_525 : vector<16xf32> to vector<1x16xf32>
      tpu.vector_store %arg11[%parallel_loop3A_526, %parallel_loop3A_527], %parallel_loop3A_530 {strides = array<i32>} : memref<32x768xf32, #tpu.memory_space<vmem>>, vector<1x16xf32>,
      %parallel_loop3A_531 = arith.index_cast %parallel_loop3A_36 : i32 to index
      %parallel_loop3A_532 = arith.constant 416 : index
      %parallel_loop3A_533 = tpu.vector_load %arg11[%parallel_loop3A_531, %parallel_loop3A_532] {strides = array<i32>} : memref<32x768xf32, #tpu.memory_space<vmem>>, vector<1x16xf32>,
      %parallel_loop3A_534 = vector.shape_cast %parallel_loop3A_533 : vector<1x16xf32> to vector<16xf32>
      %parallel_loop3A_535 = arith.index_cast %parallel_loop3A_36 : i32 to index
      %parallel_loop3A_536 = arith.constant 416 : index
      %parallel_loop3A_537 = tpu.vector_load %arg9[%parallel_loop3A_535, %parallel_loop3A_536] {strides = array<i32>} : memref<32x768xf32, #tpu.memory_space<vmem>>, vector<1x16xf32>,
      %parallel_loop3A_538 = vector.shape_cast %parallel_loop3A_537 : vector<1x16xf32> to vector<16xf32>
      %parallel_loop3A_539 = arith.addf %parallel_loop3A_534, %parallel_loop3A_538 : vector<16xf32>
      %parallel_loop3A_540 = arith.index_cast %parallel_loop3A_36 : i32 to index
      %parallel_loop3A_541 = arith.constant 416 : index
      %parallel_loop3A_542 = tpu.vector_load %arg10[%parallel_loop3A_540, %parallel_loop3A_541] {strides = array<i32>} : memref<32x768xf32, #tpu.memory_space<vmem>>, vector<1x16xf32>,
      %parallel_loop3A_543 = vector.shape_cast %parallel_loop3A_542 : vector<1x16xf32> to vector<16xf32>
      %parallel_loop3A_544 = arith.addf %parallel_loop3A_539, %parallel_loop3A_543 : vector<16xf32>
      %parallel_loop3A_545 = arith.index_cast %parallel_loop3A_36 : i32 to index
      %parallel_loop3A_546 = arith.constant 416 : index
      %parallel_loop3A_547 = tpu.vector_load %arg11[%parallel_loop3A_545, %parallel_loop3A_546] {strides = array<i32>} : memref<32x768xf32, #tpu.memory_space<vmem>>, vector<1x16xf32>,
      %parallel_loop3A_548 = vector.shape_cast %parallel_loop3A_547 : vector<1x16xf32> to vector<16xf32>
      %parallel_loop3A_549 = vector.shape_cast %parallel_loop3A_544 : vector<16xf32> to vector<1x16xf32>
      tpu.vector_store %arg11[%parallel_loop3A_545, %parallel_loop3A_546], %parallel_loop3A_549 {strides = array<i32>} : memref<32x768xf32, #tpu.memory_space<vmem>>, vector<1x16xf32>,
      %parallel_loop3A_550 = arith.index_cast %parallel_loop3A_36 : i32 to index
      %parallel_loop3A_551 = arith.constant 432 : index
      %parallel_loop3A_552 = tpu.vector_load %arg11[%parallel_loop3A_550, %parallel_loop3A_551] {strides = array<i32>} : memref<32x768xf32, #tpu.memory_space<vmem>>, vector<1x16xf32>,
      %parallel_loop3A_553 = vector.shape_cast %parallel_loop3A_552 : vector<1x16xf32> to vector<16xf32>
      %parallel_loop3A_554 = arith.index_cast %parallel_loop3A_36 : i32 to index
      %parallel_loop3A_555 = arith.constant 432 : index
      %parallel_loop3A_556 = tpu.vector_load %arg9[%parallel_loop3A_554, %parallel_loop3A_555] {strides = array<i32>} : memref<32x768xf32, #tpu.memory_space<vmem>>, vector<1x16xf32>,
      %parallel_loop3A_557 = vector.shape_cast %parallel_loop3A_556 : vector<1x16xf32> to vector<16xf32>
      %parallel_loop3A_558 = arith.addf %parallel_loop3A_553, %parallel_loop3A_557 : vector<16xf32>
      %parallel_loop3A_559 = arith.index_cast %parallel_loop3A_36 : i32 to index
      %parallel_loop3A_560 = arith.constant 432 : index
      %parallel_loop3A_561 = tpu.vector_load %arg10[%parallel_loop3A_559, %parallel_loop3A_560] {strides = array<i32>} : memref<32x768xf32, #tpu.memory_space<vmem>>, vector<1x16xf32>,
      %parallel_loop3A_562 = vector.shape_cast %parallel_loop3A_561 : vector<1x16xf32> to vector<16xf32>
      %parallel_loop3A_563 = arith.addf %parallel_loop3A_558, %parallel_loop3A_562 : vector<16xf32>
      %parallel_loop3A_564 = arith.index_cast %parallel_loop3A_36 : i32 to index
      %parallel_loop3A_565 = arith.constant 432 : index
      %parallel_loop3A_566 = tpu.vector_load %arg11[%parallel_loop3A_564, %parallel_loop3A_565] {strides = array<i32>} : memref<32x768xf32, #tpu.memory_space<vmem>>, vector<1x16xf32>,
      %parallel_loop3A_567 = vector.shape_cast %parallel_loop3A_566 : vector<1x16xf32> to vector<16xf32>
      %parallel_loop3A_568 = vector.shape_cast %parallel_loop3A_563 : vector<16xf32> to vector<1x16xf32>
      tpu.vector_store %arg11[%parallel_loop3A_564, %parallel_loop3A_565], %parallel_loop3A_568 {strides = array<i32>} : memref<32x768xf32, #tpu.memory_space<vmem>>, vector<1x16xf32>,
      %parallel_loop3A_569 = arith.index_cast %parallel_loop3A_36 : i32 to index
      %parallel_loop3A_570 = arith.constant 448 : index
      %parallel_loop3A_571 = tpu.vector_load %arg11[%parallel_loop3A_569, %parallel_loop3A_570] {strides = array<i32>} : memref<32x768xf32, #tpu.memory_space<vmem>>, vector<1x16xf32>,
      %parallel_loop3A_572 = vector.shape_cast %parallel_loop3A_571 : vector<1x16xf32> to vector<16xf32>
      %parallel_loop3A_573 = arith.index_cast %parallel_loop3A_36 : i32 to index
      %parallel_loop3A_574 = arith.constant 448 : index
      %parallel_loop3A_575 = tpu.vector_load %arg9[%parallel_loop3A_573, %parallel_loop3A_574] {strides = array<i32>} : memref<32x768xf32, #tpu.memory_space<vmem>>, vector<1x16xf32>,
      %parallel_loop3A_576 = vector.shape_cast %parallel_loop3A_575 : vector<1x16xf32> to vector<16xf32>
      %parallel_loop3A_577 = arith.addf %parallel_loop3A_572, %parallel_loop3A_576 : vector<16xf32>
      %parallel_loop3A_578 = arith.index_cast %parallel_loop3A_36 : i32 to index
      %parallel_loop3A_579 = arith.constant 448 : index
      %parallel_loop3A_580 = tpu.vector_load %arg10[%parallel_loop3A_578, %parallel_loop3A_579] {strides = array<i32>} : memref<32x768xf32, #tpu.memory_space<vmem>>, vector<1x16xf32>,
      %parallel_loop3A_581 = vector.shape_cast %parallel_loop3A_580 : vector<1x16xf32> to vector<16xf32>
      %parallel_loop3A_582 = arith.addf %parallel_loop3A_577, %parallel_loop3A_581 : vector<16xf32>
      %parallel_loop3A_583 = arith.index_cast %parallel_loop3A_36 : i32 to index
      %parallel_loop3A_584 = arith.constant 448 : index
      %parallel_loop3A_585 = tpu.vector_load %arg11[%parallel_loop3A_583, %parallel_loop3A_584] {strides = array<i32>} : memref<32x768xf32, #tpu.memory_space<vmem>>, vector<1x16xf32>,
      %parallel_loop3A_586 = vector.shape_cast %parallel_loop3A_585 : vector<1x16xf32> to vector<16xf32>
      %parallel_loop3A_587 = vector.shape_cast %parallel_loop3A_582 : vector<16xf32> to vector<1x16xf32>
      tpu.vector_store %arg11[%parallel_loop3A_583, %parallel_loop3A_584], %parallel_loop3A_587 {strides = array<i32>} : memref<32x768xf32, #tpu.memory_space<vmem>>, vector<1x16xf32>,
      %parallel_loop3A_588 = arith.index_cast %parallel_loop3A_36 : i32 to index
      %parallel_loop3A_589 = arith.constant 464 : index
      %parallel_loop3A_590 = tpu.vector_load %arg11[%parallel_loop3A_588, %parallel_loop3A_589] {strides = array<i32>} : memref<32x768xf32, #tpu.memory_space<vmem>>, vector<1x16xf32>,
      %parallel_loop3A_591 = vector.shape_cast %parallel_loop3A_590 : vector<1x16xf32> to vector<16xf32>
      %parallel_loop3A_592 = arith.index_cast %parallel_loop3A_36 : i32 to index
      %parallel_loop3A_593 = arith.constant 464 : index
      %parallel_loop3A_594 = tpu.vector_load %arg9[%parallel_loop3A_592, %parallel_loop3A_593] {strides = array<i32>} : memref<32x768xf32, #tpu.memory_space<vmem>>, vector<1x16xf32>,
      %parallel_loop3A_595 = vector.shape_cast %parallel_loop3A_594 : vector<1x16xf32> to vector<16xf32>
      %parallel_loop3A_596 = arith.addf %parallel_loop3A_591, %parallel_loop3A_595 : vector<16xf32>
      %parallel_loop3A_597 = arith.index_cast %parallel_loop3A_36 : i32 to index
      %parallel_loop3A_598 = arith.constant 464 : index
      %parallel_loop3A_599 = tpu.vector_load %arg10[%parallel_loop3A_597, %parallel_loop3A_598] {strides = array<i32>} : memref<32x768xf32, #tpu.memory_space<vmem>>, vector<1x16xf32>,
      %parallel_loop3A_600 = vector.shape_cast %parallel_loop3A_599 : vector<1x16xf32> to vector<16xf32>
      %parallel_loop3A_601 = arith.addf %parallel_loop3A_596, %parallel_loop3A_600 : vector<16xf32>
      %parallel_loop3A_602 = arith.index_cast %parallel_loop3A_36 : i32 to index
      %parallel_loop3A_603 = arith.constant 464 : index
      %parallel_loop3A_604 = tpu.vector_load %arg11[%parallel_loop3A_602, %parallel_loop3A_603] {strides = array<i32>} : memref<32x768xf32, #tpu.memory_space<vmem>>, vector<1x16xf32>,
      %parallel_loop3A_605 = vector.shape_cast %parallel_loop3A_604 : vector<1x16xf32> to vector<16xf32>
      %parallel_loop3A_606 = vector.shape_cast %parallel_loop3A_601 : vector<16xf32> to vector<1x16xf32>
      tpu.vector_store %arg11[%parallel_loop3A_602, %parallel_loop3A_603], %parallel_loop3A_606 {strides = array<i32>} : memref<32x768xf32, #tpu.memory_space<vmem>>, vector<1x16xf32>,
      %parallel_loop3A_607 = arith.index_cast %parallel_loop3A_36 : i32 to index
      %parallel_loop3A_608 = arith.constant 480 : index
      %parallel_loop3A_609 = tpu.vector_load %arg11[%parallel_loop3A_607, %parallel_loop3A_608] {strides = array<i32>} : memref<32x768xf32, #tpu.memory_space<vmem>>, vector<1x16xf32>,
      %parallel_loop3A_610 = vector.shape_cast %parallel_loop3A_609 : vector<1x16xf32> to vector<16xf32>
      %parallel_loop3A_611 = arith.index_cast %parallel_loop3A_36 : i32 to index
      %parallel_loop3A_612 = arith.constant 480 : index
      %parallel_loop3A_613 = tpu.vector_load %arg9[%parallel_loop3A_611, %parallel_loop3A_612] {strides = array<i32>} : memref<32x768xf32, #tpu.memory_space<vmem>>, vector<1x16xf32>,
      %parallel_loop3A_614 = vector.shape_cast %parallel_loop3A_613 : vector<1x16xf32> to vector<16xf32>
      %parallel_loop3A_615 = arith.addf %parallel_loop3A_610, %parallel_loop3A_614 : vector<16xf32>
      %parallel_loop3A_616 = arith.index_cast %parallel_loop3A_36 : i32 to index
      %parallel_loop3A_617 = arith.constant 480 : index
      %parallel_loop3A_618 = tpu.vector_load %arg10[%parallel_loop3A_616, %parallel_loop3A_617] {strides = array<i32>} : memref<32x768xf32, #tpu.memory_space<vmem>>, vector<1x16xf32>,
      %parallel_loop3A_619 = vector.shape_cast %parallel_loop3A_618 : vector<1x16xf32> to vector<16xf32>
      %parallel_loop3A_620 = arith.addf %parallel_loop3A_615, %parallel_loop3A_619 : vector<16xf32>
      %parallel_loop3A_621 = arith.index_cast %parallel_loop3A_36 : i32 to index
      %parallel_loop3A_622 = arith.constant 480 : index
      %parallel_loop3A_623 = tpu.vector_load %arg11[%parallel_loop3A_621, %parallel_loop3A_622] {strides = array<i32>} : memref<32x768xf32, #tpu.memory_space<vmem>>, vector<1x16xf32>,
      %parallel_loop3A_624 = vector.shape_cast %parallel_loop3A_623 : vector<1x16xf32> to vector<16xf32>
      %parallel_loop3A_625 = vector.shape_cast %parallel_loop3A_620 : vector<16xf32> to vector<1x16xf32>
      tpu.vector_store %arg11[%parallel_loop3A_621, %parallel_loop3A_622], %parallel_loop3A_625 {strides = array<i32>} : memref<32x768xf32, #tpu.memory_space<vmem>>, vector<1x16xf32>,
      %parallel_loop3A_626 = arith.index_cast %parallel_loop3A_36 : i32 to index
      %parallel_loop3A_627 = arith.constant 496 : index
      %parallel_loop3A_628 = tpu.vector_load %arg11[%parallel_loop3A_626, %parallel_loop3A_627] {strides = array<i32>} : memref<32x768xf32, #tpu.memory_space<vmem>>, vector<1x16xf32>,
      %parallel_loop3A_629 = vector.shape_cast %parallel_loop3A_628 : vector<1x16xf32> to vector<16xf32>
      %parallel_loop3A_630 = arith.index_cast %parallel_loop3A_36 : i32 to index
      %parallel_loop3A_631 = arith.constant 496 : index
      %parallel_loop3A_632 = tpu.vector_load %arg9[%parallel_loop3A_630, %parallel_loop3A_631] {strides = array<i32>} : memref<32x768xf32, #tpu.memory_space<vmem>>, vector<1x16xf32>,
      %parallel_loop3A_633 = vector.shape_cast %parallel_loop3A_632 : vector<1x16xf32> to vector<16xf32>
      %parallel_loop3A_634 = arith.addf %parallel_loop3A_629, %parallel_loop3A_633 : vector<16xf32>
      %parallel_loop3A_635 = arith.index_cast %parallel_loop3A_36 : i32 to index
      %parallel_loop3A_636 = arith.constant 496 : index
      %parallel_loop3A_637 = tpu.vector_load %arg10[%parallel_loop3A_635, %parallel_loop3A_636] {strides = array<i32>} : memref<32x768xf32, #tpu.memory_space<vmem>>, vector<1x16xf32>,
      %parallel_loop3A_638 = vector.shape_cast %parallel_loop3A_637 : vector<1x16xf32> to vector<16xf32>
      %parallel_loop3A_639 = arith.addf %parallel_loop3A_634, %parallel_loop3A_638 : vector<16xf32>
      %parallel_loop3A_640 = arith.index_cast %parallel_loop3A_36 : i32 to index
      %parallel_loop3A_641 = arith.constant 496 : index
      %parallel_loop3A_642 = tpu.vector_load %arg11[%parallel_loop3A_640, %parallel_loop3A_641] {strides = array<i32>} : memref<32x768xf32, #tpu.memory_space<vmem>>, vector<1x16xf32>,
      %parallel_loop3A_643 = vector.shape_cast %parallel_loop3A_642 : vector<1x16xf32> to vector<16xf32>
      %parallel_loop3A_644 = vector.shape_cast %parallel_loop3A_639 : vector<16xf32> to vector<1x16xf32>
      tpu.vector_store %arg11[%parallel_loop3A_640, %parallel_loop3A_641], %parallel_loop3A_644 {strides = array<i32>} : memref<32x768xf32, #tpu.memory_space<vmem>>, vector<1x16xf32>,
      %parallel_loop3A_645 = arith.index_cast %parallel_loop3A_36 : i32 to index
      %parallel_loop3A_646 = arith.constant 512 : index
      %parallel_loop3A_647 = tpu.vector_load %arg11[%parallel_loop3A_645, %parallel_loop3A_646] {strides = array<i32>} : memref<32x768xf32, #tpu.memory_space<vmem>>, vector<1x16xf32>,
      %parallel_loop3A_648 = vector.shape_cast %parallel_loop3A_647 : vector<1x16xf32> to vector<16xf32>
      %parallel_loop3A_649 = arith.index_cast %parallel_loop3A_36 : i32 to index
      %parallel_loop3A_650 = arith.constant 512 : index
      %parallel_loop3A_651 = tpu.vector_load %arg9[%parallel_loop3A_649, %parallel_loop3A_650] {strides = array<i32>} : memref<32x768xf32, #tpu.memory_space<vmem>>, vector<1x16xf32>,
      %parallel_loop3A_652 = vector.shape_cast %parallel_loop3A_651 : vector<1x16xf32> to vector<16xf32>
      %parallel_loop3A_653 = arith.addf %parallel_loop3A_648, %parallel_loop3A_652 : vector<16xf32>
      %parallel_loop3A_654 = arith.index_cast %parallel_loop3A_36 : i32 to index
      %parallel_loop3A_655 = arith.constant 512 : index
      %parallel_loop3A_656 = tpu.vector_load %arg10[%parallel_loop3A_654, %parallel_loop3A_655] {strides = array<i32>} : memref<32x768xf32, #tpu.memory_space<vmem>>, vector<1x16xf32>,
      %parallel_loop3A_657 = vector.shape_cast %parallel_loop3A_656 : vector<1x16xf32> to vector<16xf32>
      %parallel_loop3A_658 = arith.addf %parallel_loop3A_653, %parallel_loop3A_657 : vector<16xf32>
      %parallel_loop3A_659 = arith.index_cast %parallel_loop3A_36 : i32 to index
      %parallel_loop3A_660 = arith.constant 512 : index
      %parallel_loop3A_661 = tpu.vector_load %arg11[%parallel_loop3A_659, %parallel_loop3A_660] {strides = array<i32>} : memref<32x768xf32, #tpu.memory_space<vmem>>, vector<1x16xf32>,
      %parallel_loop3A_662 = vector.shape_cast %parallel_loop3A_661 : vector<1x16xf32> to vector<16xf32>
      %parallel_loop3A_663 = vector.shape_cast %parallel_loop3A_658 : vector<16xf32> to vector<1x16xf32>
      tpu.vector_store %arg11[%parallel_loop3A_659, %parallel_loop3A_660], %parallel_loop3A_663 {strides = array<i32>} : memref<32x768xf32, #tpu.memory_space<vmem>>, vector<1x16xf32>,
      %parallel_loop3A_664 = arith.index_cast %parallel_loop3A_36 : i32 to index
      %parallel_loop3A_665 = arith.constant 528 : index
      %parallel_loop3A_666 = tpu.vector_load %arg11[%parallel_loop3A_664, %parallel_loop3A_665] {strides = array<i32>} : memref<32x768xf32, #tpu.memory_space<vmem>>, vector<1x16xf32>,
      %parallel_loop3A_667 = vector.shape_cast %parallel_loop3A_666 : vector<1x16xf32> to vector<16xf32>
      %parallel_loop3A_668 = arith.index_cast %parallel_loop3A_36 : i32 to index
      %parallel_loop3A_669 = arith.constant 528 : index
      %parallel_loop3A_670 = tpu.vector_load %arg9[%parallel_loop3A_668, %parallel_loop3A_669] {strides = array<i32>} : memref<32x768xf32, #tpu.memory_space<vmem>>, vector<1x16xf32>,
      %parallel_loop3A_671 = vector.shape_cast %parallel_loop3A_670 : vector<1x16xf32> to vector<16xf32>
      %parallel_loop3A_672 = arith.addf %parallel_loop3A_667, %parallel_loop3A_671 : vector<16xf32>
      %parallel_loop3A_673 = arith.index_cast %parallel_loop3A_36 : i32 to index
      %parallel_loop3A_674 = arith.constant 528 : index
      %parallel_loop3A_675 = tpu.vector_load %arg10[%parallel_loop3A_673, %parallel_loop3A_674] {strides = array<i32>} : memref<32x768xf32, #tpu.memory_space<vmem>>, vector<1x16xf32>,
      %parallel_loop3A_676 = vector.shape_cast %parallel_loop3A_675 : vector<1x16xf32> to vector<16xf32>
      %parallel_loop3A_677 = arith.addf %parallel_loop3A_672, %parallel_loop3A_676 : vector<16xf32>
      %parallel_loop3A_678 = arith.index_cast %parallel_loop3A_36 : i32 to index
      %parallel_loop3A_679 = arith.constant 528 : index
      %parallel_loop3A_680 = tpu.vector_load %arg11[%parallel_loop3A_678, %parallel_loop3A_679] {strides = array<i32>} : memref<32x768xf32, #tpu.memory_space<vmem>>, vector<1x16xf32>,
      %parallel_loop3A_681 = vector.shape_cast %parallel_loop3A_680 : vector<1x16xf32> to vector<16xf32>
      %parallel_loop3A_682 = vector.shape_cast %parallel_loop3A_677 : vector<16xf32> to vector<1x16xf32>
      tpu.vector_store %arg11[%parallel_loop3A_678, %parallel_loop3A_679], %parallel_loop3A_682 {strides = array<i32>} : memref<32x768xf32, #tpu.memory_space<vmem>>, vector<1x16xf32>,
      %parallel_loop3A_683 = arith.index_cast %parallel_loop3A_36 : i32 to index
      %parallel_loop3A_684 = arith.constant 544 : index
      %parallel_loop3A_685 = tpu.vector_load %arg11[%parallel_loop3A_683, %parallel_loop3A_684] {strides = array<i32>} : memref<32x768xf32, #tpu.memory_space<vmem>>, vector<1x16xf32>,
      %parallel_loop3A_686 = vector.shape_cast %parallel_loop3A_685 : vector<1x16xf32> to vector<16xf32>
      %parallel_loop3A_687 = arith.index_cast %parallel_loop3A_36 : i32 to index
      %parallel_loop3A_688 = arith.constant 544 : index
      %parallel_loop3A_689 = tpu.vector_load %arg9[%parallel_loop3A_687, %parallel_loop3A_688] {strides = array<i32>} : memref<32x768xf32, #tpu.memory_space<vmem>>, vector<1x16xf32>,
      %parallel_loop3A_690 = vector.shape_cast %parallel_loop3A_689 : vector<1x16xf32> to vector<16xf32>
      %parallel_loop3A_691 = arith.addf %parallel_loop3A_686, %parallel_loop3A_690 : vector<16xf32>
      %parallel_loop3A_692 = arith.index_cast %parallel_loop3A_36 : i32 to index
      %parallel_loop3A_693 = arith.constant 544 : index
      %parallel_loop3A_694 = tpu.vector_load %arg10[%parallel_loop3A_692, %parallel_loop3A_693] {strides = array<i32>} : memref<32x768xf32, #tpu.memory_space<vmem>>, vector<1x16xf32>,
      %parallel_loop3A_695 = vector.shape_cast %parallel_loop3A_694 : vector<1x16xf32> to vector<16xf32>
      %parallel_loop3A_696 = arith.addf %parallel_loop3A_691, %parallel_loop3A_695 : vector<16xf32>
      %parallel_loop3A_697 = arith.index_cast %parallel_loop3A_36 : i32 to index
      %parallel_loop3A_698 = arith.constant 544 : index
      %parallel_loop3A_699 = tpu.vector_load %arg11[%parallel_loop3A_697, %parallel_loop3A_698] {strides = array<i32>} : memref<32x768xf32, #tpu.memory_space<vmem>>, vector<1x16xf32>,
      %parallel_loop3A_700 = vector.shape_cast %parallel_loop3A_699 : vector<1x16xf32> to vector<16xf32>
      %parallel_loop3A_701 = vector.shape_cast %parallel_loop3A_696 : vector<16xf32> to vector<1x16xf32>
      tpu.vector_store %arg11[%parallel_loop3A_697, %parallel_loop3A_698], %parallel_loop3A_701 {strides = array<i32>} : memref<32x768xf32, #tpu.memory_space<vmem>>, vector<1x16xf32>,
      %parallel_loop3A_702 = arith.index_cast %parallel_loop3A_36 : i32 to index
      %parallel_loop3A_703 = arith.constant 560 : index
      %parallel_loop3A_704 = tpu.vector_load %arg11[%parallel_loop3A_702, %parallel_loop3A_703] {strides = array<i32>} : memref<32x768xf32, #tpu.memory_space<vmem>>, vector<1x16xf32>,
      %parallel_loop3A_705 = vector.shape_cast %parallel_loop3A_704 : vector<1x16xf32> to vector<16xf32>
      %parallel_loop3A_706 = arith.index_cast %parallel_loop3A_36 : i32 to index
      %parallel_loop3A_707 = arith.constant 560 : index
      %parallel_loop3A_708 = tpu.vector_load %arg9[%parallel_loop3A_706, %parallel_loop3A_707] {strides = array<i32>} : memref<32x768xf32, #tpu.memory_space<vmem>>, vector<1x16xf32>,
      %parallel_loop3A_709 = vector.shape_cast %parallel_loop3A_708 : vector<1x16xf32> to vector<16xf32>
      %parallel_loop3A_710 = arith.addf %parallel_loop3A_705, %parallel_loop3A_709 : vector<16xf32>
      %parallel_loop3A_711 = arith.index_cast %parallel_loop3A_36 : i32 to index
      %parallel_loop3A_712 = arith.constant 560 : index
      %parallel_loop3A_713 = tpu.vector_load %arg10[%parallel_loop3A_711, %parallel_loop3A_712] {strides = array<i32>} : memref<32x768xf32, #tpu.memory_space<vmem>>, vector<1x16xf32>,
      %parallel_loop3A_714 = vector.shape_cast %parallel_loop3A_713 : vector<1x16xf32> to vector<16xf32>
      %parallel_loop3A_715 = arith.addf %parallel_loop3A_710, %parallel_loop3A_714 : vector<16xf32>
      %parallel_loop3A_716 = arith.index_cast %parallel_loop3A_36 : i32 to index
      %parallel_loop3A_717 = arith.constant 560 : index
      %parallel_loop3A_718 = tpu.vector_load %arg11[%parallel_loop3A_716, %parallel_loop3A_717] {strides = array<i32>} : memref<32x768xf32, #tpu.memory_space<vmem>>, vector<1x16xf32>,
      %parallel_loop3A_719 = vector.shape_cast %parallel_loop3A_718 : vector<1x16xf32> to vector<16xf32>
      %parallel_loop3A_720 = vector.shape_cast %parallel_loop3A_715 : vector<16xf32> to vector<1x16xf32>
      tpu.vector_store %arg11[%parallel_loop3A_716, %parallel_loop3A_717], %parallel_loop3A_720 {strides = array<i32>} : memref<32x768xf32, #tpu.memory_space<vmem>>, vector<1x16xf32>,
      %parallel_loop3A_721 = arith.index_cast %parallel_loop3A_36 : i32 to index
      %parallel_loop3A_722 = arith.constant 576 : index
      %parallel_loop3A_723 = tpu.vector_load %arg11[%parallel_loop3A_721, %parallel_loop3A_722] {strides = array<i32>} : memref<32x768xf32, #tpu.memory_space<vmem>>, vector<1x16xf32>,
      %parallel_loop3A_724 = vector.shape_cast %parallel_loop3A_723 : vector<1x16xf32> to vector<16xf32>
      %parallel_loop3A_725 = arith.index_cast %parallel_loop3A_36 : i32 to index
      %parallel_loop3A_726 = arith.constant 576 : index
      %parallel_loop3A_727 = tpu.vector_load %arg9[%parallel_loop3A_725, %parallel_loop3A_726] {strides = array<i32>} : memref<32x768xf32, #tpu.memory_space<vmem>>, vector<1x16xf32>,
      %parallel_loop3A_728 = vector.shape_cast %parallel_loop3A_727 : vector<1x16xf32> to vector<16xf32>
      %parallel_loop3A_729 = arith.addf %parallel_loop3A_724, %parallel_loop3A_728 : vector<16xf32>
      %parallel_loop3A_730 = arith.index_cast %parallel_loop3A_36 : i32 to index
      %parallel_loop3A_731 = arith.constant 576 : index
      %parallel_loop3A_732 = tpu.vector_load %arg10[%parallel_loop3A_730, %parallel_loop3A_731] {strides = array<i32>} : memref<32x768xf32, #tpu.memory_space<vmem>>, vector<1x16xf32>,
      %parallel_loop3A_733 = vector.shape_cast %parallel_loop3A_732 : vector<1x16xf32> to vector<16xf32>
      %parallel_loop3A_734 = arith.addf %parallel_loop3A_729, %parallel_loop3A_733 : vector<16xf32>
      %parallel_loop3A_735 = arith.index_cast %parallel_loop3A_36 : i32 to index
      %parallel_loop3A_736 = arith.constant 576 : index
      %parallel_loop3A_737 = tpu.vector_load %arg11[%parallel_loop3A_735, %parallel_loop3A_736] {strides = array<i32>} : memref<32x768xf32, #tpu.memory_space<vmem>>, vector<1x16xf32>,
      %parallel_loop3A_738 = vector.shape_cast %parallel_loop3A_737 : vector<1x16xf32> to vector<16xf32>
      %parallel_loop3A_739 = vector.shape_cast %parallel_loop3A_734 : vector<16xf32> to vector<1x16xf32>
      tpu.vector_store %arg11[%parallel_loop3A_735, %parallel_loop3A_736], %parallel_loop3A_739 {strides = array<i32>} : memref<32x768xf32, #tpu.memory_space<vmem>>, vector<1x16xf32>,
      %parallel_loop3A_740 = arith.index_cast %parallel_loop3A_36 : i32 to index
      %parallel_loop3A_741 = arith.constant 592 : index
      %parallel_loop3A_742 = tpu.vector_load %arg11[%parallel_loop3A_740, %parallel_loop3A_741] {strides = array<i32>} : memref<32x768xf32, #tpu.memory_space<vmem>>, vector<1x16xf32>,
      %parallel_loop3A_743 = vector.shape_cast %parallel_loop3A_742 : vector<1x16xf32> to vector<16xf32>
      %parallel_loop3A_744 = arith.index_cast %parallel_loop3A_36 : i32 to index
      %parallel_loop3A_745 = arith.constant 592 : index
      %parallel_loop3A_746 = tpu.vector_load %arg9[%parallel_loop3A_744, %parallel_loop3A_745] {strides = array<i32>} : memref<32x768xf32, #tpu.memory_space<vmem>>, vector<1x16xf32>,
      %parallel_loop3A_747 = vector.shape_cast %parallel_loop3A_746 : vector<1x16xf32> to vector<16xf32>
      %parallel_loop3A_748 = arith.addf %parallel_loop3A_743, %parallel_loop3A_747 : vector<16xf32>
      %parallel_loop3A_749 = arith.index_cast %parallel_loop3A_36 : i32 to index
      %parallel_loop3A_750 = arith.constant 592 : index
      %parallel_loop3A_751 = tpu.vector_load %arg10[%parallel_loop3A_749, %parallel_loop3A_750] {strides = array<i32>} : memref<32x768xf32, #tpu.memory_space<vmem>>, vector<1x16xf32>,
      %parallel_loop3A_752 = vector.shape_cast %parallel_loop3A_751 : vector<1x16xf32> to vector<16xf32>
      %parallel_loop3A_753 = arith.addf %parallel_loop3A_748, %parallel_loop3A_752 : vector<16xf32>
      %parallel_loop3A_754 = arith.index_cast %parallel_loop3A_36 : i32 to index
      %parallel_loop3A_755 = arith.constant 592 : index
      %parallel_loop3A_756 = tpu.vector_load %arg11[%parallel_loop3A_754, %parallel_loop3A_755] {strides = array<i32>} : memref<32x768xf32, #tpu.memory_space<vmem>>, vector<1x16xf32>,
      %parallel_loop3A_757 = vector.shape_cast %parallel_loop3A_756 : vector<1x16xf32> to vector<16xf32>
      %parallel_loop3A_758 = vector.shape_cast %parallel_loop3A_753 : vector<16xf32> to vector<1x16xf32>
      tpu.vector_store %arg11[%parallel_loop3A_754, %parallel_loop3A_755], %parallel_loop3A_758 {strides = array<i32>} : memref<32x768xf32, #tpu.memory_space<vmem>>, vector<1x16xf32>,
      %parallel_loop3A_759 = arith.index_cast %parallel_loop3A_36 : i32 to index
      %parallel_loop3A_760 = arith.constant 608 : index
      %parallel_loop3A_761 = tpu.vector_load %arg11[%parallel_loop3A_759, %parallel_loop3A_760] {strides = array<i32>} : memref<32x768xf32, #tpu.memory_space<vmem>>, vector<1x16xf32>,
      %parallel_loop3A_762 = vector.shape_cast %parallel_loop3A_761 : vector<1x16xf32> to vector<16xf32>
      %parallel_loop3A_763 = arith.index_cast %parallel_loop3A_36 : i32 to index
      %parallel_loop3A_764 = arith.constant 608 : index
      %parallel_loop3A_765 = tpu.vector_load %arg9[%parallel_loop3A_763, %parallel_loop3A_764] {strides = array<i32>} : memref<32x768xf32, #tpu.memory_space<vmem>>, vector<1x16xf32>,
      %parallel_loop3A_766 = vector.shape_cast %parallel_loop3A_765 : vector<1x16xf32> to vector<16xf32>
      %parallel_loop3A_767 = arith.addf %parallel_loop3A_762, %parallel_loop3A_766 : vector<16xf32>
      %parallel_loop3A_768 = arith.index_cast %parallel_loop3A_36 : i32 to index
      %parallel_loop3A_769 = arith.constant 608 : index
      %parallel_loop3A_770 = tpu.vector_load %arg10[%parallel_loop3A_768, %parallel_loop3A_769] {strides = array<i32>} : memref<32x768xf32, #tpu.memory_space<vmem>>, vector<1x16xf32>,
      %parallel_loop3A_771 = vector.shape_cast %parallel_loop3A_770 : vector<1x16xf32> to vector<16xf32>
      %parallel_loop3A_772 = arith.addf %parallel_loop3A_767, %parallel_loop3A_771 : vector<16xf32>
      %parallel_loop3A_773 = arith.index_cast %parallel_loop3A_36 : i32 to index
      %parallel_loop3A_774 = arith.constant 608 : index
      %parallel_loop3A_775 = tpu.vector_load %arg11[%parallel_loop3A_773, %parallel_loop3A_774] {strides = array<i32>} : memref<32x768xf32, #tpu.memory_space<vmem>>, vector<1x16xf32>,
      %parallel_loop3A_776 = vector.shape_cast %parallel_loop3A_775 : vector<1x16xf32> to vector<16xf32>
      %parallel_loop3A_777 = vector.shape_cast %parallel_loop3A_772 : vector<16xf32> to vector<1x16xf32>
      tpu.vector_store %arg11[%parallel_loop3A_773, %parallel_loop3A_774], %parallel_loop3A_777 {strides = array<i32>} : memref<32x768xf32, #tpu.memory_space<vmem>>, vector<1x16xf32>,
      %parallel_loop3A_778 = arith.index_cast %parallel_loop3A_36 : i32 to index
      %parallel_loop3A_779 = arith.constant 624 : index
      %parallel_loop3A_780 = tpu.vector_load %arg11[%parallel_loop3A_778, %parallel_loop3A_779] {strides = array<i32>} : memref<32x768xf32, #tpu.memory_space<vmem>>, vector<1x16xf32>,
      %parallel_loop3A_781 = vector.shape_cast %parallel_loop3A_780 : vector<1x16xf32> to vector<16xf32>
      %parallel_loop3A_782 = arith.index_cast %parallel_loop3A_36 : i32 to index
      %parallel_loop3A_783 = arith.constant 624 : index
      %parallel_loop3A_784 = tpu.vector_load %arg9[%parallel_loop3A_782, %parallel_loop3A_783] {strides = array<i32>} : memref<32x768xf32, #tpu.memory_space<vmem>>, vector<1x16xf32>,
      %parallel_loop3A_785 = vector.shape_cast %parallel_loop3A_784 : vector<1x16xf32> to vector<16xf32>
      %parallel_loop3A_786 = arith.addf %parallel_loop3A_781, %parallel_loop3A_785 : vector<16xf32>
      %parallel_loop3A_787 = arith.index_cast %parallel_loop3A_36 : i32 to index
      %parallel_loop3A_788 = arith.constant 624 : index
      %parallel_loop3A_789 = tpu.vector_load %arg10[%parallel_loop3A_787, %parallel_loop3A_788] {strides = array<i32>} : memref<32x768xf32, #tpu.memory_space<vmem>>, vector<1x16xf32>,
      %parallel_loop3A_790 = vector.shape_cast %parallel_loop3A_789 : vector<1x16xf32> to vector<16xf32>
      %parallel_loop3A_791 = arith.addf %parallel_loop3A_786, %parallel_loop3A_790 : vector<16xf32>
      %parallel_loop3A_792 = arith.index_cast %parallel_loop3A_36 : i32 to index
      %parallel_loop3A_793 = arith.constant 624 : index
      %parallel_loop3A_794 = tpu.vector_load %arg11[%parallel_loop3A_792, %parallel_loop3A_793] {strides = array<i32>} : memref<32x768xf32, #tpu.memory_space<vmem>>, vector<1x16xf32>,
      %parallel_loop3A_795 = vector.shape_cast %parallel_loop3A_794 : vector<1x16xf32> to vector<16xf32>
      %parallel_loop3A_796 = vector.shape_cast %parallel_loop3A_791 : vector<16xf32> to vector<1x16xf32>
      tpu.vector_store %arg11[%parallel_loop3A_792, %parallel_loop3A_793], %parallel_loop3A_796 {strides = array<i32>} : memref<32x768xf32, #tpu.memory_space<vmem>>, vector<1x16xf32>,
      %parallel_loop3A_797 = arith.index_cast %parallel_loop3A_36 : i32 to index
      %parallel_loop3A_798 = arith.constant 640 : index
      %parallel_loop3A_799 = tpu.vector_load %arg11[%parallel_loop3A_797, %parallel_loop3A_798] {strides = array<i32>} : memref<32x768xf32, #tpu.memory_space<vmem>>, vector<1x16xf32>,
      %parallel_loop3A_800 = vector.shape_cast %parallel_loop3A_799 : vector<1x16xf32> to vector<16xf32>
      %parallel_loop3A_801 = arith.index_cast %parallel_loop3A_36 : i32 to index
      %parallel_loop3A_802 = arith.constant 640 : index
      %parallel_loop3A_803 = tpu.vector_load %arg9[%parallel_loop3A_801, %parallel_loop3A_802] {strides = array<i32>} : memref<32x768xf32, #tpu.memory_space<vmem>>, vector<1x16xf32>,
      %parallel_loop3A_804 = vector.shape_cast %parallel_loop3A_803 : vector<1x16xf32> to vector<16xf32>
      %parallel_loop3A_805 = arith.addf %parallel_loop3A_800, %parallel_loop3A_804 : vector<16xf32>
      %parallel_loop3A_806 = arith.index_cast %parallel_loop3A_36 : i32 to index
      %parallel_loop3A_807 = arith.constant 640 : index
      %parallel_loop3A_808 = tpu.vector_load %arg10[%parallel_loop3A_806, %parallel_loop3A_807] {strides = array<i32>} : memref<32x768xf32, #tpu.memory_space<vmem>>, vector<1x16xf32>,
      %parallel_loop3A_809 = vector.shape_cast %parallel_loop3A_808 : vector<1x16xf32> to vector<16xf32>
      %parallel_loop3A_810 = arith.addf %parallel_loop3A_805, %parallel_loop3A_809 : vector<16xf32>
      %parallel_loop3A_811 = arith.index_cast %parallel_loop3A_36 : i32 to index
      %parallel_loop3A_812 = arith.constant 640 : index
      %parallel_loop3A_813 = tpu.vector_load %arg11[%parallel_loop3A_811, %parallel_loop3A_812] {strides = array<i32>} : memref<32x768xf32, #tpu.memory_space<vmem>>, vector<1x16xf32>,
      %parallel_loop3A_814 = vector.shape_cast %parallel_loop3A_813 : vector<1x16xf32> to vector<16xf32>
      %parallel_loop3A_815 = vector.shape_cast %parallel_loop3A_810 : vector<16xf32> to vector<1x16xf32>
      tpu.vector_store %arg11[%parallel_loop3A_811, %parallel_loop3A_812], %parallel_loop3A_815 {strides = array<i32>} : memref<32x768xf32, #tpu.memory_space<vmem>>, vector<1x16xf32>,
      %parallel_loop3A_816 = arith.index_cast %parallel_loop3A_36 : i32 to index
      %parallel_loop3A_817 = arith.constant 656 : index
      %parallel_loop3A_818 = tpu.vector_load %arg11[%parallel_loop3A_816, %parallel_loop3A_817] {strides = array<i32>} : memref<32x768xf32, #tpu.memory_space<vmem>>, vector<1x16xf32>,
      %parallel_loop3A_819 = vector.shape_cast %parallel_loop3A_818 : vector<1x16xf32> to vector<16xf32>
      %parallel_loop3A_820 = arith.index_cast %parallel_loop3A_36 : i32 to index
      %parallel_loop3A_821 = arith.constant 656 : index
      %parallel_loop3A_822 = tpu.vector_load %arg9[%parallel_loop3A_820, %parallel_loop3A_821] {strides = array<i32>} : memref<32x768xf32, #tpu.memory_space<vmem>>, vector<1x16xf32>,
      %parallel_loop3A_823 = vector.shape_cast %parallel_loop3A_822 : vector<1x16xf32> to vector<16xf32>
      %parallel_loop3A_824 = arith.addf %parallel_loop3A_819, %parallel_loop3A_823 : vector<16xf32>
      %parallel_loop3A_825 = arith.index_cast %parallel_loop3A_36 : i32 to index
      %parallel_loop3A_826 = arith.constant 656 : index
      %parallel_loop3A_827 = tpu.vector_load %arg10[%parallel_loop3A_825, %parallel_loop3A_826] {strides = array<i32>} : memref<32x768xf32, #tpu.memory_space<vmem>>, vector<1x16xf32>,
      %parallel_loop3A_828 = vector.shape_cast %parallel_loop3A_827 : vector<1x16xf32> to vector<16xf32>
      %parallel_loop3A_829 = arith.addf %parallel_loop3A_824, %parallel_loop3A_828 : vector<16xf32>
      %parallel_loop3A_830 = arith.index_cast %parallel_loop3A_36 : i32 to index
      %parallel_loop3A_831 = arith.constant 656 : index
      %parallel_loop3A_832 = tpu.vector_load %arg11[%parallel_loop3A_830, %parallel_loop3A_831] {strides = array<i32>} : memref<32x768xf32, #tpu.memory_space<vmem>>, vector<1x16xf32>,
      %parallel_loop3A_833 = vector.shape_cast %parallel_loop3A_832 : vector<1x16xf32> to vector<16xf32>
      %parallel_loop3A_834 = vector.shape_cast %parallel_loop3A_829 : vector<16xf32> to vector<1x16xf32>
      tpu.vector_store %arg11[%parallel_loop3A_830, %parallel_loop3A_831], %parallel_loop3A_834 {strides = array<i32>} : memref<32x768xf32, #tpu.memory_space<vmem>>, vector<1x16xf32>,
      %parallel_loop3A_835 = arith.index_cast %parallel_loop3A_36 : i32 to index
      %parallel_loop3A_836 = arith.constant 672 : index
      %parallel_loop3A_837 = tpu.vector_load %arg11[%parallel_loop3A_835, %parallel_loop3A_836] {strides = array<i32>} : memref<32x768xf32, #tpu.memory_space<vmem>>, vector<1x16xf32>,
      %parallel_loop3A_838 = vector.shape_cast %parallel_loop3A_837 : vector<1x16xf32> to vector<16xf32>
      %parallel_loop3A_839 = arith.index_cast %parallel_loop3A_36 : i32 to index
      %parallel_loop3A_840 = arith.constant 672 : index
      %parallel_loop3A_841 = tpu.vector_load %arg9[%parallel_loop3A_839, %parallel_loop3A_840] {strides = array<i32>} : memref<32x768xf32, #tpu.memory_space<vmem>>, vector<1x16xf32>,
      %parallel_loop3A_842 = vector.shape_cast %parallel_loop3A_841 : vector<1x16xf32> to vector<16xf32>
      %parallel_loop3A_843 = arith.addf %parallel_loop3A_838, %parallel_loop3A_842 : vector<16xf32>
      %parallel_loop3A_844 = arith.index_cast %parallel_loop3A_36 : i32 to index
      %parallel_loop3A_845 = arith.constant 672 : index
      %parallel_loop3A_846 = tpu.vector_load %arg10[%parallel_loop3A_844, %parallel_loop3A_845] {strides = array<i32>} : memref<32x768xf32, #tpu.memory_space<vmem>>, vector<1x16xf32>,
      %parallel_loop3A_847 = vector.shape_cast %parallel_loop3A_846 : vector<1x16xf32> to vector<16xf32>
      %parallel_loop3A_848 = arith.addf %parallel_loop3A_843, %parallel_loop3A_847 : vector<16xf32>
      %parallel_loop3A_849 = arith.index_cast %parallel_loop3A_36 : i32 to index
      %parallel_loop3A_850 = arith.constant 672 : index
      %parallel_loop3A_851 = tpu.vector_load %arg11[%parallel_loop3A_849, %parallel_loop3A_850] {strides = array<i32>} : memref<32x768xf32, #tpu.memory_space<vmem>>, vector<1x16xf32>,
      %parallel_loop3A_852 = vector.shape_cast %parallel_loop3A_851 : vector<1x16xf32> to vector<16xf32>
      %parallel_loop3A_853 = vector.shape_cast %parallel_loop3A_848 : vector<16xf32> to vector<1x16xf32>
      tpu.vector_store %arg11[%parallel_loop3A_849, %parallel_loop3A_850], %parallel_loop3A_853 {strides = array<i32>} : memref<32x768xf32, #tpu.memory_space<vmem>>, vector<1x16xf32>,
      %parallel_loop3A_854 = arith.index_cast %parallel_loop3A_36 : i32 to index
      %parallel_loop3A_855 = arith.constant 688 : index
      %parallel_loop3A_856 = tpu.vector_load %arg11[%parallel_loop3A_854, %parallel_loop3A_855] {strides = array<i32>} : memref<32x768xf32, #tpu.memory_space<vmem>>, vector<1x16xf32>,
      %parallel_loop3A_857 = vector.shape_cast %parallel_loop3A_856 : vector<1x16xf32> to vector<16xf32>
      %parallel_loop3A_858 = arith.index_cast %parallel_loop3A_36 : i32 to index
      %parallel_loop3A_859 = arith.constant 688 : index
      %parallel_loop3A_860 = tpu.vector_load %arg9[%parallel_loop3A_858, %parallel_loop3A_859] {strides = array<i32>} : memref<32x768xf32, #tpu.memory_space<vmem>>, vector<1x16xf32>,
      %parallel_loop3A_861 = vector.shape_cast %parallel_loop3A_860 : vector<1x16xf32> to vector<16xf32>
      %parallel_loop3A_862 = arith.addf %parallel_loop3A_857, %parallel_loop3A_861 : vector<16xf32>
      %parallel_loop3A_863 = arith.index_cast %parallel_loop3A_36 : i32 to index
      %parallel_loop3A_864 = arith.constant 688 : index
      %parallel_loop3A_865 = tpu.vector_load %arg10[%parallel_loop3A_863, %parallel_loop3A_864] {strides = array<i32>} : memref<32x768xf32, #tpu.memory_space<vmem>>, vector<1x16xf32>,
      %parallel_loop3A_866 = vector.shape_cast %parallel_loop3A_865 : vector<1x16xf32> to vector<16xf32>
      %parallel_loop3A_867 = arith.addf %parallel_loop3A_862, %parallel_loop3A_866 : vector<16xf32>
      %parallel_loop3A_868 = arith.index_cast %parallel_loop3A_36 : i32 to index
      %parallel_loop3A_869 = arith.constant 688 : index
      %parallel_loop3A_870 = tpu.vector_load %arg11[%parallel_loop3A_868, %parallel_loop3A_869] {strides = array<i32>} : memref<32x768xf32, #tpu.memory_space<vmem>>, vector<1x16xf32>,
      %parallel_loop3A_871 = vector.shape_cast %parallel_loop3A_870 : vector<1x16xf32> to vector<16xf32>
      %parallel_loop3A_872 = vector.shape_cast %parallel_loop3A_867 : vector<16xf32> to vector<1x16xf32>
      tpu.vector_store %arg11[%parallel_loop3A_868, %parallel_loop3A_869], %parallel_loop3A_872 {strides = array<i32>} : memref<32x768xf32, #tpu.memory_space<vmem>>, vector<1x16xf32>,
      %parallel_loop3A_873 = arith.index_cast %parallel_loop3A_36 : i32 to index
      %parallel_loop3A_874 = arith.constant 704 : index
      %parallel_loop3A_875 = tpu.vector_load %arg11[%parallel_loop3A_873, %parallel_loop3A_874] {strides = array<i32>} : memref<32x768xf32, #tpu.memory_space<vmem>>, vector<1x16xf32>,
      %parallel_loop3A_876 = vector.shape_cast %parallel_loop3A_875 : vector<1x16xf32> to vector<16xf32>
      %parallel_loop3A_877 = arith.index_cast %parallel_loop3A_36 : i32 to index
      %parallel_loop3A_878 = arith.constant 704 : index
      %parallel_loop3A_879 = tpu.vector_load %arg9[%parallel_loop3A_877, %parallel_loop3A_878] {strides = array<i32>} : memref<32x768xf32, #tpu.memory_space<vmem>>, vector<1x16xf32>,
      %parallel_loop3A_880 = vector.shape_cast %parallel_loop3A_879 : vector<1x16xf32> to vector<16xf32>
      %parallel_loop3A_881 = arith.addf %parallel_loop3A_876, %parallel_loop3A_880 : vector<16xf32>
      %parallel_loop3A_882 = arith.index_cast %parallel_loop3A_36 : i32 to index
      %parallel_loop3A_883 = arith.constant 704 : index
      %parallel_loop3A_884 = tpu.vector_load %arg10[%parallel_loop3A_882, %parallel_loop3A_883] {strides = array<i32>} : memref<32x768xf32, #tpu.memory_space<vmem>>, vector<1x16xf32>,
      %parallel_loop3A_885 = vector.shape_cast %parallel_loop3A_884 : vector<1x16xf32> to vector<16xf32>
      %parallel_loop3A_886 = arith.addf %parallel_loop3A_881, %parallel_loop3A_885 : vector<16xf32>
      %parallel_loop3A_887 = arith.index_cast %parallel_loop3A_36 : i32 to index
      %parallel_loop3A_888 = arith.constant 704 : index
      %parallel_loop3A_889 = tpu.vector_load %arg11[%parallel_loop3A_887, %parallel_loop3A_888] {strides = array<i32>} : memref<32x768xf32, #tpu.memory_space<vmem>>, vector<1x16xf32>,
      %parallel_loop3A_890 = vector.shape_cast %parallel_loop3A_889 : vector<1x16xf32> to vector<16xf32>
      %parallel_loop3A_891 = vector.shape_cast %parallel_loop3A_886 : vector<16xf32> to vector<1x16xf32>
      tpu.vector_store %arg11[%parallel_loop3A_887, %parallel_loop3A_888], %parallel_loop3A_891 {strides = array<i32>} : memref<32x768xf32, #tpu.memory_space<vmem>>, vector<1x16xf32>,
      %parallel_loop3A_892 = arith.index_cast %parallel_loop3A_36 : i32 to index
      %parallel_loop3A_893 = arith.constant 720 : index
      %parallel_loop3A_894 = tpu.vector_load %arg11[%parallel_loop3A_892, %parallel_loop3A_893] {strides = array<i32>} : memref<32x768xf32, #tpu.memory_space<vmem>>, vector<1x16xf32>,
      %parallel_loop3A_895 = vector.shape_cast %parallel_loop3A_894 : vector<1x16xf32> to vector<16xf32>
      %parallel_loop3A_896 = arith.index_cast %parallel_loop3A_36 : i32 to index
      %parallel_loop3A_897 = arith.constant 720 : index
      %parallel_loop3A_898 = tpu.vector_load %arg9[%parallel_loop3A_896, %parallel_loop3A_897] {strides = array<i32>} : memref<32x768xf32, #tpu.memory_space<vmem>>, vector<1x16xf32>,
      %parallel_loop3A_899 = vector.shape_cast %parallel_loop3A_898 : vector<1x16xf32> to vector<16xf32>
      %parallel_loop3A_900 = arith.addf %parallel_loop3A_895, %parallel_loop3A_899 : vector<16xf32>
      %parallel_loop3A_901 = arith.index_cast %parallel_loop3A_36 : i32 to index
      %parallel_loop3A_902 = arith.constant 720 : index
      %parallel_loop3A_903 = tpu.vector_load %arg10[%parallel_loop3A_901, %parallel_loop3A_902] {strides = array<i32>} : memref<32x768xf32, #tpu.memory_space<vmem>>, vector<1x16xf32>,
      %parallel_loop3A_904 = vector.shape_cast %parallel_loop3A_903 : vector<1x16xf32> to vector<16xf32>
      %parallel_loop3A_905 = arith.addf %parallel_loop3A_900, %parallel_loop3A_904 : vector<16xf32>
      %parallel_loop3A_906 = arith.index_cast %parallel_loop3A_36 : i32 to index
      %parallel_loop3A_907 = arith.constant 720 : index
      %parallel_loop3A_908 = tpu.vector_load %arg11[%parallel_loop3A_906, %parallel_loop3A_907] {strides = array<i32>} : memref<32x768xf32, #tpu.memory_space<vmem>>, vector<1x16xf32>,
      %parallel_loop3A_909 = vector.shape_cast %parallel_loop3A_908 : vector<1x16xf32> to vector<16xf32>
      %parallel_loop3A_910 = vector.shape_cast %parallel_loop3A_905 : vector<16xf32> to vector<1x16xf32>
      tpu.vector_store %arg11[%parallel_loop3A_906, %parallel_loop3A_907], %parallel_loop3A_910 {strides = array<i32>} : memref<32x768xf32, #tpu.memory_space<vmem>>, vector<1x16xf32>,
      %parallel_loop3A_911 = arith.index_cast %parallel_loop3A_36 : i32 to index
      %parallel_loop3A_912 = arith.constant 736 : index
      %parallel_loop3A_913 = tpu.vector_load %arg11[%parallel_loop3A_911, %parallel_loop3A_912] {strides = array<i32>} : memref<32x768xf32, #tpu.memory_space<vmem>>, vector<1x16xf32>,
      %parallel_loop3A_914 = vector.shape_cast %parallel_loop3A_913 : vector<1x16xf32> to vector<16xf32>
      %parallel_loop3A_915 = arith.index_cast %parallel_loop3A_36 : i32 to index
      %parallel_loop3A_916 = arith.constant 736 : index
      %parallel_loop3A_917 = tpu.vector_load %arg9[%parallel_loop3A_915, %parallel_loop3A_916] {strides = array<i32>} : memref<32x768xf32, #tpu.memory_space<vmem>>, vector<1x16xf32>,
      %parallel_loop3A_918 = vector.shape_cast %parallel_loop3A_917 : vector<1x16xf32> to vector<16xf32>
      %parallel_loop3A_919 = arith.addf %parallel_loop3A_914, %parallel_loop3A_918 : vector<16xf32>
      %parallel_loop3A_920 = arith.index_cast %parallel_loop3A_36 : i32 to index
      %parallel_loop3A_921 = arith.constant 736 : index
      %parallel_loop3A_922 = tpu.vector_load %arg10[%parallel_loop3A_920, %parallel_loop3A_921] {strides = array<i32>} : memref<32x768xf32, #tpu.memory_space<vmem>>, vector<1x16xf32>,
      %parallel_loop3A_923 = vector.shape_cast %parallel_loop3A_922 : vector<1x16xf32> to vector<16xf32>
      %parallel_loop3A_924 = arith.addf %parallel_loop3A_919, %parallel_loop3A_923 : vector<16xf32>
      %parallel_loop3A_925 = arith.index_cast %parallel_loop3A_36 : i32 to index
      %parallel_loop3A_926 = arith.constant 736 : index
      %parallel_loop3A_927 = tpu.vector_load %arg11[%parallel_loop3A_925, %parallel_loop3A_926] {strides = array<i32>} : memref<32x768xf32, #tpu.memory_space<vmem>>, vector<1x16xf32>,
      %parallel_loop3A_928 = vector.shape_cast %parallel_loop3A_927 : vector<1x16xf32> to vector<16xf32>
      %parallel_loop3A_929 = vector.shape_cast %parallel_loop3A_924 : vector<16xf32> to vector<1x16xf32>
      tpu.vector_store %arg11[%parallel_loop3A_925, %parallel_loop3A_926], %parallel_loop3A_929 {strides = array<i32>} : memref<32x768xf32, #tpu.memory_space<vmem>>, vector<1x16xf32>,
      %parallel_loop3A_930 = arith.index_cast %parallel_loop3A_36 : i32 to index
      %parallel_loop3A_931 = arith.constant 752 : index
      %parallel_loop3A_932 = tpu.vector_load %arg11[%parallel_loop3A_930, %parallel_loop3A_931] {strides = array<i32>} : memref<32x768xf32, #tpu.memory_space<vmem>>, vector<1x16xf32>,
      %parallel_loop3A_933 = vector.shape_cast %parallel_loop3A_932 : vector<1x16xf32> to vector<16xf32>
      %parallel_loop3A_934 = arith.index_cast %parallel_loop3A_36 : i32 to index
      %parallel_loop3A_935 = arith.constant 752 : index
      %parallel_loop3A_936 = tpu.vector_load %arg9[%parallel_loop3A_934, %parallel_loop3A_935] {strides = array<i32>} : memref<32x768xf32, #tpu.memory_space<vmem>>, vector<1x16xf32>,
      %parallel_loop3A_937 = vector.shape_cast %parallel_loop3A_936 : vector<1x16xf32> to vector<16xf32>
      %parallel_loop3A_938 = arith.addf %parallel_loop3A_933, %parallel_loop3A_937 : vector<16xf32>
      %parallel_loop3A_939 = arith.index_cast %parallel_loop3A_36 : i32 to index
      %parallel_loop3A_940 = arith.constant 752 : index
      %parallel_loop3A_941 = tpu.vector_load %arg10[%parallel_loop3A_939, %parallel_loop3A_940] {strides = array<i32>} : memref<32x768xf32, #tpu.memory_space<vmem>>, vector<1x16xf32>,
      %parallel_loop3A_942 = vector.shape_cast %parallel_loop3A_941 : vector<1x16xf32> to vector<16xf32>
      %parallel_loop3A_943 = arith.addf %parallel_loop3A_938, %parallel_loop3A_942 : vector<16xf32>
      %parallel_loop3A_944 = arith.index_cast %parallel_loop3A_36 : i32 to index
      %parallel_loop3A_945 = arith.constant 752 : index
      %parallel_loop3A_946 = tpu.vector_load %arg11[%parallel_loop3A_944, %parallel_loop3A_945] {strides = array<i32>} : memref<32x768xf32, #tpu.memory_space<vmem>>, vector<1x16xf32>,
      %parallel_loop3A_947 = vector.shape_cast %parallel_loop3A_946 : vector<1x16xf32> to vector<16xf32>
      %parallel_loop3A_948 = vector.shape_cast %parallel_loop3A_943 : vector<16xf32> to vector<1x16xf32>
      tpu.vector_store %arg11[%parallel_loop3A_944, %parallel_loop3A_945], %parallel_loop3A_948 {strides = array<i32>} : memref<32x768xf32, #tpu.memory_space<vmem>>, vector<1x16xf32>,
    } {sc.loop_unroll_factor = 2 : i64, sc.parallel_access}
    "tpu.region"() ({
      %run_scoped3A = tpu.sem_alloc : memref<!tpu.dma_semaphore, #tpu.memory_space<semaphore_mem>>
      %dma_start3A_36 = arith.constant 0 : i32
      %dma_start3A_37 = tpu.memref_slice %arg6[%add3A_20, %dma_start3A_36] : memref<2048x768xf32, #tpu.memory_space<hbm>> -> memref<32x768xf32, #tpu.memory_space<hbm>>
      %dma_start3A_38 = arith.constant 0 : i32
      %dma_start3A_39 = tpu.memref_slice %arg6[%add3A_20, %dma_start3A_38] : memref<2048x768xf32, #tpu.memory_space<hbm>> -> memref<32x768xf32, #tpu.memory_space<hbm>>
      tpu.enqueue_dma source(%arg11 : memref<32x768xf32, #tpu.memory_space<vmem>>) target(%dma_start3A_39 : memref<32x768xf32, #tpu.memory_space<hbm>>) target_semaphore(%run_scoped3A : memref<!tpu.dma_semaphore, #tpu.memory_space<semaphore_mem>>)
      %dma_wait3A_40 = arith.constant 0 : i32
      %dma_wait3A_41 = tpu.memref_slice %arg6[%add3A_20, %dma_wait3A_40] : memref<2048x768xf32, #tpu.memory_space<hbm>> -> memref<32x768xf32, #tpu.memory_space<hbm>>
      %dma_wait3A_42 = arith.constant 0 : i32
      %dma_wait3A_43 = tpu.memref_slice %arg6[%add3A_20, %dma_wait3A_42] : memref<2048x768xf32, #tpu.memory_space<hbm>> -> memref<32x768xf32, #tpu.memory_space<hbm>>
      tpu.wait_dma2 semaphore(%run_scoped3A : memref<!tpu.dma_semaphore, #tpu.memory_space<semaphore_mem>>) src(%arg11 : memref<32x768xf32, #tpu.memory_space<vmem>>) dst(%dma_wait3A_43 : memref<32x768xf32, #tpu.memory_space<hbm>>)
      tpu.yield
    }) : () -> ()
    return
  }
}

#map = affine_map<(d0, d1) -> (0, 0)>
#map1 = affine_map<(d0, d1) -> (0)>
module attributes {stable_mosaic.version = 14 : i64} {
  func.func @disp(%arg0: i32, %arg1: i32, %arg2: memref<2048x768xf32, #tpu.memory_space<hbm>>, %arg3: memref<4096xi32, #tpu.memory_space<hbm>>, %arg4: memref<4096x768xf32, #tpu.memory_space<hbm>>, %arg5: memref<128xi32, #tpu.memory_space<vmem>>, %arg6: memref<128x768xf32, #tpu.memory_space<vmem>>, %arg7: memref<!tpu.dma_semaphore, #tpu.memory_space<semaphore_mem>>) attributes {dimension_semantics = [#tpu.dimension_semantics<core_parallel>, #tpu.dimension_semantics<subcore_parallel>], iteration_bounds = array<i64: 2, 16>, scalar_prefetch = 0 : i64, scratch_operands = 3 : i64, tpu.core_type = #tpu.core_type<sc_vector_subcore>, window_params = [{transform_indices = #map}, {transform_indices = #map1}, {transform_indices = #map}]} {
    %mul3A = arith.constant 2 : i32
    %mul3A_0 = arith.muli %arg1, %mul3A : i32
    %add3A = arith.addi %mul3A_0, %arg0 : i32
    %mul3A_1 = arith.constant 128 : i32
    %mul3A_2 = arith.muli %add3A, %mul3A_1 : i32
    "tpu.region"() ({
      %run_scoped3A = tpu.sem_alloc : memref<!tpu.dma_semaphore, #tpu.memory_space<semaphore_mem>>
      %dma_start3A_7 = tpu.memref_slice %arg3[%mul3A_2] : memref<4096xi32, #tpu.memory_space<hbm>> -> memref<128xi32, #tpu.memory_space<hbm>>
      %dma_start3A_8 = tpu.memref_slice %arg3[%mul3A_2] : memref<4096xi32, #tpu.memory_space<hbm>> -> memref<128xi32, #tpu.memory_space<hbm>>
      tpu.enqueue_dma source(%dma_start3A_8 : memref<128xi32, #tpu.memory_space<hbm>>) target(%arg5 : memref<128xi32, #tpu.memory_space<vmem>>) target_semaphore(%run_scoped3A : memref<!tpu.dma_semaphore, #tpu.memory_space<semaphore_mem>>)
      %dma_wait3A_9 = tpu.memref_slice %arg3[%mul3A_2] : memref<4096xi32, #tpu.memory_space<hbm>> -> memref<128xi32, #tpu.memory_space<hbm>>
      %dma_wait3A_10 = tpu.memref_slice %arg3[%mul3A_2] : memref<4096xi32, #tpu.memory_space<hbm>> -> memref<128xi32, #tpu.memory_space<hbm>>
      tpu.wait_dma2 semaphore(%run_scoped3A : memref<!tpu.dma_semaphore, #tpu.memory_space<semaphore_mem>>) src(%dma_wait3A_10 : memref<128xi32, #tpu.memory_space<hbm>>) dst(%arg5 : memref<128xi32, #tpu.memory_space<vmem>>)
      tpu.yield
    }) : () -> ()
    %dma_start3A = arith.constant 0 : i32
    %dma_start3A_3 = arith.constant 0 : i32
    %dma_start3A_4 = tpu.memref_slice %arg2[%dma_start3A, %dma_start3A_3] : memref<2048x768xf32, #tpu.memory_space<hbm>> -> memref<2048x768xf32, #tpu.memory_space<hbm>>
    tpu.enqueue_indirect_dma source(%dma_start3A_4 : memref<2048x768xf32, #tpu.memory_space<hbm>>) target(%arg6 : memref<128x768xf32, #tpu.memory_space<vmem>>) offsets(%arg5 : memref<128xi32, #tpu.memory_space<vmem>>) semaphore(%arg7 : memref<!tpu.dma_semaphore, #tpu.memory_space<semaphore_mem>>)
    %dma_wait3A = arith.constant 0 : i32
    %dma_wait3A_5 = arith.constant 0 : i32
    %dma_wait3A_6 = tpu.memref_slice %arg2[%dma_wait3A, %dma_wait3A_5] : memref<2048x768xf32, #tpu.memory_space<hbm>> -> memref<2048x768xf32, #tpu.memory_space<hbm>>
    tpu.wait_indirect_dma semaphore(%arg7 : memref<!tpu.dma_semaphore, #tpu.memory_space<semaphore_mem>>) src(%dma_wait3A_6 : memref<2048x768xf32, #tpu.memory_space<hbm>>) dst(%arg6 : memref<128x768xf32, #tpu.memory_space<vmem>>)
    "tpu.region"() ({
      %run_scoped3A = tpu.sem_alloc : memref<!tpu.dma_semaphore, #tpu.memory_space<semaphore_mem>>
      %dma_start3A_7 = arith.constant 0 : i32
      %dma_start3A_8 = tpu.memref_slice %arg4[%mul3A_2, %dma_start3A_7] : memref<4096x768xf32, #tpu.memory_space<hbm>> -> memref<128x768xf32, #tpu.memory_space<hbm>>
      %dma_start3A_9 = arith.constant 0 : i32
      %dma_start3A_10 = tpu.memref_slice %arg4[%mul3A_2, %dma_start3A_9] : memref<4096x768xf32, #tpu.memory_space<hbm>> -> memref<128x768xf32, #tpu.memory_space<hbm>>
      tpu.enqueue_dma source(%arg6 : memref<128x768xf32, #tpu.memory_space<vmem>>) target(%dma_start3A_10 : memref<128x768xf32, #tpu.memory_space<hbm>>) target_semaphore(%run_scoped3A : memref<!tpu.dma_semaphore, #tpu.memory_space<semaphore_mem>>)
      %dma_wait3A_11 = arith.constant 0 : i32
      %dma_wait3A_12 = tpu.memref_slice %arg4[%mul3A_2, %dma_wait3A_11] : memref<4096x768xf32, #tpu.memory_space<hbm>> -> memref<128x768xf32, #tpu.memory_space<hbm>>
      %dma_wait3A_13 = arith.constant 0 : i32
      %dma_wait3A_14 = tpu.memref_slice %arg4[%mul3A_2, %dma_wait3A_13] : memref<4096x768xf32, #tpu.memory_space<hbm>> -> memref<128x768xf32, #tpu.memory_space<hbm>>
      tpu.wait_dma2 semaphore(%run_scoped3A : memref<!tpu.dma_semaphore, #tpu.memory_space<semaphore_mem>>) src(%arg6 : memref<128x768xf32, #tpu.memory_space<vmem>>) dst(%dma_wait3A_14 : memref<128x768xf32, #tpu.memory_space<hbm>>)
      tpu.yield
    }) : () -> ()
    return
  }
}

module attributes {stable_mosaic.version = 14 : i64} {
  func.func @_proj_body(%arg0: i32, %arg1: memref<512x768xf32, #tpu.memory_space<vmem>>, %arg2: memref<1x768xf32, #tpu.memory_space<vmem>>, %arg3: memref<768x768xf32, #tpu.memory_space<vmem>>, %arg4: memref<768x384xf32, #tpu.memory_space<vmem>>, %arg5: memref<384x768xf32, #tpu.memory_space<vmem>>, %arg6: memref<384x768xf32, #tpu.memory_space<vmem>>, %arg7: memref<512x768xf32, #tpu.memory_space<vmem>>, %arg8: memref<512x768xf32, #tpu.memory_space<vmem>>, %arg9: memref<512x768xbf16, #tpu.memory_space<vmem>>, %arg10: memref<512x768xbf16, #tpu.memory_space<vmem>>, %arg11: memref<512x768xbf16, #tpu.memory_space<vmem>>) attributes {dimension_semantics = [#tpu.dimension_semantics<arbitrary>], iteration_bounds = array<i64: 4>, scalar_prefetch = 0 : i64, scratch_operands = 0 : i64, tpu.core_type = #tpu.core_type<tc>, window_params = [{transform_indices = @transform_0, window_bounds = array<i64: 512, 768>}, {pipeline_mode = #tpu.pipeline_mode<synchronous>, transform_indices = @transform_1, window_bounds = array<i64: 1, 768>}, {pipeline_mode = #tpu.pipeline_mode<synchronous>, transform_indices = @transform_2, window_bounds = array<i64: 768, 768>}, {pipeline_mode = #tpu.pipeline_mode<synchronous>, transform_indices = @transform_3, window_bounds = array<i64: 768, 384>}, {pipeline_mode = #tpu.pipeline_mode<synchronous>, transform_indices = @transform_4, window_bounds = array<i64: 384, 768>}, {pipeline_mode = #tpu.pipeline_mode<synchronous>, transform_indices = @transform_5, window_bounds = array<i64: 384, 768>}, {transform_indices = @transform_6, window_bounds = array<i64: 512, 768>}, {transform_indices = @transform_7, window_bounds = array<i64: 512, 768>}, {transform_indices = @transform_8, window_bounds = array<i64: 512, 768>}, {transform_indices = @transform_9, window_bounds = array<i64: 512, 768>}, {transform_indices = @transform_10, window_bounds = array<i64: 512, 768>}]} {
    %get3A = arith.constant 0 : index
    %get3A_0 = arith.constant 0 : index
    %get3A_1 = vector.load %arg1[%get3A, %get3A_0] : memref<512x768xf32, #tpu.memory_space<vmem>>, vector<512x768xf32>
    %mul3A = arith.mulf %get3A_1, %get3A_1 : vector<512x768xf32>
    %reduce_sum3A = arith.constant dense<0.000000e+00> : vector<512xf32>
    %reduce_sum3A_2 = vector.multi_reduction <add>, %mul3A, %reduce_sum3A [1] : vector<512x768xf32> to vector<512xf32>
    %broadcast_in_dim3A = vector.shape_cast %reduce_sum3A_2 : vector<512xf32> to vector<512x1xf32>
    %div3A = arith.constant 7.680000e+02 : f32
    %div3A_3 = vector.broadcast %div3A : f32 to vector<512x1xf32>
    %div3A_4 = arith.divf %broadcast_in_dim3A, %div3A_3 : vector<512x1xf32>
    %add3A = arith.constant 9.99999974E-6 : f32
    %add3A_5 = vector.broadcast %add3A : f32 to vector<512x1xf32>
    %add3A_6 = arith.addf %div3A_4, %add3A_5 : vector<512x1xf32>
    %rsqrt3A = math.rsqrt %add3A_6 : vector<512x1xf32>
    %mul3A_7 = vector.broadcast %rsqrt3A : vector<512x1xf32> to vector<512x768xf32>
    %mul3A_8 = arith.mulf %get3A_1, %mul3A_7 : vector<512x768xf32>
    %get3A_9 = arith.constant 0 : index
    %get3A_10 = arith.constant 0 : index
    %get3A_11 = vector.load %arg2[%get3A_9, %get3A_10] : memref<1x768xf32, #tpu.memory_space<vmem>>, vector<1x768xf32>
    %mul3A_12 = vector.broadcast %get3A_11 : vector<1x768xf32> to vector<512x768xf32>
    %mul3A_13 = arith.mulf %mul3A_8, %mul3A_12 : vector<512x768xf32>
    %convert_element_type3A = arith.truncf %mul3A_13 : vector<512x768xf32> to vector<512x768xbf16>
    %get3A_14 = arith.constant 0 : index
    %get3A_15 = arith.constant 0 : index
    %get3A_16 = vector.load %arg3[%get3A_14, %get3A_15] : memref<768x768xf32, #tpu.memory_space<vmem>>, vector<768x768xf32>
    %convert_element_type3A_17 = arith.truncf %get3A_16 : vector<768x768xf32> to vector<768x768xbf16>
    %dot_general3A = arith.constant dense<0.000000e+00> : vector<512x768xf32>
    %dot_general3A_18 = tpu.matmul %convert_element_type3A, %convert_element_type3A_17, %dot_general3A {dimension_numbers = #tpu.dot_dimension_numbers<[1], [0], [0], [1], [0, 0, 1, 1], [], []>, transpose_lhs_hint = false} : vector<512x768xbf16>, vector<768x768xbf16>, vector<512x768xf32> -> vector<512x768xf32>
    %get3A_19 = arith.constant 0 : index
    %get3A_20 = arith.constant 0 : index
    %get3A_21 = vector.load %arg4[%get3A_19, %get3A_20] : memref<768x384xf32, #tpu.memory_space<vmem>>, vector<768x384xf32>
    %convert_element_type3A_22 = arith.truncf %get3A_21 : vector<768x384xf32> to vector<768x384xbf16>
    %dot_general3A_23 = arith.constant dense<0.000000e+00> : vector<512x384xf32>
    %dot_general3A_24 = tpu.matmul %convert_element_type3A, %convert_element_type3A_22, %dot_general3A_23 {dimension_numbers = #tpu.dot_dimension_numbers<[1], [0], [0], [1], [0, 0, 1, 1], [], []>, transpose_lhs_hint = false} : vector<512x768xbf16>, vector<768x384xbf16>, vector<512x384xf32> -> vector<512x384xf32>
    %convert_element_type3A_25 = arith.truncf %dot_general3A_24 : vector<512x384xf32> to vector<512x384xbf16>
    %get3A_26 = arith.constant 0 : index
    %get3A_27 = arith.constant 0 : index
    %get3A_28 = vector.load %arg5[%get3A_26, %get3A_27] : memref<384x768xf32, #tpu.memory_space<vmem>>, vector<384x768xf32>
    %convert_element_type3A_29 = arith.truncf %get3A_28 : vector<384x768xf32> to vector<384x768xbf16>
    %dot_general3A_30 = arith.constant dense<0.000000e+00> : vector<512x768xf32>
    %dot_general3A_31 = tpu.matmul %convert_element_type3A_25, %convert_element_type3A_29, %dot_general3A_30 {dimension_numbers = #tpu.dot_dimension_numbers<[1], [0], [0], [1], [0, 0, 1, 1], [], []>, transpose_lhs_hint = false} : vector<512x384xbf16>, vector<384x768xbf16>, vector<512x768xf32> -> vector<512x768xf32>
    %get3A_32 = arith.constant 0 : index
    %get3A_33 = arith.constant 0 : index
    %get3A_34 = vector.load %arg6[%get3A_32, %get3A_33] : memref<384x768xf32, #tpu.memory_space<vmem>>, vector<384x768xf32>
    %convert_element_type3A_35 = arith.truncf %get3A_34 : vector<384x768xf32> to vector<384x768xbf16>
    %dot_general3A_36 = arith.constant dense<0.000000e+00> : vector<512x768xf32>
    %dot_general3A_37 = tpu.matmul %convert_element_type3A_25, %convert_element_type3A_35, %dot_general3A_36 {dimension_numbers = #tpu.dot_dimension_numbers<[1], [0], [0], [1], [0, 0, 1, 1], [], []>, transpose_lhs_hint = false} : vector<512x384xbf16>, vector<384x768xbf16>, vector<512x768xf32> -> vector<512x768xf32>
    %get3A_38 = arith.constant 0 : index
    %get3A_39 = arith.constant 0 : index
    %get3A_40 = vector.load %arg7[%get3A_38, %get3A_39] : memref<512x768xf32, #tpu.memory_space<vmem>>, vector<512x768xf32>
    %get3A_41 = arith.constant 0 : index
    %get3A_42 = arith.constant 0 : index
    %get3A_43 = vector.load %arg8[%get3A_41, %get3A_42] : memref<512x768xf32, #tpu.memory_space<vmem>>, vector<512x768xf32>
    %iota3A = tpu.iota {dimensions = array<i32: 1>} : vector<512x768xi32>
    %jit3A = arith.constant 64 : i32
    %eq3A = arith.constant 0 : i32
    %eq3A_44 = arith.cmpi eq, %jit3A, %eq3A : i32
    %jit3A_45 = arith.constant 1 : i32
    %select_n3A = arith.select %eq3A_44, %jit3A_45, %jit3A : i32
    %rem3A = vector.broadcast %select_n3A : i32 to vector<512x768xi32>
    %rem3A_46 = arith.remsi %iota3A, %rem3A : vector<512x768xi32>
    %ne3A = arith.constant 0 : i32
    %ne3A_47 = vector.broadcast %ne3A : i32 to vector<512x768xi32>
    %ne3A_48 = arith.cmpi ne, %rem3A_46, %ne3A_47 : vector<512x768xi32>
    %lt3A = arith.constant 0 : i32
    %lt3A_49 = vector.broadcast %lt3A : i32 to vector<512x768xi32>
    %lt3A_50 = arith.cmpi slt, %rem3A_46, %lt3A_49 : vector<512x768xi32>
    %lt3A_51 = arith.constant 0 : i32
    %lt3A_52 = arith.cmpi slt, %select_n3A, %lt3A_51 : i32
    %ne3A_53 = vector.broadcast %lt3A_52 : i1 to vector<512x768xi1>
    %ne3A_54 = vector.broadcast %ne3A_53 : vector<512x768xi1> to vector<512x768xi1>
    %ne3A_55 = arith.xori %lt3A_50, %ne3A_54 : vector<512x768xi1>
    %and3A = arith.andi %ne3A_55, %ne3A_48 : vector<512x768xi1>
    %add3A_56 = vector.broadcast %select_n3A : i32 to vector<512x768xi32>
    %add3A_57 = arith.addi %rem3A_46, %add3A_56 : vector<512x768xi32>
    %select_n3A_58 = arith.select %and3A, %add3A_57, %rem3A_46 : vector<512x768xi1>, vector<512x768xi32>
    %lt3A_59 = arith.constant 32 : i32
    %lt3A_60 = vector.broadcast %lt3A_59 : i32 to vector<512x768xi32>
    %lt3A_61 = arith.cmpi slt, %select_n3A_58, %lt3A_60 : vector<512x768xi32>
    %slice3A = vector.extract_strided_slice %dot_general3A_18 {offsets = [0, 32], sizes = [512, 736], strides = [1, 1]} : vector<512x768xf32> to vector<512x736xf32>
    %slice3A_62 = vector.extract_strided_slice %dot_general3A_18 {offsets = [0, 0], sizes = [512, 32], strides = [1, 1]} : vector<512x768xf32> to vector<512x32xf32>
    %concatenate3A = tpu.concatenate %slice3A, %slice3A_62 in 1 : vector<512x736xf32>, vector<512x32xf32> -> vector<512x768xf32>
    %slice3A_63 = vector.extract_strided_slice %dot_general3A_18 {offsets = [0, 736], sizes = [512, 32], strides = [1, 1]} : vector<512x768xf32> to vector<512x32xf32>
    %slice3A_64 = vector.extract_strided_slice %dot_general3A_18 {offsets = [0, 0], sizes = [512, 736], strides = [1, 1]} : vector<512x768xf32> to vector<512x736xf32>
    %concatenate3A_65 = tpu.concatenate %slice3A_63, %slice3A_64 in 1 : vector<512x32xf32>, vector<512x736xf32> -> vector<512x768xf32>
    %select_n3A_66 = arith.select %lt3A_61, %concatenate3A, %concatenate3A_65 : vector<512x768xi1>, vector<512x768xf32>
    %mul3A_67 = arith.mulf %dot_general3A_18, %get3A_40 : vector<512x768xf32>
    %mul3A_68 = arith.mulf %select_n3A_66, %get3A_43 : vector<512x768xf32>
    %add3A_69 = arith.addf %mul3A_67, %mul3A_68 : vector<512x768xf32>
    %convert_element_type3A_70 = arith.truncf %add3A_69 : vector<512x768xf32> to vector<512x768xbf16>
    %swap3A = arith.constant 0 : index
    %swap3A_71 = arith.constant 0 : index
    %swap3A_72 = vector.load %arg9[%swap3A, %swap3A_71] : memref<512x768xbf16, #tpu.memory_space<vmem>>, vector<512x768xbf16>
    tpu.vector_store %arg9[%swap3A, %swap3A_71], %convert_element_type3A_70 {strides = array<i32>} : memref<512x768xbf16, #tpu.memory_space<vmem>>, vector<512x768xbf16>,
    %slice3A_73 = vector.extract_strided_slice %dot_general3A_31 {offsets = [0, 32], sizes = [512, 736], strides = [1, 1]} : vector<512x768xf32> to vector<512x736xf32>
    %slice3A_74 = vector.extract_strided_slice %dot_general3A_31 {offsets = [0, 0], sizes = [512, 32], strides = [1, 1]} : vector<512x768xf32> to vector<512x32xf32>
    %concatenate3A_75 = tpu.concatenate %slice3A_73, %slice3A_74 in 1 : vector<512x736xf32>, vector<512x32xf32> -> vector<512x768xf32>
    %slice3A_76 = vector.extract_strided_slice %dot_general3A_31 {offsets = [0, 736], sizes = [512, 32], strides = [1, 1]} : vector<512x768xf32> to vector<512x32xf32>
    %slice3A_77 = vector.extract_strided_slice %dot_general3A_31 {offsets = [0, 0], sizes = [512, 736], strides = [1, 1]} : vector<512x768xf32> to vector<512x736xf32>
    %concatenate3A_78 = tpu.concatenate %slice3A_76, %slice3A_77 in 1 : vector<512x32xf32>, vector<512x736xf32> -> vector<512x768xf32>
    %select_n3A_79 = arith.select %lt3A_61, %concatenate3A_75, %concatenate3A_78 : vector<512x768xi1>, vector<512x768xf32>
    %mul3A_80 = arith.mulf %dot_general3A_31, %get3A_40 : vector<512x768xf32>
    %mul3A_81 = arith.mulf %select_n3A_79, %get3A_43 : vector<512x768xf32>
    %add3A_82 = arith.addf %mul3A_80, %mul3A_81 : vector<512x768xf32>
    %convert_element_type3A_83 = arith.truncf %add3A_82 : vector<512x768xf32> to vector<512x768xbf16>
    %swap3A_84 = arith.constant 0 : index
    %swap3A_85 = arith.constant 0 : index
    %swap3A_86 = vector.load %arg10[%swap3A_84, %swap3A_85] : memref<512x768xbf16, #tpu.memory_space<vmem>>, vector<512x768xbf16>
    tpu.vector_store %arg10[%swap3A_84, %swap3A_85], %convert_element_type3A_83 {strides = array<i32>} : memref<512x768xbf16, #tpu.memory_space<vmem>>, vector<512x768xbf16>,
    %convert_element_type3A_87 = arith.truncf %dot_general3A_37 : vector<512x768xf32> to vector<512x768xbf16>
    %swap3A_88 = arith.constant 0 : index
    %swap3A_89 = arith.constant 0 : index
    %swap3A_90 = vector.load %arg11[%swap3A_88, %swap3A_89] : memref<512x768xbf16, #tpu.memory_space<vmem>>, vector<512x768xbf16>
    tpu.vector_store %arg11[%swap3A_88, %swap3A_89], %convert_element_type3A_87 {strides = array<i32>} : memref<512x768xbf16, #tpu.memory_space<vmem>>, vector<512x768xbf16>,
    return
  }
  func.func @transform_0(%arg0: i32) -> (i32, i32) {
    %c0_i32 = arith.constant 0 : i32
    %c0_i32_0 = arith.constant 0 : i32
    return %arg0, %c0_i32 : i32, i32
  }
  func.func @transform_1(%arg0: i32) -> (i32, i32) {
    %c0_i32 = arith.constant 0 : i32
    %c0_i32_0 = arith.constant 0 : i32
    %c0_i32_1 = arith.constant 0 : i32
    return %c0_i32, %c0_i32_0 : i32, i32
  }
  func.func @transform_2(%arg0: i32) -> (i32, i32) {
    %c0_i32 = arith.constant 0 : i32
    %c0_i32_0 = arith.constant 0 : i32
    %c0_i32_1 = arith.constant 0 : i32
    return %c0_i32, %c0_i32_0 : i32, i32
  }
  func.func @transform_3(%arg0: i32) -> (i32, i32) {
    %c0_i32 = arith.constant 0 : i32
    %c0_i32_0 = arith.constant 0 : i32
    %c0_i32_1 = arith.constant 0 : i32
    return %c0_i32, %c0_i32_0 : i32, i32
  }
  func.func @transform_4(%arg0: i32) -> (i32, i32) {
    %c0_i32 = arith.constant 0 : i32
    %c0_i32_0 = arith.constant 0 : i32
    %c0_i32_1 = arith.constant 0 : i32
    return %c0_i32, %c0_i32_0 : i32, i32
  }
  func.func @transform_5(%arg0: i32) -> (i32, i32) {
    %c0_i32 = arith.constant 0 : i32
    %c0_i32_0 = arith.constant 0 : i32
    %c0_i32_1 = arith.constant 0 : i32
    return %c0_i32, %c0_i32_0 : i32, i32
  }
  func.func @transform_6(%arg0: i32) -> (i32, i32) {
    %c0_i32 = arith.constant 0 : i32
    %c0_i32_0 = arith.constant 0 : i32
    return %arg0, %c0_i32 : i32, i32
  }
  func.func @transform_7(%arg0: i32) -> (i32, i32) {
    %c0_i32 = arith.constant 0 : i32
    %c0_i32_0 = arith.constant 0 : i32
    return %arg0, %c0_i32 : i32, i32
  }
  func.func @transform_8(%arg0: i32) -> (i32, i32) {
    %c0_i32 = arith.constant 0 : i32
    %c0_i32_0 = arith.constant 0 : i32
    return %arg0, %c0_i32 : i32, i32
  }
  func.func @transform_9(%arg0: i32) -> (i32, i32) {
    %c0_i32 = arith.constant 0 : i32
    %c0_i32_0 = arith.constant 0 : i32
    return %arg0, %c0_i32 : i32, i32
  }
  func.func @transform_10(%arg0: i32) -> (i32, i32) {
    %c0_i32 = arith.constant 0 : i32
    %c0_i32_0 = arith.constant 0 : i32
    return %arg0, %c0_i32 : i32, i32
  }
}

module attributes {stable_mosaic.version = 14 : i64} {
  func.func @_attn_body(%arg0: i32, %arg1: memref<512x768xbf16, #tpu.memory_space<vmem>>, %arg2: memref<2048x768xbf16, #tpu.memory_space<vmem>>, %arg3: memref<2048x768xbf16, #tpu.memory_space<vmem>>, %arg4: memref<512x768xf32, #tpu.memory_space<vmem>>, %arg5: memref<768x768xf32, #tpu.memory_space<vmem>>, %arg6: memref<1x768xf32, #tpu.memory_space<vmem>>, %arg7: memref<768x8xf32, #tpu.memory_space<vmem>>, %arg8: memref<512x768xf32, #tpu.memory_space<vmem>>, %arg9: memref<512x768xf32, #tpu.memory_space<vmem>>, %arg10: memref<512x8xf32, #tpu.memory_space<vmem>>) attributes {dimension_semantics = [#tpu.dimension_semantics<arbitrary>], iteration_bounds = array<i64: 4>, scalar_prefetch = 0 : i64, scratch_operands = 0 : i64, tpu.core_type = #tpu.core_type<tc>, window_params = [{transform_indices = @transform_0, window_bounds = array<i64: 512, 768>}, {pipeline_mode = #tpu.pipeline_mode<synchronous>, transform_indices = @transform_1, window_bounds = array<i64: 2048, 768>}, {pipeline_mode = #tpu.pipeline_mode<synchronous>, transform_indices = @transform_2, window_bounds = array<i64: 2048, 768>}, {transform_indices = @transform_3, window_bounds = array<i64: 512, 768>}, {pipeline_mode = #tpu.pipeline_mode<synchronous>, transform_indices = @transform_4, window_bounds = array<i64: 768, 768>}, {pipeline_mode = #tpu.pipeline_mode<synchronous>, transform_indices = @transform_5, window_bounds = array<i64: 1, 768>}, {pipeline_mode = #tpu.pipeline_mode<synchronous>, transform_indices = @transform_6, window_bounds = array<i64: 768, 8>}, {transform_indices = @transform_7, window_bounds = array<i64: 512, 768>}, {transform_indices = @transform_8, window_bounds = array<i64: 512, 768>}, {transform_indices = @transform_9, window_bounds = array<i64: 512, 8>}]} {
    %mul3A = arith.constant 512 : i32
    %mul3A_0 = arith.muli %arg0, %mul3A : i32
    %iota3A = tpu.iota {dimensions = array<i32: 0>} : vector<512x2048xi32>
    %add3A = vector.broadcast %mul3A_0 : i32 to vector<512x2048xi32>
    %add3A_1 = arith.addi %add3A, %iota3A : vector<512x2048xi32>
    %iota3A_2 = tpu.iota {dimensions = array<i32: 1>} : vector<512x2048xi32>
    %le3A = arith.cmpi sle, %iota3A_2, %add3A_1 : vector<512x2048xi32>
    %get3A = arith.constant 0 : index
    %get3A_3 = arith.constant 0 : index
    %get3A_4 = vector.load %arg1[%get3A, %get3A_3] : memref<512x768xbf16, #tpu.memory_space<vmem>>, vector<512x64xbf16>
    %get3A_5 = arith.constant 0 : index
    %get3A_6 = arith.constant 0 : index
    %get3A_7 = vector.load %arg2[%get3A_5, %get3A_6] : memref<2048x768xbf16, #tpu.memory_space<vmem>>, vector<2048x64xbf16>
    %get3A_8 = arith.constant 0 : index
    %get3A_9 = arith.constant 0 : index
    %get3A_10 = vector.load %arg3[%get3A_8, %get3A_9] : memref<2048x768xbf16, #tpu.memory_space<vmem>>, vector<2048x64xbf16>
    %dot_general3A = arith.constant dense<0.000000e+00> : vector<512x2048xf32>
    %dot_general3A_11 = tpu.matmul %get3A_4, %get3A_7, %dot_general3A {dimension_numbers = #tpu.dot_dimension_numbers<[1], [1], [0], [0], [0, 0, 1, 0], [], []>, transpose_lhs_hint = false} : vector<512x64xbf16>, vector<2048x64xbf16>, vector<512x2048xf32> -> vector<512x2048xf32>
    %mul3A_12 = arith.constant 1.250000e-01 : f32
    %mul3A_13 = vector.broadcast %mul3A_12 : f32 to vector<512x2048xf32>
    %mul3A_14 = arith.mulf %dot_general3A_11, %mul3A_13 : vector<512x2048xf32>
    %jit3A = arith.constant -1.000000e+09 : f32
    %broadcast_in_dim3A = vector.broadcast %jit3A : f32 to vector<512x2048xf32>
    %select_n3A = arith.select %le3A, %mul3A_14, %broadcast_in_dim3A : vector<512x2048xi1>, vector<512x2048xf32>
    %reduce_max3A = arith.constant dense<0xFF800000> : vector<512xf32>
    %reduce_max3A_15 = vector.multi_reduction <maximumf>, %select_n3A, %reduce_max3A [1] : vector<512x2048xf32> to vector<512xf32>
    %broadcast_in_dim3A_16 = vector.shape_cast %reduce_max3A_15 : vector<512xf32> to vector<512x1xf32>
    %sub3A = vector.broadcast %broadcast_in_dim3A_16 : vector<512x1xf32> to vector<512x2048xf32>
    %sub3A_17 = arith.subf %select_n3A, %sub3A : vector<512x2048xf32>
    %exp3A = math.exp %sub3A_17 : vector<512x2048xf32>
    %reduce_sum3A = arith.constant dense<0.000000e+00> : vector<512xf32>
    %reduce_sum3A_18 = vector.multi_reduction <add>, %exp3A, %reduce_sum3A [1] : vector<512x2048xf32> to vector<512xf32>
    %broadcast_in_dim3A_19 = vector.shape_cast %reduce_sum3A_18 : vector<512xf32> to vector<512x1xf32>
    %div3A = vector.broadcast %broadcast_in_dim3A_19 : vector<512x1xf32> to vector<512x2048xf32>
    %div3A_20 = arith.divf %exp3A, %div3A : vector<512x2048xf32>
    %convert_element_type3A = arith.truncf %div3A_20 : vector<512x2048xf32> to vector<512x2048xbf16>
    %dot_general3A_21 = arith.constant dense<0.000000e+00> : vector<512x64xf32>
    %dot_general3A_22 = tpu.matmul %convert_element_type3A, %get3A_10, %dot_general3A_21 {dimension_numbers = #tpu.dot_dimension_numbers<[1], [0], [0], [1], [0, 0, 1, 1], [], []>, transpose_lhs_hint = false} : vector<512x2048xbf16>, vector<2048x64xbf16>, vector<512x64xf32> -> vector<512x64xf32>
    %get3A_23 = arith.constant 0 : index
    %get3A_24 = arith.constant 64 : index
    %get3A_25 = vector.load %arg1[%get3A_23, %get3A_24] : memref<512x768xbf16, #tpu.memory_space<vmem>>, vector<512x64xbf16>
    %get3A_26 = arith.constant 0 : index
    %get3A_27 = arith.constant 64 : index
    %get3A_28 = vector.load %arg2[%get3A_26, %get3A_27] : memref<2048x768xbf16, #tpu.memory_space<vmem>>, vector<2048x64xbf16>
    %get3A_29 = arith.constant 0 : index
    %get3A_30 = arith.constant 64 : index
    %get3A_31 = vector.load %arg3[%get3A_29, %get3A_30] : memref<2048x768xbf16, #tpu.memory_space<vmem>>, vector<2048x64xbf16>
    %dot_general3A_32 = arith.constant dense<0.000000e+00> : vector<512x2048xf32>
    %dot_general3A_33 = tpu.matmul %get3A_25, %get3A_28, %dot_general3A_32 {dimension_numbers = #tpu.dot_dimension_numbers<[1], [1], [0], [0], [0, 0, 1, 0], [], []>, transpose_lhs_hint = false} : vector<512x64xbf16>, vector<2048x64xbf16>, vector<512x2048xf32> -> vector<512x2048xf32>
    %mul3A_34 = arith.constant 1.250000e-01 : f32
    %mul3A_35 = vector.broadcast %mul3A_34 : f32 to vector<512x2048xf32>
    %mul3A_36 = arith.mulf %dot_general3A_33, %mul3A_35 : vector<512x2048xf32>
    %jit3A_37 = arith.constant -1.000000e+09 : f32
    %broadcast_in_dim3A_38 = vector.broadcast %jit3A_37 : f32 to vector<512x2048xf32>
    %select_n3A_39 = arith.select %le3A, %mul3A_36, %broadcast_in_dim3A_38 : vector<512x2048xi1>, vector<512x2048xf32>
    %reduce_max3A_40 = arith.constant dense<0xFF800000> : vector<512xf32>
    %reduce_max3A_41 = vector.multi_reduction <maximumf>, %select_n3A_39, %reduce_max3A_40 [1] : vector<512x2048xf32> to vector<512xf32>
    %broadcast_in_dim3A_42 = vector.shape_cast %reduce_max3A_41 : vector<512xf32> to vector<512x1xf32>
    %sub3A_43 = vector.broadcast %broadcast_in_dim3A_42 : vector<512x1xf32> to vector<512x2048xf32>
    %sub3A_44 = arith.subf %select_n3A_39, %sub3A_43 : vector<512x2048xf32>
    %exp3A_45 = math.exp %sub3A_44 : vector<512x2048xf32>
    %reduce_sum3A_46 = arith.constant dense<0.000000e+00> : vector<512xf32>
    %reduce_sum3A_47 = vector.multi_reduction <add>, %exp3A_45, %reduce_sum3A_46 [1] : vector<512x2048xf32> to vector<512xf32>
    %broadcast_in_dim3A_48 = vector.shape_cast %reduce_sum3A_47 : vector<512xf32> to vector<512x1xf32>
    %div3A_49 = vector.broadcast %broadcast_in_dim3A_48 : vector<512x1xf32> to vector<512x2048xf32>
    %div3A_50 = arith.divf %exp3A_45, %div3A_49 : vector<512x2048xf32>
    %convert_element_type3A_51 = arith.truncf %div3A_50 : vector<512x2048xf32> to vector<512x2048xbf16>
    %dot_general3A_52 = arith.constant dense<0.000000e+00> : vector<512x64xf32>
    %dot_general3A_53 = tpu.matmul %convert_element_type3A_51, %get3A_31, %dot_general3A_52 {dimension_numbers = #tpu.dot_dimension_numbers<[1], [0], [0], [1], [0, 0, 1, 1], [], []>, transpose_lhs_hint = false} : vector<512x2048xbf16>, vector<2048x64xbf16>, vector<512x64xf32> -> vector<512x64xf32>
    %get3A_54 = arith.constant 0 : index
    %get3A_55 = arith.constant 128 : index
    %get3A_56 = vector.load %arg1[%get3A_54, %get3A_55] : memref<512x768xbf16, #tpu.memory_space<vmem>>, vector<512x64xbf16>
    %get3A_57 = arith.constant 0 : index
    %get3A_58 = arith.constant 128 : index
    %get3A_59 = vector.load %arg2[%get3A_57, %get3A_58] : memref<2048x768xbf16, #tpu.memory_space<vmem>>, vector<2048x64xbf16>
    %get3A_60 = arith.constant 0 : index
    %get3A_61 = arith.constant 128 : index
    %get3A_62 = vector.load %arg3[%get3A_60, %get3A_61] : memref<2048x768xbf16, #tpu.memory_space<vmem>>, vector<2048x64xbf16>
    %dot_general3A_63 = arith.constant dense<0.000000e+00> : vector<512x2048xf32>
    %dot_general3A_64 = tpu.matmul %get3A_56, %get3A_59, %dot_general3A_63 {dimension_numbers = #tpu.dot_dimension_numbers<[1], [1], [0], [0], [0, 0, 1, 0], [], []>, transpose_lhs_hint = false} : vector<512x64xbf16>, vector<2048x64xbf16>, vector<512x2048xf32> -> vector<512x2048xf32>
    %mul3A_65 = arith.constant 1.250000e-01 : f32
    %mul3A_66 = vector.broadcast %mul3A_65 : f32 to vector<512x2048xf32>
    %mul3A_67 = arith.mulf %dot_general3A_64, %mul3A_66 : vector<512x2048xf32>
    %jit3A_68 = arith.constant -1.000000e+09 : f32
    %broadcast_in_dim3A_69 = vector.broadcast %jit3A_68 : f32 to vector<512x2048xf32>
    %select_n3A_70 = arith.select %le3A, %mul3A_67, %broadcast_in_dim3A_69 : vector<512x2048xi1>, vector<512x2048xf32>
    %reduce_max3A_71 = arith.constant dense<0xFF800000> : vector<512xf32>
    %reduce_max3A_72 = vector.multi_reduction <maximumf>, %select_n3A_70, %reduce_max3A_71 [1] : vector<512x2048xf32> to vector<512xf32>
    %broadcast_in_dim3A_73 = vector.shape_cast %reduce_max3A_72 : vector<512xf32> to vector<512x1xf32>
    %sub3A_74 = vector.broadcast %broadcast_in_dim3A_73 : vector<512x1xf32> to vector<512x2048xf32>
    %sub3A_75 = arith.subf %select_n3A_70, %sub3A_74 : vector<512x2048xf32>
    %exp3A_76 = math.exp %sub3A_75 : vector<512x2048xf32>
    %reduce_sum3A_77 = arith.constant dense<0.000000e+00> : vector<512xf32>
    %reduce_sum3A_78 = vector.multi_reduction <add>, %exp3A_76, %reduce_sum3A_77 [1] : vector<512x2048xf32> to vector<512xf32>
    %broadcast_in_dim3A_79 = vector.shape_cast %reduce_sum3A_78 : vector<512xf32> to vector<512x1xf32>
    %div3A_80 = vector.broadcast %broadcast_in_dim3A_79 : vector<512x1xf32> to vector<512x2048xf32>
    %div3A_81 = arith.divf %exp3A_76, %div3A_80 : vector<512x2048xf32>
    %convert_element_type3A_82 = arith.truncf %div3A_81 : vector<512x2048xf32> to vector<512x2048xbf16>
    %dot_general3A_83 = arith.constant dense<0.000000e+00> : vector<512x64xf32>
    %dot_general3A_84 = tpu.matmul %convert_element_type3A_82, %get3A_62, %dot_general3A_83 {dimension_numbers = #tpu.dot_dimension_numbers<[1], [0], [0], [1], [0, 0, 1, 1], [], []>, transpose_lhs_hint = false} : vector<512x2048xbf16>, vector<2048x64xbf16>, vector<512x64xf32> -> vector<512x64xf32>
    %get3A_85 = arith.constant 0 : index
    %get3A_86 = arith.constant 192 : index
    %get3A_87 = vector.load %arg1[%get3A_85, %get3A_86] : memref<512x768xbf16, #tpu.memory_space<vmem>>, vector<512x64xbf16>
    %get3A_88 = arith.constant 0 : index
    %get3A_89 = arith.constant 192 : index
    %get3A_90 = vector.load %arg2[%get3A_88, %get3A_89] : memref<2048x768xbf16, #tpu.memory_space<vmem>>, vector<2048x64xbf16>
    %get3A_91 = arith.constant 0 : index
    %get3A_92 = arith.constant 192 : index
    %get3A_93 = vector.load %arg3[%get3A_91, %get3A_92] : memref<2048x768xbf16, #tpu.memory_space<vmem>>, vector<2048x64xbf16>
    %dot_general3A_94 = arith.constant dense<0.000000e+00> : vector<512x2048xf32>
    %dot_general3A_95 = tpu.matmul %get3A_87, %get3A_90, %dot_general3A_94 {dimension_numbers = #tpu.dot_dimension_numbers<[1], [1], [0], [0], [0, 0, 1, 0], [], []>, transpose_lhs_hint = false} : vector<512x64xbf16>, vector<2048x64xbf16>, vector<512x2048xf32> -> vector<512x2048xf32>
    %mul3A_96 = arith.constant 1.250000e-01 : f32
    %mul3A_97 = vector.broadcast %mul3A_96 : f32 to vector<512x2048xf32>
    %mul3A_98 = arith.mulf %dot_general3A_95, %mul3A_97 : vector<512x2048xf32>
    %jit3A_99 = arith.constant -1.000000e+09 : f32
    %broadcast_in_dim3A_100 = vector.broadcast %jit3A_99 : f32 to vector<512x2048xf32>
    %select_n3A_101 = arith.select %le3A, %mul3A_98, %broadcast_in_dim3A_100 : vector<512x2048xi1>, vector<512x2048xf32>
    %reduce_max3A_102 = arith.constant dense<0xFF800000> : vector<512xf32>
    %reduce_max3A_103 = vector.multi_reduction <maximumf>, %select_n3A_101, %reduce_max3A_102 [1] : vector<512x2048xf32> to vector<512xf32>
    %broadcast_in_dim3A_104 = vector.shape_cast %reduce_max3A_103 : vector<512xf32> to vector<512x1xf32>
    %sub3A_105 = vector.broadcast %broadcast_in_dim3A_104 : vector<512x1xf32> to vector<512x2048xf32>
    %sub3A_106 = arith.subf %select_n3A_101, %sub3A_105 : vector<512x2048xf32>
    %exp3A_107 = math.exp %sub3A_106 : vector<512x2048xf32>
    %reduce_sum3A_108 = arith.constant dense<0.000000e+00> : vector<512xf32>
    %reduce_sum3A_109 = vector.multi_reduction <add>, %exp3A_107, %reduce_sum3A_108 [1] : vector<512x2048xf32> to vector<512xf32>
    %broadcast_in_dim3A_110 = vector.shape_cast %reduce_sum3A_109 : vector<512xf32> to vector<512x1xf32>
    %div3A_111 = vector.broadcast %broadcast_in_dim3A_110 : vector<512x1xf32> to vector<512x2048xf32>
    %div3A_112 = arith.divf %exp3A_107, %div3A_111 : vector<512x2048xf32>
    %convert_element_type3A_113 = arith.truncf %div3A_112 : vector<512x2048xf32> to vector<512x2048xbf16>
    %dot_general3A_114 = arith.constant dense<0.000000e+00> : vector<512x64xf32>
    %dot_general3A_115 = tpu.matmul %convert_element_type3A_113, %get3A_93, %dot_general3A_114 {dimension_numbers = #tpu.dot_dimension_numbers<[1], [0], [0], [1], [0, 0, 1, 1], [], []>, transpose_lhs_hint = false} : vector<512x2048xbf16>, vector<2048x64xbf16>, vector<512x64xf32> -> vector<512x64xf32>
    %get3A_116 = arith.constant 0 : index
    %get3A_117 = arith.constant 256 : index
    %get3A_118 = vector.load %arg1[%get3A_116, %get3A_117] : memref<512x768xbf16, #tpu.memory_space<vmem>>, vector<512x64xbf16>
    %get3A_119 = arith.constant 0 : index
    %get3A_120 = arith.constant 256 : index
    %get3A_121 = vector.load %arg2[%get3A_119, %get3A_120] : memref<2048x768xbf16, #tpu.memory_space<vmem>>, vector<2048x64xbf16>
    %get3A_122 = arith.constant 0 : index
    %get3A_123 = arith.constant 256 : index
    %get3A_124 = vector.load %arg3[%get3A_122, %get3A_123] : memref<2048x768xbf16, #tpu.memory_space<vmem>>, vector<2048x64xbf16>
    %dot_general3A_125 = arith.constant dense<0.000000e+00> : vector<512x2048xf32>
    %dot_general3A_126 = tpu.matmul %get3A_118, %get3A_121, %dot_general3A_125 {dimension_numbers = #tpu.dot_dimension_numbers<[1], [1], [0], [0], [0, 0, 1, 0], [], []>, transpose_lhs_hint = false} : vector<512x64xbf16>, vector<2048x64xbf16>, vector<512x2048xf32> -> vector<512x2048xf32>
    %mul3A_127 = arith.constant 1.250000e-01 : f32
    %mul3A_128 = vector.broadcast %mul3A_127 : f32 to vector<512x2048xf32>
    %mul3A_129 = arith.mulf %dot_general3A_126, %mul3A_128 : vector<512x2048xf32>
    %jit3A_130 = arith.constant -1.000000e+09 : f32
    %broadcast_in_dim3A_131 = vector.broadcast %jit3A_130 : f32 to vector<512x2048xf32>
    %select_n3A_132 = arith.select %le3A, %mul3A_129, %broadcast_in_dim3A_131 : vector<512x2048xi1>, vector<512x2048xf32>
    %reduce_max3A_133 = arith.constant dense<0xFF800000> : vector<512xf32>
    %reduce_max3A_134 = vector.multi_reduction <maximumf>, %select_n3A_132, %reduce_max3A_133 [1] : vector<512x2048xf32> to vector<512xf32>
    %broadcast_in_dim3A_135 = vector.shape_cast %reduce_max3A_134 : vector<512xf32> to vector<512x1xf32>
    %sub3A_136 = vector.broadcast %broadcast_in_dim3A_135 : vector<512x1xf32> to vector<512x2048xf32>
    %sub3A_137 = arith.subf %select_n3A_132, %sub3A_136 : vector<512x2048xf32>
    %exp3A_138 = math.exp %sub3A_137 : vector<512x2048xf32>
    %reduce_sum3A_139 = arith.constant dense<0.000000e+00> : vector<512xf32>
    %reduce_sum3A_140 = vector.multi_reduction <add>, %exp3A_138, %reduce_sum3A_139 [1] : vector<512x2048xf32> to vector<512xf32>
    %broadcast_in_dim3A_141 = vector.shape_cast %reduce_sum3A_140 : vector<512xf32> to vector<512x1xf32>
    %div3A_142 = vector.broadcast %broadcast_in_dim3A_141 : vector<512x1xf32> to vector<512x2048xf32>
    %div3A_143 = arith.divf %exp3A_138, %div3A_142 : vector<512x2048xf32>
    %convert_element_type3A_144 = arith.truncf %div3A_143 : vector<512x2048xf32> to vector<512x2048xbf16>
    %dot_general3A_145 = arith.constant dense<0.000000e+00> : vector<512x64xf32>
    %dot_general3A_146 = tpu.matmul %convert_element_type3A_144, %get3A_124, %dot_general3A_145 {dimension_numbers = #tpu.dot_dimension_numbers<[1], [0], [0], [1], [0, 0, 1, 1], [], []>, transpose_lhs_hint = false} : vector<512x2048xbf16>, vector<2048x64xbf16>, vector<512x64xf32> -> vector<512x64xf32>
    %get3A_147 = arith.constant 0 : index
    %get3A_148 = arith.constant 320 : index
    %get3A_149 = vector.load %arg1[%get3A_147, %get3A_148] : memref<512x768xbf16, #tpu.memory_space<vmem>>, vector<512x64xbf16>
    %get3A_150 = arith.constant 0 : index
    %get3A_151 = arith.constant 320 : index
    %get3A_152 = vector.load %arg2[%get3A_150, %get3A_151] : memref<2048x768xbf16, #tpu.memory_space<vmem>>, vector<2048x64xbf16>
    %get3A_153 = arith.constant 0 : index
    %get3A_154 = arith.constant 320 : index
    %get3A_155 = vector.load %arg3[%get3A_153, %get3A_154] : memref<2048x768xbf16, #tpu.memory_space<vmem>>, vector<2048x64xbf16>
    %dot_general3A_156 = arith.constant dense<0.000000e+00> : vector<512x2048xf32>
    %dot_general3A_157 = tpu.matmul %get3A_149, %get3A_152, %dot_general3A_156 {dimension_numbers = #tpu.dot_dimension_numbers<[1], [1], [0], [0], [0, 0, 1, 0], [], []>, transpose_lhs_hint = false} : vector<512x64xbf16>, vector<2048x64xbf16>, vector<512x2048xf32> -> vector<512x2048xf32>
    %mul3A_158 = arith.constant 1.250000e-01 : f32
    %mul3A_159 = vector.broadcast %mul3A_158 : f32 to vector<512x2048xf32>
    %mul3A_160 = arith.mulf %dot_general3A_157, %mul3A_159 : vector<512x2048xf32>
    %jit3A_161 = arith.constant -1.000000e+09 : f32
    %broadcast_in_dim3A_162 = vector.broadcast %jit3A_161 : f32 to vector<512x2048xf32>
    %select_n3A_163 = arith.select %le3A, %mul3A_160, %broadcast_in_dim3A_162 : vector<512x2048xi1>, vector<512x2048xf32>
    %reduce_max3A_164 = arith.constant dense<0xFF800000> : vector<512xf32>
    %reduce_max3A_165 = vector.multi_reduction <maximumf>, %select_n3A_163, %reduce_max3A_164 [1] : vector<512x2048xf32> to vector<512xf32>
    %broadcast_in_dim3A_166 = vector.shape_cast %reduce_max3A_165 : vector<512xf32> to vector<512x1xf32>
    %sub3A_167 = vector.broadcast %broadcast_in_dim3A_166 : vector<512x1xf32> to vector<512x2048xf32>
    %sub3A_168 = arith.subf %select_n3A_163, %sub3A_167 : vector<512x2048xf32>
    %exp3A_169 = math.exp %sub3A_168 : vector<512x2048xf32>
    %reduce_sum3A_170 = arith.constant dense<0.000000e+00> : vector<512xf32>
    %reduce_sum3A_171 = vector.multi_reduction <add>, %exp3A_169, %reduce_sum3A_170 [1] : vector<512x2048xf32> to vector<512xf32>
    %broadcast_in_dim3A_172 = vector.shape_cast %reduce_sum3A_171 : vector<512xf32> to vector<512x1xf32>
    %div3A_173 = vector.broadcast %broadcast_in_dim3A_172 : vector<512x1xf32> to vector<512x2048xf32>
    %div3A_174 = arith.divf %exp3A_169, %div3A_173 : vector<512x2048xf32>
    %convert_element_type3A_175 = arith.truncf %div3A_174 : vector<512x2048xf32> to vector<512x2048xbf16>
    %dot_general3A_176 = arith.constant dense<0.000000e+00> : vector<512x64xf32>
    %dot_general3A_177 = tpu.matmul %convert_element_type3A_175, %get3A_155, %dot_general3A_176 {dimension_numbers = #tpu.dot_dimension_numbers<[1], [0], [0], [1], [0, 0, 1, 1], [], []>, transpose_lhs_hint = false} : vector<512x2048xbf16>, vector<2048x64xbf16>, vector<512x64xf32> -> vector<512x64xf32>
    %get3A_178 = arith.constant 0 : index
    %get3A_179 = arith.constant 384 : index
    %get3A_180 = vector.load %arg1[%get3A_178, %get3A_179] : memref<512x768xbf16, #tpu.memory_space<vmem>>, vector<512x64xbf16>
    %get3A_181 = arith.constant 0 : index
    %get3A_182 = arith.constant 384 : index
    %get3A_183 = vector.load %arg2[%get3A_181, %get3A_182] : memref<2048x768xbf16, #tpu.memory_space<vmem>>, vector<2048x64xbf16>
    %get3A_184 = arith.constant 0 : index
    %get3A_185 = arith.constant 384 : index
    %get3A_186 = vector.load %arg3[%get3A_184, %get3A_185] : memref<2048x768xbf16, #tpu.memory_space<vmem>>, vector<2048x64xbf16>
    %dot_general3A_187 = arith.constant dense<0.000000e+00> : vector<512x2048xf32>
    %dot_general3A_188 = tpu.matmul %get3A_180, %get3A_183, %dot_general3A_187 {dimension_numbers = #tpu.dot_dimension_numbers<[1], [1], [0], [0], [0, 0, 1, 0], [], []>, transpose_lhs_hint = false} : vector<512x64xbf16>, vector<2048x64xbf16>, vector<512x2048xf32> -> vector<512x2048xf32>
    %mul3A_189 = arith.constant 1.250000e-01 : f32
    %mul3A_190 = vector.broadcast %mul3A_189 : f32 to vector<512x2048xf32>
    %mul3A_191 = arith.mulf %dot_general3A_188, %mul3A_190 : vector<512x2048xf32>
    %jit3A_192 = arith.constant -1.000000e+09 : f32
    %broadcast_in_dim3A_193 = vector.broadcast %jit3A_192 : f32 to vector<512x2048xf32>
    %select_n3A_194 = arith.select %le3A, %mul3A_191, %broadcast_in_dim3A_193 : vector<512x2048xi1>, vector<512x2048xf32>
    %reduce_max3A_195 = arith.constant dense<0xFF800000> : vector<512xf32>
    %reduce_max3A_196 = vector.multi_reduction <maximumf>, %select_n3A_194, %reduce_max3A_195 [1] : vector<512x2048xf32> to vector<512xf32>
    %broadcast_in_dim3A_197 = vector.shape_cast %reduce_max3A_196 : vector<512xf32> to vector<512x1xf32>
    %sub3A_198 = vector.broadcast %broadcast_in_dim3A_197 : vector<512x1xf32> to vector<512x2048xf32>
    %sub3A_199 = arith.subf %select_n3A_194, %sub3A_198 : vector<512x2048xf32>
    %exp3A_200 = math.exp %sub3A_199 : vector<512x2048xf32>
    %reduce_sum3A_201 = arith.constant dense<0.000000e+00> : vector<512xf32>
    %reduce_sum3A_202 = vector.multi_reduction <add>, %exp3A_200, %reduce_sum3A_201 [1] : vector<512x2048xf32> to vector<512xf32>
    %broadcast_in_dim3A_203 = vector.shape_cast %reduce_sum3A_202 : vector<512xf32> to vector<512x1xf32>
    %div3A_204 = vector.broadcast %broadcast_in_dim3A_203 : vector<512x1xf32> to vector<512x2048xf32>
    %div3A_205 = arith.divf %exp3A_200, %div3A_204 : vector<512x2048xf32>
    %convert_element_type3A_206 = arith.truncf %div3A_205 : vector<512x2048xf32> to vector<512x2048xbf16>
    %dot_general3A_207 = arith.constant dense<0.000000e+00> : vector<512x64xf32>
    %dot_general3A_208 = tpu.matmul %convert_element_type3A_206, %get3A_186, %dot_general3A_207 {dimension_numbers = #tpu.dot_dimension_numbers<[1], [0], [0], [1], [0, 0, 1, 1], [], []>, transpose_lhs_hint = false} : vector<512x2048xbf16>, vector<2048x64xbf16>, vector<512x64xf32> -> vector<512x64xf32>
    %get3A_209 = arith.constant 0 : index
    %get3A_210 = arith.constant 448 : index
    %get3A_211 = vector.load %arg1[%get3A_209, %get3A_210] : memref<512x768xbf16, #tpu.memory_space<vmem>>, vector<512x64xbf16>
    %get3A_212 = arith.constant 0 : index
    %get3A_213 = arith.constant 448 : index
    %get3A_214 = vector.load %arg2[%get3A_212, %get3A_213] : memref<2048x768xbf16, #tpu.memory_space<vmem>>, vector<2048x64xbf16>
    %get3A_215 = arith.constant 0 : index
    %get3A_216 = arith.constant 448 : index
    %get3A_217 = vector.load %arg3[%get3A_215, %get3A_216] : memref<2048x768xbf16, #tpu.memory_space<vmem>>, vector<2048x64xbf16>
    %dot_general3A_218 = arith.constant dense<0.000000e+00> : vector<512x2048xf32>
    %dot_general3A_219 = tpu.matmul %get3A_211, %get3A_214, %dot_general3A_218 {dimension_numbers = #tpu.dot_dimension_numbers<[1], [1], [0], [0], [0, 0, 1, 0], [], []>, transpose_lhs_hint = false} : vector<512x64xbf16>, vector<2048x64xbf16>, vector<512x2048xf32> -> vector<512x2048xf32>
    %mul3A_220 = arith.constant 1.250000e-01 : f32
    %mul3A_221 = vector.broadcast %mul3A_220 : f32 to vector<512x2048xf32>
    %mul3A_222 = arith.mulf %dot_general3A_219, %mul3A_221 : vector<512x2048xf32>
    %jit3A_223 = arith.constant -1.000000e+09 : f32
    %broadcast_in_dim3A_224 = vector.broadcast %jit3A_223 : f32 to vector<512x2048xf32>
    %select_n3A_225 = arith.select %le3A, %mul3A_222, %broadcast_in_dim3A_224 : vector<512x2048xi1>, vector<512x2048xf32>
    %reduce_max3A_226 = arith.constant dense<0xFF800000> : vector<512xf32>
    %reduce_max3A_227 = vector.multi_reduction <maximumf>, %select_n3A_225, %reduce_max3A_226 [1] : vector<512x2048xf32> to vector<512xf32>
    %broadcast_in_dim3A_228 = vector.shape_cast %reduce_max3A_227 : vector<512xf32> to vector<512x1xf32>
    %sub3A_229 = vector.broadcast %broadcast_in_dim3A_228 : vector<512x1xf32> to vector<512x2048xf32>
    %sub3A_230 = arith.subf %select_n3A_225, %sub3A_229 : vector<512x2048xf32>
    %exp3A_231 = math.exp %sub3A_230 : vector<512x2048xf32>
    %reduce_sum3A_232 = arith.constant dense<0.000000e+00> : vector<512xf32>
    %reduce_sum3A_233 = vector.multi_reduction <add>, %exp3A_231, %reduce_sum3A_232 [1] : vector<512x2048xf32> to vector<512xf32>
    %broadcast_in_dim3A_234 = vector.shape_cast %reduce_sum3A_233 : vector<512xf32> to vector<512x1xf32>
    %div3A_235 = vector.broadcast %broadcast_in_dim3A_234 : vector<512x1xf32> to vector<512x2048xf32>
    %div3A_236 = arith.divf %exp3A_231, %div3A_235 : vector<512x2048xf32>
    %convert_element_type3A_237 = arith.truncf %div3A_236 : vector<512x2048xf32> to vector<512x2048xbf16>
    %dot_general3A_238 = arith.constant dense<0.000000e+00> : vector<512x64xf32>
    %dot_general3A_239 = tpu.matmul %convert_element_type3A_237, %get3A_217, %dot_general3A_238 {dimension_numbers = #tpu.dot_dimension_numbers<[1], [0], [0], [1], [0, 0, 1, 1], [], []>, transpose_lhs_hint = false} : vector<512x2048xbf16>, vector<2048x64xbf16>, vector<512x64xf32> -> vector<512x64xf32>
    %get3A_240 = arith.constant 0 : index
    %get3A_241 = arith.constant 512 : index
    %get3A_242 = vector.load %arg1[%get3A_240, %get3A_241] : memref<512x768xbf16, #tpu.memory_space<vmem>>, vector<512x64xbf16>
    %get3A_243 = arith.constant 0 : index
    %get3A_244 = arith.constant 512 : index
    %get3A_245 = vector.load %arg2[%get3A_243, %get3A_244] : memref<2048x768xbf16, #tpu.memory_space<vmem>>, vector<2048x64xbf16>
    %get3A_246 = arith.constant 0 : index
    %get3A_247 = arith.constant 512 : index
    %get3A_248 = vector.load %arg3[%get3A_246, %get3A_247] : memref<2048x768xbf16, #tpu.memory_space<vmem>>, vector<2048x64xbf16>
    %dot_general3A_249 = arith.constant dense<0.000000e+00> : vector<512x2048xf32>
    %dot_general3A_250 = tpu.matmul %get3A_242, %get3A_245, %dot_general3A_249 {dimension_numbers = #tpu.dot_dimension_numbers<[1], [1], [0], [0], [0, 0, 1, 0], [], []>, transpose_lhs_hint = false} : vector<512x64xbf16>, vector<2048x64xbf16>, vector<512x2048xf32> -> vector<512x2048xf32>
    %mul3A_251 = arith.constant 1.250000e-01 : f32
    %mul3A_252 = vector.broadcast %mul3A_251 : f32 to vector<512x2048xf32>
    %mul3A_253 = arith.mulf %dot_general3A_250, %mul3A_252 : vector<512x2048xf32>
    %jit3A_254 = arith.constant -1.000000e+09 : f32
    %broadcast_in_dim3A_255 = vector.broadcast %jit3A_254 : f32 to vector<512x2048xf32>
    %select_n3A_256 = arith.select %le3A, %mul3A_253, %broadcast_in_dim3A_255 : vector<512x2048xi1>, vector<512x2048xf32>
    %reduce_max3A_257 = arith.constant dense<0xFF800000> : vector<512xf32>
    %reduce_max3A_258 = vector.multi_reduction <maximumf>, %select_n3A_256, %reduce_max3A_257 [1] : vector<512x2048xf32> to vector<512xf32>
    %broadcast_in_dim3A_259 = vector.shape_cast %reduce_max3A_258 : vector<512xf32> to vector<512x1xf32>
    %sub3A_260 = vector.broadcast %broadcast_in_dim3A_259 : vector<512x1xf32> to vector<512x2048xf32>
    %sub3A_261 = arith.subf %select_n3A_256, %sub3A_260 : vector<512x2048xf32>
    %exp3A_262 = math.exp %sub3A_261 : vector<512x2048xf32>
    %reduce_sum3A_263 = arith.constant dense<0.000000e+00> : vector<512xf32>
    %reduce_sum3A_264 = vector.multi_reduction <add>, %exp3A_262, %reduce_sum3A_263 [1] : vector<512x2048xf32> to vector<512xf32>
    %broadcast_in_dim3A_265 = vector.shape_cast %reduce_sum3A_264 : vector<512xf32> to vector<512x1xf32>
    %div3A_266 = vector.broadcast %broadcast_in_dim3A_265 : vector<512x1xf32> to vector<512x2048xf32>
    %div3A_267 = arith.divf %exp3A_262, %div3A_266 : vector<512x2048xf32>
    %convert_element_type3A_268 = arith.truncf %div3A_267 : vector<512x2048xf32> to vector<512x2048xbf16>
    %dot_general3A_269 = arith.constant dense<0.000000e+00> : vector<512x64xf32>
    %dot_general3A_270 = tpu.matmul %convert_element_type3A_268, %get3A_248, %dot_general3A_269 {dimension_numbers = #tpu.dot_dimension_numbers<[1], [0], [0], [1], [0, 0, 1, 1], [], []>, transpose_lhs_hint = false} : vector<512x2048xbf16>, vector<2048x64xbf16>, vector<512x64xf32> -> vector<512x64xf32>
    %get3A_271 = arith.constant 0 : index
    %get3A_272 = arith.constant 576 : index
    %get3A_273 = vector.load %arg1[%get3A_271, %get3A_272] : memref<512x768xbf16, #tpu.memory_space<vmem>>, vector<512x64xbf16>
    %get3A_274 = arith.constant 0 : index
    %get3A_275 = arith.constant 576 : index
    %get3A_276 = vector.load %arg2[%get3A_274, %get3A_275] : memref<2048x768xbf16, #tpu.memory_space<vmem>>, vector<2048x64xbf16>
    %get3A_277 = arith.constant 0 : index
    %get3A_278 = arith.constant 576 : index
    %get3A_279 = vector.load %arg3[%get3A_277, %get3A_278] : memref<2048x768xbf16, #tpu.memory_space<vmem>>, vector<2048x64xbf16>
    %dot_general3A_280 = arith.constant dense<0.000000e+00> : vector<512x2048xf32>
    %dot_general3A_281 = tpu.matmul %get3A_273, %get3A_276, %dot_general3A_280 {dimension_numbers = #tpu.dot_dimension_numbers<[1], [1], [0], [0], [0, 0, 1, 0], [], []>, transpose_lhs_hint = false} : vector<512x64xbf16>, vector<2048x64xbf16>, vector<512x2048xf32> -> vector<512x2048xf32>
    %mul3A_282 = arith.constant 1.250000e-01 : f32
    %mul3A_283 = vector.broadcast %mul3A_282 : f32 to vector<512x2048xf32>
    %mul3A_284 = arith.mulf %dot_general3A_281, %mul3A_283 : vector<512x2048xf32>
    %jit3A_285 = arith.constant -1.000000e+09 : f32
    %broadcast_in_dim3A_286 = vector.broadcast %jit3A_285 : f32 to vector<512x2048xf32>
    %select_n3A_287 = arith.select %le3A, %mul3A_284, %broadcast_in_dim3A_286 : vector<512x2048xi1>, vector<512x2048xf32>
    %reduce_max3A_288 = arith.constant dense<0xFF800000> : vector<512xf32>
    %reduce_max3A_289 = vector.multi_reduction <maximumf>, %select_n3A_287, %reduce_max3A_288 [1] : vector<512x2048xf32> to vector<512xf32>
    %broadcast_in_dim3A_290 = vector.shape_cast %reduce_max3A_289 : vector<512xf32> to vector<512x1xf32>
    %sub3A_291 = vector.broadcast %broadcast_in_dim3A_290 : vector<512x1xf32> to vector<512x2048xf32>
    %sub3A_292 = arith.subf %select_n3A_287, %sub3A_291 : vector<512x2048xf32>
    %exp3A_293 = math.exp %sub3A_292 : vector<512x2048xf32>
    %reduce_sum3A_294 = arith.constant dense<0.000000e+00> : vector<512xf32>
    %reduce_sum3A_295 = vector.multi_reduction <add>, %exp3A_293, %reduce_sum3A_294 [1] : vector<512x2048xf32> to vector<512xf32>
    %broadcast_in_dim3A_296 = vector.shape_cast %reduce_sum3A_295 : vector<512xf32> to vector<512x1xf32>
    %div3A_297 = vector.broadcast %broadcast_in_dim3A_296 : vector<512x1xf32> to vector<512x2048xf32>
    %div3A_298 = arith.divf %exp3A_293, %div3A_297 : vector<512x2048xf32>
    %convert_element_type3A_299 = arith.truncf %div3A_298 : vector<512x2048xf32> to vector<512x2048xbf16>
    %dot_general3A_300 = arith.constant dense<0.000000e+00> : vector<512x64xf32>
    %dot_general3A_301 = tpu.matmul %convert_element_type3A_299, %get3A_279, %dot_general3A_300 {dimension_numbers = #tpu.dot_dimension_numbers<[1], [0], [0], [1], [0, 0, 1, 1], [], []>, transpose_lhs_hint = false} : vector<512x2048xbf16>, vector<2048x64xbf16>, vector<512x64xf32> -> vector<512x64xf32>
    %get3A_302 = arith.constant 0 : index
    %get3A_303 = arith.constant 640 : index
    %get3A_304 = vector.load %arg1[%get3A_302, %get3A_303] : memref<512x768xbf16, #tpu.memory_space<vmem>>, vector<512x64xbf16>
    %get3A_305 = arith.constant 0 : index
    %get3A_306 = arith.constant 640 : index
    %get3A_307 = vector.load %arg2[%get3A_305, %get3A_306] : memref<2048x768xbf16, #tpu.memory_space<vmem>>, vector<2048x64xbf16>
    %get3A_308 = arith.constant 0 : index
    %get3A_309 = arith.constant 640 : index
    %get3A_310 = vector.load %arg3[%get3A_308, %get3A_309] : memref<2048x768xbf16, #tpu.memory_space<vmem>>, vector<2048x64xbf16>
    %dot_general3A_311 = arith.constant dense<0.000000e+00> : vector<512x2048xf32>
    %dot_general3A_312 = tpu.matmul %get3A_304, %get3A_307, %dot_general3A_311 {dimension_numbers = #tpu.dot_dimension_numbers<[1], [1], [0], [0], [0, 0, 1, 0], [], []>, transpose_lhs_hint = false} : vector<512x64xbf16>, vector<2048x64xbf16>, vector<512x2048xf32> -> vector<512x2048xf32>
    %mul3A_313 = arith.constant 1.250000e-01 : f32
    %mul3A_314 = vector.broadcast %mul3A_313 : f32 to vector<512x2048xf32>
    %mul3A_315 = arith.mulf %dot_general3A_312, %mul3A_314 : vector<512x2048xf32>
    %jit3A_316 = arith.constant -1.000000e+09 : f32
    %broadcast_in_dim3A_317 = vector.broadcast %jit3A_316 : f32 to vector<512x2048xf32>
    %select_n3A_318 = arith.select %le3A, %mul3A_315, %broadcast_in_dim3A_317 : vector<512x2048xi1>, vector<512x2048xf32>
    %reduce_max3A_319 = arith.constant dense<0xFF800000> : vector<512xf32>
    %reduce_max3A_320 = vector.multi_reduction <maximumf>, %select_n3A_318, %reduce_max3A_319 [1] : vector<512x2048xf32> to vector<512xf32>
    %broadcast_in_dim3A_321 = vector.shape_cast %reduce_max3A_320 : vector<512xf32> to vector<512x1xf32>
    %sub3A_322 = vector.broadcast %broadcast_in_dim3A_321 : vector<512x1xf32> to vector<512x2048xf32>
    %sub3A_323 = arith.subf %select_n3A_318, %sub3A_322 : vector<512x2048xf32>
    %exp3A_324 = math.exp %sub3A_323 : vector<512x2048xf32>
    %reduce_sum3A_325 = arith.constant dense<0.000000e+00> : vector<512xf32>
    %reduce_sum3A_326 = vector.multi_reduction <add>, %exp3A_324, %reduce_sum3A_325 [1] : vector<512x2048xf32> to vector<512xf32>
    %broadcast_in_dim3A_327 = vector.shape_cast %reduce_sum3A_326 : vector<512xf32> to vector<512x1xf32>
    %div3A_328 = vector.broadcast %broadcast_in_dim3A_327 : vector<512x1xf32> to vector<512x2048xf32>
    %div3A_329 = arith.divf %exp3A_324, %div3A_328 : vector<512x2048xf32>
    %convert_element_type3A_330 = arith.truncf %div3A_329 : vector<512x2048xf32> to vector<512x2048xbf16>
    %dot_general3A_331 = arith.constant dense<0.000000e+00> : vector<512x64xf32>
    %dot_general3A_332 = tpu.matmul %convert_element_type3A_330, %get3A_310, %dot_general3A_331 {dimension_numbers = #tpu.dot_dimension_numbers<[1], [0], [0], [1], [0, 0, 1, 1], [], []>, transpose_lhs_hint = false} : vector<512x2048xbf16>, vector<2048x64xbf16>, vector<512x64xf32> -> vector<512x64xf32>
    %get3A_333 = arith.constant 0 : index
    %get3A_334 = arith.constant 704 : index
    %get3A_335 = vector.load %arg1[%get3A_333, %get3A_334] : memref<512x768xbf16, #tpu.memory_space<vmem>>, vector<512x64xbf16>
    %get3A_336 = arith.constant 0 : index
    %get3A_337 = arith.constant 704 : index
    %get3A_338 = vector.load %arg2[%get3A_336, %get3A_337] : memref<2048x768xbf16, #tpu.memory_space<vmem>>, vector<2048x64xbf16>
    %get3A_339 = arith.constant 0 : index
    %get3A_340 = arith.constant 704 : index
    %get3A_341 = vector.load %arg3[%get3A_339, %get3A_340] : memref<2048x768xbf16, #tpu.memory_space<vmem>>, vector<2048x64xbf16>
    %dot_general3A_342 = arith.constant dense<0.000000e+00> : vector<512x2048xf32>
    %dot_general3A_343 = tpu.matmul %get3A_335, %get3A_338, %dot_general3A_342 {dimension_numbers = #tpu.dot_dimension_numbers<[1], [1], [0], [0], [0, 0, 1, 0], [], []>, transpose_lhs_hint = false} : vector<512x64xbf16>, vector<2048x64xbf16>, vector<512x2048xf32> -> vector<512x2048xf32>
    %mul3A_344 = arith.constant 1.250000e-01 : f32
    %mul3A_345 = vector.broadcast %mul3A_344 : f32 to vector<512x2048xf32>
    %mul3A_346 = arith.mulf %dot_general3A_343, %mul3A_345 : vector<512x2048xf32>
    %jit3A_347 = arith.constant -1.000000e+09 : f32
    %broadcast_in_dim3A_348 = vector.broadcast %jit3A_347 : f32 to vector<512x2048xf32>
    %select_n3A_349 = arith.select %le3A, %mul3A_346, %broadcast_in_dim3A_348 : vector<512x2048xi1>, vector<512x2048xf32>
    %reduce_max3A_350 = arith.constant dense<0xFF800000> : vector<512xf32>
    %reduce_max3A_351 = vector.multi_reduction <maximumf>, %select_n3A_349, %reduce_max3A_350 [1] : vector<512x2048xf32> to vector<512xf32>
    %broadcast_in_dim3A_352 = vector.shape_cast %reduce_max3A_351 : vector<512xf32> to vector<512x1xf32>
    %sub3A_353 = vector.broadcast %broadcast_in_dim3A_352 : vector<512x1xf32> to vector<512x2048xf32>
    %sub3A_354 = arith.subf %select_n3A_349, %sub3A_353 : vector<512x2048xf32>
    %exp3A_355 = math.exp %sub3A_354 : vector<512x2048xf32>
    %reduce_sum3A_356 = arith.constant dense<0.000000e+00> : vector<512xf32>
    %reduce_sum3A_357 = vector.multi_reduction <add>, %exp3A_355, %reduce_sum3A_356 [1] : vector<512x2048xf32> to vector<512xf32>
    %broadcast_in_dim3A_358 = vector.shape_cast %reduce_sum3A_357 : vector<512xf32> to vector<512x1xf32>
    %div3A_359 = vector.broadcast %broadcast_in_dim3A_358 : vector<512x1xf32> to vector<512x2048xf32>
    %div3A_360 = arith.divf %exp3A_355, %div3A_359 : vector<512x2048xf32>
    %convert_element_type3A_361 = arith.truncf %div3A_360 : vector<512x2048xf32> to vector<512x2048xbf16>
    %dot_general3A_362 = arith.constant dense<0.000000e+00> : vector<512x64xf32>
    %dot_general3A_363 = tpu.matmul %convert_element_type3A_361, %get3A_341, %dot_general3A_362 {dimension_numbers = #tpu.dot_dimension_numbers<[1], [0], [0], [1], [0, 0, 1, 1], [], []>, transpose_lhs_hint = false} : vector<512x2048xbf16>, vector<2048x64xbf16>, vector<512x64xf32> -> vector<512x64xf32>
    %concatenate3A = tpu.concatenate %dot_general3A_22, %dot_general3A_53, %dot_general3A_84, %dot_general3A_115, %dot_general3A_146, %dot_general3A_177, %dot_general3A_208, %dot_general3A_239, %dot_general3A_270, %dot_general3A_301, %dot_general3A_332, %dot_general3A_363 in 1 : vector<512x64xf32>, vector<512x64xf32>, vector<512x64xf32>, vector<512x64xf32>, vector<512x64xf32>, vector<512x64xf32>, vector<512x64xf32>, vector<512x64xf32>, vector<512x64xf32>, vector<512x64xf32>, vector<512x64xf32>, vector<512x64xf32> -> vector<512x768xf32>
    %convert_element_type3A_364 = arith.truncf %concatenate3A : vector<512x768xf32> to vector<512x768xbf16>
    %get3A_365 = arith.constant 0 : index
    %get3A_366 = arith.constant 0 : index
    %get3A_367 = vector.load %arg5[%get3A_365, %get3A_366] : memref<768x768xf32, #tpu.memory_space<vmem>>, vector<768x768xf32>
    %convert_element_type3A_368 = arith.truncf %get3A_367 : vector<768x768xf32> to vector<768x768xbf16>
    %get3A_369 = arith.constant 0 : index
    %get3A_370 = arith.constant 0 : index
    %get3A_371 = vector.load %arg4[%get3A_369, %get3A_370] : memref<512x768xf32, #tpu.memory_space<vmem>>, vector<512x768xf32>
    %dot_general3A_372 = arith.constant dense<0.000000e+00> : vector<512x768xf32>
    %dot_general3A_373 = tpu.matmul %convert_element_type3A_364, %convert_element_type3A_368, %dot_general3A_372 {dimension_numbers = #tpu.dot_dimension_numbers<[1], [0], [0], [1], [0, 0, 1, 1], [], []>, transpose_lhs_hint = false} : vector<512x768xbf16>, vector<768x768xbf16>, vector<512x768xf32> -> vector<512x768xf32>
    %add3A_374 = arith.addf %get3A_371, %dot_general3A_373 : vector<512x768xf32>
    %mul3A_375 = arith.mulf %add3A_374, %add3A_374 : vector<512x768xf32>
    %reduce_sum3A_376 = arith.constant dense<0.000000e+00> : vector<512xf32>
    %reduce_sum3A_377 = vector.multi_reduction <add>, %mul3A_375, %reduce_sum3A_376 [1] : vector<512x768xf32> to vector<512xf32>
    %broadcast_in_dim3A_378 = vector.shape_cast %reduce_sum3A_377 : vector<512xf32> to vector<512x1xf32>
    %div3A_379 = arith.constant 7.680000e+02 : f32
    %div3A_380 = vector.broadcast %div3A_379 : f32 to vector<512x1xf32>
    %div3A_381 = arith.divf %broadcast_in_dim3A_378, %div3A_380 : vector<512x1xf32>
    %add3A_382 = arith.constant 9.99999974E-6 : f32
    %add3A_383 = vector.broadcast %add3A_382 : f32 to vector<512x1xf32>
    %add3A_384 = arith.addf %div3A_381, %add3A_383 : vector<512x1xf32>
    %rsqrt3A = math.rsqrt %add3A_384 : vector<512x1xf32>
    %mul3A_385 = vector.broadcast %rsqrt3A : vector<512x1xf32> to vector<512x768xf32>
    %mul3A_386 = arith.mulf %add3A_374, %mul3A_385 : vector<512x768xf32>
    %get3A_387 = arith.constant 0 : index
    %get3A_388 = arith.constant 0 : index
    %get3A_389 = vector.load %arg6[%get3A_387, %get3A_388] : memref<1x768xf32, #tpu.memory_space<vmem>>, vector<1x768xf32>
    %mul3A_390 = vector.broadcast %get3A_389 : vector<1x768xf32> to vector<512x768xf32>
    %mul3A_391 = arith.mulf %mul3A_386, %mul3A_390 : vector<512x768xf32>
    %swap3A = arith.constant 0 : index
    %swap3A_392 = arith.constant 0 : index
    %swap3A_393 = vector.load %arg8[%swap3A, %swap3A_392] : memref<512x768xf32, #tpu.memory_space<vmem>>, vector<512x768xf32>
    tpu.vector_store %arg8[%swap3A, %swap3A_392], %add3A_374 {strides = array<i32>} : memref<512x768xf32, #tpu.memory_space<vmem>>, vector<512x768xf32>,
    %swap3A_394 = arith.constant 0 : index
    %swap3A_395 = arith.constant 0 : index
    %swap3A_396 = vector.load %arg9[%swap3A_394, %swap3A_395] : memref<512x768xf32, #tpu.memory_space<vmem>>, vector<512x768xf32>
    tpu.vector_store %arg9[%swap3A_394, %swap3A_395], %mul3A_391 {strides = array<i32>} : memref<512x768xf32, #tpu.memory_space<vmem>>, vector<512x768xf32>,
    %get3A_397 = arith.constant 0 : index
    %get3A_398 = arith.constant 0 : index
    %get3A_399 = vector.load %arg7[%get3A_397, %get3A_398] : memref<768x8xf32, #tpu.memory_space<vmem>>, vector<768x8xf32>
    %dot_general3A_400 = arith.constant dense<0.000000e+00> : vector<512x8xf32>
    %dot_general3A_401 = tpu.matmul %mul3A_391, %get3A_399, %dot_general3A_400 {dimension_numbers = #tpu.dot_dimension_numbers<[1], [0], [0], [1], [0, 0, 1, 1], [], []>, precision = #tpu.contract_precision<fp32>, transpose_lhs_hint = false} : vector<512x768xf32>, vector<768x8xf32>, vector<512x8xf32> -> vector<512x8xf32>
    %swap3A_402 = arith.constant 0 : index
    %swap3A_403 = arith.constant 0 : index
    %swap3A_404 = vector.load %arg10[%swap3A_402, %swap3A_403] : memref<512x8xf32, #tpu.memory_space<vmem>>, vector<512x8xf32>
    tpu.vector_store %arg10[%swap3A_402, %swap3A_403], %dot_general3A_401 {strides = array<i32>} : memref<512x8xf32, #tpu.memory_space<vmem>>, vector<512x8xf32>,
    return
  }
  func.func @transform_0(%arg0: i32) -> (i32, i32) {
    %c0_i32 = arith.constant 0 : i32
    %c0_i32_0 = arith.constant 0 : i32
    return %arg0, %c0_i32 : i32, i32
  }
  func.func @transform_1(%arg0: i32) -> (i32, i32) {
    %c0_i32 = arith.constant 0 : i32
    %c0_i32_0 = arith.constant 0 : i32
    %c0_i32_1 = arith.constant 0 : i32
    return %c0_i32, %c0_i32_0 : i32, i32
  }
  func.func @transform_2(%arg0: i32) -> (i32, i32) {
    %c0_i32 = arith.constant 0 : i32
    %c0_i32_0 = arith.constant 0 : i32
    %c0_i32_1 = arith.constant 0 : i32
    return %c0_i32, %c0_i32_0 : i32, i32
  }
  func.func @transform_3(%arg0: i32) -> (i32, i32) {
    %c0_i32 = arith.constant 0 : i32
    %c0_i32_0 = arith.constant 0 : i32
    return %arg0, %c0_i32 : i32, i32
  }
  func.func @transform_4(%arg0: i32) -> (i32, i32) {
    %c0_i32 = arith.constant 0 : i32
    %c0_i32_0 = arith.constant 0 : i32
    %c0_i32_1 = arith.constant 0 : i32
    return %c0_i32, %c0_i32_0 : i32, i32
  }
  func.func @transform_5(%arg0: i32) -> (i32, i32) {
    %c0_i32 = arith.constant 0 : i32
    %c0_i32_0 = arith.constant 0 : i32
    %c0_i32_1 = arith.constant 0 : i32
    return %c0_i32, %c0_i32_0 : i32, i32
  }
  func.func @transform_6(%arg0: i32) -> (i32, i32) {
    %c0_i32 = arith.constant 0 : i32
    %c0_i32_0 = arith.constant 0 : i32
    %c0_i32_1 = arith.constant 0 : i32
    return %c0_i32, %c0_i32_0 : i32, i32
  }
  func.func @transform_7(%arg0: i32) -> (i32, i32) {
    %c0_i32 = arith.constant 0 : i32
    %c0_i32_0 = arith.constant 0 : i32
    return %arg0, %c0_i32 : i32, i32
  }
  func.func @transform_8(%arg0: i32) -> (i32, i32) {
    %c0_i32 = arith.constant 0 : i32
    %c0_i32_0 = arith.constant 0 : i32
    return %arg0, %c0_i32 : i32, i32
  }
  func.func @transform_9(%arg0: i32) -> (i32, i32) {
    %c0_i32 = arith.constant 0 : i32
    %c0_i32_0 = arith.constant 0 : i32
    return %arg0, %c0_i32 : i32, i32
  }
}

module attributes {stable_mosaic.version = 14 : i64} {
  func.func @_route_body(%arg0: memref<2048x8xf32, #tpu.memory_space<vmem>>, %arg1: memref<8x512xi32, #tpu.memory_space<vmem>>, %arg2: memref<512x8xf32, #tpu.memory_space<vmem>>, %arg3: memref<2048x8xi32, #tpu.memory_space<vmem>>) attributes {dimension_semantics = [], scalar_prefetch = 0 : i64, scratch_operands = 0 : i64, tpu.core_type = #tpu.core_type<tc>} {
    %get3A = arith.constant 0 : index
    %get3A_0 = arith.constant 0 : index
    %get3A_1 = vector.load %arg0[%get3A, %get3A_0] : memref<2048x8xf32, #tpu.memory_space<vmem>>, vector<2048x8xf32>
    %reduce_max3A = arith.constant dense<0xFF800000> : vector<2048xf32>
    %reduce_max3A_2 = vector.multi_reduction <maximumf>, %get3A_1, %reduce_max3A [1] : vector<2048x8xf32> to vector<2048xf32>
    %broadcast_in_dim3A = vector.shape_cast %reduce_max3A_2 : vector<2048xf32> to vector<2048x1xf32>
    %sub3A = vector.broadcast %broadcast_in_dim3A : vector<2048x1xf32> to vector<2048x8xf32>
    %sub3A_3 = arith.subf %get3A_1, %sub3A : vector<2048x8xf32>
    %exp3A = math.exp %sub3A_3 : vector<2048x8xf32>
    %reduce_sum3A = arith.constant dense<0.000000e+00> : vector<2048xf32>
    %reduce_sum3A_4 = vector.multi_reduction <add>, %exp3A, %reduce_sum3A [1] : vector<2048x8xf32> to vector<2048xf32>
    %broadcast_in_dim3A_5 = vector.shape_cast %reduce_sum3A_4 : vector<2048xf32> to vector<2048x1xf32>
    %div3A = vector.broadcast %broadcast_in_dim3A_5 : vector<2048x1xf32> to vector<2048x8xf32>
    %div3A_6 = arith.divf %exp3A, %div3A : vector<2048x8xf32>
    %iota3A = tpu.iota {dimensions = array<i32: 1>} : vector<2048x8xi32>
    %reduce_max3A_7 = arith.constant dense<0xFF800000> : vector<2048xf32>
    %reduce_max3A_8 = vector.multi_reduction <maximumf>, %div3A_6, %reduce_max3A_7 [1] : vector<2048x8xf32> to vector<2048xf32>
    %broadcast_in_dim3A_9 = vector.shape_cast %reduce_max3A_8 : vector<2048xf32> to vector<2048x1xf32>
    %eq3A = vector.broadcast %broadcast_in_dim3A_9 : vector<2048x1xf32> to vector<2048x8xf32>
    %eq3A_10 = arith.cmpf oeq, %div3A_6, %eq3A : vector<2048x8xf32>
    %jit3A = arith.constant 8 : i32
    %broadcast_in_dim3A_11 = vector.broadcast %jit3A : i32 to vector<2048x8xi32>
    %select_n3A = arith.select %eq3A_10, %iota3A, %broadcast_in_dim3A_11 : vector<2048x8xi1>, vector<2048x8xi32>
    %reduce_min3A = arith.constant dense<2147483647> : vector<2048xi32>
    %reduce_min3A_12 = vector.multi_reduction <minsi>, %select_n3A, %reduce_min3A [1] : vector<2048x8xi32> to vector<2048xi32>
    %broadcast_in_dim3A_13 = vector.shape_cast %reduce_min3A_12 : vector<2048xi32> to vector<2048x1xi32>
    %eq3A_14 = vector.broadcast %broadcast_in_dim3A_13 : vector<2048x1xi32> to vector<2048x8xi32>
    %eq3A_15 = arith.cmpi eq, %iota3A, %eq3A_14 : vector<2048x8xi32>
    %jit3A_16 = arith.constant -1.000000e+00 : f32
    %broadcast_in_dim3A_17 = vector.broadcast %jit3A_16 : f32 to vector<2048x8xf32>
    %select_n3A_18 = arith.select %eq3A_15, %broadcast_in_dim3A_17, %div3A_6 : vector<2048x8xi1>, vector<2048x8xf32>
    %reduce_max3A_19 = arith.constant dense<0xFF800000> : vector<2048xf32>
    %reduce_max3A_20 = vector.multi_reduction <maximumf>, %select_n3A_18, %reduce_max3A_19 [1] : vector<2048x8xf32> to vector<2048xf32>
    %broadcast_in_dim3A_21 = vector.shape_cast %reduce_max3A_20 : vector<2048xf32> to vector<2048x1xf32>
    %eq3A_22 = vector.broadcast %broadcast_in_dim3A_21 : vector<2048x1xf32> to vector<2048x8xf32>
    %eq3A_23 = arith.cmpf oeq, %select_n3A_18, %eq3A_22 : vector<2048x8xf32>
    %jit3A_24 = arith.constant 8 : i32
    %broadcast_in_dim3A_25 = vector.broadcast %jit3A_24 : i32 to vector<2048x8xi32>
    %select_n3A_26 = arith.select %eq3A_23, %iota3A, %broadcast_in_dim3A_25 : vector<2048x8xi1>, vector<2048x8xi32>
    %reduce_min3A_27 = arith.constant dense<2147483647> : vector<2048xi32>
    %reduce_min3A_28 = vector.multi_reduction <minsi>, %select_n3A_26, %reduce_min3A_27 [1] : vector<2048x8xi32> to vector<2048xi32>
    %broadcast_in_dim3A_29 = vector.shape_cast %reduce_min3A_28 : vector<2048xi32> to vector<2048x1xi32>
    %eq3A_30 = vector.broadcast %broadcast_in_dim3A_29 : vector<2048x1xi32> to vector<2048x8xi32>
    %eq3A_31 = arith.cmpi eq, %iota3A, %eq3A_30 : vector<2048x8xi32>
    %add3A = arith.addf %broadcast_in_dim3A_9, %broadcast_in_dim3A_21 : vector<2048x1xf32>
    %div3A_32 = arith.divf %broadcast_in_dim3A_9, %add3A : vector<2048x1xf32>
    %div3A_33 = arith.divf %broadcast_in_dim3A_21, %add3A : vector<2048x1xf32>
    %convert_element_type3A = arith.extui %eq3A_15 : vector<2048x8xi1> to vector<2048x8xi32>
    %convert_element_type3A_34 = arith.sitofp %convert_element_type3A : vector<2048x8xi32> to vector<2048x8xf32>
    %convert_element_type3A_35 = arith.extui %eq3A_31 : vector<2048x8xi1> to vector<2048x8xi32>
    %convert_element_type3A_36 = arith.sitofp %convert_element_type3A_35 : vector<2048x8xi32> to vector<2048x8xf32>
    %add3A_37 = arith.addf %convert_element_type3A_34, %convert_element_type3A_36 : vector<2048x8xf32>
    %iota3A_38 = tpu.iota {dimensions = array<i32: 0>} : vector<128x128xi32>
    %iota3A_39 = tpu.iota {dimensions = array<i32: 1>} : vector<128x128xi32>
    %ge3A = arith.cmpi sge, %iota3A_38, %iota3A_39 : vector<128x128xi32>
    %convert_element_type3A_40 = arith.extui %ge3A : vector<128x128xi1> to vector<128x128xi32>
    %convert_element_type3A_41 = arith.sitofp %convert_element_type3A_40 : vector<128x128xi32> to vector<128x128xf32>
    %broadcast_in_dim3A_42 = arith.constant 0.000000e+00 : f32
    %broadcast_in_dim3A_43 = vector.broadcast %broadcast_in_dim3A_42 : f32 to vector<1x8xf32>
    %slice3A = vector.extract_strided_slice %add3A_37 {offsets = [0, 0], sizes = [128, 8], strides = [1, 1]} : vector<2048x8xf32> to vector<128x8xf32>
    %dot_general3A = arith.constant dense<0.000000e+00> : vector<128x8xf32>
    %dot_general3A_44 = tpu.matmul %convert_element_type3A_41, %slice3A, %dot_general3A {dimension_numbers = #tpu.dot_dimension_numbers<[1], [0], [0], [1], [0, 0, 1, 1], [], []>, transpose_lhs_hint = false} : vector<128x128xf32>, vector<128x8xf32>, vector<128x8xf32> -> vector<128x8xf32>
    %add3A_45 = vector.broadcast %broadcast_in_dim3A_43 : vector<1x8xf32> to vector<128x8xf32>
    %add3A_46 = arith.addf %dot_general3A_44, %add3A_45 : vector<128x8xf32>
    %reduce_sum3A_47 = arith.constant dense<0.000000e+00> : vector<8xf32>
    %reduce_sum3A_48 = vector.multi_reduction <add>, %slice3A, %reduce_sum3A_47 [0] : vector<128x8xf32> to vector<8xf32>
    %broadcast_in_dim3A_49 = vector.shape_cast %reduce_sum3A_48 : vector<8xf32> to vector<1x8xf32>
    %add3A_50 = arith.addf %broadcast_in_dim3A_43, %broadcast_in_dim3A_49 : vector<1x8xf32>
    %slice3A_51 = vector.extract_strided_slice %add3A_37 {offsets = [128, 0], sizes = [128, 8], strides = [1, 1]} : vector<2048x8xf32> to vector<128x8xf32>
    %dot_general3A_52 = arith.constant dense<0.000000e+00> : vector<128x8xf32>
    %dot_general3A_53 = tpu.matmul %convert_element_type3A_41, %slice3A_51, %dot_general3A_52 {dimension_numbers = #tpu.dot_dimension_numbers<[1], [0], [0], [1], [0, 0, 1, 1], [], []>, transpose_lhs_hint = false} : vector<128x128xf32>, vector<128x8xf32>, vector<128x8xf32> -> vector<128x8xf32>
    %add3A_54 = vector.broadcast %add3A_50 : vector<1x8xf32> to vector<128x8xf32>
    %add3A_55 = arith.addf %dot_general3A_53, %add3A_54 : vector<128x8xf32>
    %reduce_sum3A_56 = arith.constant dense<0.000000e+00> : vector<8xf32>
    %reduce_sum3A_57 = vector.multi_reduction <add>, %slice3A_51, %reduce_sum3A_56 [0] : vector<128x8xf32> to vector<8xf32>
    %broadcast_in_dim3A_58 = vector.shape_cast %reduce_sum3A_57 : vector<8xf32> to vector<1x8xf32>
    %add3A_59 = arith.addf %add3A_50, %broadcast_in_dim3A_58 : vector<1x8xf32>
    %slice3A_60 = vector.extract_strided_slice %add3A_37 {offsets = [256, 0], sizes = [128, 8], strides = [1, 1]} : vector<2048x8xf32> to vector<128x8xf32>
    %dot_general3A_61 = arith.constant dense<0.000000e+00> : vector<128x8xf32>
    %dot_general3A_62 = tpu.matmul %convert_element_type3A_41, %slice3A_60, %dot_general3A_61 {dimension_numbers = #tpu.dot_dimension_numbers<[1], [0], [0], [1], [0, 0, 1, 1], [], []>, transpose_lhs_hint = false} : vector<128x128xf32>, vector<128x8xf32>, vector<128x8xf32> -> vector<128x8xf32>
    %add3A_63 = vector.broadcast %add3A_59 : vector<1x8xf32> to vector<128x8xf32>
    %add3A_64 = arith.addf %dot_general3A_62, %add3A_63 : vector<128x8xf32>
    %reduce_sum3A_65 = arith.constant dense<0.000000e+00> : vector<8xf32>
    %reduce_sum3A_66 = vector.multi_reduction <add>, %slice3A_60, %reduce_sum3A_65 [0] : vector<128x8xf32> to vector<8xf32>
    %broadcast_in_dim3A_67 = vector.shape_cast %reduce_sum3A_66 : vector<8xf32> to vector<1x8xf32>
    %add3A_68 = arith.addf %add3A_59, %broadcast_in_dim3A_67 : vector<1x8xf32>
    %slice3A_69 = vector.extract_strided_slice %add3A_37 {offsets = [384, 0], sizes = [128, 8], strides = [1, 1]} : vector<2048x8xf32> to vector<128x8xf32>
    %dot_general3A_70 = arith.constant dense<0.000000e+00> : vector<128x8xf32>
    %dot_general3A_71 = tpu.matmul %convert_element_type3A_41, %slice3A_69, %dot_general3A_70 {dimension_numbers = #tpu.dot_dimension_numbers<[1], [0], [0], [1], [0, 0, 1, 1], [], []>, transpose_lhs_hint = false} : vector<128x128xf32>, vector<128x8xf32>, vector<128x8xf32> -> vector<128x8xf32>
    %add3A_72 = vector.broadcast %add3A_68 : vector<1x8xf32> to vector<128x8xf32>
    %add3A_73 = arith.addf %dot_general3A_71, %add3A_72 : vector<128x8xf32>
    %reduce_sum3A_74 = arith.constant dense<0.000000e+00> : vector<8xf32>
    %reduce_sum3A_75 = vector.multi_reduction <add>, %slice3A_69, %reduce_sum3A_74 [0] : vector<128x8xf32> to vector<8xf32>
    %broadcast_in_dim3A_76 = vector.shape_cast %reduce_sum3A_75 : vector<8xf32> to vector<1x8xf32>
    %add3A_77 = arith.addf %add3A_68, %broadcast_in_dim3A_76 : vector<1x8xf32>
    %slice3A_78 = vector.extract_strided_slice %add3A_37 {offsets = [512, 0], sizes = [128, 8], strides = [1, 1]} : vector<2048x8xf32> to vector<128x8xf32>
    %dot_general3A_79 = arith.constant dense<0.000000e+00> : vector<128x8xf32>
    %dot_general3A_80 = tpu.matmul %convert_element_type3A_41, %slice3A_78, %dot_general3A_79 {dimension_numbers = #tpu.dot_dimension_numbers<[1], [0], [0], [1], [0, 0, 1, 1], [], []>, transpose_lhs_hint = false} : vector<128x128xf32>, vector<128x8xf32>, vector<128x8xf32> -> vector<128x8xf32>
    %add3A_81 = vector.broadcast %add3A_77 : vector<1x8xf32> to vector<128x8xf32>
    %add3A_82 = arith.addf %dot_general3A_80, %add3A_81 : vector<128x8xf32>
    %reduce_sum3A_83 = arith.constant dense<0.000000e+00> : vector<8xf32>
    %reduce_sum3A_84 = vector.multi_reduction <add>, %slice3A_78, %reduce_sum3A_83 [0] : vector<128x8xf32> to vector<8xf32>
    %broadcast_in_dim3A_85 = vector.shape_cast %reduce_sum3A_84 : vector<8xf32> to vector<1x8xf32>
    %add3A_86 = arith.addf %add3A_77, %broadcast_in_dim3A_85 : vector<1x8xf32>
    %slice3A_87 = vector.extract_strided_slice %add3A_37 {offsets = [640, 0], sizes = [128, 8], strides = [1, 1]} : vector<2048x8xf32> to vector<128x8xf32>
    %dot_general3A_88 = arith.constant dense<0.000000e+00> : vector<128x8xf32>
    %dot_general3A_89 = tpu.matmul %convert_element_type3A_41, %slice3A_87, %dot_general3A_88 {dimension_numbers = #tpu.dot_dimension_numbers<[1], [0], [0], [1], [0, 0, 1, 1], [], []>, transpose_lhs_hint = false} : vector<128x128xf32>, vector<128x8xf32>, vector<128x8xf32> -> vector<128x8xf32>
    %add3A_90 = vector.broadcast %add3A_86 : vector<1x8xf32> to vector<128x8xf32>
    %add3A_91 = arith.addf %dot_general3A_89, %add3A_90 : vector<128x8xf32>
    %reduce_sum3A_92 = arith.constant dense<0.000000e+00> : vector<8xf32>
    %reduce_sum3A_93 = vector.multi_reduction <add>, %slice3A_87, %reduce_sum3A_92 [0] : vector<128x8xf32> to vector<8xf32>
    %broadcast_in_dim3A_94 = vector.shape_cast %reduce_sum3A_93 : vector<8xf32> to vector<1x8xf32>
    %add3A_95 = arith.addf %add3A_86, %broadcast_in_dim3A_94 : vector<1x8xf32>
    %slice3A_96 = vector.extract_strided_slice %add3A_37 {offsets = [768, 0], sizes = [128, 8], strides = [1, 1]} : vector<2048x8xf32> to vector<128x8xf32>
    %dot_general3A_97 = arith.constant dense<0.000000e+00> : vector<128x8xf32>
    %dot_general3A_98 = tpu.matmul %convert_element_type3A_41, %slice3A_96, %dot_general3A_97 {dimension_numbers = #tpu.dot_dimension_numbers<[1], [0], [0], [1], [0, 0, 1, 1], [], []>, transpose_lhs_hint = false} : vector<128x128xf32>, vector<128x8xf32>, vector<128x8xf32> -> vector<128x8xf32>
    %add3A_99 = vector.broadcast %add3A_95 : vector<1x8xf32> to vector<128x8xf32>
    %add3A_100 = arith.addf %dot_general3A_98, %add3A_99 : vector<128x8xf32>
    %reduce_sum3A_101 = arith.constant dense<0.000000e+00> : vector<8xf32>
    %reduce_sum3A_102 = vector.multi_reduction <add>, %slice3A_96, %reduce_sum3A_101 [0] : vector<128x8xf32> to vector<8xf32>
    %broadcast_in_dim3A_103 = vector.shape_cast %reduce_sum3A_102 : vector<8xf32> to vector<1x8xf32>
    %add3A_104 = arith.addf %add3A_95, %broadcast_in_dim3A_103 : vector<1x8xf32>
    %slice3A_105 = vector.extract_strided_slice %add3A_37 {offsets = [896, 0], sizes = [128, 8], strides = [1, 1]} : vector<2048x8xf32> to vector<128x8xf32>
    %dot_general3A_106 = arith.constant dense<0.000000e+00> : vector<128x8xf32>
    %dot_general3A_107 = tpu.matmul %convert_element_type3A_41, %slice3A_105, %dot_general3A_106 {dimension_numbers = #tpu.dot_dimension_numbers<[1], [0], [0], [1], [0, 0, 1, 1], [], []>, transpose_lhs_hint = false} : vector<128x128xf32>, vector<128x8xf32>, vector<128x8xf32> -> vector<128x8xf32>
    %add3A_108 = vector.broadcast %add3A_104 : vector<1x8xf32> to vector<128x8xf32>
    %add3A_109 = arith.addf %dot_general3A_107, %add3A_108 : vector<128x8xf32>
    %reduce_sum3A_110 = arith.constant dense<0.000000e+00> : vector<8xf32>
    %reduce_sum3A_111 = vector.multi_reduction <add>, %slice3A_105, %reduce_sum3A_110 [0] : vector<128x8xf32> to vector<8xf32>
    %broadcast_in_dim3A_112 = vector.shape_cast %reduce_sum3A_111 : vector<8xf32> to vector<1x8xf32>
    %add3A_113 = arith.addf %add3A_104, %broadcast_in_dim3A_112 : vector<1x8xf32>
    %slice3A_114 = vector.extract_strided_slice %add3A_37 {offsets = [1024, 0], sizes = [128, 8], strides = [1, 1]} : vector<2048x8xf32> to vector<128x8xf32>
    %dot_general3A_115 = arith.constant dense<0.000000e+00> : vector<128x8xf32>
    %dot_general3A_116 = tpu.matmul %convert_element_type3A_41, %slice3A_114, %dot_general3A_115 {dimension_numbers = #tpu.dot_dimension_numbers<[1], [0], [0], [1], [0, 0, 1, 1], [], []>, transpose_lhs_hint = false} : vector<128x128xf32>, vector<128x8xf32>, vector<128x8xf32> -> vector<128x8xf32>
    %add3A_117 = vector.broadcast %add3A_113 : vector<1x8xf32> to vector<128x8xf32>
    %add3A_118 = arith.addf %dot_general3A_116, %add3A_117 : vector<128x8xf32>
    %reduce_sum3A_119 = arith.constant dense<0.000000e+00> : vector<8xf32>
    %reduce_sum3A_120 = vector.multi_reduction <add>, %slice3A_114, %reduce_sum3A_119 [0] : vector<128x8xf32> to vector<8xf32>
    %broadcast_in_dim3A_121 = vector.shape_cast %reduce_sum3A_120 : vector<8xf32> to vector<1x8xf32>
    %add3A_122 = arith.addf %add3A_113, %broadcast_in_dim3A_121 : vector<1x8xf32>
    %slice3A_123 = vector.extract_strided_slice %add3A_37 {offsets = [1152, 0], sizes = [128, 8], strides = [1, 1]} : vector<2048x8xf32> to vector<128x8xf32>
    %dot_general3A_124 = arith.constant dense<0.000000e+00> : vector<128x8xf32>
    %dot_general3A_125 = tpu.matmul %convert_element_type3A_41, %slice3A_123, %dot_general3A_124 {dimension_numbers = #tpu.dot_dimension_numbers<[1], [0], [0], [1], [0, 0, 1, 1], [], []>, transpose_lhs_hint = false} : vector<128x128xf32>, vector<128x8xf32>, vector<128x8xf32> -> vector<128x8xf32>
    %add3A_126 = vector.broadcast %add3A_122 : vector<1x8xf32> to vector<128x8xf32>
    %add3A_127 = arith.addf %dot_general3A_125, %add3A_126 : vector<128x8xf32>
    %reduce_sum3A_128 = arith.constant dense<0.000000e+00> : vector<8xf32>
    %reduce_sum3A_129 = vector.multi_reduction <add>, %slice3A_123, %reduce_sum3A_128 [0] : vector<128x8xf32> to vector<8xf32>
    %broadcast_in_dim3A_130 = vector.shape_cast %reduce_sum3A_129 : vector<8xf32> to vector<1x8xf32>
    %add3A_131 = arith.addf %add3A_122, %broadcast_in_dim3A_130 : vector<1x8xf32>
    %slice3A_132 = vector.extract_strided_slice %add3A_37 {offsets = [1280, 0], sizes = [128, 8], strides = [1, 1]} : vector<2048x8xf32> to vector<128x8xf32>
    %dot_general3A_133 = arith.constant dense<0.000000e+00> : vector<128x8xf32>
    %dot_general3A_134 = tpu.matmul %convert_element_type3A_41, %slice3A_132, %dot_general3A_133 {dimension_numbers = #tpu.dot_dimension_numbers<[1], [0], [0], [1], [0, 0, 1, 1], [], []>, transpose_lhs_hint = false} : vector<128x128xf32>, vector<128x8xf32>, vector<128x8xf32> -> vector<128x8xf32>
    %add3A_135 = vector.broadcast %add3A_131 : vector<1x8xf32> to vector<128x8xf32>
    %add3A_136 = arith.addf %dot_general3A_134, %add3A_135 : vector<128x8xf32>
    %reduce_sum3A_137 = arith.constant dense<0.000000e+00> : vector<8xf32>
    %reduce_sum3A_138 = vector.multi_reduction <add>, %slice3A_132, %reduce_sum3A_137 [0] : vector<128x8xf32> to vector<8xf32>
    %broadcast_in_dim3A_139 = vector.shape_cast %reduce_sum3A_138 : vector<8xf32> to vector<1x8xf32>
    %add3A_140 = arith.addf %add3A_131, %broadcast_in_dim3A_139 : vector<1x8xf32>
    %slice3A_141 = vector.extract_strided_slice %add3A_37 {offsets = [1408, 0], sizes = [128, 8], strides = [1, 1]} : vector<2048x8xf32> to vector<128x8xf32>
    %dot_general3A_142 = arith.constant dense<0.000000e+00> : vector<128x8xf32>
    %dot_general3A_143 = tpu.matmul %convert_element_type3A_41, %slice3A_141, %dot_general3A_142 {dimension_numbers = #tpu.dot_dimension_numbers<[1], [0], [0], [1], [0, 0, 1, 1], [], []>, transpose_lhs_hint = false} : vector<128x128xf32>, vector<128x8xf32>, vector<128x8xf32> -> vector<128x8xf32>
    %add3A_144 = vector.broadcast %add3A_140 : vector<1x8xf32> to vector<128x8xf32>
    %add3A_145 = arith.addf %dot_general3A_143, %add3A_144 : vector<128x8xf32>
    %reduce_sum3A_146 = arith.constant dense<0.000000e+00> : vector<8xf32>
    %reduce_sum3A_147 = vector.multi_reduction <add>, %slice3A_141, %reduce_sum3A_146 [0] : vector<128x8xf32> to vector<8xf32>
    %broadcast_in_dim3A_148 = vector.shape_cast %reduce_sum3A_147 : vector<8xf32> to vector<1x8xf32>
    %add3A_149 = arith.addf %add3A_140, %broadcast_in_dim3A_148 : vector<1x8xf32>
    %slice3A_150 = vector.extract_strided_slice %add3A_37 {offsets = [1536, 0], sizes = [128, 8], strides = [1, 1]} : vector<2048x8xf32> to vector<128x8xf32>
    %dot_general3A_151 = arith.constant dense<0.000000e+00> : vector<128x8xf32>
    %dot_general3A_152 = tpu.matmul %convert_element_type3A_41, %slice3A_150, %dot_general3A_151 {dimension_numbers = #tpu.dot_dimension_numbers<[1], [0], [0], [1], [0, 0, 1, 1], [], []>, transpose_lhs_hint = false} : vector<128x128xf32>, vector<128x8xf32>, vector<128x8xf32> -> vector<128x8xf32>
    %add3A_153 = vector.broadcast %add3A_149 : vector<1x8xf32> to vector<128x8xf32>
    %add3A_154 = arith.addf %dot_general3A_152, %add3A_153 : vector<128x8xf32>
    %reduce_sum3A_155 = arith.constant dense<0.000000e+00> : vector<8xf32>
    %reduce_sum3A_156 = vector.multi_reduction <add>, %slice3A_150, %reduce_sum3A_155 [0] : vector<128x8xf32> to vector<8xf32>
    %broadcast_in_dim3A_157 = vector.shape_cast %reduce_sum3A_156 : vector<8xf32> to vector<1x8xf32>
    %add3A_158 = arith.addf %add3A_149, %broadcast_in_dim3A_157 : vector<1x8xf32>
    %slice3A_159 = vector.extract_strided_slice %add3A_37 {offsets = [1664, 0], sizes = [128, 8], strides = [1, 1]} : vector<2048x8xf32> to vector<128x8xf32>
    %dot_general3A_160 = arith.constant dense<0.000000e+00> : vector<128x8xf32>
    %dot_general3A_161 = tpu.matmul %convert_element_type3A_41, %slice3A_159, %dot_general3A_160 {dimension_numbers = #tpu.dot_dimension_numbers<[1], [0], [0], [1], [0, 0, 1, 1], [], []>, transpose_lhs_hint = false} : vector<128x128xf32>, vector<128x8xf32>, vector<128x8xf32> -> vector<128x8xf32>
    %add3A_162 = vector.broadcast %add3A_158 : vector<1x8xf32> to vector<128x8xf32>
    %add3A_163 = arith.addf %dot_general3A_161, %add3A_162 : vector<128x8xf32>
    %reduce_sum3A_164 = arith.constant dense<0.000000e+00> : vector<8xf32>
    %reduce_sum3A_165 = vector.multi_reduction <add>, %slice3A_159, %reduce_sum3A_164 [0] : vector<128x8xf32> to vector<8xf32>
    %broadcast_in_dim3A_166 = vector.shape_cast %reduce_sum3A_165 : vector<8xf32> to vector<1x8xf32>
    %add3A_167 = arith.addf %add3A_158, %broadcast_in_dim3A_166 : vector<1x8xf32>
    %slice3A_168 = vector.extract_strided_slice %add3A_37 {offsets = [1792, 0], sizes = [128, 8], strides = [1, 1]} : vector<2048x8xf32> to vector<128x8xf32>
    %dot_general3A_169 = arith.constant dense<0.000000e+00> : vector<128x8xf32>
    %dot_general3A_170 = tpu.matmul %convert_element_type3A_41, %slice3A_168, %dot_general3A_169 {dimension_numbers = #tpu.dot_dimension_numbers<[1], [0], [0], [1], [0, 0, 1, 1], [], []>, transpose_lhs_hint = false} : vector<128x128xf32>, vector<128x8xf32>, vector<128x8xf32> -> vector<128x8xf32>
    %add3A_171 = vector.broadcast %add3A_167 : vector<1x8xf32> to vector<128x8xf32>
    %add3A_172 = arith.addf %dot_general3A_170, %add3A_171 : vector<128x8xf32>
    %reduce_sum3A_173 = arith.constant dense<0.000000e+00> : vector<8xf32>
    %reduce_sum3A_174 = vector.multi_reduction <add>, %slice3A_168, %reduce_sum3A_173 [0] : vector<128x8xf32> to vector<8xf32>
    %broadcast_in_dim3A_175 = vector.shape_cast %reduce_sum3A_174 : vector<8xf32> to vector<1x8xf32>
    %add3A_176 = arith.addf %add3A_167, %broadcast_in_dim3A_175 : vector<1x8xf32>
    %slice3A_177 = vector.extract_strided_slice %add3A_37 {offsets = [1920, 0], sizes = [128, 8], strides = [1, 1]} : vector<2048x8xf32> to vector<128x8xf32>
    %dot_general3A_178 = arith.constant dense<0.000000e+00> : vector<128x8xf32>
    %dot_general3A_179 = tpu.matmul %convert_element_type3A_41, %slice3A_177, %dot_general3A_178 {dimension_numbers = #tpu.dot_dimension_numbers<[1], [0], [0], [1], [0, 0, 1, 1], [], []>, transpose_lhs_hint = false} : vector<128x128xf32>, vector<128x8xf32>, vector<128x8xf32> -> vector<128x8xf32>
    %add3A_180 = vector.broadcast %add3A_176 : vector<1x8xf32> to vector<128x8xf32>
    %add3A_181 = arith.addf %dot_general3A_179, %add3A_180 : vector<128x8xf32>
    %reduce_sum3A_182 = arith.constant dense<0.000000e+00> : vector<8xf32>
    %reduce_sum3A_183 = vector.multi_reduction <add>, %slice3A_177, %reduce_sum3A_182 [0] : vector<128x8xf32> to vector<8xf32>
    %broadcast_in_dim3A_184 = vector.shape_cast %reduce_sum3A_183 : vector<8xf32> to vector<1x8xf32>
    %add3A_185 = arith.addf %add3A_176, %broadcast_in_dim3A_184 : vector<1x8xf32>
    %concatenate3A = tpu.concatenate %add3A_46, %add3A_55, %add3A_64, %add3A_73, %add3A_82, %add3A_91, %add3A_100, %add3A_109, %add3A_118, %add3A_127, %add3A_136, %add3A_145, %add3A_154, %add3A_163, %add3A_172, %add3A_181 in 0 : vector<128x8xf32>, vector<128x8xf32>, vector<128x8xf32>, vector<128x8xf32>, vector<128x8xf32>, vector<128x8xf32>, vector<128x8xf32>, vector<128x8xf32>, vector<128x8xf32>, vector<128x8xf32>, vector<128x8xf32>, vector<128x8xf32>, vector<128x8xf32>, vector<128x8xf32>, vector<128x8xf32>, vector<128x8xf32> -> vector<2048x8xf32>
    %sub3A_186 = arith.subf %concatenate3A, %add3A_37 : vector<2048x8xf32>
    %jit3A_187 = arith.constant 0.000000e+00 : f32
    %broadcast_in_dim3A_188 = vector.broadcast %jit3A_187 : f32 to vector<2048x8xf32>
    %select_n3A_189 = arith.select %eq3A_15, %sub3A_186, %broadcast_in_dim3A_188 : vector<2048x8xi1>, vector<2048x8xf32>
    %reduce_sum3A_190 = arith.constant dense<0.000000e+00> : vector<2048xf32>
    %reduce_sum3A_191 = vector.multi_reduction <add>, %select_n3A_189, %reduce_sum3A_190 [1] : vector<2048x8xf32> to vector<2048xf32>
    %broadcast_in_dim3A_192 = vector.shape_cast %reduce_sum3A_191 : vector<2048xf32> to vector<2048x1xf32>
    %jit3A_193 = arith.constant 0.000000e+00 : f32
    %broadcast_in_dim3A_194 = vector.broadcast %jit3A_193 : f32 to vector<2048x8xf32>
    %select_n3A_195 = arith.select %eq3A_31, %sub3A_186, %broadcast_in_dim3A_194 : vector<2048x8xi1>, vector<2048x8xf32>
    %reduce_sum3A_196 = arith.constant dense<0.000000e+00> : vector<2048xf32>
    %reduce_sum3A_197 = vector.multi_reduction <add>, %select_n3A_195, %reduce_sum3A_196 [1] : vector<2048x8xf32> to vector<2048xf32>
    %broadcast_in_dim3A_198 = vector.shape_cast %reduce_sum3A_197 : vector<2048xf32> to vector<2048x1xf32>
    %lt3A = arith.constant 5.120000e+02 : f32
    %lt3A_199 = vector.broadcast %lt3A : f32 to vector<2048x1xf32>
    %lt3A_200 = arith.cmpf olt, %broadcast_in_dim3A_192, %lt3A_199 : vector<2048x1xf32>
    %lt3A_201 = arith.constant 5.120000e+02 : f32
    %lt3A_202 = vector.broadcast %lt3A_201 : f32 to vector<2048x1xf32>
    %lt3A_203 = arith.cmpf olt, %broadcast_in_dim3A_198, %lt3A_202 : vector<2048x1xf32>
    %min3A = arith.constant 5.110000e+02 : f32
    %min3A_204 = vector.broadcast %min3A : f32 to vector<2048x1xf32>
    %min3A_205 = arith.minimumf %broadcast_in_dim3A_192, %min3A_204 : vector<2048x1xf32>
    %min3A_206 = arith.constant 5.110000e+02 : f32
    %min3A_207 = vector.broadcast %min3A_206 : f32 to vector<2048x1xf32>
    %min3A_208 = arith.minimumf %broadcast_in_dim3A_198, %min3A_207 : vector<2048x1xf32>
    %iota3A_209 = tpu.iota {dimensions = array<i32: 1>} : vector<2048x512xi32>
    %convert_element_type3A_210 = arith.sitofp %iota3A_209 : vector<2048x512xi32> to vector<2048x512xf32>
    %eq3A_211 = vector.broadcast %broadcast_in_dim3A_192 : vector<2048x1xf32> to vector<2048x512xf32>
    %eq3A_212 = arith.cmpf oeq, %eq3A_211, %convert_element_type3A_210 : vector<2048x512xf32>
    %convert_element_type3A_213 = arith.extui %eq3A_212 : vector<2048x512xi1> to vector<2048x512xi32>
    %convert_element_type3A_214 = arith.sitofp %convert_element_type3A_213 : vector<2048x512xi32> to vector<2048x512xf32>
    %eq3A_215 = vector.broadcast %broadcast_in_dim3A_198 : vector<2048x1xf32> to vector<2048x512xf32>
    %eq3A_216 = arith.cmpf oeq, %eq3A_215, %convert_element_type3A_210 : vector<2048x512xf32>
    %convert_element_type3A_217 = arith.extui %eq3A_216 : vector<2048x512xi1> to vector<2048x512xi32>
    %convert_element_type3A_218 = arith.sitofp %convert_element_type3A_217 : vector<2048x512xi32> to vector<2048x512xf32>
    %iota3A_219 = tpu.iota {dimensions = array<i32: 0>} : vector<2048x1xi32>
    %jit3A_220 = arith.constant 16 : i32
    %div3A_221 = vector.broadcast %jit3A_220 : i32 to vector<2048x1xi32>
    %div3A_222 = arith.divsi %iota3A_219, %div3A_221 : vector<2048x1xi32>
    %sign3A = arith.constant 0 : i32
    %sign3A_223 = vector.broadcast %sign3A : i32 to vector<2048x1xi32>
    %sign3A_224 = arith.cmpi sgt, %iota3A_219, %sign3A_223 : vector<2048x1xi32>
    %sign3A_225 = arith.extui %sign3A_224 : vector<2048x1xi1> to vector<2048x1xi32>
    %sign3A_226 = arith.constant 0 : i32
    %sign3A_227 = vector.broadcast %sign3A_226 : i32 to vector<2048x1xi32>
    %sign3A_228 = arith.cmpi slt, %iota3A_219, %sign3A_227 : vector<2048x1xi32>
    %sign3A_229 = arith.extui %sign3A_228 : vector<2048x1xi1> to vector<2048x1xi32>
    %sign3A_230 = arith.subi %sign3A_225, %sign3A_229 : vector<2048x1xi32>
    %sign3A_231 = arith.constant 0 : i32
    %sign3A_232 = arith.cmpi sgt, %jit3A_220, %sign3A_231 : i32
    %sign3A_233 = arith.extui %sign3A_232 : i1 to i32
    %sign3A_234 = arith.constant 0 : i32
    %sign3A_235 = arith.cmpi slt, %jit3A_220, %sign3A_234 : i32
    %sign3A_236 = arith.extui %sign3A_235 : i1 to i32
    %sign3A_237 = arith.subi %sign3A_233, %sign3A_236 : i32
    %ne3A = vector.broadcast %sign3A_237 : i32 to vector<2048x1xi32>
    %ne3A_238 = arith.cmpi ne, %sign3A_230, %ne3A : vector<2048x1xi32>
    %rem3A = vector.broadcast %jit3A_220 : i32 to vector<2048x1xi32>
    %rem3A_239 = arith.remsi %iota3A_219, %rem3A : vector<2048x1xi32>
    %ne3A_240 = arith.constant 0 : i32
    %ne3A_241 = vector.broadcast %ne3A_240 : i32 to vector<2048x1xi32>
    %ne3A_242 = arith.cmpi ne, %rem3A_239, %ne3A_241 : vector<2048x1xi32>
    %and3A = arith.andi %ne3A_238, %ne3A_242 : vector<2048x1xi1>
    %sub3A_243 = arith.constant 1 : i32
    %sub3A_244 = vector.broadcast %sub3A_243 : i32 to vector<2048x1xi32>
    %sub3A_245 = arith.subi %div3A_222, %sub3A_244 : vector<2048x1xi32>
    %select_n3A_246 = arith.select %and3A, %sub3A_245, %div3A_222 : vector<2048x1xi1>, vector<2048x1xi32>
    %convert_element_type3A_247 = arith.sitofp %select_n3A_246 : vector<2048x1xi32> to vector<2048x1xf32>
    %jit3A_248 = arith.constant 16 : i32
    %eq3A_249 = arith.constant 0 : i32
    %eq3A_250 = arith.cmpi eq, %jit3A_248, %eq3A_249 : i32
    %jit3A_251 = arith.constant 1 : i32
    %select_n3A_252 = arith.select %eq3A_250, %jit3A_251, %jit3A_248 : i32
    %rem3A_253 = vector.broadcast %select_n3A_252 : i32 to vector<2048x1xi32>
    %rem3A_254 = arith.remsi %iota3A_219, %rem3A_253 : vector<2048x1xi32>
    %ne3A_255 = arith.constant 0 : i32
    %ne3A_256 = vector.broadcast %ne3A_255 : i32 to vector<2048x1xi32>
    %ne3A_257 = arith.cmpi ne, %rem3A_254, %ne3A_256 : vector<2048x1xi32>
    %lt3A_258 = arith.constant 0 : i32
    %lt3A_259 = vector.broadcast %lt3A_258 : i32 to vector<2048x1xi32>
    %lt3A_260 = arith.cmpi slt, %rem3A_254, %lt3A_259 : vector<2048x1xi32>
    %lt3A_261 = arith.constant 0 : i32
    %lt3A_262 = arith.cmpi slt, %select_n3A_252, %lt3A_261 : i32
    %ne3A_263 = vector.broadcast %lt3A_262 : i1 to vector<2048x1xi1>
    %ne3A_264 = vector.broadcast %ne3A_263 : vector<2048x1xi1> to vector<2048x1xi1>
    %ne3A_265 = arith.xori %lt3A_260, %ne3A_264 : vector<2048x1xi1>
    %and3A_266 = arith.andi %ne3A_265, %ne3A_257 : vector<2048x1xi1>
    %add3A_267 = vector.broadcast %select_n3A_252 : i32 to vector<2048x1xi32>
    %add3A_268 = arith.addi %rem3A_254, %add3A_267 : vector<2048x1xi32>
    %select_n3A_269 = arith.select %and3A_266, %add3A_268, %rem3A_254 : vector<2048x1xi1>, vector<2048x1xi32>
    %convert_element_type3A_270 = arith.sitofp %select_n3A_269 : vector<2048x1xi32> to vector<2048x1xf32>
    %mul3A = vector.broadcast %convert_element_type3A_247 : vector<2048x1xf32> to vector<2048x8xf32>
    %mul3A_271 = arith.mulf %mul3A, %convert_element_type3A_34 : vector<2048x8xf32>
    %dot_general3A_272 = arith.constant dense<0.000000e+00> : vector<8x512xf32>
    %dot_general3A_273 = tpu.matmul %mul3A_271, %convert_element_type3A_214, %dot_general3A_272 {dimension_numbers = #tpu.dot_dimension_numbers<[0], [0], [1], [1], [0, 1, 1, 1], [], []>, transpose_lhs_hint = false} : vector<2048x8xf32>, vector<2048x512xf32>, vector<8x512xf32> -> vector<8x512xf32>
    %mul3A_274 = vector.broadcast %convert_element_type3A_247 : vector<2048x1xf32> to vector<2048x8xf32>
    %mul3A_275 = arith.mulf %mul3A_274, %convert_element_type3A_36 : vector<2048x8xf32>
    %dot_general3A_276 = arith.constant dense<0.000000e+00> : vector<8x512xf32>
    %dot_general3A_277 = tpu.matmul %mul3A_275, %convert_element_type3A_218, %dot_general3A_276 {dimension_numbers = #tpu.dot_dimension_numbers<[0], [0], [1], [1], [0, 1, 1, 1], [], []>, transpose_lhs_hint = false} : vector<2048x8xf32>, vector<2048x512xf32>, vector<8x512xf32> -> vector<8x512xf32>
    %add3A_278 = arith.addf %dot_general3A_273, %dot_general3A_277 : vector<8x512xf32>
    %mul3A_279 = arith.constant 1.600000e+01 : f32
    %mul3A_280 = vector.broadcast %mul3A_279 : f32 to vector<8x512xf32>
    %mul3A_281 = arith.mulf %add3A_278, %mul3A_280 : vector<8x512xf32>
    %mul3A_282 = vector.broadcast %convert_element_type3A_270 : vector<2048x1xf32> to vector<2048x8xf32>
    %mul3A_283 = arith.mulf %mul3A_282, %convert_element_type3A_34 : vector<2048x8xf32>
    %dot_general3A_284 = arith.constant dense<0.000000e+00> : vector<8x512xf32>
    %dot_general3A_285 = tpu.matmul %mul3A_283, %convert_element_type3A_214, %dot_general3A_284 {dimension_numbers = #tpu.dot_dimension_numbers<[0], [0], [1], [1], [0, 1, 1, 1], [], []>, transpose_lhs_hint = false} : vector<2048x8xf32>, vector<2048x512xf32>, vector<8x512xf32> -> vector<8x512xf32>
    %add3A_286 = arith.addf %mul3A_281, %dot_general3A_285 : vector<8x512xf32>
    %mul3A_287 = vector.broadcast %convert_element_type3A_270 : vector<2048x1xf32> to vector<2048x8xf32>
    %mul3A_288 = arith.mulf %mul3A_287, %convert_element_type3A_36 : vector<2048x8xf32>
    %dot_general3A_289 = arith.constant dense<0.000000e+00> : vector<8x512xf32>
    %dot_general3A_290 = tpu.matmul %mul3A_288, %convert_element_type3A_218, %dot_general3A_289 {dimension_numbers = #tpu.dot_dimension_numbers<[0], [0], [1], [1], [0, 1, 1, 1], [], []>, transpose_lhs_hint = false} : vector<2048x8xf32>, vector<2048x512xf32>, vector<8x512xf32> -> vector<8x512xf32>
    %add3A_291 = arith.addf %add3A_286, %dot_general3A_290 : vector<8x512xf32>
    %mul3A_292 = vector.broadcast %div3A_32 : vector<2048x1xf32> to vector<2048x8xf32>
    %mul3A_293 = arith.mulf %mul3A_292, %convert_element_type3A_34 : vector<2048x8xf32>
    %dot_general3A_294 = arith.constant dense<0.000000e+00> : vector<512x8xf32>
    %dot_general3A_295 = tpu.matmul %convert_element_type3A_214, %mul3A_293, %dot_general3A_294 {dimension_numbers = #tpu.dot_dimension_numbers<[0], [0], [1], [1], [0, 1, 1, 1], [], []>, transpose_lhs_hint = false} : vector<2048x512xf32>, vector<2048x8xf32>, vector<512x8xf32> -> vector<512x8xf32>
    %mul3A_296 = vector.broadcast %div3A_33 : vector<2048x1xf32> to vector<2048x8xf32>
    %mul3A_297 = arith.mulf %mul3A_296, %convert_element_type3A_36 : vector<2048x8xf32>
    %dot_general3A_298 = arith.constant dense<0.000000e+00> : vector<512x8xf32>
    %dot_general3A_299 = tpu.matmul %convert_element_type3A_218, %mul3A_297, %dot_general3A_298 {dimension_numbers = #tpu.dot_dimension_numbers<[0], [0], [1], [1], [0, 1, 1, 1], [], []>, transpose_lhs_hint = false} : vector<2048x512xf32>, vector<2048x8xf32>, vector<512x8xf32> -> vector<512x8xf32>
    %add3A_300 = arith.addf %dot_general3A_295, %dot_general3A_299 : vector<512x8xf32>
    %min3A_301 = arith.constant 5.120000e+02 : f32
    %min3A_302 = vector.broadcast %min3A_301 : f32 to vector<1x8xf32>
    %min3A_303 = arith.minimumf %add3A_185, %min3A_302 : vector<1x8xf32>
    %reduce_min3A_304 = arith.constant dense<0x7F800000> : vector<1xf32>
    %reduce_min3A_305 = vector.multi_reduction <minimumf>, %min3A_303, %reduce_min3A_304 [1] : vector<1x8xf32> to vector<1xf32>
    %broadcast_in_dim3A_306 = vector.shape_cast %reduce_min3A_305 : vector<1xf32> to vector<1x1xf32>
    %iota3A_307 = tpu.iota {dimensions = array<i32: 1>} : vector<1x8xi32>
    %convert_element_type3A_308 = arith.sitofp %iota3A_307 : vector<1x8xi32> to vector<1x8xf32>
    %eq3A_309 = vector.broadcast %broadcast_in_dim3A_306 : vector<1x1xf32> to vector<1x8xf32>
    %eq3A_310 = arith.cmpf oeq, %min3A_303, %eq3A_309 : vector<1x8xf32>
    %jit3A_311 = arith.constant 8.000000e+00 : f32
    %broadcast_in_dim3A_312 = vector.broadcast %jit3A_311 : f32 to vector<1x8xf32>
    %select_n3A_313 = arith.select %eq3A_310, %convert_element_type3A_308, %broadcast_in_dim3A_312 : vector<1x8xi1>, vector<1x8xf32>
    %reduce_min3A_314 = arith.constant dense<0x7F800000> : vector<1xf32>
    %reduce_min3A_315 = vector.multi_reduction <minimumf>, %select_n3A_313, %reduce_min3A_314 [1] : vector<1x8xf32> to vector<1xf32>
    %broadcast_in_dim3A_316 = vector.shape_cast %reduce_min3A_315 : vector<1xf32> to vector<1x1xf32>
    %mul3A_317 = arith.constant 5.120000e+02 : f32
    %mul3A_318 = vector.broadcast %mul3A_317 : f32 to vector<1x1xf32>
    %mul3A_319 = arith.mulf %broadcast_in_dim3A_316, %mul3A_318 : vector<1x1xf32>
    %add3A_320 = arith.addf %mul3A_319, %broadcast_in_dim3A_306 : vector<1x1xf32>
    %min3A_321 = arith.constant 4.095000e+03 : f32
    %min3A_322 = vector.broadcast %min3A_321 : f32 to vector<1x1xf32>
    %min3A_323 = arith.minimumf %add3A_320, %min3A_322 : vector<1x1xf32>
    %convert_element_type3A_324 = arith.sitofp %broadcast_in_dim3A_13 : vector<2048x1xi32> to vector<2048x1xf32>
    %convert_element_type3A_325 = arith.sitofp %broadcast_in_dim3A_29 : vector<2048x1xi32> to vector<2048x1xf32>
    %mul3A_326 = arith.constant 5.120000e+02 : f32
    %mul3A_327 = vector.broadcast %mul3A_326 : f32 to vector<2048x1xf32>
    %mul3A_328 = arith.mulf %convert_element_type3A_324, %mul3A_327 : vector<2048x1xf32>
    %add3A_329 = arith.addf %mul3A_328, %min3A_205 : vector<2048x1xf32>
    %broadcast_in_dim3A_330 = vector.shape_cast %min3A_323 : vector<1x1xf32> to vector<1x1xf32>
    %broadcast_in_dim3A_331 = vector.broadcast %broadcast_in_dim3A_330 : vector<1x1xf32> to vector<2048x1xf32>
    %select_n3A_332 = arith.select %lt3A_200, %add3A_329, %broadcast_in_dim3A_331 : vector<2048x1xi1>, vector<2048x1xf32>
    %mul3A_333 = arith.constant 5.120000e+02 : f32
    %mul3A_334 = vector.broadcast %mul3A_333 : f32 to vector<2048x1xf32>
    %mul3A_335 = arith.mulf %convert_element_type3A_325, %mul3A_334 : vector<2048x1xf32>
    %add3A_336 = arith.addf %mul3A_335, %min3A_208 : vector<2048x1xf32>
    %broadcast_in_dim3A_337 = vector.shape_cast %min3A_323 : vector<1x1xf32> to vector<1x1xf32>
    %broadcast_in_dim3A_338 = vector.broadcast %broadcast_in_dim3A_337 : vector<1x1xf32> to vector<2048x1xf32>
    %select_n3A_339 = arith.select %lt3A_203, %add3A_336, %broadcast_in_dim3A_338 : vector<2048x1xi1>, vector<2048x1xf32>
    %concatenate3A_340 = tpu.concatenate %select_n3A_332, %select_n3A_339, %select_n3A_332, %select_n3A_332, %select_n3A_332, %select_n3A_332, %select_n3A_332, %select_n3A_332 in 1 : vector<2048x1xf32>, vector<2048x1xf32>, vector<2048x1xf32>, vector<2048x1xf32>, vector<2048x1xf32>, vector<2048x1xf32>, vector<2048x1xf32>, vector<2048x1xf32> -> vector<2048x8xf32>
    %convert_element_type3A_341 = arith.fptosi %add3A_291 : vector<8x512xf32> to vector<8x512xi32>
    %swap3A = arith.constant 0 : index
    %swap3A_342 = arith.constant 0 : index
    %swap3A_343 = vector.load %arg1[%swap3A, %swap3A_342] : memref<8x512xi32, #tpu.memory_space<vmem>>, vector<8x512xi32>
    tpu.vector_store %arg1[%swap3A, %swap3A_342], %convert_element_type3A_341 {strides = array<i32>} : memref<8x512xi32, #tpu.memory_space<vmem>>, vector<8x512xi32>,
    %swap3A_344 = arith.constant 0 : index
    %swap3A_345 = arith.constant 0 : index
    %swap3A_346 = vector.load %arg2[%swap3A_344, %swap3A_345] : memref<512x8xf32, #tpu.memory_space<vmem>>, vector<512x8xf32>
    tpu.vector_store %arg2[%swap3A_344, %swap3A_345], %add3A_300 {strides = array<i32>} : memref<512x8xf32, #tpu.memory_space<vmem>>, vector<512x8xf32>,
    %convert_element_type3A_347 = arith.fptosi %concatenate3A_340 : vector<2048x8xf32> to vector<2048x8xi32>
    %swap3A_348 = arith.constant 0 : index
    %swap3A_349 = arith.constant 0 : index
    %swap3A_350 = vector.load %arg3[%swap3A_348, %swap3A_349] : memref<2048x8xi32, #tpu.memory_space<vmem>>, vector<2048x8xi32>
    tpu.vector_store %arg3[%swap3A_348, %swap3A_349], %convert_element_type3A_347 {strides = array<i32>} : memref<2048x8xi32, #tpu.memory_space<vmem>>, vector<2048x8xi32>,
    return
  }
}

module attributes {stable_mosaic.version = 14 : i64} {
  func.func @_ffn_body(%arg0: i32, %arg1: i32, %arg2: memref<512x768xf32, #tpu.memory_space<vmem>>, %arg3: memref<1x768x384xf32, #tpu.memory_space<vmem>>, %arg4: memref<1x768x384xf32, #tpu.memory_space<vmem>>, %arg5: memref<1x384x768xf32, #tpu.memory_space<vmem>>, %arg6: memref<512x8xf32, #tpu.memory_space<vmem>>, %arg7: memref<512x768xf32, #tpu.memory_space<vmem>>) attributes {dimension_semantics = [#tpu.dimension_semantics<arbitrary>, #tpu.dimension_semantics<arbitrary>], iteration_bounds = array<i64: 8, 4>, scalar_prefetch = 0 : i64, scratch_operands = 0 : i64, tpu.core_type = #tpu.core_type<tc>, window_params = [{transform_indices = @transform_0, window_bounds = array<i64: 512, 768>}, {transform_indices = @transform_1, window_bounds = array<i64: 1, 768, 384>}, {transform_indices = @transform_2, window_bounds = array<i64: 1, 768, 384>}, {transform_indices = @transform_3, window_bounds = array<i64: 1, 384, 768>}, {pipeline_mode = #tpu.pipeline_mode<synchronous>, transform_indices = @transform_4, window_bounds = array<i64: 512, 8>}, {transform_indices = @transform_5, window_bounds = array<i64: 512, 768>}]} {
    %get3A = arith.constant 0 : index
    %get3A_0 = arith.constant 0 : index
    %get3A_1 = vector.load %arg2[%get3A, %get3A_0] : memref<512x768xf32, #tpu.memory_space<vmem>>, vector<512x768xf32>
    %convert_element_type3A = arith.truncf %get3A_1 : vector<512x768xf32> to vector<512x768xbf16>
    %get3A_2 = arith.constant 0 : index
    %get3A_3 = arith.constant 0 : index
    %get3A_4 = arith.constant 0 : index
    %get3A_5 = vector.load %arg3[%get3A_2, %get3A_3, %get3A_4] : memref<1x768x384xf32, #tpu.memory_space<vmem>>, vector<1x768x384xf32>
    %get3A_6 = vector.shape_cast %get3A_5 : vector<1x768x384xf32> to vector<768x384xf32>
    %convert_element_type3A_7 = arith.truncf %get3A_6 : vector<768x384xf32> to vector<768x384xbf16>
    %dot_general3A = arith.constant dense<0.000000e+00> : vector<512x384xf32>
    %dot_general3A_8 = tpu.matmul %convert_element_type3A, %convert_element_type3A_7, %dot_general3A {dimension_numbers = #tpu.dot_dimension_numbers<[1], [0], [0], [1], [0, 0, 1, 1], [], []>, transpose_lhs_hint = false} : vector<512x768xbf16>, vector<768x384xbf16>, vector<512x384xf32> -> vector<512x384xf32>
    %get3A_9 = arith.constant 0 : index
    %get3A_10 = arith.constant 0 : index
    %get3A_11 = arith.constant 0 : index
    %get3A_12 = vector.load %arg4[%get3A_9, %get3A_10, %get3A_11] : memref<1x768x384xf32, #tpu.memory_space<vmem>>, vector<1x768x384xf32>
    %get3A_13 = vector.shape_cast %get3A_12 : vector<1x768x384xf32> to vector<768x384xf32>
    %convert_element_type3A_14 = arith.truncf %get3A_13 : vector<768x384xf32> to vector<768x384xbf16>
    %dot_general3A_15 = arith.constant dense<0.000000e+00> : vector<512x384xf32>
    %dot_general3A_16 = tpu.matmul %convert_element_type3A, %convert_element_type3A_14, %dot_general3A_15 {dimension_numbers = #tpu.dot_dimension_numbers<[1], [0], [0], [1], [0, 0, 1, 1], [], []>, transpose_lhs_hint = false} : vector<512x768xbf16>, vector<768x384xbf16>, vector<512x384xf32> -> vector<512x384xf32>
    %neg3A = arith.constant 0.000000e+00 : f32
    %neg3A_17 = vector.broadcast %neg3A : f32 to vector<512x384xf32>
    %neg3A_18 = arith.subf %neg3A_17, %dot_general3A_8 : vector<512x384xf32>
    %exp3A = math.exp %neg3A_18 : vector<512x384xf32>
    %add3A = arith.constant 1.000000e+00 : f32
    %add3A_19 = vector.broadcast %add3A : f32 to vector<512x384xf32>
    %add3A_20 = arith.addf %add3A_19, %exp3A : vector<512x384xf32>
    %div3A = arith.constant 1.000000e+00 : f32
    %div3A_21 = vector.broadcast %div3A : f32 to vector<512x384xf32>
    %div3A_22 = arith.divf %div3A_21, %add3A_20 : vector<512x384xf32>
    %mul3A = arith.mulf %dot_general3A_8, %div3A_22 : vector<512x384xf32>
    %mul3A_23 = arith.mulf %mul3A, %dot_general3A_16 : vector<512x384xf32>
    %convert_element_type3A_24 = arith.truncf %mul3A_23 : vector<512x384xf32> to vector<512x384xbf16>
    %get3A_25 = arith.constant 0 : index
    %get3A_26 = arith.constant 0 : index
    %get3A_27 = arith.constant 0 : index
    %get3A_28 = vector.load %arg5[%get3A_25, %get3A_26, %get3A_27] : memref<1x384x768xf32, #tpu.memory_space<vmem>>, vector<1x384x768xf32>
    %get3A_29 = vector.shape_cast %get3A_28 : vector<1x384x768xf32> to vector<384x768xf32>
    %convert_element_type3A_30 = arith.truncf %get3A_29 : vector<384x768xf32> to vector<384x768xbf16>
    %dot_general3A_31 = arith.constant dense<0.000000e+00> : vector<512x768xf32>
    %dot_general3A_32 = tpu.matmul %convert_element_type3A_24, %convert_element_type3A_30, %dot_general3A_31 {dimension_numbers = #tpu.dot_dimension_numbers<[1], [0], [0], [1], [0, 0, 1, 1], [], []>, transpose_lhs_hint = false} : vector<512x384xbf16>, vector<384x768xbf16>, vector<512x768xf32> -> vector<512x768xf32>
    %eq3A = arith.constant 0 : i32
    %eq3A_33 = arith.cmpi eq, %arg1, %eq3A : i32
    %convert_element_type3A_34 = arith.extui %eq3A_33 : i1 to i32
    %cond3A = arith.constant 0 : i32
    %cond3A_35 = arith.cmpi ne, %convert_element_type3A_34, %cond3A : i32
    scf.if %cond3A_35 {
      %swap3A = arith.constant 0 : index
      %swap3A_45 = arith.constant 0 : index
      %swap3A_46 = vector.load %arg7[%swap3A, %swap3A_45] : memref<512x768xf32, #tpu.memory_space<vmem>>, vector<512x768xf32>
      tpu.vector_store %arg7[%swap3A, %swap3A_45], %dot_general3A_32 {strides = array<i32>} : memref<512x768xf32, #tpu.memory_space<vmem>>, vector<512x768xf32>,
    } else {
    }
    %gt3A = arith.constant 0 : i32
    %gt3A_36 = arith.cmpi sgt, %arg1, %gt3A : i32
    %convert_element_type3A_37 = arith.extui %gt3A_36 : i1 to i32
    %cond3A_38 = arith.constant 0 : i32
    %cond3A_39 = arith.cmpi ne, %convert_element_type3A_37, %cond3A_38 : i32
    scf.if %cond3A_39 {
      %get3A_45 = arith.constant 0 : index
      %get3A_46 = arith.constant 0 : index
      %get3A_47 = vector.load %arg7[%get3A_45, %get3A_46] : memref<512x768xf32, #tpu.memory_space<vmem>>, vector<512x768xf32>
      %add3A_48 = arith.addf %get3A_47, %dot_general3A_32 : vector<512x768xf32>
      %swap3A = arith.constant 0 : index
      %swap3A_49 = arith.constant 0 : index
      %swap3A_50 = vector.load %arg7[%swap3A, %swap3A_49] : memref<512x768xf32, #tpu.memory_space<vmem>>, vector<512x768xf32>
      tpu.vector_store %arg7[%swap3A, %swap3A_49], %add3A_48 {strides = array<i32>} : memref<512x768xf32, #tpu.memory_space<vmem>>, vector<512x768xf32>,
    } else {
    }
    %eq3A_40 = arith.constant 3 : i32
    %eq3A_41 = arith.cmpi eq, %arg1, %eq3A_40 : i32
    %convert_element_type3A_42 = arith.extui %eq3A_41 : i1 to i32
    %cond3A_43 = arith.constant 0 : i32
    %cond3A_44 = arith.cmpi ne, %convert_element_type3A_42, %cond3A_43 : i32
    scf.if %cond3A_44 {
      %get3A_45 = arith.constant 0 : index
      %get3A_46 = arith.constant 0 : index
      %get3A_47 = vector.load %arg6[%get3A_45, %get3A_46] : memref<512x8xf32, #tpu.memory_space<vmem>>, vector<512x8xf32>
      %iota3A = tpu.iota {dimensions = array<i32: 1>} : vector<512x8xi32>
      %eq3A_48 = vector.broadcast %arg0 : i32 to vector<512x8xi32>
      %eq3A_49 = arith.cmpi eq, %iota3A, %eq3A_48 : vector<512x8xi32>
      %jit3A = arith.constant 0.000000e+00 : f32
      %broadcast_in_dim3A = vector.broadcast %jit3A : f32 to vector<512x8xf32>
      %select_n3A = arith.select %eq3A_49, %get3A_47, %broadcast_in_dim3A : vector<512x8xi1>, vector<512x8xf32>
      %reduce_sum3A = arith.constant dense<0.000000e+00> : vector<512xf32>
      %reduce_sum3A_50 = vector.multi_reduction <add>, %select_n3A, %reduce_sum3A [1] : vector<512x8xf32> to vector<512xf32>
      %broadcast_in_dim3A_51 = vector.shape_cast %reduce_sum3A_50 : vector<512xf32> to vector<512x1xf32>
      %get3A_52 = arith.constant 0 : index
      %get3A_53 = arith.constant 0 : index
      %get3A_54 = vector.load %arg7[%get3A_52, %get3A_53] : memref<512x768xf32, #tpu.memory_space<vmem>>, vector<512x768xf32>
      %mul3A_55 = vector.broadcast %broadcast_in_dim3A_51 : vector<512x1xf32> to vector<512x768xf32>
      %mul3A_56 = arith.mulf %get3A_54, %mul3A_55 : vector<512x768xf32>
      %swap3A = arith.constant 0 : index
      %swap3A_57 = arith.constant 0 : index
      %swap3A_58 = vector.load %arg7[%swap3A, %swap3A_57] : memref<512x768xf32, #tpu.memory_space<vmem>>, vector<512x768xf32>
      tpu.vector_store %arg7[%swap3A, %swap3A_57], %mul3A_56 {strides = array<i32>} : memref<512x768xf32, #tpu.memory_space<vmem>>, vector<512x768xf32>,
    } else {
    }
    return
  }
  func.func @transform_0(%arg0: i32, %arg1: i32) -> (i32, i32) {
    %c0_i32 = arith.constant 0 : i32
    %c0_i32_0 = arith.constant 0 : i32
    return %arg0, %c0_i32 : i32, i32
  }
  func.func @transform_1(%arg0: i32, %arg1: i32) -> (i32, i32, i32) {
    %c0_i32 = arith.constant 0 : i32
    %c0_i32_0 = arith.constant 0 : i32
    return %arg0, %c0_i32, %arg1 : i32, i32, i32
  }
  func.func @transform_2(%arg0: i32, %arg1: i32) -> (i32, i32, i32) {
    %c0_i32 = arith.constant 0 : i32
    %c0_i32_0 = arith.constant 0 : i32
    return %arg0, %c0_i32, %arg1 : i32, i32, i32
  }
  func.func @transform_3(%arg0: i32, %arg1: i32) -> (i32, i32, i32) {
    %c0_i32 = arith.constant 0 : i32
    %c0_i32_0 = arith.constant 0 : i32
    return %arg0, %arg1, %c0_i32 : i32, i32, i32
  }
  func.func @transform_4(%arg0: i32, %arg1: i32) -> (i32, i32) {
    %c0_i32 = arith.constant 0 : i32
    %c0_i32_0 = arith.constant 0 : i32
    %c0_i32_1 = arith.constant 0 : i32
    return %c0_i32, %c0_i32_0 : i32, i32
  }
  func.func @transform_5(%arg0: i32, %arg1: i32) -> (i32, i32) {
    %c0_i32 = arith.constant 0 : i32
    %c0_i32_0 = arith.constant 0 : i32
    return %arg0, %c0_i32 : i32, i32
  }
}

</mosaic_0001>

<sc_bundles>
// kernel: kernel.11.cloned.1.call-start
scs
__scs_entry_jumppad:
0x0: {  	(pc) =	sbr.rel $0x88, $3  }
0x1: {  	(tag) =	ssettag $0x0;
	lr =	simm.s32 $0x1  }
0x2: {  	[smem:$0x3F95] =	sst lr;
	_ =	strace $0xD0000000  }
0x3: {  	_ = 	snop  }
0x4: {  	_ = 	snop  }
0x5: {  	_ = 	snop  }
0x6: {  	_ = 	snop  }
0x7: {  	_ = 	snop  }
__scs_overlays_trampoline_lowered:
0x8: {  	[smem:$0x3FA4] =	sst s0  }
0x9: {  	[smem:$0x3FA5] =	sst s1  }
0xa: {  	[smem:$0x3FA6] =	sst s2  }
0xb: {  	[smem:$0x3FA7] =	sst s3  }
0xc: {  	[smem:$0x3FA8] =	sst s4  }
0xd: {  	[smem:$0x3FA9] =	sst s5  }
0xe: {  	[smem:$0x3FAA] =	sst s6  }
0xf: {  	[smem:$0x3FAB] =	sst s7  }
0x10: {  	[smem:$0x3FAC] =	sst s8  }
0x11: {  	[smem:$0x3FAD] =	sst s9;
	s0 =	simm.s32 @!p0 $0x0  }
0x12: {  	s1 =	sld [smem:$0x3F93];
	s0 =	simm.s32 @p0 $0x1  }
0x13: {  	[smem:$0x3FAE] =	sst s0;
	s0 =	simm.s32 @!p1 $0x0  }
0x14: {  	s2 =	sld [smem:$0x3F92];
	s0 =	simm.s32 @p1 $0x1  }
0x15: {  	[smem:$0x3FAF] =	sst s0;
	s0 =	simm.s32 @!p2 $0x0  }
0x16: {  	s3 =	sld [smem:$0x3FDB];
	s0 =	simm.s32 @p2 $0x1  }
0x17: {  	s4 =	simm.s32 $0x1BF5;
	[smem:$0x3FB1] =	sst s0  }
0x18: {  	s0 =	sld [smem:$0x3F94];
	_ =	swait.ge [sflag:s4], $0x0  }
0x19: {  	s7 =	sld [smem:$0x3F95]  }
0x1a: {  	s8 =	sadd.s32 $0xFFFFE003, lr  }
0x1b: {  	s9 =	sadd.s32 $0xFFFFFEF7, lr;
	s5 =	simm.s32 $0xFFFFFFFF;
	p2 =	slt.u32 s8, $0xFFFFF086  }
0x1c: {  	p1 =	slt.u32 s9, $0xF7A;
	s5 =	simm.s32 @!p2 $0x0  }
0x1d: {  	s5 =	simm.s32 @p1 $0x1;
	p0 =	seq.s32 s7, s2  }
0x1e: {  	s7 =	smul.u32 @!p0 $0xF7A, s2;
	p2 =	seq.s32 @!p0 s5, $0x0  }
0x1f: {  	s9 =	smul.u32 $0xF7A, s1;
	s8 =	simm.s32 @!p0 $0x1BF5;
	p2 =	por !p2, p0  }
0x20: {  	[sflag:s8] =	ssyncset.s32 @!p0 $0xFFFFF086;
	s6 =	sadd.s32 @!p0 s3, s7;
	s7 =	simm.s32 @!p0 $0x108  }
0x21: {  	s3 =	sadd.s32 s3, s9;
	s6 =	sadd.s32 @!p0 $0x88, s6;
	s7 =	simm.s32 @p2 $0x1082  }
0x22: {  	[simem:s7], [sflag:s8] =	dma.local @!p0 [hbm:s6], $0xF7A  }
0x23: {  	s9 =	sor.u32 $0xD0000000, s2;
	s6 =	simm.s32 $0x108;
	_ =	swait.ge @!p0 [sflag:s8], $0x0  }
0x24: {  	s3 =	sadd.s32 $0x88, s3;
	s6 =	simm.s32 @!p1 $0x1082;
	[sflag:s4] =	ssyncset.s32 $0xFFFFF086  }
0x25: {  	[simem:s6], [sflag:s4] =	dma.local [hbm:s3], $0xF7A  }
0x26: {  	[smem:$0x3F95] =	sst s1;
	(tag) =	ssettag s2;
	_ =	strace s9  }
0x27: {  	s1 =	sld [smem:$0x3FA5]  }
0x28: {  	s2 =	sld [smem:$0x3FA6]  }
0x29: {  	s4 =	sld [smem:$0x3FA8]  }
0x2a: {  	p0 =	seq.s32 s5, $0x0;
	s5 =	sld [smem:$0x3FA9]  }
0x2b: {  	s6 =	sld [smem:$0x3FAA]  }
0x2c: {  	s7 =	sld [smem:$0x3FAB]  }
0x2d: {  	s3 =	simm.s32 $0x108;
	s8 =	sld [smem:$0x3FAC]  }
0x2e: {  	s3 =	simm.s32 @!p0 $0x1082;
	s9 =	sld [smem:$0x3FAD]  }
0x2f: {  	lr =	sadd.s32 s0, s3;
	s0 =	sld [smem:$0x3FA4]  }
0x30: {  	s3 =	sld [smem:$0x3FA7]  }
0x31: {  	[smem:$0x3FB0] =	sst s10  }
0x32: {  	s10 =	sld [smem:$0x3FAE];
	_ =	sdelay $0x3  }
0x33: {  	p0 =	seq.s32 s10, $0x1;
	s10 =	sld [smem:$0x3FB0];
	_ =	sdelay $0x3  }
0x34: {  	[smem:$0x3FB0] =	sst s10  }
0x35: {  	s10 =	sld [smem:$0x3FAF];
	_ =	sdelay $0x3  }
0x36: {  	p1 =	seq.s32 s10, $0x1;
	s10 =	sld [smem:$0x3FB0];
	_ =	sdelay $0x3  }
0x37: {  	[smem:$0x3FB0] =	sst s10  }
0x38: {  	s10 =	sld [smem:$0x3FB1]  }
0x39: {  	_ = 	snop;
	(pc) =	sbr.ind lr, $3  }
0x3a: {  	_ = 	snop  }
0x3b: {  	_ = 	snop  }
0x3c: {  	p2 =	seq.s32 s10, $0x1;
	s10 =	sld [smem:$0x3FB0]  }
0x3d: {  	_ =	shalt  }
0x3e: {  	_ =	shalt  }
0x3f: {  	_ =	shalt  }
0x40: {  	_ =	shalt  }
0x41: {  	_ =	shalt  }
0x42: {  	_ =	shalt  }
0x43: {  	_ =	shalt  }
0x44: {  	_ =	shalt  }
0x45: {  	_ =	shalt  }
0x46: {  	_ =	shalt  }
0x47: {  	_ =	shalt  }
0x48: {  	_ =	shalt  }
0x49: {  	_ =	shalt  }
0x4a: {  	_ =	shalt  }
0x4b: {  	_ =	shalt  }
0x4c: {  	_ =	shalt  }
0x4d: {  	_ =	shalt  }
0x4e: {  	_ =	shalt  }
0x4f: {  	_ =	shalt  }
0x50: {  	_ =	shalt  }
0x51: {  	_ =	shalt  }
0x52: {  	_ =	shalt  }
0x53: {  	_ =	shalt  }
0x54: {  	_ =	shalt  }
0x55: {  	_ =	shalt  }
0x56: {  	_ =	shalt  }
0x57: {  	_ =	shalt  }
0x58: {  	_ =	shalt  }
0x59: {  	_ =	shalt  }
0x5a: {  	_ =	shalt  }
0x5b: {  	_ =	shalt  }
0x5c: {  	_ =	shalt  }
0x5d: {  	_ =	shalt  }
0x5e: {  	_ =	shalt  }
0x5f: {  	_ =	shalt  }
0x60: {  	_ =	shalt  }
0x61: {  	_ =	shalt  }
0x62: {  	_ =	shalt  }
0x63: {  	_ =	shalt  }
0x64: {  	_ =	shalt  }
0x65: {  	_ =	shalt  }
0x66: {  	_ =	shalt  }
0x67: {  	_ =	shalt  }
0x68: {  	_ =	shalt  }
0x69: {  	_ =	shalt  }
0x6a: {  	_ =	shalt  }
0x6b: {  	_ =	shalt  }
0x6c: {  	_ =	shalt  }
0x6d: {  	_ =	shalt  }
0x6e: {  	_ =	shalt  }
0x6f: {  	_ =	shalt  }
0x70: {  	_ =	shalt  }
0x71: {  	_ =	shalt  }
0x72: {  	_ =	shalt  }
0x73: {  	_ =	shalt  }
0x74: {  	_ =	shalt  }
0x75: {  	_ =	shalt  }
0x76: {  	_ =	shalt  }
0x77: {  	_ =	shalt  }
0x78: {  	_ =	shalt  }
0x79: {  	_ =	shalt  }
0x7a: {  	_ =	shalt  }
0x7b: {  	_ =	shalt  }
0x7c: {  	_ =	shalt  }
0x7d: {  	_ =	shalt  }
0x7e: {  	_ =	shalt  }
0x7f: {  	_ =	shalt  }
0x80: {  	_ =	shalt  }
0x81: {  	_ =	shalt  }
0x82: {  	_ =	shalt  }
0x83: {  	_ =	shalt  }
0x84: {  	_ =	shalt  }
0x85: {  	_ =	shalt  }
0x86: {  	_ =	shalt  }
0x87: {  	_ =	shalt  }
.Lfunc_end0:
.L_simem_size_0:
called_computation.1_lowered:
.L_overlay_start_0:
0x88: {  	s2 =	sld [smem:$0x3FD9]  }
0x89: {  	s3 =	sld [smem:$0x3FFE];
	_ =	sdelay $0x1  }
0x8a: {  	s1 =	srdreg.scid  }
0x8b: {  	s0 =	sand.u32 $0x1, s1  }
0x8c: {  	s16 =	sshll.u32 s0, $0xA;
	s2 =	sadd.s32 s3, s2  }
0x8d: {  	s2 =	sadd.s32 s2, s16  }
0x8e: {  	[smem:$0x3FBC] =	sst s2  }
0x8f: {  	_ = 	snop  }
0x90: {  	(tm) =	ssettm $0x1  }
0x91: {  	s17 =	sld [smem:$0x3FFB];
	_ =	sdelay $0x3  }
0x92: {  	_ =	strace s17  }
0x93: {  	s2 =	sld [smem:$0x3FFC];
	_ =	sdelay $0x3  }
0x94: {  	_ =	strace s2  }
0x95: {  	s2 =	sld [smem:$0x3FFD];
	_ =	sdelay $0x3  }
0x96: {  	_ =	strace s2  }
0x97: {  	_ =	strace $0x8FFFFFFF  }
0x98: {  	s18 =	sld [smem:$0x3FDB];
	_ =	sdelay $0x1  }
0x99: {  	s19 =	simm.s32 $_scs_section_size  }
0x9a: {  	s4 =	simm.s32 $_size__tile_overlayer_lowered;
	s5 =	simm.s32 $_tile_overlayer_lowered  }
0x9b: {  	s22 =	simm.s32 $0x1BFF;
	s21 =	sshll.u32 s5, $0x1;
	s2 =	sadd.s32 s19, s18  }
0x9c: {  	s6 =	simm.s32 $0x0;
	s20 =	sshll.u32 s4, $0x1;
	s4 =	sadd.s32 s21, s2  }
0x9d: {  	[timem:s6], [sflag:s22] =	dma.local [hbm:s4], s20  }
0x9e: {  	_ =	swait.ge [sflag:s22], s20  }
0x9f: {  	s3 =	ssub.s32 $0x0, s20;
	[sflag:s22] =	ssyncset.done $0x0  }
0xa0: {  	[sflag:s22] =	ssyncadd.s32 s3;
	_ =	sdelay $0x1  }
0xa1: {  	s23 =	simm.s32 $0x1B8B  }
0xa2: {  	_ =	swait.ge [sflag:s23], $0x1  }
0xa3: {  	[sflag:s23] =	ssyncset.done $0x0  }
0xa4: {  	s25 =	simm.s32 $0x1B8E;
	s24 =	sld [smem:$0x3FFE];
	[sflag:s23] =	ssyncadd.s32 $0xFFFFFFFF  }
0xa5: {  	s26 =	simm.s32 $execute0_lowered;
	[smem:$0x3FD2] =	sst s25  }
0xa6: {  	s4 =	sshll.u32 s26, $0x1;
	_ =	strace $0x80000049;
	[dreg:$0x1] =	wrdreg $0xFFFFFFFF  }
0xa7: {  	s28 =	simm.s32 $_size_execute0_lowered;
	s2 =	sadd.s32 s2, s4;
	[dreg:$0x0] =	wrdreg $0x0  }
0xa8: {  	s4 =	sshll.u32 s28, $0x1;
	[dreg:$0x2] =	wrdreg s2  }
0xa9: {  	[dreg:$0x3] =	wrdreg s4  }
0xaa: {  	[dreg:$0x4] =	wrdreg $0xC0  }
0xab: {  	_ =	task [dreg:s6], $0x5FFFF  }
0xac: {  	[dreg:$0x1] =	wrdreg $0xFFFFFFFF  }
0xad: {  	[dreg:$0x0] =	wrdreg $0x60  }
0xae: {  	[dreg:$0x2] =	wrdreg s24  }
0xaf: {  	[dreg:$0x3] =	wrdreg $0x9  }
0xb0: {  	_ =	task.clear_ibuf [dreg:s6], $0x4FFFF;
	_ =	strace $0x90000049  }
0xb1: {  	s29 =	simm.s32 $0x9;
	_ =	strace $0x8000004B  }
0xb2: {  	_ =	swait.ge [sflag:s29], $0x1  }
0xb3: {  	[sflag:s29] =	ssyncadd.s32 $0xFFFFFFFF  }
0xb4: {  	_ =	strace $0x9000004B  }
0xb5: {  	_ =	sfence  }
0xb6: {  	s30 =	sld [smem:$0x0];
	_ =	sdelay $0x2  }
0xb7: {  	s31 =	sshll.u32 s1, $0xD;
	s1 =	sshrl.u32 s1, $0x2  }
0xb8: {  	s3 =	sand.u32 $0x4000, s31;
	s1 =	sadd.s32 s1, s30  }
0xb9: {  	s0 =	sor.u32 s3, s0;
	s1 =	sshll.u32 s1, $0x11  }
0xba: {  	s0 =	sor.u32 s1, s0  }
0xbb: {  	s0 =	sadd.s32 $0x8F2B, s0  }
0xbc: {  	[sflag:s0] =	ssyncadd.remote.s32 $0x1  }
0xbd: {  	_ =	sfence.sel $0xFFFF  }
0xbe: {  	[dreg:$0x0] =	wrdreg $0xFFFFFFFF;
	(pc) =	sbr.abs _section_cstart, $3  }
0xbf: {  	[dreg:$0x1] =	wrdreg $0xFFFFFFFF  }
0xc0: {  	_ =	task.clear_ibuf [dreg:s6], $0x2FFFF;
	_ =	strace $0x9FFFFFFF  }
0xc1: {  	(tm) =	ssettm $0x7FFFFFFF  }
tec
execute0_lowered:
.L_overlay_start_1:
0x0: {  	(tag) =	ssettag $0x1  }
0x1: {  	s0 =	rddreg [dreg:$0x0];
	s1 =	simm.s32 $0x0  }
0x2: {  	s4 =	srdreg.scid;
	s6 =	stileid.u32;
	s15 =	simm.s32 $0x2  }
0x3: {  	s22 =	simm.s32 $0xB100;
	s23 =	simm.s32 $0xB900;
	s24 =	simm.s32 $0xC100  }
0x4: {  	s25 =	simm.s32 $0x1;
	s26 =	simm.s32 $0x0;
	[smem:$0x7FF] =	sst s1  }
0x5: {  	s3 =	sadd.s32 $0x32400, s0;
	s2 =	sadd.s32 $0x2400, s0;
	s10 =	sadd.s32 $0x92800, s0  }
0x6: {  	s4 =	sand.u32 $0x1, s4;
	s6 =	sshll.u32 s6, $0x4;
	s11 =	sadd.s32 $0x92600, s0  }
0x7: {  	s13 =	sadd.s32 $0x92A00, s0;
	s5 =	ssub.s32 $0x2, s4;
	s4 =	sshll.u32 s4, $0x3  }
0x8: {  	_ =	strace $0x8000004A;
	s7 =	sshrl.u32 s5, $0x1;
	s6 =	sor.u32 s4, s6  }
0x9: {  	s14 =	ssub.s32 s5, s7;
	s4 =	sadd.s32 s10, s6;
	s5 =	sadd.s32 s11, s6  }
0xa: {  	s9 =	smul.u32 $0x300, s6;
	s12 =	sor.u32 $0x4, s6;
	s6 =	sadd.s32 $0x32500, s0  }
0xb: {  	v2 =	vlaneseq.u32;
	s7 =	sadd.s32 $0x32600, s0;
	s31 =	smul.u32 $0x300, s12;
	s10 =	sadd.s32 s10, s12  }
0xc: {  	vm0 =	vmmov $0xffff;
	v1 =	vshrl.u32 v2, $0x3;
	s11 =	sadd.s32 s11, s12;
	s14 =	smax.u32 s14, $0x1;
	s8 =	sadd.s32 s2, s9  }
0xd: {  	v0 =	vand.u32 $0x7, v2;
	v2 =	vor.u32 $0x8, v2;
	v1 =	vmul.u32 $0x8, v1;
	s9 =	sadd.s32 s13, s9;
	s12 =	sadd.s32 s2, s31;
	s13 =	sadd.s32 s13, s31  }
.LBB2_1:
0xe: {  	[tilespmem:s1], [sflag:$0x2] =	stream.linear.gather [hbm4b:s4+s1], $0x20, $0x38;
	[tilespmem:$0x12100] =	vst v63  }
0xf: {  	_ =	swait.ge [sflag:s15], $0x20  }
0x10: {  	[sflag:s15] =	ssyncset.done $0x0  }
0x11: {  	s0 =	simm.s32 $0x80;
	[sflag:s15] =	ssyncadd.s32 $0xFFFFFFE0  }
0x12: {  	[tilespmem:s0], [sflag:$0x2] =	stream.linear.gather [hbm4b:s5+s1], $0x20, $0x38;
	[tilespmem:$0x12100] =	vst v63  }
0x13: {  	_ =	swait.ge [sflag:s15], $0x20  }
0x14: {  	[sflag:s15] =	ssyncset.done $0x0  }
0x15: {  	[sflag:s15] =	ssyncadd.s32 $0xFFFFFFE0  }
0x16: {  	v3 =	vld [tilespmem:$0x0];
	_ =	sdelay $0x4  }
0x17: {  	v4 =	vshrl.u32 v3, $0x3  }
0x18: {  	v4 =	vmul.u32 $0x30, v4  }
0x19: {  	v3 =	vand.u32 $0x7, v3  }
0x1a: {  	v3 =	vor.u32 v3, v4  }
0x1b: {  	v4 =	vperm.xlane v3, v0;
	_ =	sdelay $0x1  }
0x1c: {  	v4 =	vadd.s32 v1, v4;
	_ =	sdelay $0x3  }
0x1d: {  	s2 =	simm.s32 $0x100;
	v3 =	vperm.xlane v3, v2  }
0x1e: {  	[tilespmem:s2], [sflag:$0x1] =	stream.indirect_vreg.gather [hbm4b:s3+s1], $0x80, v4, vm0, $0xb8;
	[tilespmem:$0x12100] =	vst v63  }
0x1f: {  	s16 =	simm.s32 $0x900;
	v3 =	vadd.s32 v1, v3  }
0x20: {  	[tilespmem:s16], [sflag:$0x1] =	stream.indirect_vreg.gather [hbm4b:s6+s1], $0x80, v4, vm0, $0xb8;
	[tilespmem:$0x12100] =	vst v63  }
0x21: {  	s17 =	simm.s32 $0x1100  }
0x22: {  	[tilespmem:s17], [sflag:$0x1] =	stream.indirect_vreg.gather [hbm4b:s7+s1], $0x80, v4, vm0, $0xb8;
	[tilespmem:$0x12100] =	vst v63  }
0x23: {  	s18 =	simm.s32 $0x1900  }
0x24: {  	[tilespmem:s18], [sflag:$0x1] =	stream.indirect_vreg.gather [hbm4b:s3+s1], $0x80, v3, vm0, $0xb8;
	[tilespmem:$0x12100] =	vst v63  }
0x25: {  	s19 =	simm.s32 $0x2100  }
0x26: {  	[tilespmem:s19], [sflag:$0x1] =	stream.indirect_vreg.gather [hbm4b:s6+s1], $0x80, v3, vm0, $0xb8;
	[tilespmem:$0x12100] =	vst v63  }
0x27: {  	s20 =	simm.s32 $0x2900  }
0x28: {  	[tilespmem:s20], [sflag:$0x1] =	stream.indirect_vreg.gather [hbm4b:s7+s1], $0x80, v3, vm0, $0xb8;
	[tilespmem:$0x12100] =	vst v63  }
0x29: {  	v3 =	vld [tilespmem:$0x10];
	_ =	sdelay $0x4  }
0x2a: {  	v4 =	vshrl.u32 v3, $0x3  }
0x2b: {  	v4 =	vmul.u32 $0x30, v4  }
0x2c: {  	v3 =	vand.u32 $0x7, v3  }
0x2d: {  	v3 =	vor.u32 v3, v4  }
0x2e: {  	v4 =	vperm.xlane v3, v0;
	_ =	sdelay $0x1  }
0x2f: {  	v4 =	vadd.s32 v1, v4;
	_ =	sdelay $0x3  }
0x30: {  	s21 =	simm.s32 $0x3100;
	v3 =	vperm.xlane v3, v2  }
0x31: {  	[tilespmem:s21], [sflag:$0x1] =	stream.indirect_vreg.gather [hbm4b:s3+s1], $0x80, v4, vm0, $0xb8;
	[tilespmem:$0x12100] =	vst v63  }
0x32: {  	s31 =	simm.s32 $0x3900;
	v3 =	vadd.s32 v1, v3  }
0x33: {  	[tilespmem:s31], [sflag:$0x1] =	stream.indirect_vreg.gather [hbm4b:s6+s1], $0x80, v4, vm0, $0xb8;
	[tilespmem:$0x12100] =	vst v63  }
0x34: {  	s2 =	simm.s32 $0x4100  }
0x35: {  	[tilespmem:s2], [sflag:$0x1] =	stream.indirect_vreg.gather [hbm4b:s7+s1], $0x80, v4, vm0, $0xb8;
	[tilespmem:$0x12100] =	vst v63  }
0x36: {  	s16 =	simm.s32 $0x4900  }
0x37: {  	[tilespmem:s16], [sflag:$0x1] =	stream.indirect_vreg.gather [hbm4b:s3+s1], $0x80, v3, vm0, $0xb8;
	[tilespmem:$0x12100] =	vst v63  }
0x38: {  	s17 =	simm.s32 $0x5100  }
0x39: {  	[tilespmem:s17], [sflag:$0x1] =	stream.indirect_vreg.gather [hbm4b:s6+s1], $0x80, v3, vm0, $0xb8;
	[tilespmem:$0x12100] =	vst v63  }
0x3a: {  	s18 =	simm.s32 $0x5900  }
0x3b: {  	[tilespmem:s18], [sflag:$0x1] =	stream.indirect_vreg.gather [hbm4b:s7+s1], $0x80, v3, vm0, $0xb8;
	[tilespmem:$0x12100] =	vst v63  }
0x3c: {  	v3 =	vld [tilespmem:$0x80];
	_ =	sdelay $0x4  }
0x3d: {  	v4 =	vshrl.u32 v3, $0x3  }
0x3e: {  	v4 =	vmul.u32 $0x30, v4  }
0x3f: {  	v3 =	vand.u32 $0x7, v3  }
0x40: {  	v3 =	vor.u32 v3, v4  }
0x41: {  	v4 =	vperm.xlane v3, v0;
	_ =	sdelay $0x1  }
0x42: {  	v4 =	vadd.s32 v1, v4;
	_ =	sdelay $0x3  }
0x43: {  	s19 =	simm.s32 $0x6100;
	v3 =	vperm.xlane v3, v2  }
0x44: {  	[tilespmem:s19], [sflag:$0x1] =	stream.indirect_vreg.gather [hbm4b:s3+s1], $0x80, v4, vm0, $0xb8;
	[tilespmem:$0x12100] =	vst v63  }
0x45: {  	s20 =	simm.s32 $0x6900;
	v3 =	vadd.s32 v1, v3  }
0x46: {  	[tilespmem:s20], [sflag:$0x1] =	stream.indirect_vreg.gather [hbm4b:s6+s1], $0x80, v4, vm0, $0xb8;
	[tilespmem:$0x12100] =	vst v63  }
0x47: {  	s21 =	simm.s32 $0x7100  }
0x48: {  	[tilespmem:s21], [sflag:$0x1] =	stream.indirect_vreg.gather [hbm4b:s7+s1], $0x80, v4, vm0, $0xb8;
	[tilespmem:$0x12100] =	vst v63  }
0x49: {  	s31 =	simm.s32 $0x7900  }
0x4a: {  	[tilespmem:s31], [sflag:$0x1] =	stream.indirect_vreg.gather [hbm4b:s3+s1], $0x80, v3, vm0, $0xb8;
	[tilespmem:$0x12100] =	vst v63  }
0x4b: {  	s2 =	simm.s32 $0x8100  }
0x4c: {  	[tilespmem:s2], [sflag:$0x1] =	stream.indirect_vreg.gather [hbm4b:s6+s1], $0x80, v3, vm0, $0xb8;
	[tilespmem:$0x12100] =	vst v63  }
0x4d: {  	s16 =	simm.s32 $0x8900  }
0x4e: {  	[tilespmem:s16], [sflag:$0x1] =	stream.indirect_vreg.gather [hbm4b:s7+s1], $0x80, v3, vm0, $0xb8;
	[tilespmem:$0x12100] =	vst v63  }
0x4f: {  	v3 =	vld [tilespmem:$0x90];
	_ =	sdelay $0x4  }
0x50: {  	v4 =	vshrl.u32 v3, $0x3  }
0x51: {  	v4 =	vmul.u32 $0x30, v4  }
0x52: {  	v3 =	vand.u32 $0x7, v3  }
0x53: {  	v3 =	vor.u32 v3, v4  }
0x54: {  	v4 =	vperm.xlane v3, v0;
	_ =	sdelay $0x1  }
0x55: {  	v4 =	vadd.s32 v1, v4;
	_ =	sdelay $0x3  }
0x56: {  	s17 =	simm.s32 $0x9100;
	v3 =	vperm.xlane v3, v2  }
0x57: {  	[tilespmem:s17], [sflag:$0x1] =	stream.indirect_vreg.gather [hbm4b:s3+s1], $0x80, v4, vm0, $0xb8;
	[tilespmem:$0x12100] =	vst v63  }
0x58: {  	s18 =	simm.s32 $0x9900;
	v3 =	vadd.s32 v1, v3  }
0x59: {  	[tilespmem:s18], [sflag:$0x1] =	stream.indirect_vreg.gather [hbm4b:s6+s1], $0x80, v4, vm0, $0xb8;
	[tilespmem:$0x12100] =	vst v63  }
0x5a: {  	s19 =	simm.s32 $0xA100  }
0x5b: {  	[tilespmem:s19], [sflag:$0x1] =	stream.indirect_vreg.gather [hbm4b:s7+s1], $0x80, v4, vm0, $0xb8;
	[tilespmem:$0x12100] =	vst v63  }
0x5c: {  	s20 =	simm.s32 $0xA900  }
0x5d: {  	[tilespmem:s20], [sflag:$0x1] =	stream.indirect_vreg.gather [hbm4b:s3+s1], $0x80, v3, vm0, $0xb8;
	[tilespmem:$0x12100] =	vst v63  }
0x5e: {  	_ = 	snop  }
0x5f: {  	[tilespmem:s22], [sflag:$0x1] =	stream.indirect_vreg.gather [hbm4b:s6+s1], $0x80, v3, vm0, $0xb8;
	[tilespmem:$0x12100] =	vst v63  }
0x60: {  	_ = 	snop  }
0x61: {  	[tilespmem:s23], [sflag:$0x1] =	stream.indirect_vreg.gather [hbm4b:s7+s1], $0x80, v3, vm0, $0xb8;
	[tilespmem:$0x12100] =	vst v63  }
0x62: {  	_ = 	snop  }
0x63: {  	[tilespmem:s24], [sflag:$0x2] =	stream.linear.gather [hbm4b:s8+s1], $0x6000, $0x38;
	[tilespmem:$0x12100] =	vst v63  }
0x64: {  	_ =	swait.ge [sflag:s15], $0x6000  }
0x65: {  	[sflag:s15] =	ssyncset.done $0x0  }
0x66: {  	[sflag:s15] =	ssyncadd.s32 $0xFFFFA000  }
0x67: {  	_ =	swait.ge [sflag:s25], $0x6000  }
0x68: {  	[sflag:s25] =	ssyncset.done $0x0  }
0x69: {  	s21 =	simm.s32 $0x0;
	[sflag:s25] =	ssyncadd.s32 $0xFFFFA000  }
0x6a: {  	s0 =	sand.u32 $0x300, s1;
	s16 =	smul.u32 $0x1800, s21;
	_ =	swait.ge [sflag:s25], $0x6000  }
0x6b: {  	s2 =	sor.u32 $0x80, s0;
	[sflag:s25] =	ssyncset.done $0x0  }
0x6c: {  	s19 =	sor.u32 s16, s2;
	[sflag:s25] =	ssyncadd.s32 $0xFFFFA000  }
0x6d: {  	v3 =	vld [tilespmem:s19+$0x6100]  }
0x6e: {  	v4 =	vld [tilespmem:s19+$0x6110]  }
0x6f: {  	v5 =	vld [tilespmem:s19+$0x6120]  }
0x70: {  	v6 =	vld [tilespmem:s19+$0x6130]  }
0x71: {  	v7 =	vld [tilespmem:s19+$0x6140]  }
0x72: {  	v8 =	vld [tilespmem:s19+$0x6150]  }
0x73: {  	v9 =	vld [tilespmem:s19+$0x6160]  }
0x74: {  	v10 =	vld [tilespmem:s19+$0x6170]  }
0x75: {  	v11 =	vld [tilespmem:s19+$0x6500]  }
0x76: {  	v12 =	vld [tilespmem:s19+$0x6510]  }
0x77: {  	v13 =	vld [tilespmem:s19+$0x6520]  }
0x78: {  	v14 =	vld [tilespmem:s19+$0x6530]  }
0x79: {  	v15 =	vld [tilespmem:s19+$0x6540]  }
0x7a: {  	v16 =	vld [tilespmem:s19+$0x6550]  }
0x7b: {  	v17 =	vld [tilespmem:s19+$0xC100]  }
0x7c: {  	v18 =	vld [tilespmem:s19+$0x100]  }
0x7d: {  	v19 =	vld [tilespmem:s19+$0xC110]  }
0x7e: {  	v20 =	vld [tilespmem:s19+$0x110]  }
0x7f: {  	v21 =	vld [tilespmem:s19+$0xC120]  }
0x80: {  	v22 =	vld [tilespmem:s19+$0x120]  }
0x81: {  	v23 =	vld [tilespmem:s19+$0xC130]  }
0x82: {  	v24 =	vld [tilespmem:s19+$0x130]  }
0x83: {  	v25 =	vld [tilespmem:s19+$0xC140]  }
0x84: {  	v26 =	vld [tilespmem:s19+$0x140]  }
0x85: {  	v27 =	vld [tilespmem:s19+$0xC150]  }
0x86: {  	v28 =	vld [tilespmem:s19+$0x150]  }
0x87: {  	v29 =	vld [tilespmem:s19+$0xC160]  }
0x88: {  	v30 =	vld [tilespmem:s19+$0x160]  }
0x89: {  	v31 =	vld [tilespmem:s19+$0xC170]  }
0x8a: {  	v32 =	vld [tilespmem:s19+$0x170]  }
0x8b: {  	v33 =	vld [tilespmem:s19+$0xC500]  }
0x8c: {  	v34 =	vld [tilespmem:s19+$0x500]  }
0x8d: {  	v35 =	vld [tilespmem:s19+$0xC510]  }
0x8e: {  	v36 =	vld [tilespmem:s19+$0x510]  }
0x8f: {  	v37 =	vld [tilespmem:s19+$0xC520]  }
0x90: {  	v50 =	vld [tilespmem:s19+$0x530]  }
0x91: {  	v51 =	vld [tilespmem:s19+$0xC540]  }
0x92: {  	v17 =	vadd.f32 v18, v17;
	v18 =	vld [tilespmem:s19+$0x520]  }
0x93: {  	s17 =	sor.u32 s0, s16;
	v19 =	vadd.f32 v20, v19;
	v20 =	vld [tilespmem:s19+$0xC530]  }
0x94: {  	v3 =	vadd.f32 v3, v17;
	v17 =	vadd.f32 v22, v21;
	v21 =	vld [tilespmem:s17+$0xC500]  }
0x95: {  	v4 =	vadd.f32 v4, v19;
	v19 =	vadd.f32 v24, v23;
	v22 =	vld [tilespmem:s17+$0x500]  }
0x96: {  	[tilespmem:s19+$0xC100] =	vst v3;
	v3 =	vadd.f32 v5, v17;
	v5 =	vadd.f32 v26, v25;
	v17 =	vld [tilespmem:s19+$0x540]  }
0x97: {  	[tilespmem:s19+$0xC110] =	vst v4;
	v4 =	vadd.f32 v6, v19;
	v6 =	vadd.f32 v28, v27;
	v19 =	vld [tilespmem:s19+$0xC550]  }
0x98: {  	[tilespmem:s19+$0xC120] =	vst v3;
	v3 =	vadd.f32 v7, v5;
	v7 =	vld [tilespmem:s19+$0x550]  }
0x99: {  	[tilespmem:s19+$0xC130] =	vst v4;
	v4 =	vadd.f32 v8, v6;
	v8 =	vld [tilespmem:s19+$0xC560]  }
0x9a: {  	v5 =	vadd.f32 v30, v29;
	v29 =	vld [tilespmem:s17+$0xC170]  }
0x9b: {  	v6 =	vadd.f32 v32, v31;
	v31 =	vld [tilespmem:s17+$0xC550]  }
0x9c: {  	[tilespmem:s19+$0xC140] =	vst v3;
	v3 =	vadd.f32 v9, v5;
	v5 =	vadd.f32 v34, v33;
	v9 =	vld [tilespmem:s19+$0x560]  }
0x9d: {  	[tilespmem:s19+$0xC150] =	vst v4;
	v4 =	vadd.f32 v10, v6;
	v6 =	vadd.f32 v36, v35;
	v10 =	vld [tilespmem:s19+$0xC570]  }
0x9e: {  	v33 =	vld [tilespmem:s17+$0x550];
	[tilespmem:s19+$0xC160] =	vst v3;
	v3 =	vadd.f32 v11, v5  }
0x9f: {  	v5 =	vadd.f32 v18, v37;
	v11 =	vld [tilespmem:s19+$0x570];
	[tilespmem:s19+$0xC170] =	vst v4;
	v4 =	vadd.f32 v12, v6  }
0xa0: {  	v6 =	vadd.f32 v50, v20;
	v12 =	vld [tilespmem:s19+$0x6560];
	v7 =	vadd.f32 v7, v19  }
0xa1: {  	[tilespmem:s19+$0xC500] =	vst v3;
	v5 =	vadd.f32 v13, v5;
	v13 =	vadd.f32 v17, v51;
	v17 =	vld [tilespmem:s19+$0x6570]  }
0xa2: {  	v3 =	vld [tilespmem:s17+$0xC100];
	[tilespmem:s19+$0xC510] =	vst v4;
	v6 =	vadd.f32 v14, v6  }
0xa3: {  	v4 =	vld [tilespmem:s17+$0x100];
	v8 =	vadd.f32 v9, v8;
	v9 =	vadd.f32 v16, v7;
	[tilespmem:s19+$0xC520] =	vst v5  }
0xa4: {  	v7 =	vld [tilespmem:s17+$0x110];
	v13 =	vadd.f32 v15, v13;
	[tilespmem:s19+$0xC530] =	vst v6;
	v10 =	vadd.f32 v11, v10  }
0xa5: {  	v5 =	vld [tilespmem:s17+$0xC110];
	v8 =	vadd.f32 v12, v8;
	[tilespmem:s19+$0xC550] =	vst v9  }
0xa6: {  	v6 =	vld [tilespmem:s17+$0xC120];
	[tilespmem:s19+$0xC540] =	vst v13;
	v10 =	vadd.f32 v17, v10  }
0xa7: {  	s18 =	sadd.s32 $0x800, s16;
	v9 =	vld [tilespmem:s17+$0x120];
	[tilespmem:s19+$0xC560] =	vst v8  }
0xa8: {  	s20 =	sor.u32 s2, s18;
	v8 =	vld [tilespmem:s17+$0xC130];
	[tilespmem:s19+$0xC570] =	vst v10  }
0xa9: {  	v10 =	vld [tilespmem:s20+$0x6100]  }
0xaa: {  	v11 =	vld [tilespmem:s20+$0x6110]  }
0xab: {  	v12 =	vld [tilespmem:s20+$0x6120]  }
0xac: {  	v13 =	vld [tilespmem:s20+$0x6130]  }
0xad: {  	v14 =	vld [tilespmem:s20+$0x6140]  }
0xae: {  	v15 =	vld [tilespmem:s20+$0x6150]  }
0xaf: {  	v16 =	vld [tilespmem:s20+$0xC100]  }
0xb0: {  	v17 =	vld [tilespmem:s20+$0x100]  }
0xb1: {  	v18 =	vld [tilespmem:s20+$0xC110]  }
0xb2: {  	v19 =	vld [tilespmem:s20+$0x110]  }
0xb3: {  	v20 =	vld [tilespmem:s20+$0xC120]  }
0xb4: {  	v52 =	vld [tilespmem:s20+$0x120]  }
0xb5: {  	v53 =	vld [tilespmem:s20+$0xC130]  }
0xb6: {  	v54 =	vld [tilespmem:s20+$0x130]  }
0xb7: {  	v55 =	vld [tilespmem:s20+$0xC140]  }
0xb8: {  	v56 =	vld [tilespmem:s20+$0x140]  }
0xb9: {  	v57 =	vld [tilespmem:s20+$0xC150]  }
0xba: {  	v58 =	vld [tilespmem:s20+$0x150]  }
0xbb: {  	v59 =	vld [tilespmem:s20+$0xC160];
	v16 =	vadd.f32 v17, v16  }
0xbc: {  	v60 =	vld [tilespmem:s20+$0x6160];
	v18 =	vadd.f32 v19, v18  }
0xbd: {  	v17 =	vld [tilespmem:s20+$0x160];
	v10 =	vadd.f32 v10, v16;
	v16 =	vadd.f32 v52, v20  }
0xbe: {  	v19 =	vld [tilespmem:s20+$0xC170];
	v11 =	vadd.f32 v11, v18;
	v18 =	vadd.f32 v54, v53  }
0xbf: {  	v20 =	vld [tilespmem:s20+$0x170];
	v12 =	vadd.f32 v12, v16  }
0xc0: {  	v61 =	vld [tilespmem:s20+$0x6170];
	v16 =	vadd.f32 v56, v55;
	v13 =	vadd.f32 v13, v18  }
0xc1: {  	[tilespmem:s20+$0xC100] =	vst v10;
	v10 =	vld [tilespmem:s17+$0x130];
	v18 =	vadd.f32 v58, v57  }
0xc2: {  	v14 =	vadd.f32 v14, v16;
	[tilespmem:s20+$0xC130] =	vst v13;
	v13 =	vld [tilespmem:s17+$0xC150]  }
0xc3: {  	[tilespmem:s20+$0xC110] =	vst v11;
	v16 =	vadd.f32 v17, v59;
	v17 =	vadd.f32 v15, v18;
	v15 =	vld [tilespmem:s17+$0x150]  }
0xc4: {  	v11 =	vld [tilespmem:s17+$0xC140];
	[tilespmem:s20+$0xC120] =	vst v12;
	v18 =	vadd.f32 v20, v19  }
0xc5: {  	v12 =	vld [tilespmem:s17+$0x140];
	[tilespmem:s20+$0xC140] =	vst v14;
	v16 =	vadd.f32 v60, v16  }
0xc6: {  	[tilespmem:s20+$0xC150] =	vst v17;
	v14 =	vld [tilespmem:s17+$0xC160];
	v17 =	vadd.f32 v61, v18  }
0xc7: {  	s19 =	sadd.s32 $0xC00, s16;
	[tilespmem:s20+$0xC160] =	vst v16;
	v16 =	vld [tilespmem:s17+$0x160]  }
0xc8: {  	s21 =	sor.u32 s2, s19;
	v8 =	vadd.f32 v10, v8;
	[tilespmem:s20+$0xC170] =	vst v17;
	v10 =	vadd.f32 v15, v13;
	v13 =	vld [tilespmem:s17+$0xC570]  }
0xc9: {  	v17 =	vld [tilespmem:s21+$0x6100]  }
0xca: {  	v18 =	vld [tilespmem:s21+$0x6110]  }
0xcb: {  	v19 =	vld [tilespmem:s21+$0x6120]  }
0xcc: {  	v20 =	vld [tilespmem:s21+$0x6130]  }
0xcd: {  	v62 =	vld [tilespmem:s21+$0x6140]  }
0xce: {  	v63 =	vld [tilespmem:s21+$0x6150]  }
0xcf: {  	v36 =	vld [tilespmem:s21+$0xC100]  }
0xd0: {  	v37 =	vld [tilespmem:s21+$0x100]  }
0xd1: {  	v38 =	vld [tilespmem:s21+$0xC110]  }
0xd2: {  	v39 =	vld [tilespmem:s21+$0x110]  }
0xd3: {  	v40 =	vld [tilespmem:s21+$0xC120]  }
0xd4: {  	v41 =	vld [tilespmem:s21+$0x120]  }
0xd5: {  	v42 =	vld [tilespmem:s21+$0xC130]  }
0xd6: {  	v43 =	vld [tilespmem:s21+$0x130]  }
0xd7: {  	v44 =	vld [tilespmem:s21+$0xC140]  }
0xd8: {  	v45 =	vld [tilespmem:s21+$0x140]  }
0xd9: {  	v46 =	vld [tilespmem:s21+$0xC150]  }
0xda: {  	v47 =	vld [tilespmem:s21+$0x150]  }
0xdb: {  	v48 =	vld [tilespmem:s21+$0xC160]  }
0xdc: {  	v49 =	vld [tilespmem:s21+$0x160]  }
0xdd: {  	v50 =	vld [tilespmem:s21+$0xC170]  }
0xde: {  	v52 =	vld [tilespmem:s21+$0x170];
	v23 =	vadd.f32 v37, v36  }
0xdf: {  	v54 =	vld [tilespmem:s21+$0x6160];
	v25 =	vadd.f32 v39, v38  }
0xe0: {  	v55 =	vld [tilespmem:s21+$0x6170];
	v51 =	vadd.f32 v41, v40;
	v17 =	vadd.f32 v17, v23  }
0xe1: {  	v53 =	vadd.f32 v43, v42;
	v37 =	vld [tilespmem:s17+$0x6130];
	v18 =	vadd.f32 v18, v25  }
0xe2: {  	v25 =	vld [tilespmem:s17+$0x170];
	[tilespmem:s21+$0xC100] =	vst v17;
	v17 =	vadd.f32 v19, v51;
	v19 =	vadd.f32 v45, v44  }
0xe3: {  	[tilespmem:s21+$0xC110] =	vst v18;
	v18 =	vadd.f32 v20, v53;
	v20 =	vadd.f32 v47, v46;
	v51 =	vld [tilespmem:s17+$0xC540]  }
0xe4: {  	[tilespmem:s21+$0xC120] =	vst v17;
	v17 =	vadd.f32 v62, v19;
	v19 =	vadd.f32 v49, v48;
	v48 =	vld [tilespmem:s17+$0x520]  }
0xe5: {  	v49 =	vld [tilespmem:s17+$0xC530]  }
0xe6: {  	[tilespmem:s21+$0xC130] =	vst v18;
	v18 =	vadd.f32 v63, v20;
	v20 =	vadd.f32 v52, v50;
	v50 =	vld [tilespmem:s17+$0x530]  }
0xe7: {  	v52 =	vld [tilespmem:s17+$0x540]  }
0xe8: {  	[tilespmem:s21+$0xC140] =	vst v17;
	v17 =	vadd.f32 v54, v19;
	v19 =	vld [tilespmem:s17+$0xC510]  }
0xe9: {  	[tilespmem:s21+$0xC150] =	vst v18;
	v18 =	vadd.f32 v55, v20;
	v20 =	vld [tilespmem:s17+$0x510]  }
0xea: {  	s31 =	sadd.s32 $0x1000, s16;
	v54 =	vld [tilespmem:s17+$0xC560];
	[tilespmem:s21+$0xC160] =	vst v17  }
0xeb: {  	s28 =	sor.u32 s2, s31;
	v17 =	vld [tilespmem:s17+$0xC520];
	[tilespmem:s21+$0xC170] =	vst v18  }
0xec: {  	v18 =	vld [tilespmem:s28+$0x6100]  }
0xed: {  	v56 =	vld [tilespmem:s28+$0x6110]  }
0xee: {  	v24 =	vld [tilespmem:s28+$0x6120]  }
0xef: {  	v26 =	vld [tilespmem:s28+$0x6140]  }
0xf0: {  	v27 =	vld [tilespmem:s28+$0x6150]  }
0xf1: {  	v28 =	vld [tilespmem:s28+$0x6160]  }
0xf2: {  	v57 =	vld [tilespmem:s28+$0xC100]  }
0xf3: {  	v58 =	vld [tilespmem:s28+$0x100]  }
0xf4: {  	v59 =	vld [tilespmem:s28+$0xC110]  }
0xf5: {  	v60 =	vld [tilespmem:s28+$0x110]  }
0xf6: {  	v61 =	vld [tilespmem:s28+$0xC120]  }
0xf7: {  	v62 =	vld [tilespmem:s28+$0x120]  }
0xf8: {  	v36 =	vld [tilespmem:s28+$0xC130]  }
0xf9: {  	v63 =	vld [tilespmem:s28+$0xC140]  }
0xfa: {  	v38 =	vld [tilespmem:s28+$0x140]  }
0xfb: {  	v39 =	vld [tilespmem:s28+$0xC150]  }
0xfc: {  	v40 =	vld [tilespmem:s28+$0x150]  }
0xfd: {  	v41 =	vld [tilespmem:s28+$0xC160]  }
0xfe: {  	v42 =	vld [tilespmem:s28+$0x160]  }
0xff: {  	v43 =	vld [tilespmem:s28+$0xC170];
	v30 =	vadd.f32 v58, v57  }
0x100: {  	v44 =	vld [tilespmem:s28+$0x170];
	v32 =	vadd.f32 v60, v59  }
0x101: {  	v45 =	vld [tilespmem:s28+$0x130];
	v53 =	vadd.f32 v62, v61;
	v18 =	vadd.f32 v18, v30  }
0x102: {  	v46 =	vld [tilespmem:s28+$0x6170];
	v55 =	vadd.f32 v38, v63;
	v23 =	vadd.f32 v56, v32  }
0x103: {  	v57 =	vadd.f32 v40, v39;
	v58 =	vld [tilespmem:s17+$0x6100];
	[tilespmem:s28+$0xC100] =	vst v18;
	v18 =	vadd.f32 v24, v53  }
0x104: {  	v60 =	vadd.f32 v42, v41;
	v61 =	vld [tilespmem:s17+$0x6110];
	v59 =	vadd.f32 v26, v55;
	[tilespmem:s28+$0xC110] =	vst v23  }
0x105: {  	v62 =	vadd.f32 v44, v43;
	v63 =	vld [tilespmem:s17+$0x6120];
	[tilespmem:s28+$0xC120] =	vst v18;
	v18 =	vadd.f32 v27, v57  }
0x106: {  	v3 =	vadd.f32 v4, v3;
	v47 =	vld [tilespmem:s28+$0x6130];
	v4 =	vadd.f32 v28, v60;
	[tilespmem:s28+$0xC140] =	vst v59  }
0x107: {  	v5 =	vadd.f32 v7, v5;
	v7 =	vadd.f32 v46, v62;
	[tilespmem:s28+$0xC150] =	vst v18;
	v18 =	vld [tilespmem:s17+$0x6140]  }
0x108: {  	v6 =	vadd.f32 v9, v6;
	[tilespmem:s28+$0xC160] =	vst v4;
	v4 =	vld [tilespmem:s17+$0x6150];
	v3 =	vadd.f32 v58, v3  }
0x109: {  	[tilespmem:s28+$0xC170] =	vst v7;
	v7 =	vld [tilespmem:s17+$0x6160];
	v5 =	vadd.f32 v61, v5  }
0x10a: {  	v9 =	vadd.f32 v12, v11;
	[tilespmem:s17+$0xC100] =	vst v3;
	v3 =	vadd.f32 v63, v6;
	v6 =	vld [tilespmem:s17+$0x6170]  }
0x10b: {  	[tilespmem:s17+$0xC110] =	vst v5;
	v5 =	vadd.f32 v37, v8;
	v8 =	vld [tilespmem:s17+$0x6500]  }
0x10c: {  	v11 =	vadd.f32 v16, v14;
	[tilespmem:s17+$0xC120] =	vst v3;
	v3 =	vadd.f32 v18, v9;
	v9 =	vld [tilespmem:s17+$0x6510]  }
0x10d: {  	v12 =	vadd.f32 v25, v29;
	[tilespmem:s17+$0xC130] =	vst v5;
	v4 =	vadd.f32 v4, v10;
	v5 =	vld [tilespmem:s17+$0x6520]  }
0x10e: {  	v10 =	vadd.f32 v22, v21;
	[tilespmem:s17+$0xC140] =	vst v3;
	v3 =	vadd.f32 v7, v11;
	v7 =	vld [tilespmem:s17+$0x6530]  }
0x10f: {  	[tilespmem:s17+$0xC150] =	vst v4;
	v4 =	vadd.f32 v6, v12;
	v6 =	vld [tilespmem:s17+$0x6540];
	v11 =	vadd.f32 v20, v19  }
0x110: {  	v56 =	vld [tilespmem:s17+$0x560];
	v12 =	vadd.f32 v48, v17;
	[tilespmem:s17+$0xC160] =	vst v3;
	v3 =	vadd.f32 v8, v10  }
0x111: {  	[tilespmem:s17+$0xC170] =	vst v4;
	v8 =	vadd.f32 v50, v49;
	v10 =	vld [tilespmem:s17+$0x6550];
	v4 =	vadd.f32 v9, v11  }
0x112: {  	v9 =	vadd.f32 v52, v51;
	v11 =	vld [tilespmem:s17+$0x570];
	[tilespmem:s17+$0xC500] =	vst v3;
	v3 =	vadd.f32 v5, v12  }
0x113: {  	v5 =	vadd.f32 v45, v36;
	v12 =	vld [tilespmem:s17+$0x6560];
	[tilespmem:s17+$0xC510] =	vst v4;
	v4 =	vadd.f32 v7, v8  }
0x114: {  	[tilespmem:s17+$0xC520] =	vst v3;
	v3 =	vadd.f32 v6, v9  }
0x115: {  	v7 =	vadd.f32 v33, v31;
	v5 =	vadd.f32 v47, v5;
	v6 =	vld [tilespmem:s17+$0x6570];
	[tilespmem:s17+$0xC530] =	vst v4  }
0x116: {  	s18 =	sor.u32 s0, s18;
	s16 =	sadd.s32 $0x1400, s16;
	v4 =	vadd.f32 v56, v54;
	[tilespmem:s17+$0xC540] =	vst v3  }
0x117: {  	s30 =	sor.u32 s2, s16;
	v7 =	vadd.f32 v10, v7;
	[tilespmem:s28+$0xC130] =	vst v5;
	v3 =	vld [tilespmem:s18+$0xC100]  }
0x118: {  	v8 =	vadd.f32 v11, v13;
	v5 =	vld [tilespmem:s30+$0xC170];
	v4 =	vadd.f32 v12, v4  }
0x119: {  	[tilespmem:s17+$0xC550] =	vst v7;
	v9 =	vld [tilespmem:s30+$0x170]  }
0x11a: {  	v7 =	vld [tilespmem:s18+$0xC110];
	v6 =	vadd.f32 v6, v8;
	[tilespmem:s17+$0xC560] =	vst v4  }
0x11b: {  	v4 =	vld [tilespmem:s18+$0xC120]  }
0x11c: {  	[tilespmem:s17+$0xC570] =	vst v6;
	v6 =	vld [tilespmem:s30+$0x6170]  }
0x11d: {  	v8 =	vld [tilespmem:s18+$0xC130]  }
0x11e: {  	v10 =	vld [tilespmem:s18+$0x100]  }
0x11f: {  	v11 =	vld [tilespmem:s18+$0x110]  }
0x120: {  	v12 =	vld [tilespmem:s18+$0x120]  }
0x121: {  	v13 =	vld [tilespmem:s18+$0x130]  }
0x122: {  	v14 =	vld [tilespmem:s18+$0xC140]  }
0x123: {  	v15 =	vld [tilespmem:s18+$0x140]  }
0x124: {  	v16 =	vld [tilespmem:s18+$0xC150]  }
0x125: {  	v17 =	vld [tilespmem:s18+$0x150]  }
0x126: {  	v18 =	vld [tilespmem:s18+$0xC160]  }
0x127: {  	v19 =	vld [tilespmem:s18+$0x160]  }
0x128: {  	v20 =	vld [tilespmem:s18+$0x6100]  }
0x129: {  	v38 =	vld [tilespmem:s18+$0x6110]  }
0x12a: {  	v39 =	vld [tilespmem:s18+$0x6120]  }
0x12b: {  	v3 =	vadd.f32 v10, v3;
	v10 =	vld [tilespmem:s18+$0x6130]  }
0x12c: {  	v7 =	vadd.f32 v11, v7;
	v11 =	vld [tilespmem:s18+$0x6140]  }
0x12d: {  	v4 =	vadd.f32 v12, v4;
	v12 =	vld [tilespmem:s18+$0xC170]  }
0x12e: {  	v8 =	vadd.f32 v13, v8;
	v13 =	vld [tilespmem:s18+$0x6150];
	v3 =	vadd.f32 v20, v3  }
0x12f: {  	v14 =	vadd.f32 v15, v14;
	v15 =	vld [tilespmem:s18+$0x170];
	v7 =	vadd.f32 v38, v7  }
0x130: {  	[tilespmem:s18+$0xC100] =	vst v3;
	v3 =	vadd.f32 v39, v4;
	v4 =	vld [tilespmem:s18+$0x6160]  }
0x131: {  	[tilespmem:s18+$0xC110] =	vst v7;
	v7 =	vadd.f32 v10, v8;
	v8 =	vadd.f32 v17, v16  }
0x132: {  	v5 =	vadd.f32 v9, v5;
	v9 =	vld [tilespmem:s18+$0x6170];
	[tilespmem:s18+$0xC120] =	vst v3;
	v3 =	vadd.f32 v11, v14  }
0x133: {  	v59 =	vld [tilespmem:s30+$0xC160];
	[tilespmem:s18+$0xC130] =	vst v7;
	v7 =	vadd.f32 v19, v18;
	v8 =	vadd.f32 v13, v8  }
0x134: {  	s21 =	sor.u32 s0, s19;
	v60 =	vld [tilespmem:s30+$0x160];
	[tilespmem:s18+$0xC140] =	vst v3;
	v3 =	vadd.f32 v6, v5  }
0x135: {  	v6 =	vadd.f32 v15, v12;
	v5 =	vld [tilespmem:s21+$0xC100];
	v4 =	vadd.f32 v4, v7;
	[tilespmem:s18+$0xC150] =	vst v8  }
0x136: {  	[tilespmem:s30+$0xC170] =	vst v3;
	v7 =	vld [tilespmem:s21+$0xC110]  }
0x137: {  	v3 =	vld [tilespmem:s30+$0xC100];
	v6 =	vadd.f32 v9, v6;
	[tilespmem:s18+$0xC160] =	vst v4  }
0x138: {  	v4 =	vld [tilespmem:s21+$0xC120]  }
0x139: {  	[tilespmem:s18+$0xC170] =	vst v6;
	v6 =	vld [tilespmem:s30+$0x100]  }
0x13a: {  	v8 =	vld [tilespmem:s21+$0xC130]  }
0x13b: {  	v9 =	vld [tilespmem:s21+$0x100]  }
0x13c: {  	v10 =	vld [tilespmem:s21+$0x110]  }
0x13d: {  	v11 =	vld [tilespmem:s21+$0x120]  }
0x13e: {  	v12 =	vld [tilespmem:s21+$0x130]  }
0x13f: {  	v13 =	vld [tilespmem:s21+$0xC140]  }
0x140: {  	v14 =	vld [tilespmem:s21+$0x140]  }
0x141: {  	v15 =	vld [tilespmem:s21+$0xC150]  }
0x142: {  	v16 =	vld [tilespmem:s21+$0x150]  }
0x143: {  	v17 =	vld [tilespmem:s21+$0xC160]  }
0x144: {  	v18 =	vld [tilespmem:s21+$0x160]  }
0x145: {  	v19 =	vld [tilespmem:s21+$0x6100]  }
0x146: {  	v20 =	vld [tilespmem:s21+$0x6110]  }
0x147: {  	v40 =	vld [tilespmem:s21+$0x6120]  }
0x148: {  	v5 =	vadd.f32 v9, v5;
	v9 =	vld [tilespmem:s21+$0x6130]  }
0x149: {  	v7 =	vadd.f32 v10, v7;
	v10 =	vld [tilespmem:s21+$0x6140]  }
0x14a: {  	v4 =	vadd.f32 v11, v4;
	v11 =	vld [tilespmem:s21+$0xC170]  }
0x14b: {  	v8 =	vadd.f32 v12, v8;
	v12 =	vld [tilespmem:s21+$0x6150];
	v5 =	vadd.f32 v19, v5  }
0x14c: {  	v13 =	vadd.f32 v14, v13;
	v14 =	vld [tilespmem:s21+$0x170];
	v7 =	vadd.f32 v20, v7  }
0x14d: {  	v4 =	vadd.f32 v40, v4;
	[tilespmem:s21+$0xC100] =	vst v5;
	v5 =	vld [tilespmem:s21+$0x6160]  }
0x14e: {  	[tilespmem:s21+$0xC110] =	vst v7;
	v7 =	vadd.f32 v9, v8;
	v8 =	vld [tilespmem:s30+$0xC110]  }
0x14f: {  	[tilespmem:s21+$0xC120] =	vst v4;
	v9 =	vadd.f32 v16, v15;
	v4 =	vadd.f32 v10, v13;
	v10 =	vld [tilespmem:s21+$0x6170]  }
0x150: {  	v13 =	vadd.f32 v18, v17;
	[tilespmem:s21+$0xC130] =	vst v7;
	v7 =	vld [tilespmem:s30+$0x110]  }
0x151: {  	s31 =	sor.u32 s0, s31;
	v9 =	vadd.f32 v12, v9;
	[tilespmem:s21+$0xC140] =	vst v4;
	v12 =	vld [tilespmem:s30+$0xC120]  }
0x152: {  	v11 =	vadd.f32 v14, v11;
	v4 =	vld [tilespmem:s31+$0xC100];
	v5 =	vadd.f32 v5, v13  }
0x153: {  	[tilespmem:s21+$0xC150] =	vst v9;
	v13 =	vld [tilespmem:s30+$0x120]  }
0x154: {  	v9 =	vld [tilespmem:s31+$0xC110];
	v10 =	vadd.f32 v10, v11;
	[tilespmem:s21+$0xC160] =	vst v5  }
0x155: {  	v5 =	vld [tilespmem:s31+$0xC120]  }
0x156: {  	[tilespmem:s21+$0xC170] =	vst v10;
	v10 =	vld [tilespmem:s30+$0xC130]  }
0x157: {  	v11 =	vld [tilespmem:s31+$0xC130]  }
0x158: {  	v14 =	vld [tilespmem:s31+$0x100]  }
0x159: {  	v15 =	vld [tilespmem:s31+$0x110]  }
0x15a: {  	v16 =	vld [tilespmem:s31+$0x120]  }
0x15b: {  	v17 =	vld [tilespmem:s31+$0x130]  }
0x15c: {  	v18 =	vld [tilespmem:s31+$0xC140]  }
0x15d: {  	v19 =	vld [tilespmem:s31+$0x140]  }
0x15e: {  	v20 =	vld [tilespmem:s31+$0xC150]  }
0x15f: {  	v41 =	vld [tilespmem:s31+$0x150]  }
0x160: {  	v42 =	vld [tilespmem:s31+$0xC160]  }
0x161: {  	v43 =	vld [tilespmem:s31+$0x160]  }
0x162: {  	v44 =	vld [tilespmem:s31+$0x6100]  }
0x163: {  	v45 =	vld [tilespmem:s31+$0x6110]  }
0x164: {  	v46 =	vld [tilespmem:s31+$0x6120]  }
0x165: {  	v4 =	vadd.f32 v14, v4;
	v14 =	vld [tilespmem:s31+$0x6130]  }
0x166: {  	v9 =	vadd.f32 v15, v9;
	v15 =	vld [tilespmem:s31+$0x6140]  }
0x167: {  	v5 =	vadd.f32 v16, v5;
	v16 =	vld [tilespmem:s31+$0xC170]  }
0x168: {  	v11 =	vadd.f32 v17, v11;
	v17 =	vld [tilespmem:s31+$0x6150];
	v4 =	vadd.f32 v44, v4  }
0x169: {  	v18 =	vadd.f32 v19, v18;
	v19 =	vld [tilespmem:s31+$0x170];
	v9 =	vadd.f32 v45, v9  }
0x16a: {  	[tilespmem:s31+$0xC100] =	vst v4;
	v4 =	vadd.f32 v46, v5;
	v5 =	vld [tilespmem:s31+$0x6160]  }
0x16b: {  	[tilespmem:s31+$0xC110] =	vst v9;
	v9 =	vadd.f32 v14, v11;
	v11 =	vld [tilespmem:s30+$0x130]  }
0x16c: {  	[tilespmem:s31+$0xC120] =	vst v4;
	v4 =	vadd.f32 v15, v18;
	v15 =	vld [tilespmem:s31+$0x6170]  }
0x16d: {  	v14 =	vadd.f32 v41, v20;
	[tilespmem:s31+$0xC130] =	vst v9;
	v9 =	vld [tilespmem:s30+$0xC140]  }
0x16e: {  	v18 =	vadd.f32 v43, v42;
	[tilespmem:s31+$0xC140] =	vst v4;
	v4 =	vadd.f32 v19, v16;
	v16 =	vld [tilespmem:s30+$0x140]  }
0x16f: {  	s0 =	sor.u32 s0, s16;
	v14 =	vadd.f32 v17, v14;
	v19 =	vld [tilespmem:s30+$0x150]  }
0x170: {  	v17 =	vld [tilespmem:s0+$0xC100];
	v5 =	vadd.f32 v5, v18  }
0x171: {  	[tilespmem:s31+$0xC150] =	vst v14;
	v18 =	vld [tilespmem:s30+$0xC150];
	v4 =	vadd.f32 v15, v4  }
0x172: {  	v14 =	vld [tilespmem:s0+$0xC110];
	[tilespmem:s31+$0xC160] =	vst v5  }
0x173: {  	v15 =	vld [tilespmem:s0+$0xC120];
	[tilespmem:s31+$0xC170] =	vst v4  }
0x174: {  	v20 =	vld [tilespmem:s0+$0xC130]  }
0x175: {  	v47 =	vld [tilespmem:s0+$0x100]  }
0x176: {  	v48 =	vld [tilespmem:s0+$0x110]  }
0x177: {  	v49 =	vld [tilespmem:s0+$0x120]  }
0x178: {  	v50 =	vld [tilespmem:s0+$0x130]  }
0x179: {  	v51 =	vld [tilespmem:s0+$0xC140]  }
0x17a: {  	v52 =	vld [tilespmem:s0+$0x140]  }
0x17b: {  	v53 =	vld [tilespmem:s0+$0xC150]  }
0x17c: {  	v54 =	vld [tilespmem:s0+$0x150]  }
0x17d: {  	v55 =	vld [tilespmem:s0+$0xC160]  }
0x17e: {  	v56 =	vld [tilespmem:s0+$0x160]  }
0x17f: {  	v57 =	vld [tilespmem:s0+$0xC170]  }
0x180: {  	v58 =	vld [tilespmem:s0+$0x170]  }
0x181: {  	v3 =	vadd.f32 v6, v3;
	v6 =	vadd.f32 v11, v10;
	v61 =	vld [tilespmem:s0+$0x6100]  }
0x182: {  	v5 =	vadd.f32 v13, v12;
	v4 =	vadd.f32 v7, v8;
	v62 =	vld [tilespmem:s0+$0x6110]  }
0x183: {  	v7 =	vadd.f32 v16, v9;
	v10 =	vld [tilespmem:s0+$0x6120];
	v8 =	vadd.f32 v19, v18  }
0x184: {  	v16 =	vld [tilespmem:s0+$0x6130];
	v9 =	vadd.f32 v47, v17;
	v12 =	vadd.f32 v48, v14  }
0x185: {  	v18 =	vld [tilespmem:s0+$0x6140];
	v14 =	vadd.f32 v49, v15;
	v19 =	vadd.f32 v50, v20  }
0x186: {  	v17 =	vld [tilespmem:s0+$0x6150];
	v20 =	vadd.f32 v52, v51;
	v9 =	vadd.f32 v61, v9  }
0x187: {  	v13 =	vld [tilespmem:s0+$0x6160];
	v11 =	vadd.f32 v54, v53;
	v15 =	vadd.f32 v62, v12  }
0x188: {  	v12 =	vadd.f32 v56, v55;
	v63 =	vadd.f32 v10, v14;
	v14 =	vld [tilespmem:s0+$0x6170];
	[tilespmem:s0+$0xC100] =	vst v9  }
0x189: {  	v10 =	vadd.f32 v58, v57;
	v19 =	vadd.f32 v16, v19;
	[tilespmem:s0+$0xC110] =	vst v15;
	v15 =	vld [tilespmem:s30+$0x6100]  }
0x18a: {  	s29 =	simm.s32 $0x0;
	s28 =	simm.s32 $0x0;
	v18 =	vadd.f32 v18, v20;
	v16 =	vld [tilespmem:s30+$0x6110];
	v9 =	vadd.f32 v60, v59;
	[tilespmem:s0+$0xC120] =	vst v63  }
.LBB2_2:
0x18b: {  	s28 =	sadd.s32 $0x2, s28;
	[tilespmem:s0+$0xC130] =	vst v19;
	v11 =	vadd.f32 v17, v11;
	v17 =	vld [tilespmem:s30+$0x6120]  }
0x18c: {  	s29 =	sadd.s32 $0x100, s29;
	s2 =	sshrl.u32 s28, $0x3;
	p0 =	slt.u32 s28, $0x1E;
	[tilespmem:s0+$0xC140] =	vst v18;
	v12 =	vadd.f32 v13, v12;
	v13 =	vld [tilespmem:s30+$0x6130]  }
0x18d: {  	s18 =	smul.u32 $0x1800, s2;
	s2 =	sand.u32 $0x300, s29;
	[tilespmem:s0+$0xC150] =	vst v11;
	v10 =	vadd.f32 v14, v10;
	v11 =	vld [tilespmem:s30+$0x6140]  }
0x18e: {  	s17 =	sor.u32 $0x80, s2;
	[tilespmem:s0+$0xC160] =	vst v12;
	v3 =	vadd.f32 v15, v3;
	v12 =	vld [tilespmem:s30+$0x6150]  }
0x18f: {  	s31 =	sor.u32 s2, s18;
	s19 =	sor.u32 s18, s17;
	[tilespmem:s0+$0xC170] =	vst v10;
	v4 =	vadd.f32 v16, v4;
	v10 =	vld [tilespmem:s30+$0x6160]  }
0x190: {  	v14 =	vld [tilespmem:s19+$0x6100];
	[tilespmem:s30+$0xC100] =	vst v3;
	v3 =	vadd.f32 v17, v5  }
0x191: {  	v5 =	vld [tilespmem:s19+$0x6110];
	[tilespmem:s30+$0xC110] =	vst v4;
	v4 =	vadd.f32 v13, v6  }
0x192: {  	v6 =	vld [tilespmem:s19+$0x6120];
	[tilespmem:s30+$0xC120] =	vst v3;
	v3 =	vadd.f32 v11, v7  }
0x193: {  	v7 =	vld [tilespmem:s19+$0x6130];
	[tilespmem:s30+$0xC130] =	vst v4;
	v4 =	vadd.f32 v12, v8  }
0x194: {  	v8 =	vld [tilespmem:s19+$0x6140];
	[tilespmem:s30+$0xC140] =	vst v3;
	v3 =	vadd.f32 v10, v9  }
0x195: {  	v9 =	vld [tilespmem:s19+$0x6150];
	[tilespmem:s30+$0xC150] =	vst v4  }
0x196: {  	v4 =	vld [tilespmem:s19+$0x6160];
	[tilespmem:s30+$0xC160] =	vst v3  }
0x197: {  	v3 =	vld [tilespmem:s19+$0x6170]  }
0x198: {  	v10 =	vld [tilespmem:s19+$0x6500]  }
0x199: {  	v11 =	vld [tilespmem:s19+$0x6510]  }
0x19a: {  	v12 =	vld [tilespmem:s19+$0x6520]  }
0x19b: {  	v13 =	vld [tilespmem:s19+$0x6530]  }
0x19c: {  	v15 =	vld [tilespmem:s19+$0x6540]  }
0x19d: {  	v16 =	vld [tilespmem:s19+$0x6550]  }
0x19e: {  	v17 =	vld [tilespmem:s19+$0xC100]  }
0x19f: {  	v18 =	vld [tilespmem:s19+$0x100]  }
0x1a0: {  	v19 =	vld [tilespmem:s19+$0xC110]  }
0x1a1: {  	v20 =	vld [tilespmem:s19+$0x110]  }
0x1a2: {  	v21 =	vld [tilespmem:s19+$0xC120]  }
0x1a3: {  	v22 =	vld [tilespmem:s19+$0x120]  }
0x1a4: {  	v23 =	vld [tilespmem:s19+$0xC130]  }
0x1a5: {  	v24 =	vld [tilespmem:s19+$0x130]  }
0x1a6: {  	v25 =	vld [tilespmem:s19+$0xC140]  }
0x1a7: {  	v26 =	vld [tilespmem:s19+$0x140]  }
0x1a8: {  	v27 =	vld [tilespmem:s19+$0xC150]  }
0x1a9: {  	v28 =	vld [tilespmem:s19+$0x150]  }
0x1aa: {  	v29 =	vld [tilespmem:s19+$0xC160]  }
0x1ab: {  	v30 =	vld [tilespmem:s19+$0x160]  }
0x1ac: {  	v31 =	vld [tilespmem:s19+$0xC170]  }
0x1ad: {  	v32 =	vld [tilespmem:s19+$0x170]  }
0x1ae: {  	v33 =	vld [tilespmem:s19+$0xC500]  }
0x1af: {  	v34 =	vld [tilespmem:s19+$0x500]  }
0x1b0: {  	v35 =	vld [tilespmem:s19+$0xC510]  }
0x1b1: {  	v36 =	vld [tilespmem:s19+$0x510]  }
0x1b2: {  	v37 =	vld [tilespmem:s19+$0xC520]  }
0x1b3: {  	v17 =	vadd.f32 v18, v17;
	v18 =	vld [tilespmem:s19+$0x520]  }
0x1b4: {  	v19 =	vadd.f32 v20, v19;
	v20 =	vld [tilespmem:s19+$0xC530]  }
0x1b5: {  	v14 =	vadd.f32 v14, v17;
	v17 =	vadd.f32 v22, v21;
	v21 =	vld [tilespmem:s19+$0x530]  }
0x1b6: {  	v5 =	vadd.f32 v5, v19;
	v19 =	vadd.f32 v24, v23;
	v22 =	vld [tilespmem:s19+$0xC540]  }
0x1b7: {  	v6 =	vadd.f32 v6, v17;
	[tilespmem:s19+$0xC100] =	vst v14;
	v14 =	vadd.f32 v26, v25;
	v17 =	vld [tilespmem:s19+$0x540]  }
0x1b8: {  	[tilespmem:s19+$0xC110] =	vst v5;
	v5 =	vadd.f32 v7, v19;
	v7 =	vadd.f32 v28, v27;
	v19 =	vld [tilespmem:s19+$0xC550]  }
0x1b9: {  	[tilespmem:s19+$0xC120] =	vst v6;
	v6 =	vadd.f32 v8, v14;
	v8 =	vadd.f32 v30, v29;
	v14 =	vld [tilespmem:s19+$0x550]  }
0x1ba: {  	[tilespmem:s19+$0xC130] =	vst v5;
	v5 =	vadd.f32 v9, v7;
	v7 =	vadd.f32 v32, v31;
	v9 =	vld [tilespmem:s19+$0xC560]  }
0x1bb: {  	[tilespmem:s19+$0xC140] =	vst v6;
	v4 =	vadd.f32 v4, v8;
	v6 =	vadd.f32 v34, v33;
	v8 =	vld [tilespmem:s19+$0x560]  }
0x1bc: {  	[tilespmem:s19+$0xC150] =	vst v5;
	v3 =	vadd.f32 v3, v7;
	v5 =	vadd.f32 v36, v35;
	v7 =	vld [tilespmem:s19+$0xC570]  }
0x1bd: {  	[tilespmem:s19+$0xC160] =	vst v4;
	v4 =	vadd.f32 v10, v6;
	v6 =	vadd.f32 v18, v37;
	v10 =	vld [tilespmem:s19+$0x570]  }
0x1be: {  	[tilespmem:s19+$0xC170] =	vst v3;
	v3 =	vadd.f32 v11, v5;
	v5 =	vadd.f32 v21, v20;
	v11 =	vld [tilespmem:s19+$0x6560]  }
0x1bf: {  	[tilespmem:s19+$0xC500] =	vst v4;
	v4 =	vadd.f32 v12, v6;
	v6 =	vadd.f32 v17, v22;
	v12 =	vld [tilespmem:s19+$0x6570]  }
0x1c0: {  	v17 =	vld [tilespmem:s31+$0xC100];
	[tilespmem:s19+$0xC510] =	vst v3;
	v3 =	vadd.f32 v13, v5;
	v5 =	vadd.f32 v14, v19  }
0x1c1: {  	v13 =	vld [tilespmem:s31+$0x100];
	[tilespmem:s19+$0xC520] =	vst v4;
	v4 =	vadd.f32 v15, v6;
	v6 =	vadd.f32 v8, v9  }
0x1c2: {  	v8 =	vld [tilespmem:s31+$0xC110];
	[tilespmem:s19+$0xC530] =	vst v3;
	v3 =	vadd.f32 v16, v5;
	v5 =	vadd.f32 v10, v7  }
0x1c3: {  	v7 =	vld [tilespmem:s31+$0x110];
	[tilespmem:s19+$0xC540] =	vst v4;
	v4 =	vadd.f32 v11, v6  }
0x1c4: {  	v6 =	vld [tilespmem:s31+$0xC120];
	[tilespmem:s19+$0xC550] =	vst v3;
	v5 =	vadd.f32 v12, v5  }
0x1c5: {  	s0 =	sadd.s32 $0x800, s18;
	v9 =	vld [tilespmem:s31+$0x120];
	[tilespmem:s19+$0xC560] =	vst v4  }
0x1c6: {  	s16 =	sor.u32 s2, s0;
	s0 =	sor.u32 s17, s0;
	v3 =	vadd.f32 v13, v17;
	v10 =	vld [tilespmem:s31+$0xC130];
	[tilespmem:s19+$0xC570] =	vst v5  }
0x1c7: {  	v11 =	vld [tilespmem:s0+$0x6100]  }
0x1c8: {  	v4 =	vadd.f32 v7, v8;
	v7 =	vld [tilespmem:s0+$0x6110]  }
0x1c9: {  	v8 =	vld [tilespmem:s0+$0x6120]  }
0x1ca: {  	v5 =	vadd.f32 v9, v6;
	v6 =	vld [tilespmem:s0+$0x6130]  }
0x1cb: {  	v9 =	vld [tilespmem:s0+$0x6140]  }
0x1cc: {  	v12 =	vld [tilespmem:s0+$0x6150]  }
0x1cd: {  	v13 =	vld [tilespmem:s0+$0xC100]  }
0x1ce: {  	v14 =	vld [tilespmem:s0+$0x100]  }
0x1cf: {  	v15 =	vld [tilespmem:s0+$0xC110]  }
0x1d0: {  	v16 =	vld [tilespmem:s0+$0x110]  }
0x1d1: {  	v17 =	vld [tilespmem:s0+$0xC120]  }
0x1d2: {  	v18 =	vld [tilespmem:s0+$0x120]  }
0x1d3: {  	v19 =	vld [tilespmem:s0+$0xC130]  }
0x1d4: {  	v20 =	vld [tilespmem:s0+$0x130]  }
0x1d5: {  	v21 =	vld [tilespmem:s0+$0xC140]  }
0x1d6: {  	v22 =	vld [tilespmem:s0+$0x140]  }
0x1d7: {  	v23 =	vld [tilespmem:s0+$0xC150]  }
0x1d8: {  	v24 =	vld [tilespmem:s0+$0x150]  }
0x1d9: {  	v25 =	vld [tilespmem:s0+$0xC160]  }
0x1da: {  	v13 =	vadd.f32 v14, v13;
	v14 =	vld [tilespmem:s0+$0x160]  }
0x1db: {  	v15 =	vadd.f32 v16, v15;
	v16 =	vld [tilespmem:s0+$0xC170]  }
0x1dc: {  	v11 =	vadd.f32 v11, v13;
	v13 =	vadd.f32 v18, v17;
	v17 =	vld [tilespmem:s0+$0x170]  }
0x1dd: {  	v7 =	vadd.f32 v7, v15;
	v15 =	vadd.f32 v20, v19;
	v18 =	vld [tilespmem:s0+$0x6160]  }
0x1de: {  	v8 =	vadd.f32 v8, v13;
	[tilespmem:s0+$0xC100] =	vst v11;
	v11 =	vadd.f32 v22, v21;
	v13 =	vld [tilespmem:s0+$0x6170]  }
0x1df: {  	v6 =	vadd.f32 v6, v15;
	v19 =	vld [tilespmem:s31+$0x130];
	[tilespmem:s0+$0xC110] =	vst v7;
	v7 =	vadd.f32 v24, v23  }
0x1e0: {  	v15 =	vld [tilespmem:s31+$0xC140];
	[tilespmem:s0+$0xC120] =	vst v8;
	v8 =	vadd.f32 v9, v11;
	v9 =	vadd.f32 v14, v25  }
0x1e1: {  	v11 =	vld [tilespmem:s31+$0x140];
	[tilespmem:s0+$0xC130] =	vst v6;
	v6 =	vadd.f32 v12, v7;
	v7 =	vadd.f32 v17, v16  }
0x1e2: {  	v12 =	vld [tilespmem:s31+$0xC150];
	[tilespmem:s0+$0xC140] =	vst v8;
	v8 =	vadd.f32 v18, v9  }
0x1e3: {  	v9 =	vld [tilespmem:s31+$0x150];
	[tilespmem:s0+$0xC150] =	vst v6;
	v7 =	vadd.f32 v13, v7  }
0x1e4: {  	s20 =	sadd.s32 $0xC00, s18;
	v6 =	vadd.f32 v19, v10;
	v10 =	vld [tilespmem:s31+$0xC160];
	[tilespmem:s0+$0xC160] =	vst v8  }
0x1e5: {  	s19 =	sor.u32 s2, s20;
	v13 =	vld [tilespmem:s31+$0x160];
	[tilespmem:s0+$0xC170] =	vst v7;
	s0 =	sor.u32 s17, s20  }
0x1e6: {  	v7 =	vadd.f32 v11, v15;
	v11 =	vld [tilespmem:s0+$0x6100]  }
0x1e7: {  	v14 =	vld [tilespmem:s0+$0x6110]  }
0x1e8: {  	v8 =	vadd.f32 v9, v12;
	v12 =	vld [tilespmem:s0+$0x6120]  }
0x1e9: {  	v15 =	vld [tilespmem:s0+$0x6130]  }
0x1ea: {  	v9 =	vadd.f32 v13, v10;
	v10 =	vld [tilespmem:s0+$0x6140]  }
0x1eb: {  	v13 =	vld [tilespmem:s0+$0x6150]  }
0x1ec: {  	v16 =	vld [tilespmem:s0+$0xC100]  }
0x1ed: {  	v17 =	vld [tilespmem:s0+$0x100]  }
0x1ee: {  	v18 =	vld [tilespmem:s0+$0xC110]  }
0x1ef: {  	v19 =	vld [tilespmem:s0+$0x110]  }
0x1f0: {  	v20 =	vld [tilespmem:s0+$0xC120]  }
0x1f1: {  	v21 =	vld [tilespmem:s0+$0x120]  }
0x1f2: {  	v22 =	vld [tilespmem:s0+$0xC130]  }
0x1f3: {  	v23 =	vld [tilespmem:s0+$0x130]  }
0x1f4: {  	v24 =	vld [tilespmem:s0+$0xC140]  }
0x1f5: {  	v25 =	vld [tilespmem:s0+$0x140]  }
0x1f6: {  	v26 =	vld [tilespmem:s0+$0xC150]  }
0x1f7: {  	v27 =	vld [tilespmem:s0+$0x150]  }
0x1f8: {  	v28 =	vld [tilespmem:s0+$0xC160]  }
0x1f9: {  	v16 =	vadd.f32 v17, v16;
	v17 =	vld [tilespmem:s0+$0x160]  }
0x1fa: {  	v18 =	vadd.f32 v19, v18;
	v19 =	vld [tilespmem:s0+$0xC170]  }
0x1fb: {  	v11 =	vadd.f32 v11, v16;
	v16 =	vadd.f32 v21, v20;
	v20 =	vld [tilespmem:s0+$0x170]  }
0x1fc: {  	v14 =	vadd.f32 v14, v18;
	v18 =	vadd.f32 v23, v22;
	v21 =	vld [tilespmem:s0+$0x6160]  }
0x1fd: {  	[tilespmem:s0+$0xC100] =	vst v11;
	v11 =	vadd.f32 v12, v16;
	v12 =	vadd.f32 v25, v24;
	v16 =	vld [tilespmem:s0+$0x6170]  }
0x1fe: {  	v22 =	vld [tilespmem:s31+$0xC170];
	[tilespmem:s0+$0xC110] =	vst v14;
	v14 =	vadd.f32 v15, v18;
	v15 =	vadd.f32 v27, v26  }
0x1ff: {  	v18 =	vld [tilespmem:s31+$0x170];
	[tilespmem:s0+$0xC120] =	vst v11;
	v10 =	vadd.f32 v10, v12;
	v11 =	vadd.f32 v17, v28  }
0x200: {  	v12 =	vld [tilespmem:s31+$0xC500];
	[tilespmem:s0+$0xC130] =	vst v14;
	v13 =	vadd.f32 v13, v15;
	v14 =	vadd.f32 v20, v19  }
0x201: {  	v15 =	vld [tilespmem:s31+$0x500];
	[tilespmem:s0+$0xC140] =	vst v10;
	v10 =	vadd.f32 v21, v11  }
0x202: {  	v17 =	vld [tilespmem:s31+$0xC510];
	[tilespmem:s0+$0xC150] =	vst v13;
	v11 =	vadd.f32 v16, v14  }
0x203: {  	s21 =	sadd.s32 $0x1000, s18;
	v13 =	vld [tilespmem:s31+$0x510];
	[tilespmem:s0+$0xC160] =	vst v10  }
0x204: {  	s20 =	sor.u32 s2, s21;
	s21 =	sor.u32 s17, s21;
	v10 =	vadd.f32 v18, v22;
	v14 =	vld [tilespmem:s31+$0xC520];
	[tilespmem:s0+$0xC170] =	vst v11  }
0x205: {  	v16 =	vld [tilespmem:s21+$0x6100]  }
0x206: {  	v11 =	vadd.f32 v15, v12;
	v15 =	vld [tilespmem:s21+$0x6110]  }
0x207: {  	v18 =	vld [tilespmem:s21+$0x6120]  }
0x208: {  	v12 =	vadd.f32 v13, v17;
	v13 =	vld [tilespmem:s21+$0x6140]  }
0x209: {  	v17 =	vld [tilespmem:s21+$0x6150]  }
0x20a: {  	v19 =	vld [tilespmem:s21+$0x6160]  }
0x20b: {  	v20 =	vld [tilespmem:s21+$0xC100]  }
0x20c: {  	v21 =	vld [tilespmem:s21+$0x100]  }
0x20d: {  	v22 =	vld [tilespmem:s21+$0xC110]  }
0x20e: {  	v23 =	vld [tilespmem:s21+$0x110]  }
0x20f: {  	v24 =	vld [tilespmem:s21+$0xC120]  }
0x210: {  	v25 =	vld [tilespmem:s21+$0x120]  }
0x211: {  	v26 =	vld [tilespmem:s21+$0xC130]  }
0x212: {  	v27 =	vld [tilespmem:s21+$0xC140]  }
0x213: {  	v28 =	vld [tilespmem:s21+$0x140]  }
0x214: {  	v29 =	vld [tilespmem:s21+$0xC150]  }
0x215: {  	v30 =	vld [tilespmem:s21+$0x150]  }
0x216: {  	v31 =	vld [tilespmem:s21+$0xC160]  }
0x217: {  	v32 =	vld [tilespmem:s21+$0x160]  }
0x218: {  	v20 =	vadd.f32 v21, v20;
	v21 =	vld [tilespmem:s21+$0xC170]  }
0x219: {  	v22 =	vadd.f32 v23, v22;
	v23 =	vld [tilespmem:s21+$0x170]  }
0x21a: {  	v16 =	vadd.f32 v16, v20;
	v20 =	vadd.f32 v25, v24;
	v24 =	vld [tilespmem:s21+$0x130]  }
0x21b: {  	v15 =	vadd.f32 v15, v22;
	v22 =	vadd.f32 v28, v27;
	v25 =	vld [tilespmem:s21+$0x6170]  }
0x21c: {  	[tilespmem:s21+$0xC100] =	vst v16;
	v16 =	vadd.f32 v18, v20;
	v18 =	vld [tilespmem:s21+$0x6130];
	v20 =	vadd.f32 v30, v29  }
0x21d: {  	v13 =	vadd.f32 v13, v22;
	v27 =	vld [tilespmem:s31+$0x520];
	[tilespmem:s21+$0xC110] =	vst v15;
	v15 =	vadd.f32 v32, v31  }
0x21e: {  	v22 =	vld [tilespmem:s31+$0xC530];
	[tilespmem:s21+$0xC120] =	vst v16;
	v16 =	vadd.f32 v17, v20;
	v17 =	vadd.f32 v23, v21  }
0x21f: {  	v20 =	vld [tilespmem:s31+$0x530];
	v21 =	vadd.f32 v24, v26;
	[tilespmem:s21+$0xC140] =	vst v13;
	v13 =	vadd.f32 v19, v15  }
0x220: {  	v15 =	vld [tilespmem:s31+$0xC540];
	[tilespmem:s21+$0xC150] =	vst v16;
	v16 =	vadd.f32 v25, v17  }
0x221: {  	s18 =	sadd.s32 $0x1400, s18;
	v17 =	vld [tilespmem:s31+$0x540];
	v18 =	vadd.f32 v18, v21;
	[tilespmem:s21+$0xC160] =	vst v13  }
0x222: {  	s30 =	sor.u32 s17, s18;
	s0 =	sor.u32 s2, s18;
	v13 =	vadd.f32 v27, v14;
	v14 =	vld [tilespmem:s31+$0xC550];
	[tilespmem:s21+$0xC170] =	vst v16  }
0x223: {  	[tilespmem:s21+$0xC130] =	vst v18;
	v16 =	vld [tilespmem:s30+$0xC170]  }
0x224: {  	v18 =	vadd.f32 v20, v22;
	v19 =	vld [tilespmem:s30+$0x170]  }
0x225: {  	v20 =	vld [tilespmem:s31+$0x550]  }
0x226: {  	v15 =	vadd.f32 v17, v15;
	v17 =	vld [tilespmem:s30+$0x6170]  }
0x227: {  	v21 =	vld [tilespmem:s31+$0xC560]  }
0x228: {  	v22 =	vld [tilespmem:s31+$0x560]  }
0x229: {  	v23 =	vld [tilespmem:s31+$0xC570];
	v16 =	vadd.f32 v19, v16  }
0x22a: {  	v14 =	vadd.f32 v20, v14;
	v19 =	vld [tilespmem:s31+$0x570]  }
0x22b: {  	v20 =	vld [tilespmem:s31+$0x6100];
	v16 =	vadd.f32 v17, v16  }
0x22c: {  	v17 =	vld [tilespmem:s31+$0x6110]  }
0x22d: {  	v24 =	vld [tilespmem:s31+$0x6120];
	v21 =	vadd.f32 v22, v21;
	[tilespmem:s30+$0xC170] =	vst v16  }
0x22e: {  	v16 =	vld [tilespmem:s31+$0x6130]  }
0x22f: {  	v22 =	vld [tilespmem:s31+$0x6140];
	v19 =	vadd.f32 v19, v23  }
0x230: {  	v3 =	vadd.f32 v20, v3;
	v20 =	vld [tilespmem:s31+$0x6150]  }
0x231: {  	v4 =	vadd.f32 v17, v4;
	v17 =	vld [tilespmem:s31+$0x6160]  }
0x232: {  	[tilespmem:s31+$0xC100] =	vst v3;
	v3 =	vadd.f32 v24, v5;
	v5 =	vld [tilespmem:s31+$0x6170]  }
0x233: {  	[tilespmem:s31+$0xC110] =	vst v4;
	v4 =	vadd.f32 v16, v6;
	v6 =	vld [tilespmem:s31+$0x6500]  }
0x234: {  	[tilespmem:s31+$0xC120] =	vst v3;
	v3 =	vadd.f32 v22, v7;
	v7 =	vld [tilespmem:s31+$0x6510]  }
0x235: {  	[tilespmem:s31+$0xC130] =	vst v4;
	v4 =	vadd.f32 v20, v8;
	v8 =	vld [tilespmem:s31+$0x6520]  }
0x236: {  	[tilespmem:s31+$0xC140] =	vst v3;
	v3 =	vadd.f32 v17, v9;
	v9 =	vld [tilespmem:s31+$0x6530]  }
0x237: {  	[tilespmem:s31+$0xC150] =	vst v4;
	v4 =	vadd.f32 v5, v10;
	v5 =	vld [tilespmem:s31+$0x6540]  }
0x238: {  	[tilespmem:s31+$0xC160] =	vst v3;
	v3 =	vadd.f32 v6, v11;
	v6 =	vld [tilespmem:s31+$0x6550]  }
0x239: {  	[tilespmem:s31+$0xC170] =	vst v4;
	v4 =	vadd.f32 v7, v12;
	v7 =	vld [tilespmem:s31+$0x6560]  }
0x23a: {  	[tilespmem:s31+$0xC500] =	vst v3;
	v3 =	vadd.f32 v8, v13;
	v8 =	vld [tilespmem:s31+$0x6570]  }
0x23b: {  	[tilespmem:s31+$0xC510] =	vst v4;
	v4 =	vadd.f32 v9, v18;
	v9 =	vld [tilespmem:s30+$0xC100]  }
0x23c: {  	[tilespmem:s31+$0xC520] =	vst v3;
	v3 =	vadd.f32 v5, v15;
	v5 =	vld [tilespmem:s30+$0x100]  }
0x23d: {  	[tilespmem:s31+$0xC530] =	vst v4;
	v4 =	vadd.f32 v6, v14;
	v6 =	vld [tilespmem:s30+$0xC110]  }
0x23e: {  	[tilespmem:s31+$0xC540] =	vst v3;
	v3 =	vadd.f32 v7, v21;
	v7 =	vld [tilespmem:s16+$0xC100]  }
0x23f: {  	[tilespmem:s31+$0xC550] =	vst v4;
	v4 =	vadd.f32 v8, v19;
	v8 =	vld [tilespmem:s16+$0xC110]  }
0x240: {  	[tilespmem:s31+$0xC560] =	vst v3;
	v10 =	vld [tilespmem:s16+$0xC120]  }
0x241: {  	[tilespmem:s31+$0xC570] =	vst v4;
	v4 =	vld [tilespmem:s16+$0xC130];
	v3 =	vadd.f32 v5, v9  }
0x242: {  	v5 =	vld [tilespmem:s16+$0x100]  }
0x243: {  	v9 =	vld [tilespmem:s16+$0x110]  }
0x244: {  	v11 =	vld [tilespmem:s16+$0x120]  }
0x245: {  	v12 =	vld [tilespmem:s16+$0x130]  }
0x246: {  	v13 =	vld [tilespmem:s16+$0xC140]  }
0x247: {  	v5 =	vadd.f32 v5, v7;
	v7 =	vld [tilespmem:s16+$0x140]  }
0x248: {  	v8 =	vadd.f32 v9, v8;
	v9 =	vld [tilespmem:s16+$0xC150]  }
0x249: {  	v10 =	vadd.f32 v11, v10;
	v11 =	vld [tilespmem:s16+$0x150]  }
0x24a: {  	v4 =	vadd.f32 v12, v4;
	v12 =	vld [tilespmem:s16+$0xC160]  }
0x24b: {  	v14 =	vld [tilespmem:s16+$0x160]  }
0x24c: {  	v7 =	vadd.f32 v7, v13;
	v13 =	vld [tilespmem:s16+$0xC170]  }
0x24d: {  	v15 =	vld [tilespmem:s16+$0x170]  }
0x24e: {  	v16 =	vld [tilespmem:s16+$0x6100];
	v9 =	vadd.f32 v11, v9  }
0x24f: {  	v11 =	vld [tilespmem:s16+$0x6110]  }
0x250: {  	v17 =	vld [tilespmem:s16+$0x6120];
	v12 =	vadd.f32 v14, v12  }
0x251: {  	v14 =	vld [tilespmem:s16+$0x6130]  }
0x252: {  	v18 =	vld [tilespmem:s16+$0x6140];
	v13 =	vadd.f32 v15, v13  }
0x253: {  	v5 =	vadd.f32 v16, v5;
	v15 =	vld [tilespmem:s16+$0x6150]  }
0x254: {  	v8 =	vadd.f32 v11, v8;
	v11 =	vld [tilespmem:s16+$0x6160]  }
0x255: {  	[tilespmem:s16+$0xC100] =	vst v5;
	v5 =	vadd.f32 v17, v10;
	v10 =	vld [tilespmem:s16+$0x6170]  }
0x256: {  	[tilespmem:s16+$0xC110] =	vst v8;
	v4 =	vadd.f32 v14, v4;
	v8 =	vld [tilespmem:s30+$0x110]  }
0x257: {  	[tilespmem:s16+$0xC120] =	vst v5;
	v5 =	vadd.f32 v18, v7;
	v7 =	vld [tilespmem:s30+$0xC120]  }
0x258: {  	[tilespmem:s16+$0xC130] =	vst v4;
	v4 =	vadd.f32 v15, v9;
	v9 =	vld [tilespmem:s30+$0x120]  }
0x259: {  	[tilespmem:s16+$0xC140] =	vst v5;
	v5 =	vadd.f32 v11, v12;
	v11 =	vld [tilespmem:s19+$0xC100]  }
0x25a: {  	[tilespmem:s16+$0xC150] =	vst v4;
	v10 =	vadd.f32 v10, v13;
	v12 =	vld [tilespmem:s19+$0xC110]  }
0x25b: {  	[tilespmem:s16+$0xC160] =	vst v5;
	v13 =	vld [tilespmem:s19+$0xC120];
	v4 =	vadd.f32 v8, v6  }
0x25c: {  	[tilespmem:s16+$0xC170] =	vst v10;
	v6 =	vld [tilespmem:s19+$0xC130]  }
0x25d: {  	v8 =	vld [tilespmem:s19+$0x100];
	v5 =	vadd.f32 v9, v7  }
0x25e: {  	v7 =	vld [tilespmem:s19+$0x110]  }
0x25f: {  	v9 =	vld [tilespmem:s19+$0x120]  }
0x260: {  	v10 =	vld [tilespmem:s19+$0x130]  }
0x261: {  	v14 =	vld [tilespmem:s19+$0xC140]  }
0x262: {  	v8 =	vadd.f32 v8, v11;
	v11 =	vld [tilespmem:s19+$0x140]  }
0x263: {  	v7 =	vadd.f32 v7, v12;
	v12 =	vld [tilespmem:s19+$0xC150]  }
0x264: {  	v9 =	vadd.f32 v9, v13;
	v13 =	vld [tilespmem:s19+$0x150]  }
0x265: {  	v6 =	vadd.f32 v10, v6;
	v10 =	vld [tilespmem:s19+$0xC160]  }
0x266: {  	v15 =	vld [tilespmem:s19+$0x160]  }
0x267: {  	v11 =	vadd.f32 v11, v14;
	v14 =	vld [tilespmem:s19+$0xC170]  }
0x268: {  	v16 =	vld [tilespmem:s19+$0x170]  }
0x269: {  	v17 =	vld [tilespmem:s19+$0x6100];
	v12 =	vadd.f32 v13, v12  }
0x26a: {  	v13 =	vld [tilespmem:s19+$0x6110]  }
0x26b: {  	v18 =	vld [tilespmem:s19+$0x6120];
	v10 =	vadd.f32 v15, v10  }
0x26c: {  	v15 =	vld [tilespmem:s19+$0x6130]  }
0x26d: {  	v19 =	vld [tilespmem:s19+$0x6140];
	v14 =	vadd.f32 v16, v14  }
0x26e: {  	v8 =	vadd.f32 v17, v8;
	v16 =	vld [tilespmem:s19+$0x6150]  }
0x26f: {  	v7 =	vadd.f32 v13, v7;
	v13 =	vld [tilespmem:s19+$0x6160]  }
0x270: {  	[tilespmem:s19+$0xC100] =	vst v8;
	v8 =	vadd.f32 v18, v9;
	v9 =	vld [tilespmem:s19+$0x6170]  }
0x271: {  	[tilespmem:s19+$0xC110] =	vst v7;
	v6 =	vadd.f32 v15, v6;
	v7 =	vld [tilespmem:s30+$0xC130]  }
0x272: {  	[tilespmem:s19+$0xC120] =	vst v8;
	v8 =	vadd.f32 v19, v11;
	v11 =	vld [tilespmem:s30+$0x130]  }
0x273: {  	[tilespmem:s19+$0xC130] =	vst v6;
	v6 =	vadd.f32 v16, v12;
	v12 =	vld [tilespmem:s30+$0xC140]  }
0x274: {  	[tilespmem:s19+$0xC140] =	vst v8;
	v8 =	vadd.f32 v13, v10;
	v10 =	vld [tilespmem:s20+$0xC100]  }
0x275: {  	[tilespmem:s19+$0xC150] =	vst v6;
	v6 =	vadd.f32 v9, v14;
	v9 =	vld [tilespmem:s20+$0xC110]  }
0x276: {  	[tilespmem:s19+$0xC160] =	vst v8;
	v8 =	vld [tilespmem:s20+$0xC120]  }
0x277: {  	[tilespmem:s19+$0xC170] =	vst v6;
	v13 =	vld [tilespmem:s20+$0xC130];
	v6 =	vadd.f32 v11, v7  }
0x278: {  	v7 =	vld [tilespmem:s20+$0x100]  }
0x279: {  	v11 =	vld [tilespmem:s20+$0x110]  }
0x27a: {  	v14 =	vld [tilespmem:s20+$0x120]  }
0x27b: {  	v15 =	vld [tilespmem:s20+$0x130]  }
0x27c: {  	v16 =	vld [tilespmem:s20+$0xC140]  }
0x27d: {  	v7 =	vadd.f32 v7, v10;
	v10 =	vld [tilespmem:s20+$0x140]  }
0x27e: {  	v9 =	vadd.f32 v11, v9;
	v11 =	vld [tilespmem:s20+$0xC150]  }
0x27f: {  	v8 =	vadd.f32 v14, v8;
	v14 =	vld [tilespmem:s20+$0x150]  }
0x280: {  	v13 =	vadd.f32 v15, v13;
	v15 =	vld [tilespmem:s20+$0xC160]  }
0x281: {  	v17 =	vld [tilespmem:s20+$0x160]  }
0x282: {  	v10 =	vadd.f32 v10, v16;
	v16 =	vld [tilespmem:s20+$0xC170]  }
0x283: {  	v18 =	vld [tilespmem:s20+$0x170]  }
0x284: {  	v19 =	vld [tilespmem:s20+$0x6100];
	v11 =	vadd.f32 v14, v11  }
0x285: {  	v14 =	vld [tilespmem:s20+$0x6110]  }
0x286: {  	v20 =	vld [tilespmem:s20+$0x6120];
	v15 =	vadd.f32 v17, v15  }
0x287: {  	v17 =	vld [tilespmem:s20+$0x6130]  }
0x288: {  	v21 =	vld [tilespmem:s20+$0x6140];
	v16 =	vadd.f32 v18, v16  }
0x289: {  	v7 =	vadd.f32 v19, v7;
	v18 =	vld [tilespmem:s20+$0x6150]  }
0x28a: {  	v9 =	vadd.f32 v14, v9;
	v14 =	vld [tilespmem:s20+$0x6160]  }
0x28b: {  	[tilespmem:s20+$0xC100] =	vst v7;
	v7 =	vadd.f32 v20, v8;
	v8 =	vld [tilespmem:s20+$0x6170]  }
0x28c: {  	[tilespmem:s20+$0xC110] =	vst v9;
	v9 =	vadd.f32 v17, v13;
	v13 =	vld [tilespmem:s30+$0x140]  }
0x28d: {  	[tilespmem:s20+$0xC120] =	vst v7;
	v7 =	vadd.f32 v21, v10;
	v10 =	vld [tilespmem:s30+$0xC150]  }
0x28e: {  	[tilespmem:s20+$0xC130] =	vst v9;
	v9 =	vadd.f32 v18, v11;
	v11 =	vld [tilespmem:s30+$0x150]  }
0x28f: {  	[tilespmem:s20+$0xC140] =	vst v7;
	v7 =	vadd.f32 v14, v15;
	v14 =	vld [tilespmem:s0+$0xC100]  }
0x290: {  	[tilespmem:s20+$0xC150] =	vst v9;
	v8 =	vadd.f32 v8, v16;
	v9 =	vld [tilespmem:s0+$0xC110]  }
0x291: {  	[tilespmem:s20+$0xC160] =	vst v7;
	v15 =	vld [tilespmem:s0+$0xC120];
	v7 =	vadd.f32 v13, v12  }
0x292: {  	[tilespmem:s20+$0xC170] =	vst v8;
	v12 =	vld [tilespmem:s0+$0xC130]  }
0x293: {  	v13 =	vld [tilespmem:s0+$0x100];
	v8 =	vadd.f32 v11, v10  }
0x294: {  	v10 =	vld [tilespmem:s0+$0x110]  }
0x295: {  	v11 =	vld [tilespmem:s0+$0x120]  }
0x296: {  	v16 =	vld [tilespmem:s0+$0x130]  }
0x297: {  	v17 =	vld [tilespmem:s0+$0xC140]  }
0x298: {  	v13 =	vadd.f32 v13, v14;
	v14 =	vld [tilespmem:s0+$0x140]  }
0x299: {  	v18 =	vadd.f32 v10, v9;
	v9 =	vld [tilespmem:s0+$0xC150]  }
0x29a: {  	v15 =	vadd.f32 v11, v15;
	v10 =	vld [tilespmem:s0+$0x150]  }
0x29b: {  	v16 =	vadd.f32 v16, v12;
	v12 =	vld [tilespmem:s0+$0xC160]  }
0x29c: {  	v19 =	vld [tilespmem:s0+$0x160]  }
0x29d: {  	v20 =	vadd.f32 v14, v17;
	v14 =	vld [tilespmem:s0+$0xC170]  }
0x29e: {  	v17 =	vld [tilespmem:s0+$0x170]  }
0x29f: {  	v11 =	vadd.f32 v10, v9;
	v9 =	vld [tilespmem:s30+$0xC160]  }
0x2a0: {  	v21 =	vld [tilespmem:s30+$0x160]  }
0x2a1: {  	v22 =	vld [tilespmem:s0+$0x6100];
	v12 =	vadd.f32 v19, v12  }
0x2a2: {  	v19 =	vld [tilespmem:s0+$0x6110]  }
0x2a3: {  	v23 =	vld [tilespmem:s0+$0x6120];
	v10 =	vadd.f32 v17, v14  }
0x2a4: {  	v24 =	vld [tilespmem:s0+$0x6130]  }
0x2a5: {  	v25 =	vld [tilespmem:s0+$0x6140];
	v9 =	vadd.f32 v21, v9  }
.Ltmp0:
0x2a6: {  	v14 =	vadd.f32 v22, v13;
	v17 =	vld [tilespmem:s0+$0x6150];
	(pc) =	sbr.rel @p0 .LBB2_2-.Ltmp0, $4  }
0x2a7: {  	v18 =	vadd.f32 v19, v18;
	v13 =	vld [tilespmem:s0+$0x6160]  }
0x2a8: {  	[tilespmem:s0+$0xC100] =	vst v14;
	v21 =	vadd.f32 v23, v15;
	v14 =	vld [tilespmem:s0+$0x6170]  }
0x2a9: {  	[tilespmem:s0+$0xC110] =	vst v18;
	v19 =	vadd.f32 v24, v16;
	v15 =	vld [tilespmem:s30+$0x6100]  }
0x2aa: {  	[tilespmem:s0+$0xC120] =	vst v21;
	v18 =	vadd.f32 v25, v20;
	v16 =	vld [tilespmem:s30+$0x6110]  }
0x2ab: {  	[tilespmem:s0+$0xC130] =	vst v19;
	v11 =	vadd.f32 v17, v11;
	v17 =	vld [tilespmem:s30+$0x6120]  }
0x2ac: {  	[tilespmem:s0+$0xC140] =	vst v18;
	v12 =	vadd.f32 v13, v12;
	v13 =	vld [tilespmem:s30+$0x6130]  }
0x2ad: {  	[tilespmem:s0+$0xC150] =	vst v11;
	v10 =	vadd.f32 v14, v10;
	v11 =	vld [tilespmem:s30+$0x6140]  }
0x2ae: {  	[tilespmem:s0+$0xC160] =	vst v12;
	v3 =	vadd.f32 v15, v3;
	v12 =	vld [tilespmem:s30+$0x6150]  }
0x2af: {  	[tilespmem:s0+$0xC170] =	vst v10;
	v4 =	vadd.f32 v16, v4;
	v10 =	vld [tilespmem:s30+$0x6160]  }
0x2b0: {  	[tilespmem:s30+$0xC100] =	vst v3;
	v3 =	vadd.f32 v17, v5  }
0x2b1: {  	[tilespmem:s30+$0xC110] =	vst v4;
	v4 =	vadd.f32 v13, v6  }
0x2b2: {  	[tilespmem:s30+$0xC120] =	vst v3;
	v3 =	vadd.f32 v11, v7  }
0x2b3: {  	[tilespmem:s30+$0xC130] =	vst v4;
	v4 =	vadd.f32 v12, v8  }
0x2b4: {  	[tilespmem:s30+$0xC140] =	vst v3;
	v3 =	vadd.f32 v10, v9  }
0x2b5: {  	[tilespmem:s30+$0xC150] =	vst v4  }
0x2b6: {  	s28 =	simm.s32 $0x0;
	[tilespmem:s30+$0xC160] =	vst v3  }
0x2b7: {  	[hbm4b:s9+s28] =	stream.linear.scatter [tilespmem:s24], [sflag:$0x2], $0x6000, $0x38;
	[tilespmem:$0x12100] =	vst v63  }
0x2b8: {  	_ =	swait.ge [sflag:s15], $0x6000  }
0x2b9: {  	[sflag:s15] =	ssyncset.done $0x0  }
0x2ba: {  	[sflag:s15] =	ssyncadd.s32 $0xFFFFA000  }
0x2bb: {  	[tilespmem:s28], [sflag:$0x2] =	stream.linear.gather [hbm4b:s10+s28], $0x20, $0x38;
	[tilespmem:$0x12100] =	vst v63  }
0x2bc: {  	_ =	swait.ge [sflag:s15], $0x20  }
0x2bd: {  	[sflag:s15] =	ssyncset.done $0x0  }
0x2be: {  	s31 =	simm.s32 $0x80;
	[sflag:s15] =	ssyncadd.s32 $0xFFFFFFE0  }
0x2bf: {  	[tilespmem:s31], [sflag:$0x2] =	stream.linear.gather [hbm4b:s11+s28], $0x20, $0x38;
	[tilespmem:$0x12100] =	vst v63  }
0x2c0: {  	_ =	swait.ge [sflag:s15], $0x20  }
0x2c1: {  	[sflag:s15] =	ssyncset.done $0x0  }
0x2c2: {  	[sflag:s15] =	ssyncadd.s32 $0xFFFFFFE0  }
0x2c3: {  	v3 =	vld [tilespmem:$0x0];
	_ =	sdelay $0x4  }
0x2c4: {  	v4 =	vshrl.u32 v3, $0x3  }
0x2c5: {  	v4 =	vmul.u32 $0x30, v4  }
0x2c6: {  	v3 =	vand.u32 $0x7, v3  }
0x2c7: {  	v3 =	vor.u32 v3, v4  }
0x2c8: {  	v4 =	vperm.xlane v3, v0;
	_ =	sdelay $0x1  }
0x2c9: {  	v4 =	vadd.s32 v1, v4;
	_ =	sdelay $0x3  }
0x2ca: {  	s2 =	simm.s32 $0x100;
	v3 =	vperm.xlane v3, v2  }
0x2cb: {  	[tilespmem:s2], [sflag:$0x1] =	stream.indirect_vreg.gather [hbm4b:s3+s28], $0x80, v4, vm0, $0xb8;
	[tilespmem:$0x12100] =	vst v63  }
0x2cc: {  	s16 =	simm.s32 $0x900;
	v3 =	vadd.s32 v1, v3  }
0x2cd: {  	[tilespmem:s16], [sflag:$0x1] =	stream.indirect_vreg.gather [hbm4b:s6+s28], $0x80, v4, vm0, $0xb8;
	[tilespmem:$0x12100] =	vst v63  }
0x2ce: {  	s17 =	simm.s32 $0x1100  }
0x2cf: {  	[tilespmem:s17], [sflag:$0x1] =	stream.indirect_vreg.gather [hbm4b:s7+s28], $0x80, v4, vm0, $0xb8;
	[tilespmem:$0x12100] =	vst v63  }
0x2d0: {  	s18 =	simm.s32 $0x1900  }
0x2d1: {  	[tilespmem:s18], [sflag:$0x1] =	stream.indirect_vreg.gather [hbm4b:s3+s28], $0x80, v3, vm0, $0xb8;
	[tilespmem:$0x12100] =	vst v63  }
0x2d2: {  	s19 =	simm.s32 $0x2100  }
0x2d3: {  	[tilespmem:s19], [sflag:$0x1] =	stream.indirect_vreg.gather [hbm4b:s6+s28], $0x80, v3, vm0, $0xb8;
	[tilespmem:$0x12100] =	vst v63  }
0x2d4: {  	s20 =	simm.s32 $0x2900  }
0x2d5: {  	[tilespmem:s20], [sflag:$0x1] =	stream.indirect_vreg.gather [hbm4b:s7+s28], $0x80, v3, vm0, $0xb8;
	[tilespmem:$0x12100] =	vst v63  }
0x2d6: {  	v3 =	vld [tilespmem:$0x10];
	_ =	sdelay $0x4  }
0x2d7: {  	v4 =	vshrl.u32 v3, $0x3  }
0x2d8: {  	v4 =	vmul.u32 $0x30, v4  }
0x2d9: {  	v3 =	vand.u32 $0x7, v3  }
0x2da: {  	v3 =	vor.u32 v3, v4  }
0x2db: {  	v4 =	vperm.xlane v3, v0;
	_ =	sdelay $0x1  }
0x2dc: {  	v4 =	vadd.s32 v1, v4;
	_ =	sdelay $0x3  }
0x2dd: {  	s21 =	simm.s32 $0x3100;
	v3 =	vperm.xlane v3, v2  }
0x2de: {  	[tilespmem:s21], [sflag:$0x1] =	stream.indirect_vreg.gather [hbm4b:s3+s28], $0x80, v4, vm0, $0xb8;
	[tilespmem:$0x12100] =	vst v63  }
0x2df: {  	s31 =	simm.s32 $0x3900;
	v3 =	vadd.s32 v1, v3  }
0x2e0: {  	[tilespmem:s31], [sflag:$0x1] =	stream.indirect_vreg.gather [hbm4b:s6+s28], $0x80, v4, vm0, $0xb8;
	[tilespmem:$0x12100] =	vst v63  }
0x2e1: {  	s2 =	simm.s32 $0x4100  }
0x2e2: {  	[tilespmem:s2], [sflag:$0x1] =	stream.indirect_vreg.gather [hbm4b:s7+s28], $0x80, v4, vm0, $0xb8;
	[tilespmem:$0x12100] =	vst v63  }
0x2e3: {  	s16 =	simm.s32 $0x4900  }
0x2e4: {  	[tilespmem:s16], [sflag:$0x1] =	stream.indirect_vreg.gather [hbm4b:s3+s28], $0x80, v3, vm0, $0xb8;
	[tilespmem:$0x12100] =	vst v63  }
0x2e5: {  	s17 =	simm.s32 $0x5100  }
0x2e6: {  	[tilespmem:s17], [sflag:$0x1] =	stream.indirect_vreg.gather [hbm4b:s6+s28], $0x80, v3, vm0, $0xb8;
	[tilespmem:$0x12100] =	vst v63  }
0x2e7: {  	s18 =	simm.s32 $0x5900  }
0x2e8: {  	[tilespmem:s18], [sflag:$0x1] =	stream.indirect_vreg.gather [hbm4b:s7+s28], $0x80, v3, vm0, $0xb8;
	[tilespmem:$0x12100] =	vst v63  }
0x2e9: {  	v3 =	vld [tilespmem:$0x80];
	_ =	sdelay $0x4  }
0x2ea: {  	v4 =	vshrl.u32 v3, $0x3  }
0x2eb: {  	v4 =	vmul.u32 $0x30, v4  }
0x2ec: {  	v3 =	vand.u32 $0x7, v3  }
0x2ed: {  	v3 =	vor.u32 v3, v4  }
0x2ee: {  	v4 =	vperm.xlane v3, v0;
	_ =	sdelay $0x1  }
0x2ef: {  	v4 =	vadd.s32 v1, v4;
	_ =	sdelay $0x3  }
0x2f0: {  	s19 =	simm.s32 $0x6100;
	v3 =	vperm.xlane v3, v2  }
0x2f1: {  	[tilespmem:s19], [sflag:$0x1] =	stream.indirect_vreg.gather [hbm4b:s3+s28], $0x80, v4, vm0, $0xb8;
	[tilespmem:$0x12100] =	vst v63  }
0x2f2: {  	s20 =	simm.s32 $0x6900;
	v3 =	vadd.s32 v1, v3  }
0x2f3: {  	[tilespmem:s20], [sflag:$0x1] =	stream.indirect_vreg.gather [hbm4b:s6+s28], $0x80, v4, vm0, $0xb8;
	[tilespmem:$0x12100] =	vst v63  }
0x2f4: {  	s21 =	simm.s32 $0x7100  }
0x2f5: {  	[tilespmem:s21], [sflag:$0x1] =	stream.indirect_vreg.gather [hbm4b:s7+s28], $0x80, v4, vm0, $0xb8;
	[tilespmem:$0x12100] =	vst v63  }
0x2f6: {  	s31 =	simm.s32 $0x7900  }
0x2f7: {  	[tilespmem:s31], [sflag:$0x1] =	stream.indirect_vreg.gather [hbm4b:s3+s28], $0x80, v3, vm0, $0xb8;
	[tilespmem:$0x12100] =	vst v63  }
0x2f8: {  	s2 =	simm.s32 $0x8100  }
0x2f9: {  	[tilespmem:s2], [sflag:$0x1] =	stream.indirect_vreg.gather [hbm4b:s6+s28], $0x80, v3, vm0, $0xb8;
	[tilespmem:$0x12100] =	vst v63  }
0x2fa: {  	s16 =	simm.s32 $0x8900  }
0x2fb: {  	[tilespmem:s16], [sflag:$0x1] =	stream.indirect_vreg.gather [hbm4b:s7+s28], $0x80, v3, vm0, $0xb8;
	[tilespmem:$0x12100] =	vst v63  }
0x2fc: {  	v3 =	vld [tilespmem:$0x90];
	_ =	sdelay $0x4  }
0x2fd: {  	v4 =	vshrl.u32 v3, $0x3  }
0x2fe: {  	v4 =	vmul.u32 $0x30, v4  }
0x2ff: {  	v3 =	vand.u32 $0x7, v3  }
0x300: {  	v3 =	vor.u32 v3, v4  }
0x301: {  	v4 =	vperm.xlane v3, v0;
	_ =	sdelay $0x1  }
0x302: {  	v4 =	vadd.s32 v1, v4;
	_ =	sdelay $0x3  }
0x303: {  	s17 =	simm.s32 $0x9100;
	v3 =	vperm.xlane v3, v2  }
0x304: {  	[tilespmem:s17], [sflag:$0x1] =	stream.indirect_vreg.gather [hbm4b:s3+s28], $0x80, v4, vm0, $0xb8;
	[tilespmem:$0x12100] =	vst v63  }
0x305: {  	s18 =	simm.s32 $0x9900;
	v3 =	vadd.s32 v1, v3  }
0x306: {  	[tilespmem:s18], [sflag:$0x1] =	stream.indirect_vreg.gather [hbm4b:s6+s28], $0x80, v4, vm0, $0xb8;
	[tilespmem:$0x12100] =	vst v63  }
0x307: {  	s19 =	simm.s32 $0xA100  }
0x308: {  	[tilespmem:s19], [sflag:$0x1] =	stream.indirect_vreg.gather [hbm4b:s7+s28], $0x80, v4, vm0, $0xb8;
	[tilespmem:$0x12100] =	vst v63  }
0x309: {  	s20 =	simm.s32 $0xA900  }
0x30a: {  	[tilespmem:s20], [sflag:$0x1] =	stream.indirect_vreg.gather [hbm4b:s3+s28], $0x80, v3, vm0, $0xb8;
	[tilespmem:$0x12100] =	vst v63  }
0x30b: {  	_ = 	snop  }
0x30c: {  	[tilespmem:s22], [sflag:$0x1] =	stream.indirect_vreg.gather [hbm4b:s6+s28], $0x80, v3, vm0, $0xb8;
	[tilespmem:$0x12100] =	vst v63  }
0x30d: {  	_ = 	snop  }
0x30e: {  	[tilespmem:s23], [sflag:$0x1] =	stream.indirect_vreg.gather [hbm4b:s7+s28], $0x80, v3, vm0, $0xb8;
	[tilespmem:$0x12100] =	vst v63  }
0x30f: {  	_ = 	snop  }
0x310: {  	[tilespmem:s24], [sflag:$0x2] =	stream.linear.gather [hbm4b:s12+s28], $0x6000, $0x38;
	[tilespmem:$0x12100] =	vst v63  }
0x311: {  	_ =	swait.ge [sflag:s15], $0x6000  }
0x312: {  	[sflag:s15] =	ssyncset.done $0x0  }
0x313: {  	[sflag:s15] =	ssyncadd.s32 $0xFFFFA000  }
0x314: {  	_ =	swait.ge [sflag:s25], $0x6000  }
0x315: {  	[sflag:s25] =	ssyncset.done $0x0  }
0x316: {  	s21 =	simm.s32 $0x0;
	[sflag:s25] =	ssyncadd.s32 $0xFFFFA000  }
0x317: {  	s0 =	sand.u32 $0x300, s28;
	s16 =	smul.u32 $0x1800, s21;
	_ =	swait.ge [sflag:s25], $0x6000  }
0x318: {  	s2 =	sor.u32 $0x80, s0;
	[sflag:s25] =	ssyncset.done $0x0  }
0x319: {  	s19 =	sor.u32 s16, s2;
	[sflag:s25] =	ssyncadd.s32 $0xFFFFA000  }
0x31a: {  	v3 =	vld [tilespmem:s19+$0x6100]  }
0x31b: {  	v4 =	vld [tilespmem:s19+$0x6110]  }
0x31c: {  	v5 =	vld [tilespmem:s19+$0x6120]  }
0x31d: {  	v6 =	vld [tilespmem:s19+$0x6130]  }
0x31e: {  	v7 =	vld [tilespmem:s19+$0x6140]  }
0x31f: {  	v8 =	vld [tilespmem:s19+$0x6150]  }
0x320: {  	v9 =	vld [tilespmem:s19+$0x6160]  }
0x321: {  	v10 =	vld [tilespmem:s19+$0x6170]  }
0x322: {  	v11 =	vld [tilespmem:s19+$0x6500]  }
0x323: {  	v12 =	vld [tilespmem:s19+$0x6510]  }
0x324: {  	v13 =	vld [tilespmem:s19+$0x6520]  }
0x325: {  	v14 =	vld [tilespmem:s19+$0x6530]  }
0x326: {  	v15 =	vld [tilespmem:s19+$0x6540]  }
0x327: {  	v16 =	vld [tilespmem:s19+$0x6550]  }
0x328: {  	v17 =	vld [tilespmem:s19+$0xC100]  }
0x329: {  	v18 =	vld [tilespmem:s19+$0x100]  }
0x32a: {  	v19 =	vld [tilespmem:s19+$0xC110]  }
0x32b: {  	v20 =	vld [tilespmem:s19+$0x110]  }
0x32c: {  	v21 =	vld [tilespmem:s19+$0xC120]  }
0x32d: {  	v22 =	vld [tilespmem:s19+$0x120]  }
0x32e: {  	v23 =	vld [tilespmem:s19+$0xC130]  }
0x32f: {  	v24 =	vld [tilespmem:s19+$0x130]  }
0x330: {  	v25 =	vld [tilespmem:s19+$0xC140]  }
0x331: {  	v26 =	vld [tilespmem:s19+$0x140]  }
0x332: {  	v27 =	vld [tilespmem:s19+$0xC150]  }
0x333: {  	v28 =	vld [tilespmem:s19+$0x150]  }
0x334: {  	v29 =	vld [tilespmem:s19+$0xC160]  }
0x335: {  	v30 =	vld [tilespmem:s19+$0x160]  }
0x336: {  	v31 =	vld [tilespmem:s19+$0xC170]  }
0x337: {  	v32 =	vld [tilespmem:s19+$0x170]  }
0x338: {  	v33 =	vld [tilespmem:s19+$0xC500]  }
0x339: {  	v34 =	vld [tilespmem:s19+$0x500]  }
0x33a: {  	v35 =	vld [tilespmem:s19+$0xC510]  }
0x33b: {  	v36 =	vld [tilespmem:s19+$0x510]  }
0x33c: {  	v37 =	vld [tilespmem:s19+$0xC520]  }
0x33d: {  	v50 =	vld [tilespmem:s19+$0x530]  }
0x33e: {  	v51 =	vld [tilespmem:s19+$0xC540]  }
0x33f: {  	v17 =	vadd.f32 v18, v17;
	v18 =	vld [tilespmem:s19+$0x520]  }
0x340: {  	s17 =	sor.u32 s0, s16;
	v19 =	vadd.f32 v20, v19;
	v20 =	vld [tilespmem:s19+$0xC530]  }
0x341: {  	v3 =	vadd.f32 v3, v17;
	v17 =	vadd.f32 v22, v21;
	v21 =	vld [tilespmem:s17+$0xC500]  }
0x342: {  	v4 =	vadd.f32 v4, v19;
	v19 =	vadd.f32 v24, v23;
	v22 =	vld [tilespmem:s17+$0x500]  }
0x343: {  	[tilespmem:s19+$0xC100] =	vst v3;
	v3 =	vadd.f32 v5, v17;
	v5 =	vadd.f32 v26, v25;
	v17 =	vld [tilespmem:s19+$0x540]  }
0x344: {  	[tilespmem:s19+$0xC110] =	vst v4;
	v4 =	vadd.f32 v6, v19;
	v6 =	vadd.f32 v28, v27;
	v19 =	vld [tilespmem:s19+$0xC550]  }
0x345: {  	[tilespmem:s19+$0xC120] =	vst v3;
	v3 =	vadd.f32 v7, v5;
	v7 =	vld [tilespmem:s19+$0x550]  }
0x346: {  	[tilespmem:s19+$0xC130] =	vst v4;
	v4 =	vadd.f32 v8, v6;
	v8 =	vld [tilespmem:s19+$0xC560]  }
0x347: {  	v5 =	vadd.f32 v30, v29;
	v29 =	vld [tilespmem:s17+$0xC170]  }
0x348: {  	v6 =	vadd.f32 v32, v31;
	v31 =	vld [tilespmem:s17+$0xC550]  }
0x349: {  	[tilespmem:s19+$0xC140] =	vst v3;
	v3 =	vadd.f32 v9, v5;
	v5 =	vadd.f32 v34, v33;
	v9 =	vld [tilespmem:s19+$0x560]  }
0x34a: {  	[tilespmem:s19+$0xC150] =	vst v4;
	v4 =	vadd.f32 v10, v6;
	v6 =	vadd.f32 v36, v35;
	v10 =	vld [tilespmem:s19+$0xC570]  }
0x34b: {  	v33 =	vld [tilespmem:s17+$0x550];
	[tilespmem:s19+$0xC160] =	vst v3;
	v3 =	vadd.f32 v11, v5  }
0x34c: {  	v5 =	vadd.f32 v18, v37;
	v11 =	vld [tilespmem:s19+$0x570];
	[tilespmem:s19+$0xC170] =	vst v4;
	v4 =	vadd.f32 v12, v6  }
0x34d: {  	v6 =	vadd.f32 v50, v20;
	v12 =	vld [tilespmem:s19+$0x6560];
	v7 =	vadd.f32 v7, v19  }
0x34e: {  	[tilespmem:s19+$0xC500] =	vst v3;
	v5 =	vadd.f32 v13, v5;
	v13 =	vadd.f32 v17, v51;
	v17 =	vld [tilespmem:s19+$0x6570]  }
0x34f: {  	v3 =	vld [tilespmem:s17+$0xC100];
	[tilespmem:s19+$0xC510] =	vst v4;
	v6 =	vadd.f32 v14, v6  }
0x350: {  	v4 =	vld [tilespmem:s17+$0x100];
	v8 =	vadd.f32 v9, v8;
	v9 =	vadd.f32 v16, v7;
	[tilespmem:s19+$0xC520] =	vst v5  }
0x351: {  	v7 =	vld [tilespmem:s17+$0x110];
	v13 =	vadd.f32 v15, v13;
	[tilespmem:s19+$0xC530] =	vst v6;
	v10 =	vadd.f32 v11, v10  }
0x352: {  	v5 =	vld [tilespmem:s17+$0xC110];
	v8 =	vadd.f32 v12, v8;
	[tilespmem:s19+$0xC550] =	vst v9  }
0x353: {  	v6 =	vld [tilespmem:s17+$0xC120];
	[tilespmem:s19+$0xC540] =	vst v13;
	v10 =	vadd.f32 v17, v10  }
0x354: {  	s18 =	sadd.s32 $0x800, s16;
	v9 =	vld [tilespmem:s17+$0x120];
	[tilespmem:s19+$0xC560] =	vst v8  }
0x355: {  	s20 =	sor.u32 s2, s18;
	v8 =	vld [tilespmem:s17+$0xC130];
	[tilespmem:s19+$0xC570] =	vst v10  }
0x356: {  	v10 =	vld [tilespmem:s20+$0x6100]  }
0x357: {  	v11 =	vld [tilespmem:s20+$0x6110]  }
0x358: {  	v12 =	vld [tilespmem:s20+$0x6120]  }
0x359: {  	v13 =	vld [tilespmem:s20+$0x6130]  }
0x35a: {  	v14 =	vld [tilespmem:s20+$0x6140]  }
0x35b: {  	v15 =	vld [tilespmem:s20+$0x6150]  }
0x35c: {  	v16 =	vld [tilespmem:s20+$0xC100]  }
0x35d: {  	v17 =	vld [tilespmem:s20+$0x100]  }
0x35e: {  	v18 =	vld [tilespmem:s20+$0xC110]  }
0x35f: {  	v19 =	vld [tilespmem:s20+$0x110]  }
0x360: {  	v20 =	vld [tilespmem:s20+$0xC120]  }
0x361: {  	v52 =	vld [tilespmem:s20+$0x120]  }
0x362: {  	v53 =	vld [tilespmem:s20+$0xC130]  }
0x363: {  	v54 =	vld [tilespmem:s20+$0x130]  }
0x364: {  	v55 =	vld [tilespmem:s20+$0xC140]  }
0x365: {  	v56 =	vld [tilespmem:s20+$0x140]  }
0x366: {  	v57 =	vld [tilespmem:s20+$0xC150]  }
0x367: {  	v58 =	vld [tilespmem:s20+$0x150]  }
0x368: {  	v59 =	vld [tilespmem:s20+$0xC160];
	v16 =	vadd.f32 v17, v16  }
0x369: {  	v60 =	vld [tilespmem:s20+$0x6160];
	v18 =	vadd.f32 v19, v18  }
0x36a: {  	v17 =	vld [tilespmem:s20+$0x160];
	v10 =	vadd.f32 v10, v16;
	v16 =	vadd.f32 v52, v20  }
0x36b: {  	v19 =	vld [tilespmem:s20+$0xC170];
	v11 =	vadd.f32 v11, v18;
	v18 =	vadd.f32 v54, v53  }
0x36c: {  	v20 =	vld [tilespmem:s20+$0x170];
	v12 =	vadd.f32 v12, v16  }
0x36d: {  	v61 =	vld [tilespmem:s20+$0x6170];
	v16 =	vadd.f32 v56, v55;
	v13 =	vadd.f32 v13, v18  }
0x36e: {  	[tilespmem:s20+$0xC100] =	vst v10;
	v10 =	vld [tilespmem:s17+$0x130];
	v18 =	vadd.f32 v58, v57  }
0x36f: {  	v14 =	vadd.f32 v14, v16;
	[tilespmem:s20+$0xC130] =	vst v13;
	v13 =	vld [tilespmem:s17+$0xC150]  }
0x370: {  	[tilespmem:s20+$0xC110] =	vst v11;
	v16 =	vadd.f32 v17, v59;
	v17 =	vadd.f32 v15, v18;
	v15 =	vld [tilespmem:s17+$0x150]  }
0x371: {  	v11 =	vld [tilespmem:s17+$0xC140];
	[tilespmem:s20+$0xC120] =	vst v12;
	v18 =	vadd.f32 v20, v19  }
0x372: {  	v12 =	vld [tilespmem:s17+$0x140];
	[tilespmem:s20+$0xC140] =	vst v14;
	v16 =	vadd.f32 v60, v16  }
0x373: {  	[tilespmem:s20+$0xC150] =	vst v17;
	v14 =	vld [tilespmem:s17+$0xC160];
	v17 =	vadd.f32 v61, v18  }
0x374: {  	s19 =	sadd.s32 $0xC00, s16;
	[tilespmem:s20+$0xC160] =	vst v16;
	v16 =	vld [tilespmem:s17+$0x160]  }
0x375: {  	s21 =	sor.u32 s2, s19;
	v8 =	vadd.f32 v10, v8;
	[tilespmem:s20+$0xC170] =	vst v17;
	v10 =	vadd.f32 v15, v13;
	v13 =	vld [tilespmem:s17+$0xC570]  }
0x376: {  	v17 =	vld [tilespmem:s21+$0x6100]  }
0x377: {  	v18 =	vld [tilespmem:s21+$0x6110]  }
0x378: {  	v19 =	vld [tilespmem:s21+$0x6120]  }
0x379: {  	v20 =	vld [tilespmem:s21+$0x6130]  }
0x37a: {  	v62 =	vld [tilespmem:s21+$0x6140]  }
0x37b: {  	v63 =	vld [tilespmem:s21+$0x6150]  }
0x37c: {  	v36 =	vld [tilespmem:s21+$0xC100]  }
0x37d: {  	v37 =	vld [tilespmem:s21+$0x100]  }
0x37e: {  	v38 =	vld [tilespmem:s21+$0xC110]  }
0x37f: {  	v39 =	vld [tilespmem:s21+$0x110]  }
0x380: {  	v40 =	vld [tilespmem:s21+$0xC120]  }
0x381: {  	v41 =	vld [tilespmem:s21+$0x120]  }
0x382: {  	v42 =	vld [tilespmem:s21+$0xC130]  }
0x383: {  	v43 =	vld [tilespmem:s21+$0x130]  }
0x384: {  	v44 =	vld [tilespmem:s21+$0xC140]  }
0x385: {  	v45 =	vld [tilespmem:s21+$0x140]  }
0x386: {  	v46 =	vld [tilespmem:s21+$0xC150]  }
0x387: {  	v47 =	vld [tilespmem:s21+$0x150]  }
0x388: {  	v48 =	vld [tilespmem:s21+$0xC160]  }
0x389: {  	v49 =	vld [tilespmem:s21+$0x160]  }
0x38a: {  	v50 =	vld [tilespmem:s21+$0xC170]  }
0x38b: {  	v52 =	vld [tilespmem:s21+$0x170];
	v23 =	vadd.f32 v37, v36  }
0x38c: {  	v54 =	vld [tilespmem:s21+$0x6160];
	v25 =	vadd.f32 v39, v38  }
0x38d: {  	v55 =	vld [tilespmem:s21+$0x6170];
	v51 =	vadd.f32 v41, v40;
	v17 =	vadd.f32 v17, v23  }
0x38e: {  	v53 =	vadd.f32 v43, v42;
	v37 =	vld [tilespmem:s17+$0x6130];
	v18 =	vadd.f32 v18, v25  }
0x38f: {  	v25 =	vld [tilespmem:s17+$0x170];
	[tilespmem:s21+$0xC100] =	vst v17;
	v17 =	vadd.f32 v19, v51;
	v19 =	vadd.f32 v45, v44  }
0x390: {  	[tilespmem:s21+$0xC110] =	vst v18;
	v18 =	vadd.f32 v20, v53;
	v20 =	vadd.f32 v47, v46;
	v51 =	vld [tilespmem:s17+$0xC540]  }
0x391: {  	[tilespmem:s21+$0xC120] =	vst v17;
	v17 =	vadd.f32 v62, v19;
	v19 =	vadd.f32 v49, v48;
	v48 =	vld [tilespmem:s17+$0x520]  }
0x392: {  	v49 =	vld [tilespmem:s17+$0xC530]  }
0x393: {  	[tilespmem:s21+$0xC130] =	vst v18;
	v18 =	vadd.f32 v63, v20;
	v20 =	vadd.f32 v52, v50;
	v50 =	vld [tilespmem:s17+$0x530]  }
0x394: {  	v52 =	vld [tilespmem:s17+$0x540]  }
0x395: {  	[tilespmem:s21+$0xC140] =	vst v17;
	v17 =	vadd.f32 v54, v19;
	v19 =	vld [tilespmem:s17+$0xC510]  }
0x396: {  	[tilespmem:s21+$0xC150] =	vst v18;
	v18 =	vadd.f32 v55, v20;
	v20 =	vld [tilespmem:s17+$0x510]  }
0x397: {  	s31 =	sadd.s32 $0x1000, s16;
	v54 =	vld [tilespmem:s17+$0xC560];
	[tilespmem:s21+$0xC160] =	vst v17  }
0x398: {  	s29 =	sor.u32 s2, s31;
	v17 =	vld [tilespmem:s17+$0xC520];
	[tilespmem:s21+$0xC170] =	vst v18  }
0x399: {  	v18 =	vld [tilespmem:s29+$0x6100]  }
0x39a: {  	v56 =	vld [tilespmem:s29+$0x6110]  }
0x39b: {  	v24 =	vld [tilespmem:s29+$0x6120]  }
0x39c: {  	v26 =	vld [tilespmem:s29+$0x6140]  }
0x39d: {  	v27 =	vld [tilespmem:s29+$0x6150]  }
0x39e: {  	v28 =	vld [tilespmem:s29+$0x6160]  }
0x39f: {  	v57 =	vld [tilespmem:s29+$0xC100]  }
0x3a0: {  	v58 =	vld [tilespmem:s29+$0x100]  }
0x3a1: {  	v59 =	vld [tilespmem:s29+$0xC110]  }
0x3a2: {  	v60 =	vld [tilespmem:s29+$0x110]  }
0x3a3: {  	v61 =	vld [tilespmem:s29+$0xC120]  }
0x3a4: {  	v62 =	vld [tilespmem:s29+$0x120]  }
0x3a5: {  	v36 =	vld [tilespmem:s29+$0xC130]  }
0x3a6: {  	v63 =	vld [tilespmem:s29+$0xC140]  }
0x3a7: {  	v38 =	vld [tilespmem:s29+$0x140]  }
0x3a8: {  	v39 =	vld [tilespmem:s29+$0xC150]  }
0x3a9: {  	v40 =	vld [tilespmem:s29+$0x150]  }
0x3aa: {  	v41 =	vld [tilespmem:s29+$0xC160]  }
0x3ab: {  	v42 =	vld [tilespmem:s29+$0x160]  }
0x3ac: {  	v43 =	vld [tilespmem:s29+$0xC170];
	v30 =	vadd.f32 v58, v57  }
0x3ad: {  	v44 =	vld [tilespmem:s29+$0x170];
	v32 =	vadd.f32 v60, v59  }
0x3ae: {  	v45 =	vld [tilespmem:s29+$0x130];
	v53 =	vadd.f32 v62, v61;
	v18 =	vadd.f32 v18, v30  }
0x3af: {  	v46 =	vld [tilespmem:s29+$0x6170];
	v55 =	vadd.f32 v38, v63;
	v23 =	vadd.f32 v56, v32  }
0x3b0: {  	v57 =	vadd.f32 v40, v39;
	v58 =	vld [tilespmem:s17+$0x6100];
	[tilespmem:s29+$0xC100] =	vst v18;
	v18 =	vadd.f32 v24, v53  }
0x3b1: {  	v60 =	vadd.f32 v42, v41;
	v61 =	vld [tilespmem:s17+$0x6110];
	v59 =	vadd.f32 v26, v55;
	[tilespmem:s29+$0xC110] =	vst v23  }
0x3b2: {  	v62 =	vadd.f32 v44, v43;
	v63 =	vld [tilespmem:s17+$0x6120];
	[tilespmem:s29+$0xC120] =	vst v18;
	v18 =	vadd.f32 v27, v57  }
0x3b3: {  	v3 =	vadd.f32 v4, v3;
	v47 =	vld [tilespmem:s29+$0x6130];
	v4 =	vadd.f32 v28, v60;
	[tilespmem:s29+$0xC140] =	vst v59  }
0x3b4: {  	v5 =	vadd.f32 v7, v5;
	v7 =	vadd.f32 v46, v62;
	[tilespmem:s29+$0xC150] =	vst v18;
	v18 =	vld [tilespmem:s17+$0x6140]  }
0x3b5: {  	v6 =	vadd.f32 v9, v6;
	[tilespmem:s29+$0xC160] =	vst v4;
	v4 =	vld [tilespmem:s17+$0x6150];
	v3 =	vadd.f32 v58, v3  }
0x3b6: {  	[tilespmem:s29+$0xC170] =	vst v7;
	v7 =	vld [tilespmem:s17+$0x6160];
	v5 =	vadd.f32 v61, v5  }
0x3b7: {  	v9 =	vadd.f32 v12, v11;
	[tilespmem:s17+$0xC100] =	vst v3;
	v3 =	vadd.f32 v63, v6;
	v6 =	vld [tilespmem:s17+$0x6170]  }
0x3b8: {  	[tilespmem:s17+$0xC110] =	vst v5;
	v5 =	vadd.f32 v37, v8;
	v8 =	vld [tilespmem:s17+$0x6500]  }
0x3b9: {  	v11 =	vadd.f32 v16, v14;
	[tilespmem:s17+$0xC120] =	vst v3;
	v3 =	vadd.f32 v18, v9;
	v9 =	vld [tilespmem:s17+$0x6510]  }
0x3ba: {  	v12 =	vadd.f32 v25, v29;
	[tilespmem:s17+$0xC130] =	vst v5;
	v4 =	vadd.f32 v4, v10;
	v5 =	vld [tilespmem:s17+$0x6520]  }
0x3bb: {  	v10 =	vadd.f32 v22, v21;
	[tilespmem:s17+$0xC140] =	vst v3;
	v3 =	vadd.f32 v7, v11;
	v7 =	vld [tilespmem:s17+$0x6530]  }
0x3bc: {  	[tilespmem:s17+$0xC150] =	vst v4;
	v4 =	vadd.f32 v6, v12;
	v6 =	vld [tilespmem:s17+$0x6540];
	v11 =	vadd.f32 v20, v19  }
0x3bd: {  	v56 =	vld [tilespmem:s17+$0x560];
	v12 =	vadd.f32 v48, v17;
	[tilespmem:s17+$0xC160] =	vst v3;
	v3 =	vadd.f32 v8, v10  }
0x3be: {  	[tilespmem:s17+$0xC170] =	vst v4;
	v8 =	vadd.f32 v50, v49;
	v10 =	vld [tilespmem:s17+$0x6550];
	v4 =	vadd.f32 v9, v11  }
0x3bf: {  	v9 =	vadd.f32 v52, v51;
	v11 =	vld [tilespmem:s17+$0x570];
	[tilespmem:s17+$0xC500] =	vst v3;
	v3 =	vadd.f32 v5, v12  }
0x3c0: {  	v5 =	vadd.f32 v45, v36;
	v12 =	vld [tilespmem:s17+$0x6560];
	[tilespmem:s17+$0xC510] =	vst v4;
	v4 =	vadd.f32 v7, v8  }
0x3c1: {  	[tilespmem:s17+$0xC520] =	vst v3;
	v3 =	vadd.f32 v6, v9  }
0x3c2: {  	v7 =	vadd.f32 v33, v31;
	v5 =	vadd.f32 v47, v5;
	v6 =	vld [tilespmem:s17+$0x6570];
	[tilespmem:s17+$0xC530] =	vst v4  }
0x3c3: {  	s18 =	sor.u32 s0, s18;
	s16 =	sadd.s32 $0x1400, s16;
	v4 =	vadd.f32 v56, v54;
	[tilespmem:s17+$0xC540] =	vst v3  }
0x3c4: {  	s30 =	sor.u32 s2, s16;
	v7 =	vadd.f32 v10, v7;
	[tilespmem:s29+$0xC130] =	vst v5;
	v3 =	vld [tilespmem:s18+$0xC100]  }
0x3c5: {  	v8 =	vadd.f32 v11, v13;
	v5 =	vld [tilespmem:s30+$0xC170];
	v4 =	vadd.f32 v12, v4  }
0x3c6: {  	[tilespmem:s17+$0xC550] =	vst v7;
	v9 =	vld [tilespmem:s30+$0x170]  }
0x3c7: {  	v7 =	vld [tilespmem:s18+$0xC110];
	v6 =	vadd.f32 v6, v8;
	[tilespmem:s17+$0xC560] =	vst v4  }
0x3c8: {  	v4 =	vld [tilespmem:s18+$0xC120]  }
0x3c9: {  	[tilespmem:s17+$0xC570] =	vst v6;
	v6 =	vld [tilespmem:s30+$0x6170]  }
0x3ca: {  	v8 =	vld [tilespmem:s18+$0xC130]  }
0x3cb: {  	v10 =	vld [tilespmem:s18+$0x100]  }
0x3cc: {  	v11 =	vld [tilespmem:s18+$0x110]  }
0x3cd: {  	v12 =	vld [tilespmem:s18+$0x120]  }
0x3ce: {  	v13 =	vld [tilespmem:s18+$0x130]  }
0x3cf: {  	v14 =	vld [tilespmem:s18+$0xC140]  }
0x3d0: {  	v15 =	vld [tilespmem:s18+$0x140]  }
0x3d1: {  	v16 =	vld [tilespmem:s18+$0xC150]  }
0x3d2: {  	v17 =	vld [tilespmem:s18+$0x150]  }
0x3d3: {  	v18 =	vld [tilespmem:s18+$0xC160]  }
0x3d4: {  	v19 =	vld [tilespmem:s18+$0x160]  }
0x3d5: {  	v20 =	vld [tilespmem:s18+$0x6100]  }
0x3d6: {  	v38 =	vld [tilespmem:s18+$0x6110]  }
0x3d7: {  	v39 =	vld [tilespmem:s18+$0x6120]  }
0x3d8: {  	v3 =	vadd.f32 v10, v3;
	v10 =	vld [tilespmem:s18+$0x6130]  }
0x3d9: {  	v7 =	vadd.f32 v11, v7;
	v11 =	vld [tilespmem:s18+$0x6140]  }
0x3da: {  	v4 =	vadd.f32 v12, v4;
	v12 =	vld [tilespmem:s18+$0xC170]  }
0x3db: {  	v8 =	vadd.f32 v13, v8;
	v13 =	vld [tilespmem:s18+$0x6150];
	v3 =	vadd.f32 v20, v3  }
0x3dc: {  	v14 =	vadd.f32 v15, v14;
	v15 =	vld [tilespmem:s18+$0x170];
	v7 =	vadd.f32 v38, v7  }
0x3dd: {  	[tilespmem:s18+$0xC100] =	vst v3;
	v3 =	vadd.f32 v39, v4;
	v4 =	vld [tilespmem:s18+$0x6160]  }
0x3de: {  	[tilespmem:s18+$0xC110] =	vst v7;
	v7 =	vadd.f32 v10, v8;
	v8 =	vadd.f32 v17, v16  }
0x3df: {  	v5 =	vadd.f32 v9, v5;
	v9 =	vld [tilespmem:s18+$0x6170];
	[tilespmem:s18+$0xC120] =	vst v3;
	v3 =	vadd.f32 v11, v14  }
0x3e0: {  	v59 =	vld [tilespmem:s30+$0xC160];
	[tilespmem:s18+$0xC130] =	vst v7;
	v7 =	vadd.f32 v19, v18;
	v8 =	vadd.f32 v13, v8  }
0x3e1: {  	s21 =	sor.u32 s0, s19;
	v60 =	vld [tilespmem:s30+$0x160];
	[tilespmem:s18+$0xC140] =	vst v3;
	v3 =	vadd.f32 v6, v5  }
0x3e2: {  	v6 =	vadd.f32 v15, v12;
	v5 =	vld [tilespmem:s21+$0xC100];
	v4 =	vadd.f32 v4, v7;
	[tilespmem:s18+$0xC150] =	vst v8  }
0x3e3: {  	[tilespmem:s30+$0xC170] =	vst v3;
	v7 =	vld [tilespmem:s21+$0xC110]  }
0x3e4: {  	v3 =	vld [tilespmem:s30+$0xC100];
	v6 =	vadd.f32 v9, v6;
	[tilespmem:s18+$0xC160] =	vst v4  }
0x3e5: {  	v4 =	vld [tilespmem:s21+$0xC120]  }
0x3e6: {  	[tilespmem:s18+$0xC170] =	vst v6;
	v6 =	vld [tilespmem:s30+$0x100]  }
0x3e7: {  	v8 =	vld [tilespmem:s21+$0xC130]  }
0x3e8: {  	v9 =	vld [tilespmem:s21+$0x100]  }
0x3e9: {  	v10 =	vld [tilespmem:s21+$0x110]  }
0x3ea: {  	v11 =	vld [tilespmem:s21+$0x120]  }
0x3eb: {  	v12 =	vld [tilespmem:s21+$0x130]  }
0x3ec: {  	v13 =	vld [tilespmem:s21+$0xC140]  }
0x3ed: {  	v14 =	vld [tilespmem:s21+$0x140]  }
0x3ee: {  	v15 =	vld [tilespmem:s21+$0xC150]  }
0x3ef: {  	v16 =	vld [tilespmem:s21+$0x150]  }
0x3f0: {  	v17 =	vld [tilespmem:s21+$0xC160]  }
0x3f1: {  	v18 =	vld [tilespmem:s21+$0x160]  }
0x3f2: {  	v19 =	vld [tilespmem:s21+$0x6100]  }
0x3f3: {  	v20 =	vld [tilespmem:s21+$0x6110]  }
0x3f4: {  	v40 =	vld [tilespmem:s21+$0x6120]  }
0x3f5: {  	v5 =	vadd.f32 v9, v5;
	v9 =	vld [tilespmem:s21+$0x6130]  }
0x3f6: {  	v7 =	vadd.f32 v10, v7;
	v10 =	vld [tilespmem:s21+$0x6140]  }
0x3f7: {  	v4 =	vadd.f32 v11, v4;
	v11 =	vld [tilespmem:s21+$0xC170]  }
0x3f8: {  	v8 =	vadd.f32 v12, v8;
	v12 =	vld [tilespmem:s21+$0x6150];
	v5 =	vadd.f32 v19, v5  }
0x3f9: {  	v13 =	vadd.f32 v14, v13;
	v14 =	vld [tilespmem:s21+$0x170];
	v7 =	vadd.f32 v20, v7  }
0x3fa: {  	v4 =	vadd.f32 v40, v4;
	[tilespmem:s21+$0xC100] =	vst v5;
	v5 =	vld [tilespmem:s21+$0x6160]  }
0x3fb: {  	[tilespmem:s21+$0xC110] =	vst v7;
	v7 =	vadd.f32 v9, v8;
	v8 =	vld [tilespmem:s30+$0xC110]  }
0x3fc: {  	[tilespmem:s21+$0xC120] =	vst v4;
	v9 =	vadd.f32 v16, v15;
	v4 =	vadd.f32 v10, v13;
	v10 =	vld [tilespmem:s21+$0x6170]  }
0x3fd: {  	v13 =	vadd.f32 v18, v17;
	[tilespmem:s21+$0xC130] =	vst v7;
	v7 =	vld [tilespmem:s30+$0x110]  }
0x3fe: {  	s31 =	sor.u32 s0, s31;
	v9 =	vadd.f32 v12, v9;
	[tilespmem:s21+$0xC140] =	vst v4;
	v12 =	vld [tilespmem:s30+$0xC120]  }
0x3ff: {  	v11 =	vadd.f32 v14, v11;
	v4 =	vld [tilespmem:s31+$0xC100];
	v5 =	vadd.f32 v5, v13  }
0x400: {  	[tilespmem:s21+$0xC150] =	vst v9;
	v13 =	vld [tilespmem:s30+$0x120]  }
0x401: {  	v9 =	vld [tilespmem:s31+$0xC110];
	v10 =	vadd.f32 v10, v11;
	[tilespmem:s21+$0xC160] =	vst v5  }
0x402: {  	v5 =	vld [tilespmem:s31+$0xC120]  }
0x403: {  	[tilespmem:s21+$0xC170] =	vst v10;
	v10 =	vld [tilespmem:s30+$0xC130]  }
0x404: {  	v11 =	vld [tilespmem:s31+$0xC130]  }
0x405: {  	v14 =	vld [tilespmem:s31+$0x100]  }
0x406: {  	v15 =	vld [tilespmem:s31+$0x110]  }
0x407: {  	v16 =	vld [tilespmem:s31+$0x120]  }
0x408: {  	v17 =	vld [tilespmem:s31+$0x130]  }
0x409: {  	v18 =	vld [tilespmem:s31+$0xC140]  }
0x40a: {  	v19 =	vld [tilespmem:s31+$0x140]  }
0x40b: {  	v20 =	vld [tilespmem:s31+$0xC150]  }
0x40c: {  	v41 =	vld [tilespmem:s31+$0x150]  }
0x40d: {  	v42 =	vld [tilespmem:s31+$0xC160]  }
0x40e: {  	v43 =	vld [tilespmem:s31+$0x160]  }
0x40f: {  	v44 =	vld [tilespmem:s31+$0x6100]  }
0x410: {  	v45 =	vld [tilespmem:s31+$0x6110]  }
0x411: {  	v46 =	vld [tilespmem:s31+$0x6120]  }
0x412: {  	v4 =	vadd.f32 v14, v4;
	v14 =	vld [tilespmem:s31+$0x6130]  }
0x413: {  	v9 =	vadd.f32 v15, v9;
	v15 =	vld [tilespmem:s31+$0x6140]  }
0x414: {  	v5 =	vadd.f32 v16, v5;
	v16 =	vld [tilespmem:s31+$0xC170]  }
0x415: {  	v11 =	vadd.f32 v17, v11;
	v17 =	vld [tilespmem:s31+$0x6150];
	v4 =	vadd.f32 v44, v4  }
0x416: {  	v18 =	vadd.f32 v19, v18;
	v19 =	vld [tilespmem:s31+$0x170];
	v9 =	vadd.f32 v45, v9  }
0x417: {  	[tilespmem:s31+$0xC100] =	vst v4;
	v4 =	vadd.f32 v46, v5;
	v5 =	vld [tilespmem:s31+$0x6160]  }
0x418: {  	[tilespmem:s31+$0xC110] =	vst v9;
	v9 =	vadd.f32 v14, v11;
	v11 =	vld [tilespmem:s30+$0x130]  }
0x419: {  	[tilespmem:s31+$0xC120] =	vst v4;
	v4 =	vadd.f32 v15, v18;
	v15 =	vld [tilespmem:s31+$0x6170]  }
0x41a: {  	v14 =	vadd.f32 v41, v20;
	[tilespmem:s31+$0xC130] =	vst v9;
	v9 =	vld [tilespmem:s30+$0xC140]  }
0x41b: {  	v18 =	vadd.f32 v43, v42;
	[tilespmem:s31+$0xC140] =	vst v4;
	v4 =	vadd.f32 v19, v16;
	v16 =	vld [tilespmem:s30+$0x140]  }
0x41c: {  	s0 =	sor.u32 s0, s16;
	v14 =	vadd.f32 v17, v14;
	v19 =	vld [tilespmem:s30+$0x150]  }
0x41d: {  	v17 =	vld [tilespmem:s0+$0xC100];
	v5 =	vadd.f32 v5, v18  }
0x41e: {  	[tilespmem:s31+$0xC150] =	vst v14;
	v18 =	vld [tilespmem:s30+$0xC150];
	v4 =	vadd.f32 v15, v4  }
0x41f: {  	v14 =	vld [tilespmem:s0+$0xC110];
	[tilespmem:s31+$0xC160] =	vst v5  }
0x420: {  	v15 =	vld [tilespmem:s0+$0xC120];
	[tilespmem:s31+$0xC170] =	vst v4  }
0x421: {  	v20 =	vld [tilespmem:s0+$0xC130]  }
0x422: {  	v47 =	vld [tilespmem:s0+$0x100]  }
0x423: {  	v48 =	vld [tilespmem:s0+$0x110]  }
0x424: {  	v49 =	vld [tilespmem:s0+$0x120]  }
0x425: {  	v50 =	vld [tilespmem:s0+$0x130]  }
0x426: {  	v51 =	vld [tilespmem:s0+$0xC140]  }
0x427: {  	v52 =	vld [tilespmem:s0+$0x140]  }
0x428: {  	v53 =	vld [tilespmem:s0+$0xC150]  }
0x429: {  	v54 =	vld [tilespmem:s0+$0x150]  }
0x42a: {  	v55 =	vld [tilespmem:s0+$0xC160]  }
0x42b: {  	v56 =	vld [tilespmem:s0+$0x160]  }
0x42c: {  	v57 =	vld [tilespmem:s0+$0xC170]  }
0x42d: {  	v58 =	vld [tilespmem:s0+$0x170]  }
0x42e: {  	v3 =	vadd.f32 v6, v3;
	v6 =	vadd.f32 v11, v10;
	v61 =	vld [tilespmem:s0+$0x6100]  }
0x42f: {  	v5 =	vadd.f32 v13, v12;
	v4 =	vadd.f32 v7, v8;
	v62 =	vld [tilespmem:s0+$0x6110]  }
0x430: {  	v7 =	vadd.f32 v16, v9;
	v10 =	vld [tilespmem:s0+$0x6120];
	v8 =	vadd.f32 v19, v18  }
0x431: {  	v16 =	vld [tilespmem:s0+$0x6130];
	v9 =	vadd.f32 v47, v17;
	v12 =	vadd.f32 v48, v14  }
0x432: {  	v18 =	vld [tilespmem:s0+$0x6140];
	v14 =	vadd.f32 v49, v15;
	v19 =	vadd.f32 v50, v20  }
0x433: {  	v17 =	vld [tilespmem:s0+$0x6150];
	v20 =	vadd.f32 v52, v51;
	v9 =	vadd.f32 v61, v9  }
0x434: {  	v13 =	vld [tilespmem:s0+$0x6160];
	v11 =	vadd.f32 v54, v53;
	v15 =	vadd.f32 v62, v12  }
0x435: {  	v12 =	vadd.f32 v56, v55;
	v63 =	vadd.f32 v10, v14;
	v14 =	vld [tilespmem:s0+$0x6170];
	[tilespmem:s0+$0xC100] =	vst v9  }
0x436: {  	v10 =	vadd.f32 v58, v57;
	v19 =	vadd.f32 v16, v19;
	[tilespmem:s0+$0xC110] =	vst v15;
	v15 =	vld [tilespmem:s30+$0x6100]  }
0x437: {  	s29 =	simm.s32 $0x0;
	v18 =	vadd.f32 v18, v20;
	v16 =	vld [tilespmem:s30+$0x6110];
	v9 =	vadd.f32 v60, v59;
	[tilespmem:s0+$0xC120] =	vst v63  }
.LBB2_4:
0x438: {  	s29 =	sadd.s32 $0x2, s29;
	[tilespmem:s0+$0xC130] =	vst v19;
	v11 =	vadd.f32 v17, v11;
	v17 =	vld [tilespmem:s30+$0x6120]  }
0x439: {  	s28 =	sadd.s32 $0x100, s28;
	s2 =	sshrl.u32 s29, $0x3;
	p0 =	slt.u32 s29, $0x1E;
	[tilespmem:s0+$0xC140] =	vst v18;
	v12 =	vadd.f32 v13, v12;
	v13 =	vld [tilespmem:s30+$0x6130]  }
0x43a: {  	s18 =	smul.u32 $0x1800, s2;
	s2 =	sand.u32 $0x300, s28;
	[tilespmem:s0+$0xC150] =	vst v11;
	v10 =	vadd.f32 v14, v10;
	v11 =	vld [tilespmem:s30+$0x6140]  }
0x43b: {  	s17 =	sor.u32 $0x80, s2;
	[tilespmem:s0+$0xC160] =	vst v12;
	v3 =	vadd.f32 v15, v3;
	v12 =	vld [tilespmem:s30+$0x6150]  }
0x43c: {  	s31 =	sor.u32 s2, s18;
	s19 =	sor.u32 s18, s17;
	[tilespmem:s0+$0xC170] =	vst v10;
	v4 =	vadd.f32 v16, v4;
	v10 =	vld [tilespmem:s30+$0x6160]  }
0x43d: {  	v14 =	vld [tilespmem:s19+$0x6100];
	[tilespmem:s30+$0xC100] =	vst v3;
	v3 =	vadd.f32 v17, v5  }
0x43e: {  	v5 =	vld [tilespmem:s19+$0x6110];
	[tilespmem:s30+$0xC110] =	vst v4;
	v4 =	vadd.f32 v13, v6  }
0x43f: {  	v6 =	vld [tilespmem:s19+$0x6120];
	[tilespmem:s30+$0xC120] =	vst v3;
	v3 =	vadd.f32 v11, v7  }
0x440: {  	v7 =	vld [tilespmem:s19+$0x6130];
	[tilespmem:s30+$0xC130] =	vst v4;
	v4 =	vadd.f32 v12, v8  }
0x441: {  	v8 =	vld [tilespmem:s19+$0x6140];
	[tilespmem:s30+$0xC140] =	vst v3;
	v3 =	vadd.f32 v10, v9  }
0x442: {  	v9 =	vld [tilespmem:s19+$0x6150];
	[tilespmem:s30+$0xC150] =	vst v4  }
0x443: {  	v4 =	vld [tilespmem:s19+$0x6160];
	[tilespmem:s30+$0xC160] =	vst v3  }
0x444: {  	v3 =	vld [tilespmem:s19+$0x6170]  }
0x445: {  	v10 =	vld [tilespmem:s19+$0x6500]  }
0x446: {  	v11 =	vld [tilespmem:s19+$0x6510]  }
0x447: {  	v12 =	vld [tilespmem:s19+$0x6520]  }
0x448: {  	v13 =	vld [tilespmem:s19+$0x6530]  }
0x449: {  	v15 =	vld [tilespmem:s19+$0x6540]  }
0x44a: {  	v16 =	vld [tilespmem:s19+$0x6550]  }
0x44b: {  	v17 =	vld [tilespmem:s19+$0xC100]  }
0x44c: {  	v18 =	vld [tilespmem:s19+$0x100]  }
0x44d: {  	v19 =	vld [tilespmem:s19+$0xC110]  }
0x44e: {  	v20 =	vld [tilespmem:s19+$0x110]  }
0x44f: {  	v21 =	vld [tilespmem:s19+$0xC120]  }
0x450: {  	v22 =	vld [tilespmem:s19+$0x120]  }
0x451: {  	v23 =	vld [tilespmem:s19+$0xC130]  }
0x452: {  	v24 =	vld [tilespmem:s19+$0x130]  }
0x453: {  	v25 =	vld [tilespmem:s19+$0xC140]  }
0x454: {  	v26 =	vld [tilespmem:s19+$0x140]  }
0x455: {  	v27 =	vld [tilespmem:s19+$0xC150]  }
0x456: {  	v28 =	vld [tilespmem:s19+$0x150]  }
0x457: {  	v29 =	vld [tilespmem:s19+$0xC160]  }
0x458: {  	v30 =	vld [tilespmem:s19+$0x160]  }
0x459: {  	v31 =	vld [tilespmem:s19+$0xC170]  }
0x45a: {  	v32 =	vld [tilespmem:s19+$0x170]  }
0x45b: {  	v33 =	vld [tilespmem:s19+$0xC500]  }
0x45c: {  	v34 =	vld [tilespmem:s19+$0x500]  }
0x45d: {  	v35 =	vld [tilespmem:s19+$0xC510]  }
0x45e: {  	v36 =	vld [tilespmem:s19+$0x510]  }
0x45f: {  	v37 =	vld [tilespmem:s19+$0xC520]  }
0x460: {  	v17 =	vadd.f32 v18, v17;
	v18 =	vld [tilespmem:s19+$0x520]  }
0x461: {  	v19 =	vadd.f32 v20, v19;
	v20 =	vld [tilespmem:s19+$0xC530]  }
0x462: {  	v14 =	vadd.f32 v14, v17;
	v17 =	vadd.f32 v22, v21;
	v21 =	vld [tilespmem:s19+$0x530]  }
0x463: {  	v5 =	vadd.f32 v5, v19;
	v19 =	vadd.f32 v24, v23;
	v22 =	vld [tilespmem:s19+$0xC540]  }
0x464: {  	v6 =	vadd.f32 v6, v17;
	[tilespmem:s19+$0xC100] =	vst v14;
	v14 =	vadd.f32 v26, v25;
	v17 =	vld [tilespmem:s19+$0x540]  }
0x465: {  	[tilespmem:s19+$0xC110] =	vst v5;
	v5 =	vadd.f32 v7, v19;
	v7 =	vadd.f32 v28, v27;
	v19 =	vld [tilespmem:s19+$0xC550]  }
0x466: {  	[tilespmem:s19+$0xC120] =	vst v6;
	v6 =	vadd.f32 v8, v14;
	v8 =	vadd.f32 v30, v29;
	v14 =	vld [tilespmem:s19+$0x550]  }
0x467: {  	[tilespmem:s19+$0xC130] =	vst v5;
	v5 =	vadd.f32 v9, v7;
	v7 =	vadd.f32 v32, v31;
	v9 =	vld [tilespmem:s19+$0xC560]  }
0x468: {  	[tilespmem:s19+$0xC140] =	vst v6;
	v4 =	vadd.f32 v4, v8;
	v6 =	vadd.f32 v34, v33;
	v8 =	vld [tilespmem:s19+$0x560]  }
0x469: {  	[tilespmem:s19+$0xC150] =	vst v5;
	v3 =	vadd.f32 v3, v7;
	v5 =	vadd.f32 v36, v35;
	v7 =	vld [tilespmem:s19+$0xC570]  }
0x46a: {  	[tilespmem:s19+$0xC160] =	vst v4;
	v4 =	vadd.f32 v10, v6;
	v6 =	vadd.f32 v18, v37;
	v10 =	vld [tilespmem:s19+$0x570]  }
0x46b: {  	[tilespmem:s19+$0xC170] =	vst v3;
	v3 =	vadd.f32 v11, v5;
	v5 =	vadd.f32 v21, v20;
	v11 =	vld [tilespmem:s19+$0x6560]  }
0x46c: {  	[tilespmem:s19+$0xC500] =	vst v4;
	v4 =	vadd.f32 v12, v6;
	v6 =	vadd.f32 v17, v22;
	v12 =	vld [tilespmem:s19+$0x6570]  }
0x46d: {  	v17 =	vld [tilespmem:s31+$0xC100];
	[tilespmem:s19+$0xC510] =	vst v3;
	v3 =	vadd.f32 v13, v5;
	v5 =	vadd.f32 v14, v19  }
0x46e: {  	v13 =	vld [tilespmem:s31+$0x100];
	[tilespmem:s19+$0xC520] =	vst v4;
	v4 =	vadd.f32 v15, v6;
	v6 =	vadd.f32 v8, v9  }
0x46f: {  	v8 =	vld [tilespmem:s31+$0xC110];
	[tilespmem:s19+$0xC530] =	vst v3;
	v3 =	vadd.f32 v16, v5;
	v5 =	vadd.f32 v10, v7  }
0x470: {  	v7 =	vld [tilespmem:s31+$0x110];
	[tilespmem:s19+$0xC540] =	vst v4;
	v4 =	vadd.f32 v11, v6  }
0x471: {  	v6 =	vld [tilespmem:s31+$0xC120];
	[tilespmem:s19+$0xC550] =	vst v3;
	v5 =	vadd.f32 v12, v5  }
0x472: {  	s0 =	sadd.s32 $0x800, s18;
	v9 =	vld [tilespmem:s31+$0x120];
	[tilespmem:s19+$0xC560] =	vst v4  }
0x473: {  	s16 =	sor.u32 s2, s0;
	s0 =	sor.u32 s17, s0;
	v3 =	vadd.f32 v13, v17;
	v10 =	vld [tilespmem:s31+$0xC130];
	[tilespmem:s19+$0xC570] =	vst v5  }
0x474: {  	v11 =	vld [tilespmem:s0+$0x6100]  }
0x475: {  	v4 =	vadd.f32 v7, v8;
	v7 =	vld [tilespmem:s0+$0x6110]  }
0x476: {  	v8 =	vld [tilespmem:s0+$0x6120]  }
0x477: {  	v5 =	vadd.f32 v9, v6;
	v6 =	vld [tilespmem:s0+$0x6130]  }
0x478: {  	v9 =	vld [tilespmem:s0+$0x6140]  }
0x479: {  	v12 =	vld [tilespmem:s0+$0x6150]  }
0x47a: {  	v13 =	vld [tilespmem:s0+$0xC100]  }
0x47b: {  	v14 =	vld [tilespmem:s0+$0x100]  }
0x47c: {  	v15 =	vld [tilespmem:s0+$0xC110]  }
0x47d: {  	v16 =	vld [tilespmem:s0+$0x110]  }
0x47e: {  	v17 =	vld [tilespmem:s0+$0xC120]  }
0x47f: {  	v18 =	vld [tilespmem:s0+$0x120]  }
0x480: {  	v19 =	vld [tilespmem:s0+$0xC130]  }
0x481: {  	v20 =	vld [tilespmem:s0+$0x130]  }
0x482: {  	v21 =	vld [tilespmem:s0+$0xC140]  }
0x483: {  	v22 =	vld [tilespmem:s0+$0x140]  }
0x484: {  	v23 =	vld [tilespmem:s0+$0xC150]  }
0x485: {  	v24 =	vld [tilespmem:s0+$0x150]  }
0x486: {  	v25 =	vld [tilespmem:s0+$0xC160]  }
0x487: {  	v13 =	vadd.f32 v14, v13;
	v14 =	vld [tilespmem:s0+$0x160]  }
0x488: {  	v15 =	vadd.f32 v16, v15;
	v16 =	vld [tilespmem:s0+$0xC170]  }
0x489: {  	v11 =	vadd.f32 v11, v13;
	v13 =	vadd.f32 v18, v17;
	v17 =	vld [tilespmem:s0+$0x170]  }
0x48a: {  	v7 =	vadd.f32 v7, v15;
	v15 =	vadd.f32 v20, v19;
	v18 =	vld [tilespmem:s0+$0x6160]  }
0x48b: {  	v8 =	vadd.f32 v8, v13;
	[tilespmem:s0+$0xC100] =	vst v11;
	v11 =	vadd.f32 v22, v21;
	v13 =	vld [tilespmem:s0+$0x6170]  }
0x48c: {  	v6 =	vadd.f32 v6, v15;
	v19 =	vld [tilespmem:s31+$0x130];
	[tilespmem:s0+$0xC110] =	vst v7;
	v7 =	vadd.f32 v24, v23  }
0x48d: {  	v15 =	vld [tilespmem:s31+$0xC140];
	[tilespmem:s0+$0xC120] =	vst v8;
	v8 =	vadd.f32 v9, v11;
	v9 =	vadd.f32 v14, v25  }
0x48e: {  	v11 =	vld [tilespmem:s31+$0x140];
	[tilespmem:s0+$0xC130] =	vst v6;
	v6 =	vadd.f32 v12, v7;
	v7 =	vadd.f32 v17, v16  }
0x48f: {  	v12 =	vld [tilespmem:s31+$0xC150];
	[tilespmem:s0+$0xC140] =	vst v8;
	v8 =	vadd.f32 v18, v9  }
0x490: {  	v9 =	vld [tilespmem:s31+$0x150];
	[tilespmem:s0+$0xC150] =	vst v6;
	v7 =	vadd.f32 v13, v7  }
0x491: {  	s20 =	sadd.s32 $0xC00, s18;
	v6 =	vadd.f32 v19, v10;
	v10 =	vld [tilespmem:s31+$0xC160];
	[tilespmem:s0+$0xC160] =	vst v8  }
0x492: {  	s19 =	sor.u32 s2, s20;
	v13 =	vld [tilespmem:s31+$0x160];
	[tilespmem:s0+$0xC170] =	vst v7;
	s0 =	sor.u32 s17, s20  }
0x493: {  	v7 =	vadd.f32 v11, v15;
	v11 =	vld [tilespmem:s0+$0x6100]  }
0x494: {  	v14 =	vld [tilespmem:s0+$0x6110]  }
0x495: {  	v8 =	vadd.f32 v9, v12;
	v12 =	vld [tilespmem:s0+$0x6120]  }
0x496: {  	v15 =	vld [tilespmem:s0+$0x6130]  }
0x497: {  	v9 =	vadd.f32 v13, v10;
	v10 =	vld [tilespmem:s0+$0x6140]  }
0x498: {  	v13 =	vld [tilespmem:s0+$0x6150]  }
0x499: {  	v16 =	vld [tilespmem:s0+$0xC100]  }
0x49a: {  	v17 =	vld [tilespmem:s0+$0x100]  }
0x49b: {  	v18 =	vld [tilespmem:s0+$0xC110]  }
0x49c: {  	v19 =	vld [tilespmem:s0+$0x110]  }
0x49d: {  	v20 =	vld [tilespmem:s0+$0xC120]  }
0x49e: {  	v21 =	vld [tilespmem:s0+$0x120]  }
0x49f: {  	v22 =	vld [tilespmem:s0+$0xC130]  }
0x4a0: {  	v23 =	vld [tilespmem:s0+$0x130]  }
0x4a1: {  	v24 =	vld [tilespmem:s0+$0xC140]  }
0x4a2: {  	v25 =	vld [tilespmem:s0+$0x140]  }
0x4a3: {  	v26 =	vld [tilespmem:s0+$0xC150]  }
0x4a4: {  	v27 =	vld [tilespmem:s0+$0x150]  }
0x4a5: {  	v28 =	vld [tilespmem:s0+$0xC160]  }
0x4a6: {  	v16 =	vadd.f32 v17, v16;
	v17 =	vld [tilespmem:s0+$0x160]  }
0x4a7: {  	v18 =	vadd.f32 v19, v18;
	v19 =	vld [tilespmem:s0+$0xC170]  }
0x4a8: {  	v11 =	vadd.f32 v11, v16;
	v16 =	vadd.f32 v21, v20;
	v20 =	vld [tilespmem:s0+$0x170]  }
0x4a9: {  	v14 =	vadd.f32 v14, v18;
	v18 =	vadd.f32 v23, v22;
	v21 =	vld [tilespmem:s0+$0x6160]  }
0x4aa: {  	[tilespmem:s0+$0xC100] =	vst v11;
	v11 =	vadd.f32 v12, v16;
	v12 =	vadd.f32 v25, v24;
	v16 =	vld [tilespmem:s0+$0x6170]  }
0x4ab: {  	v22 =	vld [tilespmem:s31+$0xC170];
	[tilespmem:s0+$0xC110] =	vst v14;
	v14 =	vadd.f32 v15, v18;
	v15 =	vadd.f32 v27, v26  }
0x4ac: {  	v18 =	vld [tilespmem:s31+$0x170];
	[tilespmem:s0+$0xC120] =	vst v11;
	v10 =	vadd.f32 v10, v12;
	v11 =	vadd.f32 v17, v28  }
0x4ad: {  	v12 =	vld [tilespmem:s31+$0xC500];
	[tilespmem:s0+$0xC130] =	vst v14;
	v13 =	vadd.f32 v13, v15;
	v14 =	vadd.f32 v20, v19  }
0x4ae: {  	v15 =	vld [tilespmem:s31+$0x500];
	[tilespmem:s0+$0xC140] =	vst v10;
	v10 =	vadd.f32 v21, v11  }
0x4af: {  	v17 =	vld [tilespmem:s31+$0xC510];
	[tilespmem:s0+$0xC150] =	vst v13;
	v11 =	vadd.f32 v16, v14  }
0x4b0: {  	s21 =	sadd.s32 $0x1000, s18;
	v13 =	vld [tilespmem:s31+$0x510];
	[tilespmem:s0+$0xC160] =	vst v10  }
0x4b1: {  	s20 =	sor.u32 s2, s21;
	s21 =	sor.u32 s17, s21;
	v10 =	vadd.f32 v18, v22;
	v14 =	vld [tilespmem:s31+$0xC520];
	[tilespmem:s0+$0xC170] =	vst v11  }
0x4b2: {  	v16 =	vld [tilespmem:s21+$0x6100]  }
0x4b3: {  	v11 =	vadd.f32 v15, v12;
	v15 =	vld [tilespmem:s21+$0x6110]  }
0x4b4: {  	v18 =	vld [tilespmem:s21+$0x6120]  }
0x4b5: {  	v12 =	vadd.f32 v13, v17;
	v13 =	vld [tilespmem:s21+$0x6140]  }
0x4b6: {  	v17 =	vld [tilespmem:s21+$0x6150]  }
0x4b7: {  	v19 =	vld [tilespmem:s21+$0x6160]  }
0x4b8: {  	v20 =	vld [tilespmem:s21+$0xC100]  }
0x4b9: {  	v21 =	vld [tilespmem:s21+$0x100]  }
0x4ba: {  	v22 =	vld [tilespmem:s21+$0xC110]  }
0x4bb: {  	v23 =	vld [tilespmem:s21+$0x110]  }
0x4bc: {  	v24 =	vld [tilespmem:s21+$0xC120]  }
0x4bd: {  	v25 =	vld [tilespmem:s21+$0x120]  }
0x4be: {  	v26 =	vld [tilespmem:s21+$0xC130]  }
0x4bf: {  	v27 =	vld [tilespmem:s21+$0xC140]  }
0x4c0: {  	v28 =	vld [tilespmem:s21+$0x140]  }
0x4c1: {  	v29 =	vld [tilespmem:s21+$0xC150]  }
0x4c2: {  	v30 =	vld [tilespmem:s21+$0x150]  }
0x4c3: {  	v31 =	vld [tilespmem:s21+$0xC160]  }
0x4c4: {  	v32 =	vld [tilespmem:s21+$0x160]  }
0x4c5: {  	v20 =	vadd.f32 v21, v20;
	v21 =	vld [tilespmem:s21+$0xC170]  }
0x4c6: {  	v22 =	vadd.f32 v23, v22;
	v23 =	vld [tilespmem:s21+$0x170]  }
0x4c7: {  	v16 =	vadd.f32 v16, v20;
	v20 =	vadd.f32 v25, v24;
	v24 =	vld [tilespmem:s21+$0x130]  }
0x4c8: {  	v15 =	vadd.f32 v15, v22;
	v22 =	vadd.f32 v28, v27;
	v25 =	vld [tilespmem:s21+$0x6170]  }
0x4c9: {  	[tilespmem:s21+$0xC100] =	vst v16;
	v16 =	vadd.f32 v18, v20;
	v18 =	vld [tilespmem:s21+$0x6130];
	v20 =	vadd.f32 v30, v29  }
0x4ca: {  	v13 =	vadd.f32 v13, v22;
	v27 =	vld [tilespmem:s31+$0x520];
	[tilespmem:s21+$0xC110] =	vst v15;
	v15 =	vadd.f32 v32, v31  }
0x4cb: {  	v22 =	vld [tilespmem:s31+$0xC530];
	[tilespmem:s21+$0xC120] =	vst v16;
	v16 =	vadd.f32 v17, v20;
	v17 =	vadd.f32 v23, v21  }
0x4cc: {  	v20 =	vld [tilespmem:s31+$0x530];
	v21 =	vadd.f32 v24, v26;
	[tilespmem:s21+$0xC140] =	vst v13;
	v13 =	vadd.f32 v19, v15  }
0x4cd: {  	v15 =	vld [tilespmem:s31+$0xC540];
	[tilespmem:s21+$0xC150] =	vst v16;
	v16 =	vadd.f32 v25, v17  }
0x4ce: {  	s18 =	sadd.s32 $0x1400, s18;
	v17 =	vld [tilespmem:s31+$0x540];
	v18 =	vadd.f32 v18, v21;
	[tilespmem:s21+$0xC160] =	vst v13  }
0x4cf: {  	s30 =	sor.u32 s17, s18;
	s0 =	sor.u32 s2, s18;
	v13 =	vadd.f32 v27, v14;
	v14 =	vld [tilespmem:s31+$0xC550];
	[tilespmem:s21+$0xC170] =	vst v16  }
0x4d0: {  	[tilespmem:s21+$0xC130] =	vst v18;
	v16 =	vld [tilespmem:s30+$0xC170]  }
0x4d1: {  	v18 =	vadd.f32 v20, v22;
	v19 =	vld [tilespmem:s30+$0x170]  }
0x4d2: {  	v20 =	vld [tilespmem:s31+$0x550]  }
0x4d3: {  	v15 =	vadd.f32 v17, v15;
	v17 =	vld [tilespmem:s30+$0x6170]  }
0x4d4: {  	v21 =	vld [tilespmem:s31+$0xC560]  }
0x4d5: {  	v22 =	vld [tilespmem:s31+$0x560]  }
0x4d6: {  	v23 =	vld [tilespmem:s31+$0xC570];
	v16 =	vadd.f32 v19, v16  }
0x4d7: {  	v14 =	vadd.f32 v20, v14;
	v19 =	vld [tilespmem:s31+$0x570]  }
0x4d8: {  	v20 =	vld [tilespmem:s31+$0x6100];
	v16 =	vadd.f32 v17, v16  }
0x4d9: {  	v17 =	vld [tilespmem:s31+$0x6110]  }
0x4da: {  	v24 =	vld [tilespmem:s31+$0x6120];
	v21 =	vadd.f32 v22, v21;
	[tilespmem:s30+$0xC170] =	vst v16  }
0x4db: {  	v16 =	vld [tilespmem:s31+$0x6130]  }
0x4dc: {  	v22 =	vld [tilespmem:s31+$0x6140];
	v19 =	vadd.f32 v19, v23  }
0x4dd: {  	v3 =	vadd.f32 v20, v3;
	v20 =	vld [tilespmem:s31+$0x6150]  }
0x4de: {  	v4 =	vadd.f32 v17, v4;
	v17 =	vld [tilespmem:s31+$0x6160]  }
0x4df: {  	[tilespmem:s31+$0xC100] =	vst v3;
	v3 =	vadd.f32 v24, v5;
	v5 =	vld [tilespmem:s31+$0x6170]  }
0x4e0: {  	[tilespmem:s31+$0xC110] =	vst v4;
	v4 =	vadd.f32 v16, v6;
	v6 =	vld [tilespmem:s31+$0x6500]  }
0x4e1: {  	[tilespmem:s31+$0xC120] =	vst v3;
	v3 =	vadd.f32 v22, v7;
	v7 =	vld [tilespmem:s31+$0x6510]  }
0x4e2: {  	[tilespmem:s31+$0xC130] =	vst v4;
	v4 =	vadd.f32 v20, v8;
	v8 =	vld [tilespmem:s31+$0x6520]  }
0x4e3: {  	[tilespmem:s31+$0xC140] =	vst v3;
	v3 =	vadd.f32 v17, v9;
	v9 =	vld [tilespmem:s31+$0x6530]  }
0x4e4: {  	[tilespmem:s31+$0xC150] =	vst v4;
	v4 =	vadd.f32 v5, v10;
	v5 =	vld [tilespmem:s31+$0x6540]  }
0x4e5: {  	[tilespmem:s31+$0xC160] =	vst v3;
	v3 =	vadd.f32 v6, v11;
	v6 =	vld [tilespmem:s31+$0x6550]  }
0x4e6: {  	[tilespmem:s31+$0xC170] =	vst v4;
	v4 =	vadd.f32 v7, v12;
	v7 =	vld [tilespmem:s31+$0x6560]  }
0x4e7: {  	[tilespmem:s31+$0xC500] =	vst v3;
	v3 =	vadd.f32 v8, v13;
	v8 =	vld [tilespmem:s31+$0x6570]  }
0x4e8: {  	[tilespmem:s31+$0xC510] =	vst v4;
	v4 =	vadd.f32 v9, v18;
	v9 =	vld [tilespmem:s30+$0xC100]  }
0x4e9: {  	[tilespmem:s31+$0xC520] =	vst v3;
	v3 =	vadd.f32 v5, v15;
	v5 =	vld [tilespmem:s30+$0x100]  }
0x4ea: {  	[tilespmem:s31+$0xC530] =	vst v4;
	v4 =	vadd.f32 v6, v14;
	v6 =	vld [tilespmem:s30+$0xC110]  }
0x4eb: {  	[tilespmem:s31+$0xC540] =	vst v3;
	v3 =	vadd.f32 v7, v21;
	v7 =	vld [tilespmem:s16+$0xC100]  }
0x4ec: {  	[tilespmem:s31+$0xC550] =	vst v4;
	v4 =	vadd.f32 v8, v19;
	v8 =	vld [tilespmem:s16+$0xC110]  }
0x4ed: {  	[tilespmem:s31+$0xC560] =	vst v3;
	v10 =	vld [tilespmem:s16+$0xC120]  }
0x4ee: {  	[tilespmem:s31+$0xC570] =	vst v4;
	v4 =	vld [tilespmem:s16+$0xC130];
	v3 =	vadd.f32 v5, v9  }
0x4ef: {  	v5 =	vld [tilespmem:s16+$0x100]  }
0x4f0: {  	v9 =	vld [tilespmem:s16+$0x110]  }
0x4f1: {  	v11 =	vld [tilespmem:s16+$0x120]  }
0x4f2: {  	v12 =	vld [tilespmem:s16+$0x130]  }
0x4f3: {  	v13 =	vld [tilespmem:s16+$0xC140]  }
0x4f4: {  	v5 =	vadd.f32 v5, v7;
	v7 =	vld [tilespmem:s16+$0x140]  }
0x4f5: {  	v8 =	vadd.f32 v9, v8;
	v9 =	vld [tilespmem:s16+$0xC150]  }
0x4f6: {  	v10 =	vadd.f32 v11, v10;
	v11 =	vld [tilespmem:s16+$0x150]  }
0x4f7: {  	v4 =	vadd.f32 v12, v4;
	v12 =	vld [tilespmem:s16+$0xC160]  }
0x4f8: {  	v14 =	vld [tilespmem:s16+$0x160]  }
0x4f9: {  	v7 =	vadd.f32 v7, v13;
	v13 =	vld [tilespmem:s16+$0xC170]  }
0x4fa: {  	v15 =	vld [tilespmem:s16+$0x170]  }
0x4fb: {  	v16 =	vld [tilespmem:s16+$0x6100];
	v9 =	vadd.f32 v11, v9  }
0x4fc: {  	v11 =	vld [tilespmem:s16+$0x6110]  }
0x4fd: {  	v17 =	vld [tilespmem:s16+$0x6120];
	v12 =	vadd.f32 v14, v12  }
0x4fe: {  	v14 =	vld [tilespmem:s16+$0x6130]  }
0x4ff: {  	v18 =	vld [tilespmem:s16+$0x6140];
	v13 =	vadd.f32 v15, v13  }
0x500: {  	v5 =	vadd.f32 v16, v5;
	v15 =	vld [tilespmem:s16+$0x6150]  }
0x501: {  	v8 =	vadd.f32 v11, v8;
	v11 =	vld [tilespmem:s16+$0x6160]  }
0x502: {  	[tilespmem:s16+$0xC100] =	vst v5;
	v5 =	vadd.f32 v17, v10;
	v10 =	vld [tilespmem:s16+$0x6170]  }
0x503: {  	[tilespmem:s16+$0xC110] =	vst v8;
	v4 =	vadd.f32 v14, v4;
	v8 =	vld [tilespmem:s30+$0x110]  }
0x504: {  	[tilespmem:s16+$0xC120] =	vst v5;
	v5 =	vadd.f32 v18, v7;
	v7 =	vld [tilespmem:s30+$0xC120]  }
0x505: {  	[tilespmem:s16+$0xC130] =	vst v4;
	v4 =	vadd.f32 v15, v9;
	v9 =	vld [tilespmem:s30+$0x120]  }
0x506: {  	[tilespmem:s16+$0xC140] =	vst v5;
	v5 =	vadd.f32 v11, v12;
	v11 =	vld [tilespmem:s19+$0xC100]  }
0x507: {  	[tilespmem:s16+$0xC150] =	vst v4;
	v10 =	vadd.f32 v10, v13;
	v12 =	vld [tilespmem:s19+$0xC110]  }
0x508: {  	[tilespmem:s16+$0xC160] =	vst v5;
	v13 =	vld [tilespmem:s19+$0xC120];
	v4 =	vadd.f32 v8, v6  }
0x509: {  	[tilespmem:s16+$0xC170] =	vst v10;
	v6 =	vld [tilespmem:s19+$0xC130]  }
0x50a: {  	v8 =	vld [tilespmem:s19+$0x100];
	v5 =	vadd.f32 v9, v7  }
0x50b: {  	v7 =	vld [tilespmem:s19+$0x110]  }
0x50c: {  	v9 =	vld [tilespmem:s19+$0x120]  }
0x50d: {  	v10 =	vld [tilespmem:s19+$0x130]  }
0x50e: {  	v14 =	vld [tilespmem:s19+$0xC140]  }
0x50f: {  	v8 =	vadd.f32 v8, v11;
	v11 =	vld [tilespmem:s19+$0x140]  }
0x510: {  	v7 =	vadd.f32 v7, v12;
	v12 =	vld [tilespmem:s19+$0xC150]  }
0x511: {  	v9 =	vadd.f32 v9, v13;
	v13 =	vld [tilespmem:s19+$0x150]  }
0x512: {  	v6 =	vadd.f32 v10, v6;
	v10 =	vld [tilespmem:s19+$0xC160]  }
0x513: {  	v15 =	vld [tilespmem:s19+$0x160]  }
0x514: {  	v11 =	vadd.f32 v11, v14;
	v14 =	vld [tilespmem:s19+$0xC170]  }
0x515: {  	v16 =	vld [tilespmem:s19+$0x170]  }
0x516: {  	v17 =	vld [tilespmem:s19+$0x6100];
	v12 =	vadd.f32 v13, v12  }
0x517: {  	v13 =	vld [tilespmem:s19+$0x6110]  }
0x518: {  	v18 =	vld [tilespmem:s19+$0x6120];
	v10 =	vadd.f32 v15, v10  }
0x519: {  	v15 =	vld [tilespmem:s19+$0x6130]  }
0x51a: {  	v19 =	vld [tilespmem:s19+$0x6140];
	v14 =	vadd.f32 v16, v14  }
0x51b: {  	v8 =	vadd.f32 v17, v8;
	v16 =	vld [tilespmem:s19+$0x6150]  }
0x51c: {  	v7 =	vadd.f32 v13, v7;
	v13 =	vld [tilespmem:s19+$0x6160]  }
0x51d: {  	[tilespmem:s19+$0xC100] =	vst v8;
	v8 =	vadd.f32 v18, v9;
	v9 =	vld [tilespmem:s19+$0x6170]  }
0x51e: {  	[tilespmem:s19+$0xC110] =	vst v7;
	v6 =	vadd.f32 v15, v6;
	v7 =	vld [tilespmem:s30+$0xC130]  }
0x51f: {  	[tilespmem:s19+$0xC120] =	vst v8;
	v8 =	vadd.f32 v19, v11;
	v11 =	vld [tilespmem:s30+$0x130]  }
0x520: {  	[tilespmem:s19+$0xC130] =	vst v6;
	v6 =	vadd.f32 v16, v12;
	v12 =	vld [tilespmem:s30+$0xC140]  }
0x521: {  	[tilespmem:s19+$0xC140] =	vst v8;
	v8 =	vadd.f32 v13, v10;
	v10 =	vld [tilespmem:s20+$0xC100]  }
0x522: {  	[tilespmem:s19+$0xC150] =	vst v6;
	v6 =	vadd.f32 v9, v14;
	v9 =	vld [tilespmem:s20+$0xC110]  }
0x523: {  	[tilespmem:s19+$0xC160] =	vst v8;
	v8 =	vld [tilespmem:s20+$0xC120]  }
0x524: {  	[tilespmem:s19+$0xC170] =	vst v6;
	v13 =	vld [tilespmem:s20+$0xC130];
	v6 =	vadd.f32 v11, v7  }
0x525: {  	v7 =	vld [tilespmem:s20+$0x100]  }
0x526: {  	v11 =	vld [tilespmem:s20+$0x110]  }
0x527: {  	v14 =	vld [tilespmem:s20+$0x120]  }
0x528: {  	v15 =	vld [tilespmem:s20+$0x130]  }
0x529: {  	v16 =	vld [tilespmem:s20+$0xC140]  }
0x52a: {  	v7 =	vadd.f32 v7, v10;
	v10 =	vld [tilespmem:s20+$0x140]  }
0x52b: {  	v9 =	vadd.f32 v11, v9;
	v11 =	vld [tilespmem:s20+$0xC150]  }
0x52c: {  	v8 =	vadd.f32 v14, v8;
	v14 =	vld [tilespmem:s20+$0x150]  }
0x52d: {  	v13 =	vadd.f32 v15, v13;
	v15 =	vld [tilespmem:s20+$0xC160]  }
0x52e: {  	v17 =	vld [tilespmem:s20+$0x160]  }
0x52f: {  	v10 =	vadd.f32 v10, v16;
	v16 =	vld [tilespmem:s20+$0xC170]  }
0x530: {  	v18 =	vld [tilespmem:s20+$0x170]  }
0x531: {  	v19 =	vld [tilespmem:s20+$0x6100];
	v11 =	vadd.f32 v14, v11  }
0x532: {  	v14 =	vld [tilespmem:s20+$0x6110]  }
0x533: {  	v20 =	vld [tilespmem:s20+$0x6120];
	v15 =	vadd.f32 v17, v15  }
0x534: {  	v17 =	vld [tilespmem:s20+$0x6130]  }
0x535: {  	v21 =	vld [tilespmem:s20+$0x6140];
	v16 =	vadd.f32 v18, v16  }
0x536: {  	v7 =	vadd.f32 v19, v7;
	v18 =	vld [tilespmem:s20+$0x6150]  }
0x537: {  	v9 =	vadd.f32 v14, v9;
	v14 =	vld [tilespmem:s20+$0x6160]  }
0x538: {  	[tilespmem:s20+$0xC100] =	vst v7;
	v7 =	vadd.f32 v20, v8;
	v8 =	vld [tilespmem:s20+$0x6170]  }
0x539: {  	[tilespmem:s20+$0xC110] =	vst v9;
	v9 =	vadd.f32 v17, v13;
	v13 =	vld [tilespmem:s30+$0x140]  }
0x53a: {  	[tilespmem:s20+$0xC120] =	vst v7;
	v7 =	vadd.f32 v21, v10;
	v10 =	vld [tilespmem:s30+$0xC150]  }
0x53b: {  	[tilespmem:s20+$0xC130] =	vst v9;
	v9 =	vadd.f32 v18, v11;
	v11 =	vld [tilespmem:s30+$0x150]  }
0x53c: {  	[tilespmem:s20+$0xC140] =	vst v7;
	v7 =	vadd.f32 v14, v15;
	v14 =	vld [tilespmem:s0+$0xC100]  }
0x53d: {  	[tilespmem:s20+$0xC150] =	vst v9;
	v8 =	vadd.f32 v8, v16;
	v9 =	vld [tilespmem:s0+$0xC110]  }
0x53e: {  	[tilespmem:s20+$0xC160] =	vst v7;
	v15 =	vld [tilespmem:s0+$0xC120];
	v7 =	vadd.f32 v13, v12  }
0x53f: {  	[tilespmem:s20+$0xC170] =	vst v8;
	v12 =	vld [tilespmem:s0+$0xC130]  }
0x540: {  	v13 =	vld [tilespmem:s0+$0x100];
	v8 =	vadd.f32 v11, v10  }
0x541: {  	v10 =	vld [tilespmem:s0+$0x110]  }
0x542: {  	v11 =	vld [tilespmem:s0+$0x120]  }
0x543: {  	v16 =	vld [tilespmem:s0+$0x130]  }
0x544: {  	v17 =	vld [tilespmem:s0+$0xC140]  }
0x545: {  	v13 =	vadd.f32 v13, v14;
	v14 =	vld [tilespmem:s0+$0x140]  }
0x546: {  	v18 =	vadd.f32 v10, v9;
	v9 =	vld [tilespmem:s0+$0xC150]  }
0x547: {  	v15 =	vadd.f32 v11, v15;
	v10 =	vld [tilespmem:s0+$0x150]  }
0x548: {  	v16 =	vadd.f32 v16, v12;
	v12 =	vld [tilespmem:s0+$0xC160]  }
0x549: {  	v19 =	vld [tilespmem:s0+$0x160]  }
0x54a: {  	v20 =	vadd.f32 v14, v17;
	v14 =	vld [tilespmem:s0+$0xC170]  }
0x54b: {  	v17 =	vld [tilespmem:s0+$0x170]  }
0x54c: {  	v11 =	vadd.f32 v10, v9;
	v9 =	vld [tilespmem:s30+$0xC160]  }
0x54d: {  	v21 =	vld [tilespmem:s30+$0x160]  }
0x54e: {  	v22 =	vld [tilespmem:s0+$0x6100];
	v12 =	vadd.f32 v19, v12  }
0x54f: {  	v19 =	vld [tilespmem:s0+$0x6110]  }
0x550: {  	v23 =	vld [tilespmem:s0+$0x6120];
	v10 =	vadd.f32 v17, v14  }
0x551: {  	v24 =	vld [tilespmem:s0+$0x6130]  }
0x552: {  	v25 =	vld [tilespmem:s0+$0x6140];
	v9 =	vadd.f32 v21, v9  }
.Ltmp1:
0x553: {  	v14 =	vadd.f32 v22, v13;
	v17 =	vld [tilespmem:s0+$0x6150];
	(pc) =	sbr.rel @p0 .LBB2_4-.Ltmp1, $4  }
0x554: {  	v18 =	vadd.f32 v19, v18;
	v13 =	vld [tilespmem:s0+$0x6160]  }
0x555: {  	[tilespmem:s0+$0xC100] =	vst v14;
	v21 =	vadd.f32 v23, v15;
	v14 =	vld [tilespmem:s0+$0x6170]  }
0x556: {  	[tilespmem:s0+$0xC110] =	vst v18;
	v19 =	vadd.f32 v24, v16;
	v15 =	vld [tilespmem:s30+$0x6100]  }
0x557: {  	[tilespmem:s0+$0xC120] =	vst v21;
	v18 =	vadd.f32 v25, v20;
	v16 =	vld [tilespmem:s30+$0x6110]  }
0x558: {  	[tilespmem:s0+$0xC130] =	vst v19;
	v11 =	vadd.f32 v17, v11;
	v57 =	vld [tilespmem:s30+$0x6120]  }
0x559: {  	v58 =	vld [tilespmem:s30+$0x6130];
	[tilespmem:s0+$0xC140] =	vst v18;
	v12 =	vadd.f32 v13, v12  }
0x55a: {  	v59 =	vld [tilespmem:s30+$0x6140];
	[tilespmem:s0+$0xC150] =	vst v11;
	v10 =	vadd.f32 v14, v10  }
0x55b: {  	v60 =	vld [tilespmem:s30+$0x6150];
	[tilespmem:s0+$0xC160] =	vst v12;
	v3 =	vadd.f32 v15, v3  }
0x55c: {  	v61 =	vld [tilespmem:s30+$0x6160];
	[tilespmem:s0+$0xC170] =	vst v10;
	v4 =	vadd.f32 v16, v4  }
0x55d: {  	[tilespmem:s30+$0xC100] =	vst v3;
	v3 =	vadd.f32 v57, v5  }
0x55e: {  	v62 =	vadd.f32 v58, v6;
	[tilespmem:s30+$0xC110] =	vst v4  }
0x55f: {  	[tilespmem:s30+$0xC120] =	vst v3;
	v3 =	vadd.f32 v59, v7  }
0x560: {  	v63 =	vadd.f32 v60, v8;
	[tilespmem:s30+$0xC130] =	vst v62  }
0x561: {  	s26 =	sadd.s32 $0x1, s26;
	[tilespmem:s30+$0xC140] =	vst v3;
	v3 =	vadd.f32 v61, v9  }
0x562: {  	p0 =	sne.s32 s26, s14;
	[tilespmem:s30+$0xC150] =	vst v63  }
.Ltmp2:
0x563: {  	[tilespmem:s30+$0xC160] =	vst v3;
	(pc) =	sbr.rel @p0 .LBB2_1-.Ltmp2, $4  }
0x564: {  	[hbm4b:s13+s1] =	stream.linear.scatter [tilespmem:s24], [sflag:$0x2], $0x6000, $0x38;
	[tilespmem:$0x12100] =	vst v63  }
0x565: {  	_ =	swait.ge [sflag:s15], $0x6000  }
0x566: {  	[sflag:s15] =	ssyncset.done $0x0  }
0x567: {  	[sflag:s15] =	ssyncadd.s32 $0xFFFFA000  }
0x568: {  	_ =	sfence.sel $0x180000  }
0x569: {  	[bflag:$0x0] =	sbarrier.arrive $0xFFFF  }
0x56a: {  	_ =	strace $0x9000004A  }
0x56b: {  	s0 =	stileid.u32;
	[bflag:$0x2] =	sbarrier.arrive $0xFFFF  }
0x56c: {  	p0 =	sne.s32 s0, $0x0;
	s0 =	rddreg [dreg:$0x1]  }
0x56d: {  	s0 =	sadd.s32 @!p0 $0x100000, s0  }
0x56e: {  	[sflag:s0] =	ssyncadd.tile.s32 @!p0 $0x1;
	_ =	shalt  }
.Lfunc_end2:
_tile_overlayer_lowered:
.L_overlay_start_2:
0x56f: {  	(tag) =	ssettag $0x2  }
0x570: {  	s0 =	rddreg [dreg:$0x0];
	s2 =	stileid.u32  }
0x571: {  	s1 =	rddreg [dreg:$0x1];
	p0 =	sne.s32 s2, $0x0  }
0x572: {  	s3 =	rddreg [dreg:$0x2];
	[bflag:$0x3] =	sbarrier.arrive $0xFFFF;
	s2 =	simm.s32 @!p0 $0x1C02  }
0x573: {  	[timem:s3], [sflag:s2] =	dma.local @!p0 [hbm:s0], s1  }
0x574: {  	s0 =	simm.s32 @!p0 $0x2  }
0x575: {  	_ =	swait.ge @!p0 [sflag:s0], s1  }
0x576: {  	s1 =	ssub.s32 @!p0 $0x0, s1;
	[sflag:s0] =	ssyncset.done @!p0 $0x0  }
0x577: {  	[sflag:s0] =	ssyncadd.s32 @!p0 s1  }
0x578: {  	[bflag:$0x3] =	sbarrier.arrive $0xFFFF  }
0x579: {  	_ =	shalt  }

// kernel: kernel.8.cloned.1.call-start
scs
__scs_entry_jumppad:
0x0: {  	(pc) =	sbr.rel $0x88, $3  }
0x1: {  	(tag) =	ssettag $0x0;
	lr =	simm.s32 $0x1  }
0x2: {  	[smem:$0x3F95] =	sst lr;
	_ =	strace $0xD0000000  }
0x3: {  	_ = 	snop  }
0x4: {  	_ = 	snop  }
0x5: {  	_ = 	snop  }
0x6: {  	_ = 	snop  }
0x7: {  	_ = 	snop  }
__scs_overlays_trampoline_lowered:
0x8: {  	[smem:$0x3FA4] =	sst s0  }
0x9: {  	[smem:$0x3FA5] =	sst s1  }
0xa: {  	[smem:$0x3FA6] =	sst s2  }
0xb: {  	[smem:$0x3FA7] =	sst s3  }
0xc: {  	[smem:$0x3FA8] =	sst s4  }
0xd: {  	[smem:$0x3FA9] =	sst s5  }
0xe: {  	[smem:$0x3FAA] =	sst s6  }
0xf: {  	[smem:$0x3FAB] =	sst s7  }
0x10: {  	[smem:$0x3FAC] =	sst s8  }
0x11: {  	[smem:$0x3FAD] =	sst s9;
	s0 =	simm.s32 @!p0 $0x0  }
0x12: {  	s1 =	sld [smem:$0x3F93];
	s0 =	simm.s32 @p0 $0x1  }
0x13: {  	[smem:$0x3FAE] =	sst s0;
	s0 =	simm.s32 @!p1 $0x0  }
0x14: {  	s2 =	sld [smem:$0x3F92];
	s0 =	simm.s32 @p1 $0x1  }
0x15: {  	[smem:$0x3FAF] =	sst s0;
	s0 =	simm.s32 @!p2 $0x0  }
0x16: {  	s3 =	sld [smem:$0x3FDB];
	s0 =	simm.s32 @p2 $0x1  }
0x17: {  	s4 =	simm.s32 $0x1BF5;
	[smem:$0x3FB1] =	sst s0  }
0x18: {  	s0 =	sld [smem:$0x3F94];
	_ =	swait.ge [sflag:s4], $0x0  }
0x19: {  	s7 =	sld [smem:$0x3F95]  }
0x1a: {  	s8 =	sadd.s32 $0xFFFFE003, lr  }
0x1b: {  	s9 =	sadd.s32 $0xFFFFFEF7, lr;
	s5 =	simm.s32 $0xFFFFFFFF;
	p2 =	slt.u32 s8, $0xFFFFF086  }
0x1c: {  	p1 =	slt.u32 s9, $0xF7A;
	s5 =	simm.s32 @!p2 $0x0  }
0x1d: {  	s5 =	simm.s32 @p1 $0x1;
	p0 =	seq.s32 s7, s2  }
0x1e: {  	s7 =	smul.u32 @!p0 $0xF7A, s2;
	p2 =	seq.s32 @!p0 s5, $0x0  }
0x1f: {  	s9 =	smul.u32 $0xF7A, s1;
	s8 =	simm.s32 @!p0 $0x1BF5;
	p2 =	por !p2, p0  }
0x20: {  	[sflag:s8] =	ssyncset.s32 @!p0 $0xFFFFF086;
	s6 =	sadd.s32 @!p0 s3, s7;
	s7 =	simm.s32 @!p0 $0x108  }
0x21: {  	s3 =	sadd.s32 s3, s9;
	s6 =	sadd.s32 @!p0 $0x88, s6;
	s7 =	simm.s32 @p2 $0x1082  }
0x22: {  	[simem:s7], [sflag:s8] =	dma.local @!p0 [hbm:s6], $0xF7A  }
0x23: {  	s9 =	sor.u32 $0xD0000000, s2;
	s6 =	simm.s32 $0x108;
	_ =	swait.ge @!p0 [sflag:s8], $0x0  }
0x24: {  	s3 =	sadd.s32 $0x88, s3;
	s6 =	simm.s32 @!p1 $0x1082;
	[sflag:s4] =	ssyncset.s32 $0xFFFFF086  }
0x25: {  	[simem:s6], [sflag:s4] =	dma.local [hbm:s3], $0xF7A  }
0x26: {  	[smem:$0x3F95] =	sst s1;
	(tag) =	ssettag s2;
	_ =	strace s9  }
0x27: {  	s1 =	sld [smem:$0x3FA5]  }
0x28: {  	s2 =	sld [smem:$0x3FA6]  }
0x29: {  	s4 =	sld [smem:$0x3FA8]  }
0x2a: {  	p0 =	seq.s32 s5, $0x0;
	s5 =	sld [smem:$0x3FA9]  }
0x2b: {  	s6 =	sld [smem:$0x3FAA]  }
0x2c: {  	s7 =	sld [smem:$0x3FAB]  }
0x2d: {  	s3 =	simm.s32 $0x108;
	s8 =	sld [smem:$0x3FAC]  }
0x2e: {  	s3 =	simm.s32 @!p0 $0x1082;
	s9 =	sld [smem:$0x3FAD]  }
0x2f: {  	lr =	sadd.s32 s0, s3;
	s0 =	sld [smem:$0x3FA4]  }
0x30: {  	s3 =	sld [smem:$0x3FA7]  }
0x31: {  	[smem:$0x3FB0] =	sst s10  }
0x32: {  	s10 =	sld [smem:$0x3FAE];
	_ =	sdelay $0x3  }
0x33: {  	p0 =	seq.s32 s10, $0x1;
	s10 =	sld [smem:$0x3FB0];
	_ =	sdelay $0x3  }
0x34: {  	[smem:$0x3FB0] =	sst s10  }
0x35: {  	s10 =	sld [smem:$0x3FAF];
	_ =	sdelay $0x3  }
0x36: {  	p1 =	seq.s32 s10, $0x1;
	s10 =	sld [smem:$0x3FB0];
	_ =	sdelay $0x3  }
0x37: {  	[smem:$0x3FB0] =	sst s10  }
0x38: {  	s10 =	sld [smem:$0x3FB1]  }
0x39: {  	_ = 	snop;
	(pc) =	sbr.ind lr, $3  }
0x3a: {  	_ = 	snop  }
0x3b: {  	_ = 	snop  }
0x3c: {  	p2 =	seq.s32 s10, $0x1;
	s10 =	sld [smem:$0x3FB0]  }
0x3d: {  	_ =	shalt  }
0x3e: {  	_ =	shalt  }
0x3f: {  	_ =	shalt  }
0x40: {  	_ =	shalt  }
0x41: {  	_ =	shalt  }
0x42: {  	_ =	shalt  }
0x43: {  	_ =	shalt  }
0x44: {  	_ =	shalt  }
0x45: {  	_ =	shalt  }
0x46: {  	_ =	shalt  }
0x47: {  	_ =	shalt  }
0x48: {  	_ =	shalt  }
0x49: {  	_ =	shalt  }
0x4a: {  	_ =	shalt  }
0x4b: {  	_ =	shalt  }
0x4c: {  	_ =	shalt  }
0x4d: {  	_ =	shalt  }
0x4e: {  	_ =	shalt  }
0x4f: {  	_ =	shalt  }
0x50: {  	_ =	shalt  }
0x51: {  	_ =	shalt  }
0x52: {  	_ =	shalt  }
0x53: {  	_ =	shalt  }
0x54: {  	_ =	shalt  }
0x55: {  	_ =	shalt  }
0x56: {  	_ =	shalt  }
0x57: {  	_ =	shalt  }
0x58: {  	_ =	shalt  }
0x59: {  	_ =	shalt  }
0x5a: {  	_ =	shalt  }
0x5b: {  	_ =	shalt  }
0x5c: {  	_ =	shalt  }
0x5d: {  	_ =	shalt  }
0x5e: {  	_ =	shalt  }
0x5f: {  	_ =	shalt  }
0x60: {  	_ =	shalt  }
0x61: {  	_ =	shalt  }
0x62: {  	_ =	shalt  }
0x63: {  	_ =	shalt  }
0x64: {  	_ =	shalt  }
0x65: {  	_ =	shalt  }
0x66: {  	_ =	shalt  }
0x67: {  	_ =	shalt  }
0x68: {  	_ =	shalt  }
0x69: {  	_ =	shalt  }
0x6a: {  	_ =	shalt  }
0x6b: {  	_ =	shalt  }
0x6c: {  	_ =	shalt  }
0x6d: {  	_ =	shalt  }
0x6e: {  	_ =	shalt  }
0x6f: {  	_ =	shalt  }
0x70: {  	_ =	shalt  }
0x71: {  	_ =	shalt  }
0x72: {  	_ =	shalt  }
0x73: {  	_ =	shalt  }
0x74: {  	_ =	shalt  }
0x75: {  	_ =	shalt  }
0x76: {  	_ =	shalt  }
0x77: {  	_ =	shalt  }
0x78: {  	_ =	shalt  }
0x79: {  	_ =	shalt  }
0x7a: {  	_ =	shalt  }
0x7b: {  	_ =	shalt  }
0x7c: {  	_ =	shalt  }
0x7d: {  	_ =	shalt  }
0x7e: {  	_ =	shalt  }
0x7f: {  	_ =	shalt  }
0x80: {  	_ =	shalt  }
0x81: {  	_ =	shalt  }
0x82: {  	_ =	shalt  }
0x83: {  	_ =	shalt  }
0x84: {  	_ =	shalt  }
0x85: {  	_ =	shalt  }
0x86: {  	_ =	shalt  }
0x87: {  	_ =	shalt  }
.Lfunc_end0:
.L_simem_size_0:
called_computation_lowered:
.L_overlay_start_0:
0x88: {  	s2 =	sld [smem:$0x3FD9]  }
0x89: {  	s3 =	sld [smem:$0x3FFE];
	_ =	sdelay $0x1  }
0x8a: {  	s1 =	srdreg.scid  }
0x8b: {  	s0 =	sand.u32 $0x1, s1  }
0x8c: {  	s17 =	sshll.u32 s0, $0xA;
	s2 =	sadd.s32 s3, s2  }
0x8d: {  	s2 =	sadd.s32 s2, s17  }
0x8e: {  	[smem:$0x3FBC] =	sst s2  }
0x8f: {  	_ = 	snop  }
0x90: {  	s2 =	sld [smem:$0x3FD0];
	(tm) =	ssettm $0x1  }
0x91: {  	s18 =	sld [smem:$0x3FFB];
	_ =	sdelay $0x3  }
0x92: {  	_ =	strace s18  }
0x93: {  	s3 =	sld [smem:$0x3FFC];
	_ =	sdelay $0x3  }
0x94: {  	_ =	strace s3  }
0x95: {  	s3 =	sld [smem:$0x3FFD];
	_ =	sdelay $0x3  }
0x96: {  	_ =	strace s3  }
0x97: {  	_ =	strace $0x8FFFFFFF  }
0x98: {  	s19 =	sld [smem:$0x3FDB];
	_ =	sdelay $0x1  }
0x99: {  	s4 =	simm.s32 $_scs_section_size  }
0x9a: {  	s5 =	simm.s32 $_size__tile_overlayer_lowered;
	s6 =	simm.s32 $_tile_overlayer_lowered  }
0x9b: {  	s22 =	simm.s32 $0x1BFF;
	s21 =	sshll.u32 s6, $0x1;
	s3 =	sadd.s32 s4, s19  }
0x9c: {  	s7 =	simm.s32 $0x0;
	s20 =	sshll.u32 s5, $0x1;
	s5 =	sadd.s32 s21, s3  }
0x9d: {  	[timem:s7], [sflag:s22] =	dma.local [hbm:s5], s20  }
0x9e: {  	_ =	swait.ge [sflag:s22], s20  }
0x9f: {  	s4 =	ssub.s32 $0x0, s20;
	[sflag:s22] =	ssyncset.done $0x0  }
0xa0: {  	[sflag:s22] =	ssyncadd.s32 s4;
	_ =	sdelay $0x1  }
0xa1: {  	s23 =	simm.s32 $0x1B8B  }
0xa2: {  	_ =	swait.ge [sflag:s23], $0x1  }
0xa3: {  	[sflag:s23] =	ssyncset.done $0x0  }
0xa4: {  	s25 =	simm.s32 $0x1B8E;
	s24 =	sld [smem:$0x3FFE];
	[sflag:s23] =	ssyncadd.s32 $0xFFFFFFFF  }
0xa5: {  	s26 =	simm.s32 $execute0_lowered;
	[smem:$0x3FD2] =	sst s25  }
0xa6: {  	s5 =	sshll.u32 s26, $0x1;
	_ =	strace $0x80000046;
	[dreg:$0x1] =	wrdreg $0xFFFFFFFF  }
0xa7: {  	s28 =	simm.s32 $_size_execute0_lowered;
	s3 =	sadd.s32 s3, s5;
	[dreg:$0x0] =	wrdreg $0x0  }
0xa8: {  	s5 =	sshll.u32 s28, $0x1;
	[dreg:$0x2] =	wrdreg s3  }
0xa9: {  	[dreg:$0x3] =	wrdreg s5  }
0xaa: {  	[dreg:$0x4] =	wrdreg $0xC0  }
0xab: {  	_ =	task [dreg:s7], $0x5FFFF  }
0xac: {  	[dreg:$0x1] =	wrdreg $0xFFFFFFFF  }
0xad: {  	[dreg:$0x0] =	wrdreg $0x60  }
0xae: {  	[dreg:$0x2] =	wrdreg s2  }
0xaf: {  	[dreg:$0x3] =	wrdreg s24  }
0xb0: {  	[dreg:$0x4] =	wrdreg $0x9  }
0xb1: {  	_ =	task.clear_ibuf [dreg:s7], $0x5FFFF;
	_ =	strace $0x90000046  }
0xb2: {  	s29 =	simm.s32 $0x9;
	_ =	strace $0x80000048  }
0xb3: {  	_ =	swait.ge [sflag:s29], $0x1  }
0xb4: {  	[sflag:s29] =	ssyncadd.s32 $0xFFFFFFFF  }
0xb5: {  	_ =	strace $0x90000048  }
0xb6: {  	_ =	sfence  }
0xb7: {  	s30 =	sld [smem:$0x0];
	_ =	sdelay $0x2  }
0xb8: {  	s31 =	sshll.u32 s1, $0xD;
	s1 =	sshrl.u32 s1, $0x2  }
0xb9: {  	s3 =	sand.u32 $0x4000, s31;
	s1 =	sadd.s32 s1, s30  }
0xba: {  	s0 =	sor.u32 s3, s0;
	s1 =	sshll.u32 s1, $0x11  }
0xbb: {  	s0 =	sor.u32 s1, s0  }
0xbc: {  	s0 =	sadd.s32 $0x8F2B, s0  }
0xbd: {  	[sflag:s0] =	ssyncadd.remote.s32 $0x1  }
0xbe: {  	_ =	sfence.sel $0xFFFF  }
0xbf: {  	[dreg:$0x0] =	wrdreg $0xFFFFFFFF;
	(pc) =	sbr.abs _section_cstart, $3  }
0xc0: {  	[dreg:$0x1] =	wrdreg $0xFFFFFFFF  }
0xc1: {  	_ =	task.clear_ibuf [dreg:s7], $0x2FFFF;
	_ =	strace $0x9FFFFFFF  }
0xc2: {  	(tm) =	ssettm $0x7FFFFFFF  }
0xc3: {  	_ =	shalt  }
tec
execute0_lowered:
.L_overlay_start_1:
0x0: {  	(tag) =	ssettag $0x1  }
0x1: {  	s1 =	srdreg.scid  }
0x2: {  	s0 =	stileid.u32;
	s1 =	sand.u32 $0x1, s1  }
0x3: {  	s2 =	rddreg [dreg:$0x0];
	s3 =	sshll.u32 s0, $0x5;
	s4 =	sshll.u32 s1, $0x4  }
0x4: {  	s5 =	rddreg [dreg:$0x1];
	s4 =	sor.u32 s4, s3;
	s3 =	simm.s32 $0x0  }
0x5: {  	s25 =	simm.s32 $0x880;
	[smem:$0x7FF] =	sst s3  }
0x6: {  	s26 =	simm.s32 $0x1080;
	_ =	strace $0x80000047;
	[dreg:$0x5] =	wrdreg s25  }
0x7: {  	s0 =	simm.s32 $0x1880;
	[dreg:$0x6] =	wrdreg s26  }
0x8: {  	s7 =	simm.s32 $0x3080;
	[dreg:$0x7] =	wrdreg s0  }
0x9: {  	s8 =	simm.s32 $0x3880;
	[dreg:$0xa] =	wrdreg s7  }
0xa: {  	s9 =	simm.s32 $0x4080;
	[dreg:$0xb] =	wrdreg s8  }
0xb: {  	s10 =	simm.s32 $0x4880;
	[dreg:$0xc] =	wrdreg s9  }
0xc: {  	s11 =	simm.s32 $0x5080;
	[dreg:$0xd] =	wrdreg s10  }
0xd: {  	s12 =	simm.s32 $0x5880;
	s13 =	simm.s32 $0x6080;
	[dreg:$0xe] =	wrdreg s11  }
0xe: {  	s14 =	simm.s32 $0x6880;
	s15 =	simm.s32 $0x7080;
	[dreg:$0xf] =	wrdreg s12  }
0xf: {  	s16 =	simm.s32 $0x7880;
	s17 =	simm.s32 $0x8080;
	[dreg:$0x10] =	wrdreg s13  }
0x10: {  	s18 =	simm.s32 $0x8880;
	s19 =	simm.s32 $0x9080;
	[dreg:$0x11] =	wrdreg s14  }
0x11: {  	s21 =	simm.s32 $0x9880;
	s22 =	simm.s32 $0xA080;
	[dreg:$0x12] =	wrdreg s15  }
0x12: {  	s23 =	simm.s32 $0xA880;
	s28 =	simm.s32 $0x16080;
	[dreg:$0x13] =	wrdreg s16  }
0x13: {  	s29 =	simm.s32 $0x16880;
	s30 =	simm.s32 $0x17080;
	[dreg:$0x14] =	wrdreg s17  }
0x14: {  	s31 =	simm.s32 $0x17880;
	s1 =	ssub.s32 $0x2, s1;
	[dreg:$0x15] =	wrdreg s18  }
0x15: {  	s20 =	sshrl.u32 s1, $0x1;
	s6 =	smul.u32 $0x300, s4;
	[dreg:$0x16] =	wrdreg s19  }
0x16: {  	s4 =	sadd.s32 s4, s5;
	s1 =	ssub.s32 s1, s20;
	[dreg:$0x17] =	wrdreg s21  }
0x17: {  	s20 =	simm.s32 $0x12880;
	s4 =	sadd.s32 $0x32400, s4;
	[dreg:$0x18] =	wrdreg s22  }
0x18: {  	[dreg:$0x19] =	wrdreg s23;
	s7 =	simm.s32 $0xB080;
	s25 =	simm.s32 $0xC080  }
0x19: {  	s8 =	simm.s32 $0x80;
	s26 =	simm.s32 $0xC880;
	s10 =	simm.s32 $0xD880  }
0x1a: {  	s11 =	simm.s32 $0xE080;
	s12 =	simm.s32 $0xE880;
	s13 =	simm.s32 $0xF080  }
0x1b: {  	s14 =	simm.s32 $0xF880;
	s15 =	simm.s32 $0x10080;
	s16 =	simm.s32 $0x10880  }
0x1c: {  	s17 =	simm.s32 $0x11080;
	s18 =	simm.s32 $0x11880;
	s19 =	simm.s32 $0x12080  }
0x1d: {  	s21 =	simm.s32 $0x13080;
	s22 =	simm.s32 $0x13880;
	[dreg:$0x3] =	wrdreg s4  }
0x1e: {  	s23 =	simm.s32 $0x14080;
	s5 =	sadd.s32 s6, s5;
	[dreg:$0x1a] =	wrdreg s7  }
0x1f: {  	s6 =	simm.s32 $0x2880;
	s4 =	sadd.s32 $0x100, s2;
	[dreg:$0x1c] =	wrdreg s25  }
0x20: {  	s7 =	simm.s32 $0x2;
	[dreg:$0x1d] =	wrdreg s26;
	s25 =	simm.s32 $0x15080  }
0x21: {  	s26 =	simm.s32 $0x15880;
	s24 =	sadd.s32 $0x32600, s5;
	[dreg:$0x9] =	wrdreg s6  }
0x22: {  	v2 =	vlaneseq.u32;
	s5 =	simm.s32 $0x2080;
	s6 =	smax.u32 s1, $0x1;
	[dreg:$0x4] =	wrdreg s24  }
0x23: {  	vm0 =	vmmov $0xffff;
	v1 =	vshrl.u32 v2, $0x3;
	s1 =	simm.s32 $0x1;
	[dreg:$0x8] =	wrdreg s5;
	s24 =	simm.s32 $0xB880  }
0x24: {  	v0 =	vand.u32 $0x7, v2;
	v2 =	vor.u32 $0x8, v2;
	v1 =	vmul.u32 $0x8, v1;
	s5 =	sadd.s32 $0x200, s2;
	[dreg:$0x1b] =	wrdreg s24;
	s24 =	simm.s32 $0x14880  }
.LBB2_1:
0x25: {  	s0 =	rddreg [dreg:$0x3]  }
0x26: {  	[tilespmem:s3], [sflag:$0x2] =	stream.linear.gather [hbm4b:s0+s3], $0x80, $0x38;
	[tilespmem:$0x18080] =	vst v63  }
0x27: {  	_ =	swait.ge [sflag:s7], $0x80  }
0x28: {  	[sflag:s7] =	ssyncset.done $0x0  }
0x29: {  	[sflag:s7] =	ssyncadd.s32 $0xFFFFFF80  }
0x2a: {  	v3 =	vld [tilespmem:$0x0];
	_ =	sdelay $0x4  }
0x2b: {  	v4 =	vshrl.u32 v3, $0x3  }
0x2c: {  	v4 =	vmul.u32 $0x30, v4  }
0x2d: {  	v3 =	vand.u32 $0x7, v3  }
0x2e: {  	v3 =	vor.u32 v3, v4  }
0x2f: {  	v4 =	vperm.xlane v3, v0;
	_ =	sdelay $0x1  }
0x30: {  	v4 =	vadd.s32 v1, v4;
	_ =	sdelay $0x3  }
0x31: {  	v3 =	vperm.xlane v3, v2  }
0x32: {  	[tilespmem:s8], [sflag:$0x1] =	stream.indirect_vreg.gather [hbm4b:s2+s3], $0x80, v4, vm0, $0xb8;
	[tilespmem:$0x18080] =	vst v63  }
0x33: {  	s0 =	rddreg [dreg:$0x5];
	v3 =	vadd.s32 v1, v3  }
0x34: {  	[tilespmem:s0], [sflag:$0x1] =	stream.indirect_vreg.gather [hbm4b:s4+s3], $0x80, v4, vm0, $0xb8;
	[tilespmem:$0x18080] =	vst v63  }
0x35: {  	s9 =	rddreg [dreg:$0x6]  }
0x36: {  	[tilespmem:s9], [sflag:$0x1] =	stream.indirect_vreg.gather [hbm4b:s5+s3], $0x80, v4, vm0, $0xb8;
	[tilespmem:$0x18080] =	vst v63  }
0x37: {  	s0 =	rddreg [dreg:$0x7]  }
0x38: {  	[tilespmem:s0], [sflag:$0x1] =	stream.indirect_vreg.gather [hbm4b:s2+s3], $0x80, v3, vm0, $0xb8;
	[tilespmem:$0x18080] =	vst v63  }
0x39: {  	s9 =	rddreg [dreg:$0x8]  }
0x3a: {  	[tilespmem:s9], [sflag:$0x1] =	stream.indirect_vreg.gather [hbm4b:s4+s3], $0x80, v3, vm0, $0xb8;
	[tilespmem:$0x18080] =	vst v63  }
0x3b: {  	s0 =	rddreg [dreg:$0x9]  }
0x3c: {  	[tilespmem:s0], [sflag:$0x1] =	stream.indirect_vreg.gather [hbm4b:s5+s3], $0x80, v3, vm0, $0xb8;
	[tilespmem:$0x18080] =	vst v63  }
0x3d: {  	v3 =	vld [tilespmem:$0x10];
	_ =	sdelay $0x4  }
0x3e: {  	v57 =	vshrl.u32 v3, $0x3  }
0x3f: {  	v4 =	vmul.u32 $0x30, v57  }
0x40: {  	v3 =	vand.u32 $0x7, v3  }
0x41: {  	v3 =	vor.u32 v3, v4  }
0x42: {  	v4 =	vperm.xlane v3, v0;
	_ =	sdelay $0x1  }
0x43: {  	v4 =	vadd.s32 v1, v4;
	_ =	sdelay $0x3  }
0x44: {  	s0 =	rddreg [dreg:$0xa];
	v3 =	vperm.xlane v3, v2  }
0x45: {  	[tilespmem:s0], [sflag:$0x1] =	stream.indirect_vreg.gather [hbm4b:s2+s3], $0x80, v4, vm0, $0xb8;
	[tilespmem:$0x18080] =	vst v63  }
0x46: {  	s9 =	rddreg [dreg:$0xb];
	v3 =	vadd.s32 v1, v3  }
0x47: {  	[tilespmem:s9], [sflag:$0x1] =	stream.indirect_vreg.gather [hbm4b:s4+s3], $0x80, v4, vm0, $0xb8;
	[tilespmem:$0x18080] =	vst v63  }
0x48: {  	s0 =	rddreg [dreg:$0xc]  }
0x49: {  	[tilespmem:s0], [sflag:$0x1] =	stream.indirect_vreg.gather [hbm4b:s5+s3], $0x80, v4, vm0, $0xb8;
	[tilespmem:$0x18080] =	vst v63  }
0x4a: {  	s9 =	rddreg [dreg:$0xd]  }
0x4b: {  	[tilespmem:s9], [sflag:$0x1] =	stream.indirect_vreg.gather [hbm4b:s2+s3], $0x80, v3, vm0, $0xb8;
	[tilespmem:$0x18080] =	vst v63  }
0x4c: {  	s0 =	rddreg [dreg:$0xe]  }
0x4d: {  	[tilespmem:s0], [sflag:$0x1] =	stream.indirect_vreg.gather [hbm4b:s4+s3], $0x80, v3, vm0, $0xb8;
	[tilespmem:$0x18080] =	vst v63  }
0x4e: {  	s9 =	rddreg [dreg:$0xf]  }
0x4f: {  	[tilespmem:s9], [sflag:$0x1] =	stream.indirect_vreg.gather [hbm4b:s5+s3], $0x80, v3, vm0, $0xb8;
	[tilespmem:$0x18080] =	vst v63  }
0x50: {  	v3 =	vld [tilespmem:$0x20];
	_ =	sdelay $0x4  }
0x51: {  	v58 =	vshrl.u32 v3, $0x3  }
0x52: {  	v4 =	vmul.u32 $0x30, v58  }
0x53: {  	v3 =	vand.u32 $0x7, v3  }
0x54: {  	v3 =	vor.u32 v3, v4  }
0x55: {  	v4 =	vperm.xlane v3, v0;
	_ =	sdelay $0x1  }
0x56: {  	v4 =	vadd.s32 v1, v4;
	_ =	sdelay $0x3  }
0x57: {  	s0 =	rddreg [dreg:$0x10];
	v3 =	vperm.xlane v3, v2  }
0x58: {  	[tilespmem:s0], [sflag:$0x1] =	stream.indirect_vreg.gather [hbm4b:s2+s3], $0x80, v4, vm0, $0xb8;
	[tilespmem:$0x18080] =	vst v63  }
0x59: {  	s9 =	rddreg [dreg:$0x11];
	v3 =	vadd.s32 v1, v3  }
0x5a: {  	[tilespmem:s9], [sflag:$0x1] =	stream.indirect_vreg.gather [hbm4b:s4+s3], $0x80, v4, vm0, $0xb8;
	[tilespmem:$0x18080] =	vst v63  }
0x5b: {  	s0 =	rddreg [dreg:$0x12]  }
0x5c: {  	[tilespmem:s0], [sflag:$0x1] =	stream.indirect_vreg.gather [hbm4b:s5+s3], $0x80, v4, vm0, $0xb8;
	[tilespmem:$0x18080] =	vst v63  }
0x5d: {  	s9 =	rddreg [dreg:$0x13]  }
0x5e: {  	[tilespmem:s9], [sflag:$0x1] =	stream.indirect_vreg.gather [hbm4b:s2+s3], $0x80, v3, vm0, $0xb8;
	[tilespmem:$0x18080] =	vst v63  }
0x5f: {  	s0 =	rddreg [dreg:$0x14]  }
0x60: {  	[tilespmem:s0], [sflag:$0x1] =	stream.indirect_vreg.gather [hbm4b:s4+s3], $0x80, v3, vm0, $0xb8;
	[tilespmem:$0x18080] =	vst v63  }
0x61: {  	s9 =	rddreg [dreg:$0x15]  }
0x62: {  	[tilespmem:s9], [sflag:$0x1] =	stream.indirect_vreg.gather [hbm4b:s5+s3], $0x80, v3, vm0, $0xb8;
	[tilespmem:$0x18080] =	vst v63  }
0x63: {  	v3 =	vld [tilespmem:$0x30];
	_ =	sdelay $0x4  }
0x64: {  	v59 =	vshrl.u32 v3, $0x3  }
0x65: {  	v4 =	vmul.u32 $0x30, v59  }
0x66: {  	v3 =	vand.u32 $0x7, v3  }
0x67: {  	v3 =	vor.u32 v3, v4  }
0x68: {  	v4 =	vperm.xlane v3, v0;
	_ =	sdelay $0x1  }
0x69: {  	v4 =	vadd.s32 v1, v4;
	_ =	sdelay $0x3  }
0x6a: {  	s0 =	rddreg [dreg:$0x16];
	v3 =	vperm.xlane v3, v2  }
0x6b: {  	[tilespmem:s0], [sflag:$0x1] =	stream.indirect_vreg.gather [hbm4b:s2+s3], $0x80, v4, vm0, $0xb8;
	[tilespmem:$0x18080] =	vst v63  }
0x6c: {  	s9 =	rddreg [dreg:$0x17];
	v3 =	vadd.s32 v1, v3  }
0x6d: {  	[tilespmem:s9], [sflag:$0x1] =	stream.indirect_vreg.gather [hbm4b:s4+s3], $0x80, v4, vm0, $0xb8;
	[tilespmem:$0x18080] =	vst v63  }
0x6e: {  	s0 =	rddreg [dreg:$0x18]  }
0x6f: {  	[tilespmem:s0], [sflag:$0x1] =	stream.indirect_vreg.gather [hbm4b:s5+s3], $0x80, v4, vm0, $0xb8;
	[tilespmem:$0x18080] =	vst v63  }
0x70: {  	s9 =	rddreg [dreg:$0x19]  }
0x71: {  	[tilespmem:s9], [sflag:$0x1] =	stream.indirect_vreg.gather [hbm4b:s2+s3], $0x80, v3, vm0, $0xb8;
	[tilespmem:$0x18080] =	vst v63  }
0x72: {  	s0 =	rddreg [dreg:$0x1a]  }
0x73: {  	[tilespmem:s0], [sflag:$0x1] =	stream.indirect_vreg.gather [hbm4b:s4+s3], $0x80, v3, vm0, $0xb8;
	[tilespmem:$0x18080] =	vst v63  }
0x74: {  	s9 =	rddreg [dreg:$0x1b]  }
0x75: {  	[tilespmem:s9], [sflag:$0x1] =	stream.indirect_vreg.gather [hbm4b:s5+s3], $0x80, v3, vm0, $0xb8;
	[tilespmem:$0x18080] =	vst v63  }
0x76: {  	v3 =	vld [tilespmem:$0x40];
	_ =	sdelay $0x4  }
0x77: {  	v60 =	vshrl.u32 v3, $0x3  }
0x78: {  	v4 =	vmul.u32 $0x30, v60  }
0x79: {  	v3 =	vand.u32 $0x7, v3  }
0x7a: {  	v3 =	vor.u32 v3, v4  }
0x7b: {  	v4 =	vperm.xlane v3, v0;
	_ =	sdelay $0x1  }
0x7c: {  	v4 =	vadd.s32 v1, v4;
	_ =	sdelay $0x3  }
0x7d: {  	s0 =	rddreg [dreg:$0x1c];
	v3 =	vperm.xlane v3, v2  }
0x7e: {  	[tilespmem:s0], [sflag:$0x1] =	stream.indirect_vreg.gather [hbm4b:s2+s3], $0x80, v4, vm0, $0xb8;
	[tilespmem:$0x18080] =	vst v63  }
0x7f: {  	s9 =	rddreg [dreg:$0x1d];
	v3 =	vadd.s32 v1, v3  }
0x80: {  	[tilespmem:s9], [sflag:$0x1] =	stream.indirect_vreg.gather [hbm4b:s4+s3], $0x80, v4, vm0, $0xb8;
	[tilespmem:$0x18080] =	vst v63  }
0x81: {  	s9 =	simm.s32 $0xD080  }
0x82: {  	[tilespmem:s9], [sflag:$0x1] =	stream.indirect_vreg.gather [hbm4b:s5+s3], $0x80, v4, vm0, $0xb8;
	[tilespmem:$0x18080] =	vst v63  }
0x83: {  	_ = 	snop  }
0x84: {  	[tilespmem:s10], [sflag:$0x1] =	stream.indirect_vreg.gather [hbm4b:s2+s3], $0x80, v3, vm0, $0xb8;
	[tilespmem:$0x18080] =	vst v63  }
0x85: {  	_ = 	snop  }
0x86: {  	[tilespmem:s11], [sflag:$0x1] =	stream.indirect_vreg.gather [hbm4b:s4+s3], $0x80, v3, vm0, $0xb8;
	[tilespmem:$0x18080] =	vst v63  }
0x87: {  	_ = 	snop  }
0x88: {  	[tilespmem:s12], [sflag:$0x1] =	stream.indirect_vreg.gather [hbm4b:s5+s3], $0x80, v3, vm0, $0xb8;
	[tilespmem:$0x18080] =	vst v63  }
0x89: {  	v3 =	vld [tilespmem:$0x50];
	_ =	sdelay $0x4  }
0x8a: {  	v61 =	vshrl.u32 v3, $0x3  }
0x8b: {  	v4 =	vmul.u32 $0x30, v61  }
0x8c: {  	v3 =	vand.u32 $0x7, v3  }
0x8d: {  	v3 =	vor.u32 v3, v4  }
0x8e: {  	v4 =	vperm.xlane v3, v0;
	_ =	sdelay $0x1  }
0x8f: {  	v4 =	vadd.s32 v1, v4;
	_ =	sdelay $0x3  }
0x90: {  	v3 =	vperm.xlane v3, v2  }
0x91: {  	[tilespmem:s13], [sflag:$0x1] =	stream.indirect_vreg.gather [hbm4b:s2+s3], $0x80, v4, vm0, $0xb8;
	[tilespmem:$0x18080] =	vst v63  }
0x92: {  	v3 =	vadd.s32 v1, v3  }
0x93: {  	[tilespmem:s14], [sflag:$0x1] =	stream.indirect_vreg.gather [hbm4b:s4+s3], $0x80, v4, vm0, $0xb8;
	[tilespmem:$0x18080] =	vst v63  }
0x94: {  	_ = 	snop  }
0x95: {  	[tilespmem:s15], [sflag:$0x1] =	stream.indirect_vreg.gather [hbm4b:s5+s3], $0x80, v4, vm0, $0xb8;
	[tilespmem:$0x18080] =	vst v63  }
0x96: {  	_ = 	snop  }
0x97: {  	[tilespmem:s16], [sflag:$0x1] =	stream.indirect_vreg.gather [hbm4b:s2+s3], $0x80, v3, vm0, $0xb8;
	[tilespmem:$0x18080] =	vst v63  }
0x98: {  	_ = 	snop  }
0x99: {  	[tilespmem:s17], [sflag:$0x1] =	stream.indirect_vreg.gather [hbm4b:s4+s3], $0x80, v3, vm0, $0xb8;
	[tilespmem:$0x18080] =	vst v63  }
0x9a: {  	_ = 	snop  }
0x9b: {  	[tilespmem:s18], [sflag:$0x1] =	stream.indirect_vreg.gather [hbm4b:s5+s3], $0x80, v3, vm0, $0xb8;
	[tilespmem:$0x18080] =	vst v63  }
0x9c: {  	v3 =	vld [tilespmem:$0x60];
	_ =	sdelay $0x4  }
0x9d: {  	v62 =	vshrl.u32 v3, $0x3  }
0x9e: {  	v4 =	vmul.u32 $0x30, v62  }
0x9f: {  	v3 =	vand.u32 $0x7, v3  }
0xa0: {  	v3 =	vor.u32 v3, v4  }
0xa1: {  	v4 =	vperm.xlane v3, v0;
	_ =	sdelay $0x1  }
0xa2: {  	v4 =	vadd.s32 v1, v4;
	_ =	sdelay $0x3  }
0xa3: {  	v3 =	vperm.xlane v3, v2  }
0xa4: {  	[tilespmem:s19], [sflag:$0x1] =	stream.indirect_vreg.gather [hbm4b:s2+s3], $0x80, v4, vm0, $0xb8;
	[tilespmem:$0x18080] =	vst v63  }
0xa5: {  	v3 =	vadd.s32 v1, v3  }
0xa6: {  	[tilespmem:s20], [sflag:$0x1] =	stream.indirect_vreg.gather [hbm4b:s4+s3], $0x80, v4, vm0, $0xb8;
	[tilespmem:$0x18080] =	vst v63  }
0xa7: {  	_ = 	snop  }
0xa8: {  	[tilespmem:s21], [sflag:$0x1] =	stream.indirect_vreg.gather [hbm4b:s5+s3], $0x80, v4, vm0, $0xb8;
	[tilespmem:$0x18080] =	vst v63  }
0xa9: {  	_ = 	snop  }
0xaa: {  	[tilespmem:s22], [sflag:$0x1] =	stream.indirect_vreg.gather [hbm4b:s2+s3], $0x80, v3, vm0, $0xb8;
	[tilespmem:$0x18080] =	vst v63  }
0xab: {  	_ = 	snop  }
0xac: {  	[tilespmem:s23], [sflag:$0x1] =	stream.indirect_vreg.gather [hbm4b:s4+s3], $0x80, v3, vm0, $0xb8;
	[tilespmem:$0x18080] =	vst v63  }
0xad: {  	_ = 	snop  }
0xae: {  	[tilespmem:s24], [sflag:$0x1] =	stream.indirect_vreg.gather [hbm4b:s5+s3], $0x80, v3, vm0, $0xb8;
	[tilespmem:$0x18080] =	vst v63  }
0xaf: {  	v3 =	vld [tilespmem:$0x70];
	_ =	sdelay $0x4  }
0xb0: {  	v63 =	vshrl.u32 v3, $0x3  }
0xb1: {  	v4 =	vmul.u32 $0x30, v63  }
0xb2: {  	v3 =	vand.u32 $0x7, v3  }
0xb3: {  	v3 =	vor.u32 v3, v4  }
0xb4: {  	v4 =	vperm.xlane v3, v0;
	_ =	sdelay $0x1  }
0xb5: {  	v4 =	vadd.s32 v1, v4;
	_ =	sdelay $0x3  }
0xb6: {  	v3 =	vperm.xlane v3, v2  }
0xb7: {  	[tilespmem:s25], [sflag:$0x1] =	stream.indirect_vreg.gather [hbm4b:s2+s3], $0x80, v4, vm0, $0xb8;
	[tilespmem:$0x18080] =	vst v63  }
0xb8: {  	v3 =	vadd.s32 v1, v3  }
0xb9: {  	[tilespmem:s26], [sflag:$0x1] =	stream.indirect_vreg.gather [hbm4b:s4+s3], $0x80, v4, vm0, $0xb8;
	[tilespmem:$0x18080] =	vst v63  }
0xba: {  	_ = 	snop  }
0xbb: {  	[tilespmem:s28], [sflag:$0x1] =	stream.indirect_vreg.gather [hbm4b:s5+s3], $0x80, v4, vm0, $0xb8;
	[tilespmem:$0x18080] =	vst v63  }
0xbc: {  	_ = 	snop  }
0xbd: {  	[tilespmem:s29], [sflag:$0x1] =	stream.indirect_vreg.gather [hbm4b:s2+s3], $0x80, v3, vm0, $0xb8;
	[tilespmem:$0x18080] =	vst v63  }
0xbe: {  	_ = 	snop  }
0xbf: {  	[tilespmem:s30], [sflag:$0x1] =	stream.indirect_vreg.gather [hbm4b:s4+s3], $0x80, v3, vm0, $0xb8;
	[tilespmem:$0x18080] =	vst v63  }
0xc0: {  	_ = 	snop  }
0xc1: {  	[tilespmem:s31], [sflag:$0x1] =	stream.indirect_vreg.gather [hbm4b:s5+s3], $0x80, v3, vm0, $0xb8;
	[tilespmem:$0x18080] =	vst v63  }
0xc2: {  	_ =	swait.ge [sflag:s1], $0x18000  }
0xc3: {  	p0 =	sne.s32 s6, $0x1;
	[sflag:s1] =	ssyncset.done $0x0  }
.Ltmp0:
0xc4: {  	s9 =	rddreg [dreg:$0x4];
	[sflag:s1] =	ssyncadd.s32 $0xFFFE8000;
	(pc) =	sbr.rel @p0 .LBB2_1-.Ltmp0, $4  }
0xc5: {  	[hbm4b:s9+s3] =	stream.linear.scatter [tilespmem:s8], [sflag:$0x2], $0x18000, $0x38;
	[tilespmem:$0x18080] =	vst v63  }
0xc6: {  	_ =	swait.ge [sflag:s7], $0x18000  }
0xc7: {  	[sflag:s7] =	ssyncset.done $0x0  }
0xc8: {  	s6 =	sadd.s32 $0xFFFFFFFF, s6;
	[sflag:s7] =	ssyncadd.s32 $0xFFFE8000  }
0xc9: {  	_ =	sfence.sel $0x180000  }
0xca: {  	[bflag:$0x0] =	sbarrier.arrive $0xFFFF  }
0xcb: {  	_ =	strace $0x90000047  }
0xcc: {  	s0 =	stileid.u32;
	[bflag:$0x2] =	sbarrier.arrive $0xFFFF  }
0xcd: {  	p0 =	sne.s32 s0, $0x0;
	s0 =	rddreg [dreg:$0x2]  }
0xce: {  	s0 =	sadd.s32 @!p0 $0x100000, s0  }
0xcf: {  	[sflag:s0] =	ssyncadd.tile.s32 @!p0 $0x1;
	_ =	shalt  }
.Lfunc_end2:
_tile_overlayer_lowered:
.L_overlay_start_2:
0xd0: {  	(tag) =	ssettag $0x2  }
0xd1: {  	s0 =	rddreg [dreg:$0x0];
	s2 =	stileid.u32  }
0xd2: {  	s1 =	rddreg [dreg:$0x1];
	p0 =	sne.s32 s2, $0x0  }
0xd3: {  	s3 =	rddreg [dreg:$0x2];
	[bflag:$0x3] =	sbarrier.arrive $0xFFFF;
	s2 =	simm.s32 @!p0 $0x1C02  }
0xd4: {  	[timem:s3], [sflag:s2] =	dma.local @!p0 [hbm:s0], s1  }
0xd5: {  	s0 =	simm.s32 @!p0 $0x2  }
0xd6: {  	_ =	swait.ge @!p0 [sflag:s0], s1  }
0xd7: {  	s1 =	ssub.s32 @!p0 $0x0, s1;
	[sflag:s0] =	ssyncset.done @!p0 $0x0  }
0xd8: {  	[sflag:s0] =	ssyncadd.s32 @!p0 s1  }
0xd9: {  	[bflag:$0x3] =	sbarrier.arrive $0xFFFF  }
0xda: {  	_ =	shalt  }

</sc_bundles>
